<compile_context>
chip_gen: v7x
topology: tpu7x:2x2x1
jax: 0.10.2.dev20260603
libtpu: 0.0.44.dev20260713+nightly
codegen_flags: <defaults>
</compile_context>

<pallas_src>
import jax
import jax.numpy as jnp
from jax import lax
from jax.experimental import pallas as pl
from jax.experimental.pallas import tpu as pltpu
from jax.experimental.pallas import tpu_sc as plsc

NC = 2
NS = 16
NW = NC * NS

V = 1000000
NB = 16384
NS_TOK = 26
D = 64
LANES = 128

WBLK = 2 * LANES
N_RBLK = (V - LANES) // LANES + 1
N_WBLK = N_RBLK // 2
WBLK_PER_W = (N_WBLK + NW - 1) // NW
TAIL0 = V - WBLK

B = NB * NS_TOK
B_PER_W = B // NW
N_UNITS_W = B_PER_W // LANES
NB_BLK = NB // LANES


def _skew_transpose_pack(src_v, dst_v, n_cols, iv):
    n_mc = n_cols // 16
    rot = [lax.rem(iv + j, 16) for j in range(16)]
    rot_half = [lax.shift_right_logical(r, 1) for r in rot]
    rot_par = [lax.shift_left(jnp.bitwise_and(r, 1), 6) for r in rot]

    def blk16(m, carry):
        cvec = iv + (m // n_mc) * 16
        rbase = (m % n_mc) * 16
        vals = [
            plsc.load_gather(src_v, [cvec, rbase + rot[j]])
            for j in range(16)
        ]
        for j in range(16):
            prow = (rbase >> 1) + rot_half[j]
            pcol = cvec + rot_par[j]
            plsc.store_scatter(dst_v, [prow, pcol], vals[j])
        return carry

    lax.fori_loop(0, 4 * n_mc, blk16, 0, unroll=2)


def _skew_transpose_h(src_v, dst_v, h_all, u, iv):
    rot = [lax.rem(iv + j, 16) for j in range(16)]

    def blk16(m, carry):
        rvec = iv + (m // 4) * 16
        hv = h_all[pl.ds(u * LANES + (m // 4) * 16, 16)]
        cbase = (m % 4) * 16
        vals = [
            plsc.load_gather(src_v, [rvec, cbase + rot[j] + hv])
            for j in range(16)
        ]
        for j in range(16):
            plsc.store_scatter(dst_v, [cbase + rot[j], rvec], vals[j])
        return carry

    lax.fori_loop(0, 8 * 4, blk16, 0, unroll=2)


def _widen_body(tableT_hbm, tail_hbm, wide_hbm, slab0, slab1, blk0, blk1,
                iota_v, ss0, ss1, sw0, sw1):
    wid = lax.axis_index("s") * NC + lax.axis_index("c")
    iota_v[...] = lax.iota(jnp.int32, 16)
    iv = iota_v[...]
    slabs = (slab0, slab1)
    blks = (blk0, blk1)
    sss = (ss0, ss1)
    sws = (sw0, sw1)

    def r0_of(u):
        return pl.multiple_of((wid + u * NW) * WBLK, LANES)

    def slab_copy(u, par):
        return pltpu.make_async_copy(
            tableT_hbm.at[:, pl.ds(r0_of(u), WBLK)], slabs[par], sss[par]
        )

    def wide_copy(u, par):
        p0 = pl.multiple_of((wid + u * NW) * (WBLK // 2), LANES)
        return pltpu.make_async_copy(
            blks[par], wide_hbm.at[pl.ds(p0, WBLK // 2)], sws[par]
        )

    def in_range(u):
        return wid + u * NW < N_WBLK

    for par in (0, 1):
        @pl.when(in_range(par))
        def _():
            slab_copy(par, par).start()

    def phase(k2, par):
        u = k2 * 2 + par

        @pl.when(in_range(u))
        def _():
            slab_copy(u, par).wait()

            @pl.when(k2 >= 1)
            def _():
                wide_copy(u - 2, par).wait()

            _skew_transpose_pack(slabs[par], blks[par], WBLK, iv)
            wide_copy(u, par).start()

            @pl.when(in_range(u + 2))
            def _():
                slab_copy(u + 2, par).start()

    def pair(k2, carry):
        phase(k2, 0)
        phase(k2, 1)
        return carry

    lax.fori_loop(0, (WBLK_PER_W + 1) // 2, pair, 0)

    @pl.when(in_range(WBLK_PER_W - 2))
    def _():
        wide_copy(WBLK_PER_W - 2, (WBLK_PER_W - 2) % 2).wait()

    @pl.when(in_range(WBLK_PER_W - 1))
    def _():
        wide_copy(WBLK_PER_W - 1, (WBLK_PER_W - 1) % 2).wait()

    @pl.when(wid == 4)
    def _():
        pltpu.sync_copy(tail_hbm, slab0)
        _skew_transpose_pack(slab0, blk0, WBLK, iv)
        pltpu.sync_copy(blk0, wide_hbm.at[pl.ds(TAIL0 // 2, WBLK // 2)])


def _gather_body(idxf_hbm, wide_hbm, out2_hbm, idx_all, p_all, h_all,
                 rows0, rows1, blk0, blk1, iota_v, sg0, sg1, so0, so1):
    wid = lax.axis_index("s") * NC + lax.axis_index("c")
    iota_v[...] = lax.iota(jnp.int32, 16)
    iv = iota_v[...]
    rows = (rows0, rows1)
    blks = (blk0, blk1)
    sgs = (sg0, sg1)
    sos = (so0, so1)
    uu0 = wid * N_UNITS_W

    pltpu.sync_copy(
        idxf_hbm.at[pl.ds(pl.multiple_of(wid * B_PER_W, 8), B_PER_W)],
        idx_all,
    )

    def presplit(m, carry):
        v = idx_all[pl.ds(m * 16, 16)]
        p_all[pl.ds(m * 16, 16)] = lax.shift_right_logical(v, 1)
        h_all[pl.ds(m * 16, 16)] = lax.shift_left(jnp.bitwise_and(v, 1), 6)
        return carry

    lax.fori_loop(0, B_PER_W // 16, presplit, 0, unroll=4)

    def gather_copy(u, par):
        idx_ref = p_all.at[pl.ds(pl.multiple_of(u * LANES, 8), LANES)]
        return pltpu.make_async_copy(
            wide_hbm.at[idx_ref], rows[par], sgs[par]
        )

    def out_copy(u, par):
        s = (uu0 + u) // NB_BLK
        b0 = pl.multiple_of(((uu0 + u) % NB_BLK) * LANES, LANES)
        return pltpu.make_async_copy(
            blks[par], out2_hbm.at[s, :, pl.ds(b0, LANES)], sos[par]
        )

    gather_copy(0, 0).start()
    gather_copy(1, 1).start()

    def phase(k2, par):
        u = k2 * 2 + par
        gather_copy(u, par).wait()

        @pl.when(k2 >= 1)
        def _():
            out_copy(u - 2, par).wait()

        _skew_transpose_h(rows[par], blks[par], h_all, u, iv)
        out_copy(u, par).start()

        @pl.when(k2 < N_UNITS_W // 2 - 1)
        def _():
            gather_copy(u + 2, par).start()

    def pair(k2, carry):
        phase(k2, 0)
        phase(k2, 1)
        return carry

    lax.fori_loop(0, N_UNITS_W // 2, pair, 0)
    out_copy(N_UNITS_W - 2, 0).wait()
    out_copy(N_UNITS_W - 1, 1).wait()


def kernel(indices, embedding_matrix):
    tableT = embedding_matrix.T
    tail = lax.slice(tableT, (0, TAIL0), (D, V))
    idxT_flat = indices.T.astype(jnp.int32).reshape(-1)
    mesh = plsc.VectorSubcoreMesh(core_axis_name="c", subcore_axis_name="s")
    sc_params = pltpu.CompilerParams(
        use_tc_tiling_on_sc=True, needs_layout_passes=False
    )
    widen = pl.kernel(
        _widen_body,
        out_type=jax.ShapeDtypeStruct((V // 2, LANES), jnp.float32),
        mesh=mesh,
        scratch_types=[
            pltpu.VMEM((D, WBLK), jnp.float32),
            pltpu.VMEM((D, WBLK), jnp.float32),
            pltpu.VMEM((WBLK // 2, LANES), jnp.float32),
            pltpu.VMEM((WBLK // 2, LANES), jnp.float32),
            pltpu.VMEM((16,), jnp.int32),
            pltpu.SemaphoreType.DMA,
            pltpu.SemaphoreType.DMA,
            pltpu.SemaphoreType.DMA,
            pltpu.SemaphoreType.DMA,
        ],
        compiler_params=sc_params,
    )
    gather = pl.kernel(
        _gather_body,
        out_type=jax.ShapeDtypeStruct((NS_TOK, D, NB), jnp.float32),
        mesh=mesh,
        scratch_types=[
            pltpu.VMEM((B_PER_W,), jnp.int32),
            pltpu.VMEM((B_PER_W,), jnp.int32),
            pltpu.VMEM((B_PER_W,), jnp.int32),
            pltpu.VMEM((LANES, LANES), jnp.float32),
            pltpu.VMEM((LANES, LANES), jnp.float32),
            pltpu.VMEM((D, LANES), jnp.float32),
            pltpu.VMEM((D, LANES), jnp.float32),
            pltpu.VMEM((16,), jnp.int32),
            pltpu.SemaphoreType.DMA,
            pltpu.SemaphoreType.DMA,
            pltpu.SemaphoreType.DMA,
            pltpu.SemaphoreType.DMA,
        ],
        compiler_params=sc_params,
    )
    wide = widen(tableT, tail)
    out2 = gather(idxT_flat, wide)
    return jnp.transpose(out2, (2, 0, 1))

# --- scband reference (transcript-rebuilt; emitter-appended) ---
"""Pipeline reference for scband-custom-embedding-10565619548288 (READ-ONLY COPY).

The authoritative reference and input builder live on the scoring server;
editing this copy changes nothing except your own understanding.
"""

import jax, jax.numpy as jnp
import numpy as np

VOCAB = 1000000
DIM = 64

def setup_inputs(seed: int = 0) -> dict:
    key = jax.random.key(seed)
    k_idx, k_w = jax.random.split(key)
    indices = jax.random.randint(k_idx, (16384, 26), 0, VOCAB, dtype=jnp.int64 if jax.config.jax_enable_x64 else jnp.int32)
    # xavier_uniform init: bound = sqrt(6 / (fan_in + fan_out))
    bound = float(np.sqrt(6.0 / (VOCAB + DIM)))
    embedding_matrix = jax.random.uniform(k_w, (VOCAB, DIM), dtype=jnp.float32, minval=-bound, maxval=bound)
    return {"indices": indices, "embedding_matrix": embedding_matrix}

def reference(indices, embedding_matrix):
    # Faithful translation of: return self.embedding_matrix[indices]
    return jnp.take(embedding_matrix, indices, axis=0)

if __name__ == "__main__":
    import jax
    _d = setup_inputs()
    print(jax.jit(kernel)(*tuple(_d.values())))

</pallas_src>

<mosaic_0001>
#map = affine_map<(d0, d1) -> (0)>
#map1 = affine_map<(d0, d1) -> (0, 0)>
#map2 = affine_map<(d0, d1) -> (0, 0, 0)>
module attributes {stable_mosaic.version = 14 : i64} {
  func.func @_gather_body(%arg0: i32, %arg1: i32, %arg2: memref<425984xi32, #tpu.memory_space<hbm>>, %arg3: memref<500000x128xf32, #tpu.memory_space<hbm>>, %arg4: memref<26x64x16384xf32, #tpu.memory_space<hbm>>, %arg5: memref<13312xi32, #tpu.memory_space<vmem>>, %arg6: memref<13312xi32, #tpu.memory_space<vmem>>, %arg7: memref<13312xi32, #tpu.memory_space<vmem>>, %arg8: memref<128x128xf32, #tpu.memory_space<vmem>>, %arg9: memref<128x128xf32, #tpu.memory_space<vmem>>, %arg10: memref<64x128xf32, #tpu.memory_space<vmem>>, %arg11: memref<64x128xf32, #tpu.memory_space<vmem>>, %arg12: memref<16xi32, #tpu.memory_space<vmem>>, %arg13: memref<!tpu.dma_semaphore, #tpu.memory_space<semaphore_mem>>, %arg14: memref<!tpu.dma_semaphore, #tpu.memory_space<semaphore_mem>>, %arg15: memref<!tpu.dma_semaphore, #tpu.memory_space<semaphore_mem>>, %arg16: memref<!tpu.dma_semaphore, #tpu.memory_space<semaphore_mem>>) attributes {dimension_semantics = [#tpu.dimension_semantics<core_parallel>, #tpu.dimension_semantics<subcore_parallel>], iteration_bounds = array<i64: 2, 16>, scalar_prefetch = 0 : i64, scratch_operands = 12 : i64, tpu.core_type = #tpu.core_type<sc_vector_subcore>, window_params = [{transform_indices = #map}, {transform_indices = #map1}, {transform_indices = #map2}]} {
    %mul3A = arith.constant 2 : i32
    %mul3A_0 = arith.muli %arg1, %mul3A : i32
    %add3A = arith.addi %mul3A_0, %arg0 : i32
    %iota3A = tpu.iota {dimensions = array<i32: 0>} : vector<16xi32>
    %swap3A = arith.constant 0 : index
    %swap3A_1 = tpu.vector_load %arg12[%swap3A] {strides = array<i32>} : memref<16xi32, #tpu.memory_space<vmem>>, vector<16xi32>,
    tpu.vector_store %arg12[%swap3A], %iota3A {strides = array<i32>} : memref<16xi32, #tpu.memory_space<vmem>>, vector<16xi32>,
    %get3A = arith.constant 0 : index
    %get3A_2 = tpu.vector_load %arg12[%get3A] {strides = array<i32>} : memref<16xi32, #tpu.memory_space<vmem>>, vector<16xi32>,
    %mul3A_3 = arith.constant 104 : i32
    %mul3A_4 = arith.muli %add3A, %mul3A_3 : i32
    %mul3A_5 = arith.constant 13312 : i32
    %mul3A_6 = arith.muli %add3A, %mul3A_5 : i32
    %multiple_of3A = tpu.assume_multiple %mul3A_6, 8 : i32
    "tpu.region"() ({
      %run_scoped3A = tpu.sem_alloc : memref<!tpu.dma_semaphore, #tpu.memory_space<semaphore_mem>>
      %dma_start3A_124 = tpu.memref_slice %arg2[%multiple_of3A] : memref<425984xi32, #tpu.memory_space<hbm>> -> memref<13312xi32, #tpu.memory_space<hbm>>
      %dma_start3A_125 = tpu.memref_slice %arg2[%multiple_of3A] : memref<425984xi32, #tpu.memory_space<hbm>> -> memref<13312xi32, #tpu.memory_space<hbm>>
      tpu.enqueue_dma source(%dma_start3A_125 : memref<13312xi32, #tpu.memory_space<hbm>>) target(%arg5 : memref<13312xi32, #tpu.memory_space<vmem>>) target_semaphore(%run_scoped3A : memref<!tpu.dma_semaphore, #tpu.memory_space<semaphore_mem>>)
      %dma_wait3A_126 = tpu.memref_slice %arg2[%multiple_of3A] : memref<425984xi32, #tpu.memory_space<hbm>> -> memref<13312xi32, #tpu.memory_space<hbm>>
      %dma_wait3A_127 = tpu.memref_slice %arg2[%multiple_of3A] : memref<425984xi32, #tpu.memory_space<hbm>> -> memref<13312xi32, #tpu.memory_space<hbm>>
      tpu.wait_dma2 semaphore(%run_scoped3A : memref<!tpu.dma_semaphore, #tpu.memory_space<semaphore_mem>>) src(%dma_wait3A_127 : memref<13312xi32, #tpu.memory_space<hbm>>) dst(%arg5 : memref<13312xi32, #tpu.memory_space<vmem>>)
      tpu.yield
    }) : () -> ()
    %scan3A = arith.constant 0 : i32
    %scan3A_7 = arith.constant 0 : i32
    %scan3A_8 = arith.constant 832 : i32
    %scan3A_9 = arith.addi %scan3A_7, %scan3A_8 : i32
    %scan3A_10 = arith.constant 4 : i32
    scf.for %scan3A_124 = %scan3A_7 to %scan3A_9 step %scan3A_10  : i32 {
      %mul3A_125 = arith.constant 16 : i32
      %mul3A_126 = arith.muli %scan3A_124, %mul3A_125 : i32
      %get3A_127 = arith.index_cast %mul3A_126 : i32 to index
      %get3A_128 = tpu.vector_load %arg5[%get3A_127] {strides = array<i32>} : memref<13312xi32, #tpu.memory_space<vmem>>, vector<16xi32>,
      %shift_right_logical3A = arith.constant 1 : i32
      %shift_right_logical3A_129 = vector.broadcast %shift_right_logical3A : i32 to vector<16xi32>
      %shift_right_logical3A_130 = arith.shrui %get3A_128, %shift_right_logical3A_129 : vector<16xi32>
      %mul3A_131 = arith.constant 16 : i32
      %mul3A_132 = arith.muli %scan3A_124, %mul3A_131 : i32
      %swap3A_133 = arith.index_cast %mul3A_132 : i32 to index
      %swap3A_134 = tpu.vector_load %arg6[%swap3A_133] {strides = array<i32>} : memref<13312xi32, #tpu.memory_space<vmem>>, vector<16xi32>,
      tpu.vector_store %arg6[%swap3A_133], %shift_right_logical3A_130 {strides = array<i32>} : memref<13312xi32, #tpu.memory_space<vmem>>, vector<16xi32>,
      %and3A_135 = arith.constant 1 : i32
      %and3A_136 = vector.broadcast %and3A_135 : i32 to vector<16xi32>
      %and3A_137 = arith.andi %get3A_128, %and3A_136 : vector<16xi32>
      %shift_left3A = arith.constant 6 : i32
      %shift_left3A_138 = vector.broadcast %shift_left3A : i32 to vector<16xi32>
      %shift_left3A_139 = arith.shli %and3A_137, %shift_left3A_138 : vector<16xi32>
      %mul3A_140 = arith.constant 16 : i32
      %mul3A_141 = arith.muli %scan3A_124, %mul3A_140 : i32
      %swap3A_142 = arith.index_cast %mul3A_141 : i32 to index
      %swap3A_143 = tpu.vector_load %arg7[%swap3A_142] {strides = array<i32>} : memref<13312xi32, #tpu.memory_space<vmem>>, vector<16xi32>,
      tpu.vector_store %arg7[%swap3A_142], %shift_left3A_139 {strides = array<i32>} : memref<13312xi32, #tpu.memory_space<vmem>>, vector<16xi32>,
      %scan3A_144 = arith.constant 1 : i32
      %scan3A_145 = arith.addi %scan3A_124, %scan3A_144 : i32
      %mul3A_146 = arith.constant 16 : i32
      %mul3A_147 = arith.muli %scan3A_145, %mul3A_146 : i32
      %get3A_148 = arith.index_cast %mul3A_147 : i32 to index
      %get3A_149 = tpu.vector_load %arg5[%get3A_148] {strides = array<i32>} : memref<13312xi32, #tpu.memory_space<vmem>>, vector<16xi32>,
      %shift_right_logical3A_150 = arith.constant 1 : i32
      %shift_right_logical3A_151 = vector.broadcast %shift_right_logical3A_150 : i32 to vector<16xi32>
      %shift_right_logical3A_152 = arith.shrui %get3A_149, %shift_right_logical3A_151 : vector<16xi32>
      %mul3A_153 = arith.constant 16 : i32
      %mul3A_154 = arith.muli %scan3A_145, %mul3A_153 : i32
      %swap3A_155 = arith.index_cast %mul3A_154 : i32 to index
      %swap3A_156 = tpu.vector_load %arg6[%swap3A_155] {strides = array<i32>} : memref<13312xi32, #tpu.memory_space<vmem>>, vector<16xi32>,
      tpu.vector_store %arg6[%swap3A_155], %shift_right_logical3A_152 {strides = array<i32>} : memref<13312xi32, #tpu.memory_space<vmem>>, vector<16xi32>,
      %and3A_157 = arith.constant 1 : i32
      %and3A_158 = vector.broadcast %and3A_157 : i32 to vector<16xi32>
      %and3A_159 = arith.andi %get3A_149, %and3A_158 : vector<16xi32>
      %shift_left3A_160 = arith.constant 6 : i32
      %shift_left3A_161 = vector.broadcast %shift_left3A_160 : i32 to vector<16xi32>
      %shift_left3A_162 = arith.shli %and3A_159, %shift_left3A_161 : vector<16xi32>
      %mul3A_163 = arith.constant 16 : i32
      %mul3A_164 = arith.muli %scan3A_145, %mul3A_163 : i32
      %swap3A_165 = arith.index_cast %mul3A_164 : i32 to index
      %swap3A_166 = tpu.vector_load %arg7[%swap3A_165] {strides = array<i32>} : memref<13312xi32, #tpu.memory_space<vmem>>, vector<16xi32>,
      tpu.vector_store %arg7[%swap3A_165], %shift_left3A_162 {strides = array<i32>} : memref<13312xi32, #tpu.memory_space<vmem>>, vector<16xi32>,
      %scan3A_167 = arith.constant 2 : i32
      %scan3A_168 = arith.addi %scan3A_124, %scan3A_167 : i32
      %mul3A_169 = arith.constant 16 : i32
      %mul3A_170 = arith.muli %scan3A_168, %mul3A_169 : i32
      %get3A_171 = arith.index_cast %mul3A_170 : i32 to index
      %get3A_172 = tpu.vector_load %arg5[%get3A_171] {strides = array<i32>} : memref<13312xi32, #tpu.memory_space<vmem>>, vector<16xi32>,
      %shift_right_logical3A_173 = arith.constant 1 : i32
      %shift_right_logical3A_174 = vector.broadcast %shift_right_logical3A_173 : i32 to vector<16xi32>
      %shift_right_logical3A_175 = arith.shrui %get3A_172, %shift_right_logical3A_174 : vector<16xi32>
      %mul3A_176 = arith.constant 16 : i32
      %mul3A_177 = arith.muli %scan3A_168, %mul3A_176 : i32
      %swap3A_178 = arith.index_cast %mul3A_177 : i32 to index
      %swap3A_179 = tpu.vector_load %arg6[%swap3A_178] {strides = array<i32>} : memref<13312xi32, #tpu.memory_space<vmem>>, vector<16xi32>,
      tpu.vector_store %arg6[%swap3A_178], %shift_right_logical3A_175 {strides = array<i32>} : memref<13312xi32, #tpu.memory_space<vmem>>, vector<16xi32>,
      %and3A_180 = arith.constant 1 : i32
      %and3A_181 = vector.broadcast %and3A_180 : i32 to vector<16xi32>
      %and3A_182 = arith.andi %get3A_172, %and3A_181 : vector<16xi32>
      %shift_left3A_183 = arith.constant 6 : i32
      %shift_left3A_184 = vector.broadcast %shift_left3A_183 : i32 to vector<16xi32>
      %shift_left3A_185 = arith.shli %and3A_182, %shift_left3A_184 : vector<16xi32>
      %mul3A_186 = arith.constant 16 : i32
      %mul3A_187 = arith.muli %scan3A_168, %mul3A_186 : i32
      %swap3A_188 = arith.index_cast %mul3A_187 : i32 to index
      %swap3A_189 = tpu.vector_load %arg7[%swap3A_188] {strides = array<i32>} : memref<13312xi32, #tpu.memory_space<vmem>>, vector<16xi32>,
      tpu.vector_store %arg7[%swap3A_188], %shift_left3A_185 {strides = array<i32>} : memref<13312xi32, #tpu.memory_space<vmem>>, vector<16xi32>,
      %scan3A_190 = arith.constant 3 : i32
      %scan3A_191 = arith.addi %scan3A_124, %scan3A_190 : i32
      %mul3A_192 = arith.constant 16 : i32
      %mul3A_193 = arith.muli %scan3A_191, %mul3A_192 : i32
      %get3A_194 = arith.index_cast %mul3A_193 : i32 to index
      %get3A_195 = tpu.vector_load %arg5[%get3A_194] {strides = array<i32>} : memref<13312xi32, #tpu.memory_space<vmem>>, vector<16xi32>,
      %shift_right_logical3A_196 = arith.constant 1 : i32
      %shift_right_logical3A_197 = vector.broadcast %shift_right_logical3A_196 : i32 to vector<16xi32>
      %shift_right_logical3A_198 = arith.shrui %get3A_195, %shift_right_logical3A_197 : vector<16xi32>
      %mul3A_199 = arith.constant 16 : i32
      %mul3A_200 = arith.muli %scan3A_191, %mul3A_199 : i32
      %swap3A_201 = arith.index_cast %mul3A_200 : i32 to index
      %swap3A_202 = tpu.vector_load %arg6[%swap3A_201] {strides = array<i32>} : memref<13312xi32, #tpu.memory_space<vmem>>, vector<16xi32>,
      tpu.vector_store %arg6[%swap3A_201], %shift_right_logical3A_198 {strides = array<i32>} : memref<13312xi32, #tpu.memory_space<vmem>>, vector<16xi32>,
      %and3A_203 = arith.constant 1 : i32
      %and3A_204 = vector.broadcast %and3A_203 : i32 to vector<16xi32>
      %and3A_205 = arith.andi %get3A_195, %and3A_204 : vector<16xi32>
      %shift_left3A_206 = arith.constant 6 : i32
      %shift_left3A_207 = vector.broadcast %shift_left3A_206 : i32 to vector<16xi32>
      %shift_left3A_208 = arith.shli %and3A_205, %shift_left3A_207 : vector<16xi32>
      %mul3A_209 = arith.constant 16 : i32
      %mul3A_210 = arith.muli %scan3A_191, %mul3A_209 : i32
      %swap3A_211 = arith.index_cast %mul3A_210 : i32 to index
      %swap3A_212 = tpu.vector_load %arg7[%swap3A_211] {strides = array<i32>} : memref<13312xi32, #tpu.memory_space<vmem>>, vector<16xi32>,
      tpu.vector_store %arg7[%swap3A_211], %shift_left3A_208 {strides = array<i32>} : memref<13312xi32, #tpu.memory_space<vmem>>, vector<16xi32>,
    }
    %scan3A_11 = arith.constant 832 : i32
    %multiple_of3A_12 = arith.constant 0 : i32
    %multiple_of3A_13 = tpu.assume_multiple %multiple_of3A_12, 8 : i32
    %dma_start3A = tpu.memref_slice %arg6[%multiple_of3A_13] : memref<13312xi32, #tpu.memory_space<vmem>> -> memref<128xi32, #tpu.memory_space<vmem>>
    %dma_start3A_14 = arith.constant 0 : i32
    %dma_start3A_15 = arith.constant 0 : i32
    %dma_start3A_16 = tpu.memref_slice %arg3[%dma_start3A_14, %dma_start3A_15] : memref<500000x128xf32, #tpu.memory_space<hbm>> -> memref<500000x128xf32, #tpu.memory_space<hbm>>
    tpu.enqueue_indirect_dma source(%dma_start3A_16 : memref<500000x128xf32, #tpu.memory_space<hbm>>) target(%arg8 : memref<128x128xf32, #tpu.memory_space<vmem>>) offsets(%dma_start3A : memref<128xi32, #tpu.memory_space<vmem>>) semaphore(%arg13 : memref<!tpu.dma_semaphore, #tpu.memory_space<semaphore_mem>>)
    %multiple_of3A_17 = arith.constant 128 : i32
    %multiple_of3A_18 = tpu.assume_multiple %multiple_of3A_17, 8 : i32
    %dma_start3A_19 = tpu.memref_slice %arg6[%multiple_of3A_18] : memref<13312xi32, #tpu.memory_space<vmem>> -> memref<128xi32, #tpu.memory_space<vmem>>
    %dma_start3A_20 = arith.constant 0 : i32
    %dma_start3A_21 = arith.constant 0 : i32
    %dma_start3A_22 = tpu.memref_slice %arg3[%dma_start3A_20, %dma_start3A_21] : memref<500000x128xf32, #tpu.memory_space<hbm>> -> memref<500000x128xf32, #tpu.memory_space<hbm>>
    tpu.enqueue_indirect_dma source(%dma_start3A_22 : memref<500000x128xf32, #tpu.memory_space<hbm>>) target(%arg9 : memref<128x128xf32, #tpu.memory_space<vmem>>) offsets(%dma_start3A_19 : memref<128xi32, #tpu.memory_space<vmem>>) semaphore(%arg14 : memref<!tpu.dma_semaphore, #tpu.memory_space<semaphore_mem>>)
    %scan3A_23 = arith.constant 0 : i32
    %scan3A_24 = arith.constant 0 : i32
    %scan3A_25 = arith.constant 52 : i32
    %scan3A_26 = arith.addi %scan3A_24, %scan3A_25 : i32
    %scan3A_27 = arith.constant 1 : i32
    scf.for %scan3A_124 = %scan3A_24 to %scan3A_26 step %scan3A_27  : i32 {
      %mul3A_125 = arith.constant 2 : i32
      %mul3A_126 = arith.muli %scan3A_124, %mul3A_125 : i32
      %add3A_127 = arith.constant 0 : i32
      %add3A_128 = arith.addi %mul3A_126, %add3A_127 : i32
      %mul3A_129 = arith.constant 128 : i32
      %mul3A_130 = arith.muli %add3A_128, %mul3A_129 : i32
      %multiple_of3A_131 = tpu.assume_multiple %mul3A_130, 8 : i32
      %dma_wait3A_132 = tpu.memref_slice %arg6[%multiple_of3A_131] : memref<13312xi32, #tpu.memory_space<vmem>> -> memref<128xi32, #tpu.memory_space<vmem>>
      %dma_wait3A_133 = arith.constant 0 : i32
      %dma_wait3A_134 = arith.constant 0 : i32
      %dma_wait3A_135 = tpu.memref_slice %arg3[%dma_wait3A_133, %dma_wait3A_134] : memref<500000x128xf32, #tpu.memory_space<hbm>> -> memref<500000x128xf32, #tpu.memory_space<hbm>>
      tpu.wait_indirect_dma semaphore(%arg13 : memref<!tpu.dma_semaphore, #tpu.memory_space<semaphore_mem>>) src(%dma_wait3A_135 : memref<500000x128xf32, #tpu.memory_space<hbm>>) dst(%arg8 : memref<128x128xf32, #tpu.memory_space<vmem>>)
      %ge3A = arith.constant 1 : i32
      %ge3A_136 = arith.cmpi sge, %scan3A_124, %ge3A : i32
      %convert_element_type3A = arith.extui %ge3A_136 : i1 to i32
      %cond3A = arith.constant 0 : i32
      %cond3A_137 = arith.cmpi ne, %convert_element_type3A, %cond3A : i32
      scf.if %cond3A_137 {
        %sub3A_470 = arith.constant 2 : i32
        %sub3A_471 = arith.subi %add3A_128, %sub3A_470 : i32
        %add3A_472 = arith.addi %mul3A_4, %sub3A_471 : i32
        %jit3A_473 = arith.constant 128 : i32
        %div3A_474 = arith.divsi %add3A_472, %jit3A_473 : i32
        %sign3A_475 = arith.constant 0 : i32
        %sign3A_476 = arith.cmpi sgt, %add3A_472, %sign3A_475 : i32
        %sign3A_477 = arith.extui %sign3A_476 : i1 to i32
        %sign3A_478 = arith.constant 0 : i32
        %sign3A_479 = arith.cmpi slt, %add3A_472, %sign3A_478 : i32
        %sign3A_480 = arith.extui %sign3A_479 : i1 to i32
        %sign3A_481 = arith.subi %sign3A_477, %sign3A_480 : i32
        %sign3A_482 = arith.constant 0 : i32
        %sign3A_483 = arith.cmpi sgt, %jit3A_473, %sign3A_482 : i32
        %sign3A_484 = arith.extui %sign3A_483 : i1 to i32
        %sign3A_485 = arith.constant 0 : i32
        %sign3A_486 = arith.cmpi slt, %jit3A_473, %sign3A_485 : i32
        %sign3A_487 = arith.extui %sign3A_486 : i1 to i32
        %sign3A_488 = arith.subi %sign3A_484, %sign3A_487 : i32
        %ne3A_489 = arith.cmpi ne, %sign3A_481, %sign3A_488 : i32
        %rem3A_490 = arith.remsi %add3A_472, %jit3A_473 : i32
        %ne3A_491 = arith.constant 0 : i32
        %ne3A_492 = arith.cmpi ne, %rem3A_490, %ne3A_491 : i32
        %and3A_493 = arith.andi %ne3A_489, %ne3A_492 : i1
        %sub3A_494 = arith.constant 1 : i32
        %sub3A_495 = arith.subi %div3A_474, %sub3A_494 : i32
        %select_n3A_496 = arith.select %and3A_493, %sub3A_495, %div3A_474 : i32
        %add3A_497 = arith.addi %mul3A_4, %sub3A_471 : i32
        %jit3A_498 = arith.constant 128 : i32
        %eq3A_499 = arith.constant 0 : i32
        %eq3A_500 = arith.cmpi eq, %jit3A_498, %eq3A_499 : i32
        %jit3A_501 = arith.constant 1 : i32
        %select_n3A_502 = arith.select %eq3A_500, %jit3A_501, %jit3A_498 : i32
        %rem3A_503 = arith.remsi %add3A_497, %select_n3A_502 : i32
        %ne3A_504 = arith.constant 0 : i32
        %ne3A_505 = arith.cmpi ne, %rem3A_503, %ne3A_504 : i32
        %lt3A_506 = arith.constant 0 : i32
        %lt3A_507 = arith.cmpi slt, %rem3A_503, %lt3A_506 : i32
        %lt3A_508 = arith.constant 0 : i32
        %lt3A_509 = arith.cmpi slt, %select_n3A_502, %lt3A_508 : i32
        %ne3A_510 = arith.xori %lt3A_507, %lt3A_509 : i1
        %and3A_511 = arith.andi %ne3A_510, %ne3A_505 : i1
        %add3A_512 = arith.addi %rem3A_503, %select_n3A_502 : i32
        %select_n3A_513 = arith.select %and3A_511, %add3A_512, %rem3A_503 : i32
        %mul3A_514 = arith.constant 128 : i32
        %mul3A_515 = arith.muli %select_n3A_513, %mul3A_514 : i32
        %multiple_of3A_516 = tpu.assume_multiple %mul3A_515, 128 : i32
        %dma_wait3A_517 = arith.constant 0 : i32
        %dma_wait3A_518 = tpu.memref_slice %arg4[%select_n3A_496, %dma_wait3A_517, %multiple_of3A_516] : memref<26x64x16384xf32, #tpu.memory_space<hbm>> -> memref<1x64x128xf32, #tpu.memory_space<hbm>>
        %dma_wait3A_519 = tpu.memref_squeeze %dma_wait3A_518 : memref<1x64x128xf32, #tpu.memory_space<hbm>> -> memref<64x128xf32, #tpu.memory_space<hbm>>
        %dma_wait3A_520 = arith.constant 0 : i32
        %dma_wait3A_521 = tpu.memref_slice %arg4[%select_n3A_496, %dma_wait3A_520, %multiple_of3A_516] : memref<26x64x16384xf32, #tpu.memory_space<hbm>> -> memref<1x64x128xf32, #tpu.memory_space<hbm>>
        %dma_wait3A_522 = tpu.memref_squeeze %dma_wait3A_521 : memref<1x64x128xf32, #tpu.memory_space<hbm>> -> memref<64x128xf32, #tpu.memory_space<hbm>>
        tpu.wait_dma2 semaphore(%arg15 : memref<!tpu.dma_semaphore, #tpu.memory_space<semaphore_mem>>) src(%arg10 : memref<64x128xf32, #tpu.memory_space<vmem>>) dst(%dma_wait3A_522 : memref<64x128xf32, #tpu.memory_space<hbm>>)
      } else {
      }
      %add3A_138 = arith.constant 0 : i32
      %add3A_139 = vector.broadcast %add3A_138 : i32 to vector<16xi32>
      %add3A_140 = arith.addi %get3A_2, %add3A_139 : vector<16xi32>
      %rem3A_141 = arith.constant 16 : i32
      %rem3A_142 = vector.broadcast %rem3A_141 : i32 to vector<16xi32>
      %rem3A_143 = arith.remsi %add3A_140, %rem3A_142 : vector<16xi32>
      %add3A_144 = arith.constant 1 : i32
      %add3A_145 = vector.broadcast %add3A_144 : i32 to vector<16xi32>
      %add3A_146 = arith.addi %get3A_2, %add3A_145 : vector<16xi32>
      %rem3A_147 = arith.constant 16 : i32
      %rem3A_148 = vector.broadcast %rem3A_147 : i32 to vector<16xi32>
      %rem3A_149 = arith.remsi %add3A_146, %rem3A_148 : vector<16xi32>
      %add3A_150 = arith.constant 2 : i32
      %add3A_151 = vector.broadcast %add3A_150 : i32 to vector<16xi32>
      %add3A_152 = arith.addi %get3A_2, %add3A_151 : vector<16xi32>
      %rem3A_153 = arith.constant 16 : i32
      %rem3A_154 = vector.broadcast %rem3A_153 : i32 to vector<16xi32>
      %rem3A_155 = arith.remsi %add3A_152, %rem3A_154 : vector<16xi32>
      %add3A_156 = arith.constant 3 : i32
      %add3A_157 = vector.broadcast %add3A_156 : i32 to vector<16xi32>
      %add3A_158 = arith.addi %get3A_2, %add3A_157 : vector<16xi32>
      %rem3A_159 = arith.constant 16 : i32
      %rem3A_160 = vector.broadcast %rem3A_159 : i32 to vector<16xi32>
      %rem3A_161 = arith.remsi %add3A_158, %rem3A_160 : vector<16xi32>
      %add3A_162 = arith.constant 4 : i32
      %add3A_163 = vector.broadcast %add3A_162 : i32 to vector<16xi32>
      %add3A_164 = arith.addi %get3A_2, %add3A_163 : vector<16xi32>
      %rem3A_165 = arith.constant 16 : i32
      %rem3A_166 = vector.broadcast %rem3A_165 : i32 to vector<16xi32>
      %rem3A_167 = arith.remsi %add3A_164, %rem3A_166 : vector<16xi32>
      %add3A_168 = arith.constant 5 : i32
      %add3A_169 = vector.broadcast %add3A_168 : i32 to vector<16xi32>
      %add3A_170 = arith.addi %get3A_2, %add3A_169 : vector<16xi32>
      %rem3A_171 = arith.constant 16 : i32
      %rem3A_172 = vector.broadcast %rem3A_171 : i32 to vector<16xi32>
      %rem3A_173 = arith.remsi %add3A_170, %rem3A_172 : vector<16xi32>
      %add3A_174 = arith.constant 6 : i32
      %add3A_175 = vector.broadcast %add3A_174 : i32 to vector<16xi32>
      %add3A_176 = arith.addi %get3A_2, %add3A_175 : vector<16xi32>
      %rem3A_177 = arith.constant 16 : i32
      %rem3A_178 = vector.broadcast %rem3A_177 : i32 to vector<16xi32>
      %rem3A_179 = arith.remsi %add3A_176, %rem3A_178 : vector<16xi32>
      %add3A_180 = arith.constant 7 : i32
      %add3A_181 = vector.broadcast %add3A_180 : i32 to vector<16xi32>
      %add3A_182 = arith.addi %get3A_2, %add3A_181 : vector<16xi32>
      %rem3A_183 = arith.constant 16 : i32
      %rem3A_184 = vector.broadcast %rem3A_183 : i32 to vector<16xi32>
      %rem3A_185 = arith.remsi %add3A_182, %rem3A_184 : vector<16xi32>
      %add3A_186 = arith.constant 8 : i32
      %add3A_187 = vector.broadcast %add3A_186 : i32 to vector<16xi32>
      %add3A_188 = arith.addi %get3A_2, %add3A_187 : vector<16xi32>
      %rem3A_189 = arith.constant 16 : i32
      %rem3A_190 = vector.broadcast %rem3A_189 : i32 to vector<16xi32>
      %rem3A_191 = arith.remsi %add3A_188, %rem3A_190 : vector<16xi32>
      %add3A_192 = arith.constant 9 : i32
      %add3A_193 = vector.broadcast %add3A_192 : i32 to vector<16xi32>
      %add3A_194 = arith.addi %get3A_2, %add3A_193 : vector<16xi32>
      %rem3A_195 = arith.constant 16 : i32
      %rem3A_196 = vector.broadcast %rem3A_195 : i32 to vector<16xi32>
      %rem3A_197 = arith.remsi %add3A_194, %rem3A_196 : vector<16xi32>
      %add3A_198 = arith.constant 10 : i32
      %add3A_199 = vector.broadcast %add3A_198 : i32 to vector<16xi32>
      %add3A_200 = arith.addi %get3A_2, %add3A_199 : vector<16xi32>
      %rem3A_201 = arith.constant 16 : i32
      %rem3A_202 = vector.broadcast %rem3A_201 : i32 to vector<16xi32>
      %rem3A_203 = arith.remsi %add3A_200, %rem3A_202 : vector<16xi32>
      %add3A_204 = arith.constant 11 : i32
      %add3A_205 = vector.broadcast %add3A_204 : i32 to vector<16xi32>
      %add3A_206 = arith.addi %get3A_2, %add3A_205 : vector<16xi32>
      %rem3A_207 = arith.constant 16 : i32
      %rem3A_208 = vector.broadcast %rem3A_207 : i32 to vector<16xi32>
      %rem3A_209 = arith.remsi %add3A_206, %rem3A_208 : vector<16xi32>
      %add3A_210 = arith.constant 12 : i32
      %add3A_211 = vector.broadcast %add3A_210 : i32 to vector<16xi32>
      %add3A_212 = arith.addi %get3A_2, %add3A_211 : vector<16xi32>
      %rem3A_213 = arith.constant 16 : i32
      %rem3A_214 = vector.broadcast %rem3A_213 : i32 to vector<16xi32>
      %rem3A_215 = arith.remsi %add3A_212, %rem3A_214 : vector<16xi32>
      %add3A_216 = arith.constant 13 : i32
      %add3A_217 = vector.broadcast %add3A_216 : i32 to vector<16xi32>
      %add3A_218 = arith.addi %get3A_2, %add3A_217 : vector<16xi32>
      %rem3A_219 = arith.constant 16 : i32
      %rem3A_220 = vector.broadcast %rem3A_219 : i32 to vector<16xi32>
      %rem3A_221 = arith.remsi %add3A_218, %rem3A_220 : vector<16xi32>
      %add3A_222 = arith.constant 14 : i32
      %add3A_223 = vector.broadcast %add3A_222 : i32 to vector<16xi32>
      %add3A_224 = arith.addi %get3A_2, %add3A_223 : vector<16xi32>
      %rem3A_225 = arith.constant 16 : i32
      %rem3A_226 = vector.broadcast %rem3A_225 : i32 to vector<16xi32>
      %rem3A_227 = arith.remsi %add3A_224, %rem3A_226 : vector<16xi32>
      %add3A_228 = arith.constant 15 : i32
      %add3A_229 = vector.broadcast %add3A_228 : i32 to vector<16xi32>
      %add3A_230 = arith.addi %get3A_2, %add3A_229 : vector<16xi32>
      %rem3A_231 = arith.constant 16 : i32
      %rem3A_232 = vector.broadcast %rem3A_231 : i32 to vector<16xi32>
      %rem3A_233 = arith.remsi %add3A_230, %rem3A_232 : vector<16xi32>
      %scan3A_234 = arith.constant 0 : i32
      %scan3A_235 = arith.constant 0 : i32
      %scan3A_236 = arith.constant 32 : i32
      %scan3A_237 = arith.addi %scan3A_235, %scan3A_236 : i32
      %scan3A_238 = arith.constant 2 : i32
      scf.for %scan3A_470 = %scan3A_235 to %scan3A_237 step %scan3A_238  : i32 {
        %jit3A_471 = arith.constant 4 : i32
        %div3A_472 = arith.divsi %scan3A_470, %jit3A_471 : i32
        %sign3A_473 = arith.constant 0 : i32
        %sign3A_474 = arith.cmpi sgt, %scan3A_470, %sign3A_473 : i32
        %sign3A_475 = arith.extui %sign3A_474 : i1 to i32
        %sign3A_476 = arith.constant 0 : i32
        %sign3A_477 = arith.cmpi slt, %scan3A_470, %sign3A_476 : i32
        %sign3A_478 = arith.extui %sign3A_477 : i1 to i32
        %sign3A_479 = arith.subi %sign3A_475, %sign3A_478 : i32
        %sign3A_480 = arith.constant 0 : i32
        %sign3A_481 = arith.cmpi sgt, %jit3A_471, %sign3A_480 : i32
        %sign3A_482 = arith.extui %sign3A_481 : i1 to i32
        %sign3A_483 = arith.constant 0 : i32
        %sign3A_484 = arith.cmpi slt, %jit3A_471, %sign3A_483 : i32
        %sign3A_485 = arith.extui %sign3A_484 : i1 to i32
        %sign3A_486 = arith.subi %sign3A_482, %sign3A_485 : i32
        %ne3A_487 = arith.cmpi ne, %sign3A_479, %sign3A_486 : i32
        %rem3A_488 = arith.remsi %scan3A_470, %jit3A_471 : i32
        %ne3A_489 = arith.constant 0 : i32
        %ne3A_490 = arith.cmpi ne, %rem3A_488, %ne3A_489 : i32
        %and3A_491 = arith.andi %ne3A_487, %ne3A_490 : i1
        %sub3A_492 = arith.constant 1 : i32
        %sub3A_493 = arith.subi %div3A_472, %sub3A_492 : i32
        %select_n3A_494 = arith.select %and3A_491, %sub3A_493, %div3A_472 : i32
        %mul3A_495 = arith.constant 16 : i32
        %mul3A_496 = arith.muli %select_n3A_494, %mul3A_495 : i32
        %add3A_497 = vector.broadcast %mul3A_496 : i32 to vector<16xi32>
        %add3A_498 = arith.addi %get3A_2, %add3A_497 : vector<16xi32>
        %mul3A_499 = arith.constant 128 : i32
        %mul3A_500 = arith.muli %add3A_128, %mul3A_499 : i32
        %jit3A_501 = arith.constant 4 : i32
        %div3A_502 = arith.divsi %scan3A_470, %jit3A_501 : i32
        %sign3A_503 = arith.constant 0 : i32
        %sign3A_504 = arith.cmpi sgt, %scan3A_470, %sign3A_503 : i32
        %sign3A_505 = arith.extui %sign3A_504 : i1 to i32
        %sign3A_506 = arith.constant 0 : i32
        %sign3A_507 = arith.cmpi slt, %scan3A_470, %sign3A_506 : i32
        %sign3A_508 = arith.extui %sign3A_507 : i1 to i32
        %sign3A_509 = arith.subi %sign3A_505, %sign3A_508 : i32
        %sign3A_510 = arith.constant 0 : i32
        %sign3A_511 = arith.cmpi sgt, %jit3A_501, %sign3A_510 : i32
        %sign3A_512 = arith.extui %sign3A_511 : i1 to i32
        %sign3A_513 = arith.constant 0 : i32
        %sign3A_514 = arith.cmpi slt, %jit3A_501, %sign3A_513 : i32
        %sign3A_515 = arith.extui %sign3A_514 : i1 to i32
        %sign3A_516 = arith.subi %sign3A_512, %sign3A_515 : i32
        %ne3A_517 = arith.cmpi ne, %sign3A_509, %sign3A_516 : i32
        %rem3A_518 = arith.remsi %scan3A_470, %jit3A_501 : i32
        %ne3A_519 = arith.constant 0 : i32
        %ne3A_520 = arith.cmpi ne, %rem3A_518, %ne3A_519 : i32
        %and3A_521 = arith.andi %ne3A_517, %ne3A_520 : i1
        %sub3A_522 = arith.constant 1 : i32
        %sub3A_523 = arith.subi %div3A_502, %sub3A_522 : i32
        %select_n3A_524 = arith.select %and3A_521, %sub3A_523, %div3A_502 : i32
        %mul3A_525 = arith.constant 16 : i32
        %mul3A_526 = arith.muli %select_n3A_524, %mul3A_525 : i32
        %add3A_527 = arith.addi %mul3A_500, %mul3A_526 : i32
        %get3A_528 = arith.index_cast %add3A_527 : i32 to index
        %get3A_529 = tpu.vector_load %arg7[%get3A_528] {strides = array<i32>} : memref<13312xi32, #tpu.memory_space<vmem>>, vector<16xi32>,
        %jit3A_530 = arith.constant 4 : i32
        %eq3A_531 = arith.constant 0 : i32
        %eq3A_532 = arith.cmpi eq, %jit3A_530, %eq3A_531 : i32
        %jit3A_533 = arith.constant 1 : i32
        %select_n3A_534 = arith.select %eq3A_532, %jit3A_533, %jit3A_530 : i32
        %rem3A_535 = arith.remsi %scan3A_470, %select_n3A_534 : i32
        %ne3A_536 = arith.constant 0 : i32
        %ne3A_537 = arith.cmpi ne, %rem3A_535, %ne3A_536 : i32
        %lt3A_538 = arith.constant 0 : i32
        %lt3A_539 = arith.cmpi slt, %rem3A_535, %lt3A_538 : i32
        %lt3A_540 = arith.constant 0 : i32
        %lt3A_541 = arith.cmpi slt, %select_n3A_534, %lt3A_540 : i32
        %ne3A_542 = arith.xori %lt3A_539, %lt3A_541 : i1
        %and3A_543 = arith.andi %ne3A_542, %ne3A_537 : i1
        %add3A_544 = arith.addi %rem3A_535, %select_n3A_534 : i32
        %select_n3A_545 = arith.select %and3A_543, %add3A_544, %rem3A_535 : i32
        %mul3A_546 = arith.constant 16 : i32
        %mul3A_547 = arith.muli %select_n3A_545, %mul3A_546 : i32
        %add3A_548 = vector.broadcast %mul3A_547 : i32 to vector<16xi32>
        %add3A_549 = arith.addi %add3A_548, %rem3A_143 : vector<16xi32>
        %add3A_550 = arith.addi %add3A_549, %get3A_529 : vector<16xi32>
        %gather3A = tpu.vector_load_idx %arg8[%add3A_498, %add3A_550] : memref<128x128xf32, #tpu.memory_space<vmem>>[vector<16xi32>, vector<16xi32>], vector<16xf32>,
        %add3A_551 = vector.broadcast %mul3A_547 : i32 to vector<16xi32>
        %add3A_552 = arith.addi %add3A_551, %rem3A_149 : vector<16xi32>
        %add3A_553 = arith.addi %add3A_552, %get3A_529 : vector<16xi32>
        %gather3A_554 = tpu.vector_load_idx %arg8[%add3A_498, %add3A_553] : memref<128x128xf32, #tpu.memory_space<vmem>>[vector<16xi32>, vector<16xi32>], vector<16xf32>,
        %add3A_555 = vector.broadcast %mul3A_547 : i32 to vector<16xi32>
        %add3A_556 = arith.addi %add3A_555, %rem3A_155 : vector<16xi32>
        %add3A_557 = arith.addi %add3A_556, %get3A_529 : vector<16xi32>
        %gather3A_558 = tpu.vector_load_idx %arg8[%add3A_498, %add3A_557] : memref<128x128xf32, #tpu.memory_space<vmem>>[vector<16xi32>, vector<16xi32>], vector<16xf32>,
        %add3A_559 = vector.broadcast %mul3A_547 : i32 to vector<16xi32>
        %add3A_560 = arith.addi %add3A_559, %rem3A_161 : vector<16xi32>
        %add3A_561 = arith.addi %add3A_560, %get3A_529 : vector<16xi32>
        %gather3A_562 = tpu.vector_load_idx %arg8[%add3A_498, %add3A_561] : memref<128x128xf32, #tpu.memory_space<vmem>>[vector<16xi32>, vector<16xi32>], vector<16xf32>,
        %add3A_563 = vector.broadcast %mul3A_547 : i32 to vector<16xi32>
        %add3A_564 = arith.addi %add3A_563, %rem3A_167 : vector<16xi32>
        %add3A_565 = arith.addi %add3A_564, %get3A_529 : vector<16xi32>
        %gather3A_566 = tpu.vector_load_idx %arg8[%add3A_498, %add3A_565] : memref<128x128xf32, #tpu.memory_space<vmem>>[vector<16xi32>, vector<16xi32>], vector<16xf32>,
        %add3A_567 = vector.broadcast %mul3A_547 : i32 to vector<16xi32>
        %add3A_568 = arith.addi %add3A_567, %rem3A_173 : vector<16xi32>
        %add3A_569 = arith.addi %add3A_568, %get3A_529 : vector<16xi32>
        %gather3A_570 = tpu.vector_load_idx %arg8[%add3A_498, %add3A_569] : memref<128x128xf32, #tpu.memory_space<vmem>>[vector<16xi32>, vector<16xi32>], vector<16xf32>,
        %add3A_571 = vector.broadcast %mul3A_547 : i32 to vector<16xi32>
        %add3A_572 = arith.addi %add3A_571, %rem3A_179 : vector<16xi32>
        %add3A_573 = arith.addi %add3A_572, %get3A_529 : vector<16xi32>
        %gather3A_574 = tpu.vector_load_idx %arg8[%add3A_498, %add3A_573] : memref<128x128xf32, #tpu.memory_space<vmem>>[vector<16xi32>, vector<16xi32>], vector<16xf32>,
        %add3A_575 = vector.broadcast %mul3A_547 : i32 to vector<16xi32>
        %add3A_576 = arith.addi %add3A_575, %rem3A_185 : vector<16xi32>
        %add3A_577 = arith.addi %add3A_576, %get3A_529 : vector<16xi32>
        %gather3A_578 = tpu.vector_load_idx %arg8[%add3A_498, %add3A_577] : memref<128x128xf32, #tpu.memory_space<vmem>>[vector<16xi32>, vector<16xi32>], vector<16xf32>,
        %add3A_579 = vector.broadcast %mul3A_547 : i32 to vector<16xi32>
        %add3A_580 = arith.addi %add3A_579, %rem3A_191 : vector<16xi32>
        %add3A_581 = arith.addi %add3A_580, %get3A_529 : vector<16xi32>
        %gather3A_582 = tpu.vector_load_idx %arg8[%add3A_498, %add3A_581] : memref<128x128xf32, #tpu.memory_space<vmem>>[vector<16xi32>, vector<16xi32>], vector<16xf32>,
        %add3A_583 = vector.broadcast %mul3A_547 : i32 to vector<16xi32>
        %add3A_584 = arith.addi %add3A_583, %rem3A_197 : vector<16xi32>
        %add3A_585 = arith.addi %add3A_584, %get3A_529 : vector<16xi32>
        %gather3A_586 = tpu.vector_load_idx %arg8[%add3A_498, %add3A_585] : memref<128x128xf32, #tpu.memory_space<vmem>>[vector<16xi32>, vector<16xi32>], vector<16xf32>,
        %add3A_587 = vector.broadcast %mul3A_547 : i32 to vector<16xi32>
        %add3A_588 = arith.addi %add3A_587, %rem3A_203 : vector<16xi32>
        %add3A_589 = arith.addi %add3A_588, %get3A_529 : vector<16xi32>
        %gather3A_590 = tpu.vector_load_idx %arg8[%add3A_498, %add3A_589] : memref<128x128xf32, #tpu.memory_space<vmem>>[vector<16xi32>, vector<16xi32>], vector<16xf32>,
        %add3A_591 = vector.broadcast %mul3A_547 : i32 to vector<16xi32>
        %add3A_592 = arith.addi %add3A_591, %rem3A_209 : vector<16xi32>
        %add3A_593 = arith.addi %add3A_592, %get3A_529 : vector<16xi32>
        %gather3A_594 = tpu.vector_load_idx %arg8[%add3A_498, %add3A_593] : memref<128x128xf32, #tpu.memory_space<vmem>>[vector<16xi32>, vector<16xi32>], vector<16xf32>,
        %add3A_595 = vector.broadcast %mul3A_547 : i32 to vector<16xi32>
        %add3A_596 = arith.addi %add3A_595, %rem3A_215 : vector<16xi32>
        %add3A_597 = arith.addi %add3A_596, %get3A_529 : vector<16xi32>
        %gather3A_598 = tpu.vector_load_idx %arg8[%add3A_498, %add3A_597] : memref<128x128xf32, #tpu.memory_space<vmem>>[vector<16xi32>, vector<16xi32>], vector<16xf32>,
        %add3A_599 = vector.broadcast %mul3A_547 : i32 to vector<16xi32>
        %add3A_600 = arith.addi %add3A_599, %rem3A_221 : vector<16xi32>
        %add3A_601 = arith.addi %add3A_600, %get3A_529 : vector<16xi32>
        %gather3A_602 = tpu.vector_load_idx %arg8[%add3A_498, %add3A_601] : memref<128x128xf32, #tpu.memory_space<vmem>>[vector<16xi32>, vector<16xi32>], vector<16xf32>,
        %add3A_603 = vector.broadcast %mul3A_547 : i32 to vector<16xi32>
        %add3A_604 = arith.addi %add3A_603, %rem3A_227 : vector<16xi32>
        %add3A_605 = arith.addi %add3A_604, %get3A_529 : vector<16xi32>
        %gather3A_606 = tpu.vector_load_idx %arg8[%add3A_498, %add3A_605] : memref<128x128xf32, #tpu.memory_space<vmem>>[vector<16xi32>, vector<16xi32>], vector<16xf32>,
        %add3A_607 = vector.broadcast %mul3A_547 : i32 to vector<16xi32>
        %add3A_608 = arith.addi %add3A_607, %rem3A_233 : vector<16xi32>
        %add3A_609 = arith.addi %add3A_608, %get3A_529 : vector<16xi32>
        %gather3A_610 = tpu.vector_load_idx %arg8[%add3A_498, %add3A_609] : memref<128x128xf32, #tpu.memory_space<vmem>>[vector<16xi32>, vector<16xi32>], vector<16xf32>,
        %add3A_611 = vector.broadcast %mul3A_547 : i32 to vector<16xi32>
        %add3A_612 = arith.addi %add3A_611, %rem3A_143 : vector<16xi32>
        tpu.vector_store_idx %arg10[%add3A_612, %add3A_498], %gather3A : memref<64x128xf32, #tpu.memory_space<vmem>>[vector<16xi32>, vector<16xi32>], vector<16xf32>,
        %add3A_613 = vector.broadcast %mul3A_547 : i32 to vector<16xi32>
        %add3A_614 = arith.addi %add3A_613, %rem3A_149 : vector<16xi32>
        tpu.vector_store_idx %arg10[%add3A_614, %add3A_498], %gather3A_554 : memref<64x128xf32, #tpu.memory_space<vmem>>[vector<16xi32>, vector<16xi32>], vector<16xf32>,
        %add3A_615 = vector.broadcast %mul3A_547 : i32 to vector<16xi32>
        %add3A_616 = arith.addi %add3A_615, %rem3A_155 : vector<16xi32>
        tpu.vector_store_idx %arg10[%add3A_616, %add3A_498], %gather3A_558 : memref<64x128xf32, #tpu.memory_space<vmem>>[vector<16xi32>, vector<16xi32>], vector<16xf32>,
        %add3A_617 = vector.broadcast %mul3A_547 : i32 to vector<16xi32>
        %add3A_618 = arith.addi %add3A_617, %rem3A_161 : vector<16xi32>
        tpu.vector_store_idx %arg10[%add3A_618, %add3A_498], %gather3A_562 : memref<64x128xf32, #tpu.memory_space<vmem>>[vector<16xi32>, vector<16xi32>], vector<16xf32>,
        %add3A_619 = vector.broadcast %mul3A_547 : i32 to vector<16xi32>
        %add3A_620 = arith.addi %add3A_619, %rem3A_167 : vector<16xi32>
        tpu.vector_store_idx %arg10[%add3A_620, %add3A_498], %gather3A_566 : memref<64x128xf32, #tpu.memory_space<vmem>>[vector<16xi32>, vector<16xi32>], vector<16xf32>,
        %add3A_621 = vector.broadcast %mul3A_547 : i32 to vector<16xi32>
        %add3A_622 = arith.addi %add3A_621, %rem3A_173 : vector<16xi32>
        tpu.vector_store_idx %arg10[%add3A_622, %add3A_498], %gather3A_570 : memref<64x128xf32, #tpu.memory_space<vmem>>[vector<16xi32>, vector<16xi32>], vector<16xf32>,
        %add3A_623 = vector.broadcast %mul3A_547 : i32 to vector<16xi32>
        %add3A_624 = arith.addi %add3A_623, %rem3A_179 : vector<16xi32>
        tpu.vector_store_idx %arg10[%add3A_624, %add3A_498], %gather3A_574 : memref<64x128xf32, #tpu.memory_space<vmem>>[vector<16xi32>, vector<16xi32>], vector<16xf32>,
        %add3A_625 = vector.broadcast %mul3A_547 : i32 to vector<16xi32>
        %add3A_626 = arith.addi %add3A_625, %rem3A_185 : vector<16xi32>
        tpu.vector_store_idx %arg10[%add3A_626, %add3A_498], %gather3A_578 : memref<64x128xf32, #tpu.memory_space<vmem>>[vector<16xi32>, vector<16xi32>], vector<16xf32>,
        %add3A_627 = vector.broadcast %mul3A_547 : i32 to vector<16xi32>
        %add3A_628 = arith.addi %add3A_627, %rem3A_191 : vector<16xi32>
        tpu.vector_store_idx %arg10[%add3A_628, %add3A_498], %gather3A_582 : memref<64x128xf32, #tpu.memory_space<vmem>>[vector<16xi32>, vector<16xi32>], vector<16xf32>,
        %add3A_629 = vector.broadcast %mul3A_547 : i32 to vector<16xi32>
        %add3A_630 = arith.addi %add3A_629, %rem3A_197 : vector<16xi32>
        tpu.vector_store_idx %arg10[%add3A_630, %add3A_498], %gather3A_586 : memref<64x128xf32, #tpu.memory_space<vmem>>[vector<16xi32>, vector<16xi32>], vector<16xf32>,
        %add3A_631 = vector.broadcast %mul3A_547 : i32 to vector<16xi32>
        %add3A_632 = arith.addi %add3A_631, %rem3A_203 : vector<16xi32>
        tpu.vector_store_idx %arg10[%add3A_632, %add3A_498], %gather3A_590 : memref<64x128xf32, #tpu.memory_space<vmem>>[vector<16xi32>, vector<16xi32>], vector<16xf32>,
        %add3A_633 = vector.broadcast %mul3A_547 : i32 to vector<16xi32>
        %add3A_634 = arith.addi %add3A_633, %rem3A_209 : vector<16xi32>
        tpu.vector_store_idx %arg10[%add3A_634, %add3A_498], %gather3A_594 : memref<64x128xf32, #tpu.memory_space<vmem>>[vector<16xi32>, vector<16xi32>], vector<16xf32>,
        %add3A_635 = vector.broadcast %mul3A_547 : i32 to vector<16xi32>
        %add3A_636 = arith.addi %add3A_635, %rem3A_215 : vector<16xi32>
        tpu.vector_store_idx %arg10[%add3A_636, %add3A_498], %gather3A_598 : memref<64x128xf32, #tpu.memory_space<vmem>>[vector<16xi32>, vector<16xi32>], vector<16xf32>,
        %add3A_637 = vector.broadcast %mul3A_547 : i32 to vector<16xi32>
        %add3A_638 = arith.addi %add3A_637, %rem3A_221 : vector<16xi32>
        tpu.vector_store_idx %arg10[%add3A_638, %add3A_498], %gather3A_602 : memref<64x128xf32, #tpu.memory_space<vmem>>[vector<16xi32>, vector<16xi32>], vector<16xf32>,
        %add3A_639 = vector.broadcast %mul3A_547 : i32 to vector<16xi32>
        %add3A_640 = arith.addi %add3A_639, %rem3A_227 : vector<16xi32>
        tpu.vector_store_idx %arg10[%add3A_640, %add3A_498], %gather3A_606 : memref<64x128xf32, #tpu.memory_space<vmem>>[vector<16xi32>, vector<16xi32>], vector<16xf32>,
        %add3A_641 = vector.broadcast %mul3A_547 : i32 to vector<16xi32>
        %add3A_642 = arith.addi %add3A_641, %rem3A_233 : vector<16xi32>
        tpu.vector_store_idx %arg10[%add3A_642, %add3A_498], %gather3A_610 : memref<64x128xf32, #tpu.memory_space<vmem>>[vector<16xi32>, vector<16xi32>], vector<16xf32>,
        %scan3A_643 = arith.constant 1 : i32
        %scan3A_644 = arith.addi %scan3A_470, %scan3A_643 : i32
        %jit3A_645 = arith.constant 4 : i32
        %div3A_646 = arith.divsi %scan3A_644, %jit3A_645 : i32
        %sign3A_647 = arith.constant 0 : i32
        %sign3A_648 = arith.cmpi sgt, %scan3A_644, %sign3A_647 : i32
        %sign3A_649 = arith.extui %sign3A_648 : i1 to i32
        %sign3A_650 = arith.constant 0 : i32
        %sign3A_651 = arith.cmpi slt, %scan3A_644, %sign3A_650 : i32
        %sign3A_652 = arith.extui %sign3A_651 : i1 to i32
        %sign3A_653 = arith.subi %sign3A_649, %sign3A_652 : i32
        %sign3A_654 = arith.constant 0 : i32
        %sign3A_655 = arith.cmpi sgt, %jit3A_645, %sign3A_654 : i32
        %sign3A_656 = arith.extui %sign3A_655 : i1 to i32
        %sign3A_657 = arith.constant 0 : i32
        %sign3A_658 = arith.cmpi slt, %jit3A_645, %sign3A_657 : i32
        %sign3A_659 = arith.extui %sign3A_658 : i1 to i32
        %sign3A_660 = arith.subi %sign3A_656, %sign3A_659 : i32
        %ne3A_661 = arith.cmpi ne, %sign3A_653, %sign3A_660 : i32
        %rem3A_662 = arith.remsi %scan3A_644, %jit3A_645 : i32
        %ne3A_663 = arith.constant 0 : i32
        %ne3A_664 = arith.cmpi ne, %rem3A_662, %ne3A_663 : i32
        %and3A_665 = arith.andi %ne3A_661, %ne3A_664 : i1
        %sub3A_666 = arith.constant 1 : i32
        %sub3A_667 = arith.subi %div3A_646, %sub3A_666 : i32
        %select_n3A_668 = arith.select %and3A_665, %sub3A_667, %div3A_646 : i32
        %mul3A_669 = arith.constant 16 : i32
        %mul3A_670 = arith.muli %select_n3A_668, %mul3A_669 : i32
        %add3A_671 = vector.broadcast %mul3A_670 : i32 to vector<16xi32>
        %add3A_672 = arith.addi %get3A_2, %add3A_671 : vector<16xi32>
        %mul3A_673 = arith.constant 128 : i32
        %mul3A_674 = arith.muli %add3A_128, %mul3A_673 : i32
        %jit3A_675 = arith.constant 4 : i32
        %div3A_676 = arith.divsi %scan3A_644, %jit3A_675 : i32
        %sign3A_677 = arith.constant 0 : i32
        %sign3A_678 = arith.cmpi sgt, %scan3A_644, %sign3A_677 : i32
        %sign3A_679 = arith.extui %sign3A_678 : i1 to i32
        %sign3A_680 = arith.constant 0 : i32
        %sign3A_681 = arith.cmpi slt, %scan3A_644, %sign3A_680 : i32
        %sign3A_682 = arith.extui %sign3A_681 : i1 to i32
        %sign3A_683 = arith.subi %sign3A_679, %sign3A_682 : i32
        %sign3A_684 = arith.constant 0 : i32
        %sign3A_685 = arith.cmpi sgt, %jit3A_675, %sign3A_684 : i32
        %sign3A_686 = arith.extui %sign3A_685 : i1 to i32
        %sign3A_687 = arith.constant 0 : i32
        %sign3A_688 = arith.cmpi slt, %jit3A_675, %sign3A_687 : i32
        %sign3A_689 = arith.extui %sign3A_688 : i1 to i32
        %sign3A_690 = arith.subi %sign3A_686, %sign3A_689 : i32
        %ne3A_691 = arith.cmpi ne, %sign3A_683, %sign3A_690 : i32
        %rem3A_692 = arith.remsi %scan3A_644, %jit3A_675 : i32
        %ne3A_693 = arith.constant 0 : i32
        %ne3A_694 = arith.cmpi ne, %rem3A_692, %ne3A_693 : i32
        %and3A_695 = arith.andi %ne3A_691, %ne3A_694 : i1
        %sub3A_696 = arith.constant 1 : i32
        %sub3A_697 = arith.subi %div3A_676, %sub3A_696 : i32
        %select_n3A_698 = arith.select %and3A_695, %sub3A_697, %div3A_676 : i32
        %mul3A_699 = arith.constant 16 : i32
        %mul3A_700 = arith.muli %select_n3A_698, %mul3A_699 : i32
        %add3A_701 = arith.addi %mul3A_674, %mul3A_700 : i32
        %get3A_702 = arith.index_cast %add3A_701 : i32 to index
        %get3A_703 = tpu.vector_load %arg7[%get3A_702] {strides = array<i32>} : memref<13312xi32, #tpu.memory_space<vmem>>, vector<16xi32>,
        %jit3A_704 = arith.constant 4 : i32
        %eq3A_705 = arith.constant 0 : i32
        %eq3A_706 = arith.cmpi eq, %jit3A_704, %eq3A_705 : i32
        %jit3A_707 = arith.constant 1 : i32
        %select_n3A_708 = arith.select %eq3A_706, %jit3A_707, %jit3A_704 : i32
        %rem3A_709 = arith.remsi %scan3A_644, %select_n3A_708 : i32
        %ne3A_710 = arith.constant 0 : i32
        %ne3A_711 = arith.cmpi ne, %rem3A_709, %ne3A_710 : i32
        %lt3A_712 = arith.constant 0 : i32
        %lt3A_713 = arith.cmpi slt, %rem3A_709, %lt3A_712 : i32
        %lt3A_714 = arith.constant 0 : i32
        %lt3A_715 = arith.cmpi slt, %select_n3A_708, %lt3A_714 : i32
        %ne3A_716 = arith.xori %lt3A_713, %lt3A_715 : i1
        %and3A_717 = arith.andi %ne3A_716, %ne3A_711 : i1
        %add3A_718 = arith.addi %rem3A_709, %select_n3A_708 : i32
        %select_n3A_719 = arith.select %and3A_717, %add3A_718, %rem3A_709 : i32
        %mul3A_720 = arith.constant 16 : i32
        %mul3A_721 = arith.muli %select_n3A_719, %mul3A_720 : i32
        %add3A_722 = vector.broadcast %mul3A_721 : i32 to vector<16xi32>
        %add3A_723 = arith.addi %add3A_722, %rem3A_143 : vector<16xi32>
        %add3A_724 = arith.addi %add3A_723, %get3A_703 : vector<16xi32>
        %gather3A_725 = tpu.vector_load_idx %arg8[%add3A_672, %add3A_724] : memref<128x128xf32, #tpu.memory_space<vmem>>[vector<16xi32>, vector<16xi32>], vector<16xf32>,
        %add3A_726 = vector.broadcast %mul3A_721 : i32 to vector<16xi32>
        %add3A_727 = arith.addi %add3A_726, %rem3A_149 : vector<16xi32>
        %add3A_728 = arith.addi %add3A_727, %get3A_703 : vector<16xi32>
        %gather3A_729 = tpu.vector_load_idx %arg8[%add3A_672, %add3A_728] : memref<128x128xf32, #tpu.memory_space<vmem>>[vector<16xi32>, vector<16xi32>], vector<16xf32>,
        %add3A_730 = vector.broadcast %mul3A_721 : i32 to vector<16xi32>
        %add3A_731 = arith.addi %add3A_730, %rem3A_155 : vector<16xi32>
        %add3A_732 = arith.addi %add3A_731, %get3A_703 : vector<16xi32>
        %gather3A_733 = tpu.vector_load_idx %arg8[%add3A_672, %add3A_732] : memref<128x128xf32, #tpu.memory_space<vmem>>[vector<16xi32>, vector<16xi32>], vector<16xf32>,
        %add3A_734 = vector.broadcast %mul3A_721 : i32 to vector<16xi32>
        %add3A_735 = arith.addi %add3A_734, %rem3A_161 : vector<16xi32>
        %add3A_736 = arith.addi %add3A_735, %get3A_703 : vector<16xi32>
        %gather3A_737 = tpu.vector_load_idx %arg8[%add3A_672, %add3A_736] : memref<128x128xf32, #tpu.memory_space<vmem>>[vector<16xi32>, vector<16xi32>], vector<16xf32>,
        %add3A_738 = vector.broadcast %mul3A_721 : i32 to vector<16xi32>
        %add3A_739 = arith.addi %add3A_738, %rem3A_167 : vector<16xi32>
        %add3A_740 = arith.addi %add3A_739, %get3A_703 : vector<16xi32>
        %gather3A_741 = tpu.vector_load_idx %arg8[%add3A_672, %add3A_740] : memref<128x128xf32, #tpu.memory_space<vmem>>[vector<16xi32>, vector<16xi32>], vector<16xf32>,
        %add3A_742 = vector.broadcast %mul3A_721 : i32 to vector<16xi32>
        %add3A_743 = arith.addi %add3A_742, %rem3A_173 : vector<16xi32>
        %add3A_744 = arith.addi %add3A_743, %get3A_703 : vector<16xi32>
        %gather3A_745 = tpu.vector_load_idx %arg8[%add3A_672, %add3A_744] : memref<128x128xf32, #tpu.memory_space<vmem>>[vector<16xi32>, vector<16xi32>], vector<16xf32>,
        %add3A_746 = vector.broadcast %mul3A_721 : i32 to vector<16xi32>
        %add3A_747 = arith.addi %add3A_746, %rem3A_179 : vector<16xi32>
        %add3A_748 = arith.addi %add3A_747, %get3A_703 : vector<16xi32>
        %gather3A_749 = tpu.vector_load_idx %arg8[%add3A_672, %add3A_748] : memref<128x128xf32, #tpu.memory_space<vmem>>[vector<16xi32>, vector<16xi32>], vector<16xf32>,
        %add3A_750 = vector.broadcast %mul3A_721 : i32 to vector<16xi32>
        %add3A_751 = arith.addi %add3A_750, %rem3A_185 : vector<16xi32>
        %add3A_752 = arith.addi %add3A_751, %get3A_703 : vector<16xi32>
        %gather3A_753 = tpu.vector_load_idx %arg8[%add3A_672, %add3A_752] : memref<128x128xf32, #tpu.memory_space<vmem>>[vector<16xi32>, vector<16xi32>], vector<16xf32>,
        %add3A_754 = vector.broadcast %mul3A_721 : i32 to vector<16xi32>
        %add3A_755 = arith.addi %add3A_754, %rem3A_191 : vector<16xi32>
        %add3A_756 = arith.addi %add3A_755, %get3A_703 : vector<16xi32>
        %gather3A_757 = tpu.vector_load_idx %arg8[%add3A_672, %add3A_756] : memref<128x128xf32, #tpu.memory_space<vmem>>[vector<16xi32>, vector<16xi32>], vector<16xf32>,
        %add3A_758 = vector.broadcast %mul3A_721 : i32 to vector<16xi32>
        %add3A_759 = arith.addi %add3A_758, %rem3A_197 : vector<16xi32>
        %add3A_760 = arith.addi %add3A_759, %get3A_703 : vector<16xi32>
        %gather3A_761 = tpu.vector_load_idx %arg8[%add3A_672, %add3A_760] : memref<128x128xf32, #tpu.memory_space<vmem>>[vector<16xi32>, vector<16xi32>], vector<16xf32>,
        %add3A_762 = vector.broadcast %mul3A_721 : i32 to vector<16xi32>
        %add3A_763 = arith.addi %add3A_762, %rem3A_203 : vector<16xi32>
        %add3A_764 = arith.addi %add3A_763, %get3A_703 : vector<16xi32>
        %gather3A_765 = tpu.vector_load_idx %arg8[%add3A_672, %add3A_764] : memref<128x128xf32, #tpu.memory_space<vmem>>[vector<16xi32>, vector<16xi32>], vector<16xf32>,
        %add3A_766 = vector.broadcast %mul3A_721 : i32 to vector<16xi32>
        %add3A_767 = arith.addi %add3A_766, %rem3A_209 : vector<16xi32>
        %add3A_768 = arith.addi %add3A_767, %get3A_703 : vector<16xi32>
        %gather3A_769 = tpu.vector_load_idx %arg8[%add3A_672, %add3A_768] : memref<128x128xf32, #tpu.memory_space<vmem>>[vector<16xi32>, vector<16xi32>], vector<16xf32>,
        %add3A_770 = vector.broadcast %mul3A_721 : i32 to vector<16xi32>
        %add3A_771 = arith.addi %add3A_770, %rem3A_215 : vector<16xi32>
        %add3A_772 = arith.addi %add3A_771, %get3A_703 : vector<16xi32>
        %gather3A_773 = tpu.vector_load_idx %arg8[%add3A_672, %add3A_772] : memref<128x128xf32, #tpu.memory_space<vmem>>[vector<16xi32>, vector<16xi32>], vector<16xf32>,
        %add3A_774 = vector.broadcast %mul3A_721 : i32 to vector<16xi32>
        %add3A_775 = arith.addi %add3A_774, %rem3A_221 : vector<16xi32>
        %add3A_776 = arith.addi %add3A_775, %get3A_703 : vector<16xi32>
        %gather3A_777 = tpu.vector_load_idx %arg8[%add3A_672, %add3A_776] : memref<128x128xf32, #tpu.memory_space<vmem>>[vector<16xi32>, vector<16xi32>], vector<16xf32>,
        %add3A_778 = vector.broadcast %mul3A_721 : i32 to vector<16xi32>
        %add3A_779 = arith.addi %add3A_778, %rem3A_227 : vector<16xi32>
        %add3A_780 = arith.addi %add3A_779, %get3A_703 : vector<16xi32>
        %gather3A_781 = tpu.vector_load_idx %arg8[%add3A_672, %add3A_780] : memref<128x128xf32, #tpu.memory_space<vmem>>[vector<16xi32>, vector<16xi32>], vector<16xf32>,
        %add3A_782 = vector.broadcast %mul3A_721 : i32 to vector<16xi32>
        %add3A_783 = arith.addi %add3A_782, %rem3A_233 : vector<16xi32>
        %add3A_784 = arith.addi %add3A_783, %get3A_703 : vector<16xi32>
        %gather3A_785 = tpu.vector_load_idx %arg8[%add3A_672, %add3A_784] : memref<128x128xf32, #tpu.memory_space<vmem>>[vector<16xi32>, vector<16xi32>], vector<16xf32>,
        %add3A_786 = vector.broadcast %mul3A_721 : i32 to vector<16xi32>
        %add3A_787 = arith.addi %add3A_786, %rem3A_143 : vector<16xi32>
        tpu.vector_store_idx %arg10[%add3A_787, %add3A_672], %gather3A_725 : memref<64x128xf32, #tpu.memory_space<vmem>>[vector<16xi32>, vector<16xi32>], vector<16xf32>,
        %add3A_788 = vector.broadcast %mul3A_721 : i32 to vector<16xi32>
        %add3A_789 = arith.addi %add3A_788, %rem3A_149 : vector<16xi32>
        tpu.vector_store_idx %arg10[%add3A_789, %add3A_672], %gather3A_729 : memref<64x128xf32, #tpu.memory_space<vmem>>[vector<16xi32>, vector<16xi32>], vector<16xf32>,
        %add3A_790 = vector.broadcast %mul3A_721 : i32 to vector<16xi32>
        %add3A_791 = arith.addi %add3A_790, %rem3A_155 : vector<16xi32>
        tpu.vector_store_idx %arg10[%add3A_791, %add3A_672], %gather3A_733 : memref<64x128xf32, #tpu.memory_space<vmem>>[vector<16xi32>, vector<16xi32>], vector<16xf32>,
        %add3A_792 = vector.broadcast %mul3A_721 : i32 to vector<16xi32>
        %add3A_793 = arith.addi %add3A_792, %rem3A_161 : vector<16xi32>
        tpu.vector_store_idx %arg10[%add3A_793, %add3A_672], %gather3A_737 : memref<64x128xf32, #tpu.memory_space<vmem>>[vector<16xi32>, vector<16xi32>], vector<16xf32>,
        %add3A_794 = vector.broadcast %mul3A_721 : i32 to vector<16xi32>
        %add3A_795 = arith.addi %add3A_794, %rem3A_167 : vector<16xi32>
        tpu.vector_store_idx %arg10[%add3A_795, %add3A_672], %gather3A_741 : memref<64x128xf32, #tpu.memory_space<vmem>>[vector<16xi32>, vector<16xi32>], vector<16xf32>,
        %add3A_796 = vector.broadcast %mul3A_721 : i32 to vector<16xi32>
        %add3A_797 = arith.addi %add3A_796, %rem3A_173 : vector<16xi32>
        tpu.vector_store_idx %arg10[%add3A_797, %add3A_672], %gather3A_745 : memref<64x128xf32, #tpu.memory_space<vmem>>[vector<16xi32>, vector<16xi32>], vector<16xf32>,
        %add3A_798 = vector.broadcast %mul3A_721 : i32 to vector<16xi32>
        %add3A_799 = arith.addi %add3A_798, %rem3A_179 : vector<16xi32>
        tpu.vector_store_idx %arg10[%add3A_799, %add3A_672], %gather3A_749 : memref<64x128xf32, #tpu.memory_space<vmem>>[vector<16xi32>, vector<16xi32>], vector<16xf32>,
        %add3A_800 = vector.broadcast %mul3A_721 : i32 to vector<16xi32>
        %add3A_801 = arith.addi %add3A_800, %rem3A_185 : vector<16xi32>
        tpu.vector_store_idx %arg10[%add3A_801, %add3A_672], %gather3A_753 : memref<64x128xf32, #tpu.memory_space<vmem>>[vector<16xi32>, vector<16xi32>], vector<16xf32>,
        %add3A_802 = vector.broadcast %mul3A_721 : i32 to vector<16xi32>
        %add3A_803 = arith.addi %add3A_802, %rem3A_191 : vector<16xi32>
        tpu.vector_store_idx %arg10[%add3A_803, %add3A_672], %gather3A_757 : memref<64x128xf32, #tpu.memory_space<vmem>>[vector<16xi32>, vector<16xi32>], vector<16xf32>,
        %add3A_804 = vector.broadcast %mul3A_721 : i32 to vector<16xi32>
        %add3A_805 = arith.addi %add3A_804, %rem3A_197 : vector<16xi32>
        tpu.vector_store_idx %arg10[%add3A_805, %add3A_672], %gather3A_761 : memref<64x128xf32, #tpu.memory_space<vmem>>[vector<16xi32>, vector<16xi32>], vector<16xf32>,
        %add3A_806 = vector.broadcast %mul3A_721 : i32 to vector<16xi32>
        %add3A_807 = arith.addi %add3A_806, %rem3A_203 : vector<16xi32>
        tpu.vector_store_idx %arg10[%add3A_807, %add3A_672], %gather3A_765 : memref<64x128xf32, #tpu.memory_space<vmem>>[vector<16xi32>, vector<16xi32>], vector<16xf32>,
        %add3A_808 = vector.broadcast %mul3A_721 : i32 to vector<16xi32>
        %add3A_809 = arith.addi %add3A_808, %rem3A_209 : vector<16xi32>
        tpu.vector_store_idx %arg10[%add3A_809, %add3A_672], %gather3A_769 : memref<64x128xf32, #tpu.memory_space<vmem>>[vector<16xi32>, vector<16xi32>], vector<16xf32>,
        %add3A_810 = vector.broadcast %mul3A_721 : i32 to vector<16xi32>
        %add3A_811 = arith.addi %add3A_810, %rem3A_215 : vector<16xi32>
        tpu.vector_store_idx %arg10[%add3A_811, %add3A_672], %gather3A_773 : memref<64x128xf32, #tpu.memory_space<vmem>>[vector<16xi32>, vector<16xi32>], vector<16xf32>,
        %add3A_812 = vector.broadcast %mul3A_721 : i32 to vector<16xi32>
        %add3A_813 = arith.addi %add3A_812, %rem3A_221 : vector<16xi32>
        tpu.vector_store_idx %arg10[%add3A_813, %add3A_672], %gather3A_777 : memref<64x128xf32, #tpu.memory_space<vmem>>[vector<16xi32>, vector<16xi32>], vector<16xf32>,
        %add3A_814 = vector.broadcast %mul3A_721 : i32 to vector<16xi32>
        %add3A_815 = arith.addi %add3A_814, %rem3A_227 : vector<16xi32>
        tpu.vector_store_idx %arg10[%add3A_815, %add3A_672], %gather3A_781 : memref<64x128xf32, #tpu.memory_space<vmem>>[vector<16xi32>, vector<16xi32>], vector<16xf32>,
        %add3A_816 = vector.broadcast %mul3A_721 : i32 to vector<16xi32>
        %add3A_817 = arith.addi %add3A_816, %rem3A_233 : vector<16xi32>
        tpu.vector_store_idx %arg10[%add3A_817, %add3A_672], %gather3A_785 : memref<64x128xf32, #tpu.memory_space<vmem>>[vector<16xi32>, vector<16xi32>], vector<16xf32>,
      }
      %scan3A_239 = arith.constant 32 : i32
      %add3A_240 = arith.addi %mul3A_4, %add3A_128 : i32
      %jit3A_241 = arith.constant 128 : i32
      %div3A_242 = arith.divsi %add3A_240, %jit3A_241 : i32
      %sign3A_243 = arith.constant 0 : i32
      %sign3A_244 = arith.cmpi sgt, %add3A_240, %sign3A_243 : i32
      %sign3A_245 = arith.extui %sign3A_244 : i1 to i32
      %sign3A_246 = arith.constant 0 : i32
      %sign3A_247 = arith.cmpi slt, %add3A_240, %sign3A_246 : i32
      %sign3A_248 = arith.extui %sign3A_247 : i1 to i32
      %sign3A_249 = arith.subi %sign3A_245, %sign3A_248 : i32
      %sign3A_250 = arith.constant 0 : i32
      %sign3A_251 = arith.cmpi sgt, %jit3A_241, %sign3A_250 : i32
      %sign3A_252 = arith.extui %sign3A_251 : i1 to i32
      %sign3A_253 = arith.constant 0 : i32
      %sign3A_254 = arith.cmpi slt, %jit3A_241, %sign3A_253 : i32
      %sign3A_255 = arith.extui %sign3A_254 : i1 to i32
      %sign3A_256 = arith.subi %sign3A_252, %sign3A_255 : i32
      %ne3A_257 = arith.cmpi ne, %sign3A_249, %sign3A_256 : i32
      %rem3A_258 = arith.remsi %add3A_240, %jit3A_241 : i32
      %ne3A_259 = arith.constant 0 : i32
      %ne3A_260 = arith.cmpi ne, %rem3A_258, %ne3A_259 : i32
      %and3A_261 = arith.andi %ne3A_257, %ne3A_260 : i1
      %sub3A_262 = arith.constant 1 : i32
      %sub3A_263 = arith.subi %div3A_242, %sub3A_262 : i32
      %select_n3A_264 = arith.select %and3A_261, %sub3A_263, %div3A_242 : i32
      %add3A_265 = arith.addi %mul3A_4, %add3A_128 : i32
      %jit3A_266 = arith.constant 128 : i32
      %eq3A_267 = arith.constant 0 : i32
      %eq3A_268 = arith.cmpi eq, %jit3A_266, %eq3A_267 : i32
      %jit3A_269 = arith.constant 1 : i32
      %select_n3A_270 = arith.select %eq3A_268, %jit3A_269, %jit3A_266 : i32
      %rem3A_271 = arith.remsi %add3A_265, %select_n3A_270 : i32
      %ne3A_272 = arith.constant 0 : i32
      %ne3A_273 = arith.cmpi ne, %rem3A_271, %ne3A_272 : i32
      %lt3A_274 = arith.constant 0 : i32
      %lt3A_275 = arith.cmpi slt, %rem3A_271, %lt3A_274 : i32
      %lt3A_276 = arith.constant 0 : i32
      %lt3A_277 = arith.cmpi slt, %select_n3A_270, %lt3A_276 : i32
      %ne3A_278 = arith.xori %lt3A_275, %lt3A_277 : i1
      %and3A_279 = arith.andi %ne3A_278, %ne3A_273 : i1
      %add3A_280 = arith.addi %rem3A_271, %select_n3A_270 : i32
      %select_n3A_281 = arith.select %and3A_279, %add3A_280, %rem3A_271 : i32
      %mul3A_282 = arith.constant 128 : i32
      %mul3A_283 = arith.muli %select_n3A_281, %mul3A_282 : i32
      %multiple_of3A_284 = tpu.assume_multiple %mul3A_283, 128 : i32
      %dma_start3A_285 = arith.constant 0 : i32
      %dma_start3A_286 = tpu.memref_slice %arg4[%select_n3A_264, %dma_start3A_285, %multiple_of3A_284] : memref<26x64x16384xf32, #tpu.memory_space<hbm>> -> memref<1x64x128xf32, #tpu.memory_space<hbm>>
      %dma_start3A_287 = tpu.memref_squeeze %dma_start3A_286 : memref<1x64x128xf32, #tpu.memory_space<hbm>> -> memref<64x128xf32, #tpu.memory_space<hbm>>
      %dma_start3A_288 = arith.constant 0 : i32
      %dma_start3A_289 = tpu.memref_slice %arg4[%select_n3A_264, %dma_start3A_288, %multiple_of3A_284] : memref<26x64x16384xf32, #tpu.memory_space<hbm>> -> memref<1x64x128xf32, #tpu.memory_space<hbm>>
      %dma_start3A_290 = tpu.memref_squeeze %dma_start3A_289 : memref<1x64x128xf32, #tpu.memory_space<hbm>> -> memref<64x128xf32, #tpu.memory_space<hbm>>
      tpu.enqueue_dma source(%arg10 : memref<64x128xf32, #tpu.memory_space<vmem>>) target(%dma_start3A_290 : memref<64x128xf32, #tpu.memory_space<hbm>>) target_semaphore(%arg15 : memref<!tpu.dma_semaphore, #tpu.memory_space<semaphore_mem>>)
      %lt3A_291 = arith.constant 51 : i32
      %lt3A_292 = arith.cmpi slt, %scan3A_124, %lt3A_291 : i32
      %convert_element_type3A_293 = arith.extui %lt3A_292 : i1 to i32
      %cond3A_294 = arith.constant 0 : i32
      %cond3A_295 = arith.cmpi ne, %convert_element_type3A_293, %cond3A_294 : i32
      scf.if %cond3A_295 {
        %add3A_470 = arith.constant 2 : i32
        %add3A_471 = arith.addi %add3A_128, %add3A_470 : i32
        %mul3A_472 = arith.constant 128 : i32
        %mul3A_473 = arith.muli %add3A_471, %mul3A_472 : i32
        %multiple_of3A_474 = tpu.assume_multiple %mul3A_473, 8 : i32
        %dma_start3A_475 = tpu.memref_slice %arg6[%multiple_of3A_474] : memref<13312xi32, #tpu.memory_space<vmem>> -> memref<128xi32, #tpu.memory_space<vmem>>
        %dma_start3A_476 = arith.constant 0 : i32
        %dma_start3A_477 = arith.constant 0 : i32
        %dma_start3A_478 = tpu.memref_slice %arg3[%dma_start3A_476, %dma_start3A_477] : memref<500000x128xf32, #tpu.memory_space<hbm>> -> memref<500000x128xf32, #tpu.memory_space<hbm>>
        tpu.enqueue_indirect_dma source(%dma_start3A_478 : memref<500000x128xf32, #tpu.memory_space<hbm>>) target(%arg8 : memref<128x128xf32, #tpu.memory_space<vmem>>) offsets(%dma_start3A_475 : memref<128xi32, #tpu.memory_space<vmem>>) semaphore(%arg13 : memref<!tpu.dma_semaphore, #tpu.memory_space<semaphore_mem>>)
      } else {
      }
      %mul3A_296 = arith.constant 2 : i32
      %mul3A_297 = arith.muli %scan3A_124, %mul3A_296 : i32
      %add3A_298 = arith.constant 1 : i32
      %add3A_299 = arith.addi %mul3A_297, %add3A_298 : i32
      %mul3A_300 = arith.constant 128 : i32
      %mul3A_301 = arith.muli %add3A_299, %mul3A_300 : i32
      %multiple_of3A_302 = tpu.assume_multiple %mul3A_301, 8 : i32
      %dma_wait3A_303 = tpu.memref_slice %arg6[%multiple_of3A_302] : memref<13312xi32, #tpu.memory_space<vmem>> -> memref<128xi32, #tpu.memory_space<vmem>>
      %dma_wait3A_304 = arith.constant 0 : i32
      %dma_wait3A_305 = arith.constant 0 : i32
      %dma_wait3A_306 = tpu.memref_slice %arg3[%dma_wait3A_304, %dma_wait3A_305] : memref<500000x128xf32, #tpu.memory_space<hbm>> -> memref<500000x128xf32, #tpu.memory_space<hbm>>
      tpu.wait_indirect_dma semaphore(%arg14 : memref<!tpu.dma_semaphore, #tpu.memory_space<semaphore_mem>>) src(%dma_wait3A_306 : memref<500000x128xf32, #tpu.memory_space<hbm>>) dst(%arg9 : memref<128x128xf32, #tpu.memory_space<vmem>>)
      %ge3A_307 = arith.constant 1 : i32
      %ge3A_308 = arith.cmpi sge, %scan3A_124, %ge3A_307 : i32
      %convert_element_type3A_309 = arith.extui %ge3A_308 : i1 to i32
      %cond3A_310 = arith.constant 0 : i32
      %cond3A_311 = arith.cmpi ne, %convert_element_type3A_309, %cond3A_310 : i32
      scf.if %cond3A_311 {
        %sub3A_470 = arith.constant 2 : i32
        %sub3A_471 = arith.subi %add3A_299, %sub3A_470 : i32
        %add3A_472 = arith.addi %mul3A_4, %sub3A_471 : i32
        %jit3A_473 = arith.constant 128 : i32
        %div3A_474 = arith.divsi %add3A_472, %jit3A_473 : i32
        %sign3A_475 = arith.constant 0 : i32
        %sign3A_476 = arith.cmpi sgt, %add3A_472, %sign3A_475 : i32
        %sign3A_477 = arith.extui %sign3A_476 : i1 to i32
        %sign3A_478 = arith.constant 0 : i32
        %sign3A_479 = arith.cmpi slt, %add3A_472, %sign3A_478 : i32
        %sign3A_480 = arith.extui %sign3A_479 : i1 to i32
        %sign3A_481 = arith.subi %sign3A_477, %sign3A_480 : i32
        %sign3A_482 = arith.constant 0 : i32
        %sign3A_483 = arith.cmpi sgt, %jit3A_473, %sign3A_482 : i32
        %sign3A_484 = arith.extui %sign3A_483 : i1 to i32
        %sign3A_485 = arith.constant 0 : i32
        %sign3A_486 = arith.cmpi slt, %jit3A_473, %sign3A_485 : i32
        %sign3A_487 = arith.extui %sign3A_486 : i1 to i32
        %sign3A_488 = arith.subi %sign3A_484, %sign3A_487 : i32
        %ne3A_489 = arith.cmpi ne, %sign3A_481, %sign3A_488 : i32
        %rem3A_490 = arith.remsi %add3A_472, %jit3A_473 : i32
        %ne3A_491 = arith.constant 0 : i32
        %ne3A_492 = arith.cmpi ne, %rem3A_490, %ne3A_491 : i32
        %and3A_493 = arith.andi %ne3A_489, %ne3A_492 : i1
        %sub3A_494 = arith.constant 1 : i32
        %sub3A_495 = arith.subi %div3A_474, %sub3A_494 : i32
        %select_n3A_496 = arith.select %and3A_493, %sub3A_495, %div3A_474 : i32
        %add3A_497 = arith.addi %mul3A_4, %sub3A_471 : i32
        %jit3A_498 = arith.constant 128 : i32
        %eq3A_499 = arith.constant 0 : i32
        %eq3A_500 = arith.cmpi eq, %jit3A_498, %eq3A_499 : i32
        %jit3A_501 = arith.constant 1 : i32
        %select_n3A_502 = arith.select %eq3A_500, %jit3A_501, %jit3A_498 : i32
        %rem3A_503 = arith.remsi %add3A_497, %select_n3A_502 : i32
        %ne3A_504 = arith.constant 0 : i32
        %ne3A_505 = arith.cmpi ne, %rem3A_503, %ne3A_504 : i32
        %lt3A_506 = arith.constant 0 : i32
        %lt3A_507 = arith.cmpi slt, %rem3A_503, %lt3A_506 : i32
        %lt3A_508 = arith.constant 0 : i32
        %lt3A_509 = arith.cmpi slt, %select_n3A_502, %lt3A_508 : i32
        %ne3A_510 = arith.xori %lt3A_507, %lt3A_509 : i1
        %and3A_511 = arith.andi %ne3A_510, %ne3A_505 : i1
        %add3A_512 = arith.addi %rem3A_503, %select_n3A_502 : i32
        %select_n3A_513 = arith.select %and3A_511, %add3A_512, %rem3A_503 : i32
        %mul3A_514 = arith.constant 128 : i32
        %mul3A_515 = arith.muli %select_n3A_513, %mul3A_514 : i32
        %multiple_of3A_516 = tpu.assume_multiple %mul3A_515, 128 : i32
        %dma_wait3A_517 = arith.constant 0 : i32
        %dma_wait3A_518 = tpu.memref_slice %arg4[%select_n3A_496, %dma_wait3A_517, %multiple_of3A_516] : memref<26x64x16384xf32, #tpu.memory_space<hbm>> -> memref<1x64x128xf32, #tpu.memory_space<hbm>>
        %dma_wait3A_519 = tpu.memref_squeeze %dma_wait3A_518 : memref<1x64x128xf32, #tpu.memory_space<hbm>> -> memref<64x128xf32, #tpu.memory_space<hbm>>
        %dma_wait3A_520 = arith.constant 0 : i32
        %dma_wait3A_521 = tpu.memref_slice %arg4[%select_n3A_496, %dma_wait3A_520, %multiple_of3A_516] : memref<26x64x16384xf32, #tpu.memory_space<hbm>> -> memref<1x64x128xf32, #tpu.memory_space<hbm>>
        %dma_wait3A_522 = tpu.memref_squeeze %dma_wait3A_521 : memref<1x64x128xf32, #tpu.memory_space<hbm>> -> memref<64x128xf32, #tpu.memory_space<hbm>>
        tpu.wait_dma2 semaphore(%arg16 : memref<!tpu.dma_semaphore, #tpu.memory_space<semaphore_mem>>) src(%arg11 : memref<64x128xf32, #tpu.memory_space<vmem>>) dst(%dma_wait3A_522 : memref<64x128xf32, #tpu.memory_space<hbm>>)
      } else {
      }
      %add3A_312 = arith.constant 0 : i32
      %add3A_313 = vector.broadcast %add3A_312 : i32 to vector<16xi32>
      %add3A_314 = arith.addi %get3A_2, %add3A_313 : vector<16xi32>
      %rem3A_315 = arith.constant 16 : i32
      %rem3A_316 = vector.broadcast %rem3A_315 : i32 to vector<16xi32>
      %rem3A_317 = arith.remsi %add3A_314, %rem3A_316 : vector<16xi32>
      %add3A_318 = arith.constant 1 : i32
      %add3A_319 = vector.broadcast %add3A_318 : i32 to vector<16xi32>
      %add3A_320 = arith.addi %get3A_2, %add3A_319 : vector<16xi32>
      %rem3A_321 = arith.constant 16 : i32
      %rem3A_322 = vector.broadcast %rem3A_321 : i32 to vector<16xi32>
      %rem3A_323 = arith.remsi %add3A_320, %rem3A_322 : vector<16xi32>
      %add3A_324 = arith.constant 2 : i32
      %add3A_325 = vector.broadcast %add3A_324 : i32 to vector<16xi32>
      %add3A_326 = arith.addi %get3A_2, %add3A_325 : vector<16xi32>
      %rem3A_327 = arith.constant 16 : i32
      %rem3A_328 = vector.broadcast %rem3A_327 : i32 to vector<16xi32>
      %rem3A_329 = arith.remsi %add3A_326, %rem3A_328 : vector<16xi32>
      %add3A_330 = arith.constant 3 : i32
      %add3A_331 = vector.broadcast %add3A_330 : i32 to vector<16xi32>
      %add3A_332 = arith.addi %get3A_2, %add3A_331 : vector<16xi32>
      %rem3A_333 = arith.constant 16 : i32
      %rem3A_334 = vector.broadcast %rem3A_333 : i32 to vector<16xi32>
      %rem3A_335 = arith.remsi %add3A_332, %rem3A_334 : vector<16xi32>
      %add3A_336 = arith.constant 4 : i32
      %add3A_337 = vector.broadcast %add3A_336 : i32 to vector<16xi32>
      %add3A_338 = arith.addi %get3A_2, %add3A_337 : vector<16xi32>
      %rem3A_339 = arith.constant 16 : i32
      %rem3A_340 = vector.broadcast %rem3A_339 : i32 to vector<16xi32>
      %rem3A_341 = arith.remsi %add3A_338, %rem3A_340 : vector<16xi32>
      %add3A_342 = arith.constant 5 : i32
      %add3A_343 = vector.broadcast %add3A_342 : i32 to vector<16xi32>
      %add3A_344 = arith.addi %get3A_2, %add3A_343 : vector<16xi32>
      %rem3A_345 = arith.constant 16 : i32
      %rem3A_346 = vector.broadcast %rem3A_345 : i32 to vector<16xi32>
      %rem3A_347 = arith.remsi %add3A_344, %rem3A_346 : vector<16xi32>
      %add3A_348 = arith.constant 6 : i32
      %add3A_349 = vector.broadcast %add3A_348 : i32 to vector<16xi32>
      %add3A_350 = arith.addi %get3A_2, %add3A_349 : vector<16xi32>
      %rem3A_351 = arith.constant 16 : i32
      %rem3A_352 = vector.broadcast %rem3A_351 : i32 to vector<16xi32>
      %rem3A_353 = arith.remsi %add3A_350, %rem3A_352 : vector<16xi32>
      %add3A_354 = arith.constant 7 : i32
      %add3A_355 = vector.broadcast %add3A_354 : i32 to vector<16xi32>
      %add3A_356 = arith.addi %get3A_2, %add3A_355 : vector<16xi32>
      %rem3A_357 = arith.constant 16 : i32
      %rem3A_358 = vector.broadcast %rem3A_357 : i32 to vector<16xi32>
      %rem3A_359 = arith.remsi %add3A_356, %rem3A_358 : vector<16xi32>
      %add3A_360 = arith.constant 8 : i32
      %add3A_361 = vector.broadcast %add3A_360 : i32 to vector<16xi32>
      %add3A_362 = arith.addi %get3A_2, %add3A_361 : vector<16xi32>
      %rem3A_363 = arith.constant 16 : i32
      %rem3A_364 = vector.broadcast %rem3A_363 : i32 to vector<16xi32>
      %rem3A_365 = arith.remsi %add3A_362, %rem3A_364 : vector<16xi32>
      %add3A_366 = arith.constant 9 : i32
      %add3A_367 = vector.broadcast %add3A_366 : i32 to vector<16xi32>
      %add3A_368 = arith.addi %get3A_2, %add3A_367 : vector<16xi32>
      %rem3A_369 = arith.constant 16 : i32
      %rem3A_370 = vector.broadcast %rem3A_369 : i32 to vector<16xi32>
      %rem3A_371 = arith.remsi %add3A_368, %rem3A_370 : vector<16xi32>
      %add3A_372 = arith.constant 10 : i32
      %add3A_373 = vector.broadcast %add3A_372 : i32 to vector<16xi32>
      %add3A_374 = arith.addi %get3A_2, %add3A_373 : vector<16xi32>
      %rem3A_375 = arith.constant 16 : i32
      %rem3A_376 = vector.broadcast %rem3A_375 : i32 to vector<16xi32>
      %rem3A_377 = arith.remsi %add3A_374, %rem3A_376 : vector<16xi32>
      %add3A_378 = arith.constant 11 : i32
      %add3A_379 = vector.broadcast %add3A_378 : i32 to vector<16xi32>
      %add3A_380 = arith.addi %get3A_2, %add3A_379 : vector<16xi32>
      %rem3A_381 = arith.constant 16 : i32
      %rem3A_382 = vector.broadcast %rem3A_381 : i32 to vector<16xi32>
      %rem3A_383 = arith.remsi %add3A_380, %rem3A_382 : vector<16xi32>
      %add3A_384 = arith.constant 12 : i32
      %add3A_385 = vector.broadcast %add3A_384 : i32 to vector<16xi32>
      %add3A_386 = arith.addi %get3A_2, %add3A_385 : vector<16xi32>
      %rem3A_387 = arith.constant 16 : i32
      %rem3A_388 = vector.broadcast %rem3A_387 : i32 to vector<16xi32>
      %rem3A_389 = arith.remsi %add3A_386, %rem3A_388 : vector<16xi32>
      %add3A_390 = arith.constant 13 : i32
      %add3A_391 = vector.broadcast %add3A_390 : i32 to vector<16xi32>
      %add3A_392 = arith.addi %get3A_2, %add3A_391 : vector<16xi32>
      %rem3A_393 = arith.constant 16 : i32
      %rem3A_394 = vector.broadcast %rem3A_393 : i32 to vector<16xi32>
      %rem3A_395 = arith.remsi %add3A_392, %rem3A_394 : vector<16xi32>
      %add3A_396 = arith.constant 14 : i32
      %add3A_397 = vector.broadcast %add3A_396 : i32 to vector<16xi32>
      %add3A_398 = arith.addi %get3A_2, %add3A_397 : vector<16xi32>
      %rem3A_399 = arith.constant 16 : i32
      %rem3A_400 = vector.broadcast %rem3A_399 : i32 to vector<16xi32>
      %rem3A_401 = arith.remsi %add3A_398, %rem3A_400 : vector<16xi32>
      %add3A_402 = arith.constant 15 : i32
      %add3A_403 = vector.broadcast %add3A_402 : i32 to vector<16xi32>
      %add3A_404 = arith.addi %get3A_2, %add3A_403 : vector<16xi32>
      %rem3A_405 = arith.constant 16 : i32
      %rem3A_406 = vector.broadcast %rem3A_405 : i32 to vector<16xi32>
      %rem3A_407 = arith.remsi %add3A_404, %rem3A_406 : vector<16xi32>
      %scan3A_408 = arith.constant 0 : i32
      %scan3A_409 = arith.constant 0 : i32
      %scan3A_410 = arith.constant 32 : i32
      %scan3A_411 = arith.addi %scan3A_409, %scan3A_410 : i32
      %scan3A_412 = arith.constant 2 : i32
      scf.for %scan3A_470 = %scan3A_409 to %scan3A_411 step %scan3A_412  : i32 {
        %jit3A_471 = arith.constant 4 : i32
        %div3A_472 = arith.divsi %scan3A_470, %jit3A_471 : i32
        %sign3A_473 = arith.constant 0 : i32
        %sign3A_474 = arith.cmpi sgt, %scan3A_470, %sign3A_473 : i32
        %sign3A_475 = arith.extui %sign3A_474 : i1 to i32
        %sign3A_476 = arith.constant 0 : i32
        %sign3A_477 = arith.cmpi slt, %scan3A_470, %sign3A_476 : i32
        %sign3A_478 = arith.extui %sign3A_477 : i1 to i32
        %sign3A_479 = arith.subi %sign3A_475, %sign3A_478 : i32
        %sign3A_480 = arith.constant 0 : i32
        %sign3A_481 = arith.cmpi sgt, %jit3A_471, %sign3A_480 : i32
        %sign3A_482 = arith.extui %sign3A_481 : i1 to i32
        %sign3A_483 = arith.constant 0 : i32
        %sign3A_484 = arith.cmpi slt, %jit3A_471, %sign3A_483 : i32
        %sign3A_485 = arith.extui %sign3A_484 : i1 to i32
        %sign3A_486 = arith.subi %sign3A_482, %sign3A_485 : i32
        %ne3A_487 = arith.cmpi ne, %sign3A_479, %sign3A_486 : i32
        %rem3A_488 = arith.remsi %scan3A_470, %jit3A_471 : i32
        %ne3A_489 = arith.constant 0 : i32
        %ne3A_490 = arith.cmpi ne, %rem3A_488, %ne3A_489 : i32
        %and3A_491 = arith.andi %ne3A_487, %ne3A_490 : i1
        %sub3A_492 = arith.constant 1 : i32
        %sub3A_493 = arith.subi %div3A_472, %sub3A_492 : i32
        %select_n3A_494 = arith.select %and3A_491, %sub3A_493, %div3A_472 : i32
        %mul3A_495 = arith.constant 16 : i32
        %mul3A_496 = arith.muli %select_n3A_494, %mul3A_495 : i32
        %add3A_497 = vector.broadcast %mul3A_496 : i32 to vector<16xi32>
        %add3A_498 = arith.addi %get3A_2, %add3A_497 : vector<16xi32>
        %mul3A_499 = arith.constant 128 : i32
        %mul3A_500 = arith.muli %add3A_299, %mul3A_499 : i32
        %jit3A_501 = arith.constant 4 : i32
        %div3A_502 = arith.divsi %scan3A_470, %jit3A_501 : i32
        %sign3A_503 = arith.constant 0 : i32
        %sign3A_504 = arith.cmpi sgt, %scan3A_470, %sign3A_503 : i32
        %sign3A_505 = arith.extui %sign3A_504 : i1 to i32
        %sign3A_506 = arith.constant 0 : i32
        %sign3A_507 = arith.cmpi slt, %scan3A_470, %sign3A_506 : i32
        %sign3A_508 = arith.extui %sign3A_507 : i1 to i32
        %sign3A_509 = arith.subi %sign3A_505, %sign3A_508 : i32
        %sign3A_510 = arith.constant 0 : i32
        %sign3A_511 = arith.cmpi sgt, %jit3A_501, %sign3A_510 : i32
        %sign3A_512 = arith.extui %sign3A_511 : i1 to i32
        %sign3A_513 = arith.constant 0 : i32
        %sign3A_514 = arith.cmpi slt, %jit3A_501, %sign3A_513 : i32
        %sign3A_515 = arith.extui %sign3A_514 : i1 to i32
        %sign3A_516 = arith.subi %sign3A_512, %sign3A_515 : i32
        %ne3A_517 = arith.cmpi ne, %sign3A_509, %sign3A_516 : i32
        %rem3A_518 = arith.remsi %scan3A_470, %jit3A_501 : i32
        %ne3A_519 = arith.constant 0 : i32
        %ne3A_520 = arith.cmpi ne, %rem3A_518, %ne3A_519 : i32
        %and3A_521 = arith.andi %ne3A_517, %ne3A_520 : i1
        %sub3A_522 = arith.constant 1 : i32
        %sub3A_523 = arith.subi %div3A_502, %sub3A_522 : i32
        %select_n3A_524 = arith.select %and3A_521, %sub3A_523, %div3A_502 : i32
        %mul3A_525 = arith.constant 16 : i32
        %mul3A_526 = arith.muli %select_n3A_524, %mul3A_525 : i32
        %add3A_527 = arith.addi %mul3A_500, %mul3A_526 : i32
        %get3A_528 = arith.index_cast %add3A_527 : i32 to index
        %get3A_529 = tpu.vector_load %arg7[%get3A_528] {strides = array<i32>} : memref<13312xi32, #tpu.memory_space<vmem>>, vector<16xi32>,
        %jit3A_530 = arith.constant 4 : i32
        %eq3A_531 = arith.constant 0 : i32
        %eq3A_532 = arith.cmpi eq, %jit3A_530, %eq3A_531 : i32
        %jit3A_533 = arith.constant 1 : i32
        %select_n3A_534 = arith.select %eq3A_532, %jit3A_533, %jit3A_530 : i32
        %rem3A_535 = arith.remsi %scan3A_470, %select_n3A_534 : i32
        %ne3A_536 = arith.constant 0 : i32
        %ne3A_537 = arith.cmpi ne, %rem3A_535, %ne3A_536 : i32
        %lt3A_538 = arith.constant 0 : i32
        %lt3A_539 = arith.cmpi slt, %rem3A_535, %lt3A_538 : i32
        %lt3A_540 = arith.constant 0 : i32
        %lt3A_541 = arith.cmpi slt, %select_n3A_534, %lt3A_540 : i32
        %ne3A_542 = arith.xori %lt3A_539, %lt3A_541 : i1
        %and3A_543 = arith.andi %ne3A_542, %ne3A_537 : i1
        %add3A_544 = arith.addi %rem3A_535, %select_n3A_534 : i32
        %select_n3A_545 = arith.select %and3A_543, %add3A_544, %rem3A_535 : i32
        %mul3A_546 = arith.constant 16 : i32
        %mul3A_547 = arith.muli %select_n3A_545, %mul3A_546 : i32
        %add3A_548 = vector.broadcast %mul3A_547 : i32 to vector<16xi32>
        %add3A_549 = arith.addi %add3A_548, %rem3A_317 : vector<16xi32>
        %add3A_550 = arith.addi %add3A_549, %get3A_529 : vector<16xi32>
        %gather3A = tpu.vector_load_idx %arg9[%add3A_498, %add3A_550] : memref<128x128xf32, #tpu.memory_space<vmem>>[vector<16xi32>, vector<16xi32>], vector<16xf32>,
        %add3A_551 = vector.broadcast %mul3A_547 : i32 to vector<16xi32>
        %add3A_552 = arith.addi %add3A_551, %rem3A_323 : vector<16xi32>
        %add3A_553 = arith.addi %add3A_552, %get3A_529 : vector<16xi32>
        %gather3A_554 = tpu.vector_load_idx %arg9[%add3A_498, %add3A_553] : memref<128x128xf32, #tpu.memory_space<vmem>>[vector<16xi32>, vector<16xi32>], vector<16xf32>,
        %add3A_555 = vector.broadcast %mul3A_547 : i32 to vector<16xi32>
        %add3A_556 = arith.addi %add3A_555, %rem3A_329 : vector<16xi32>
        %add3A_557 = arith.addi %add3A_556, %get3A_529 : vector<16xi32>
        %gather3A_558 = tpu.vector_load_idx %arg9[%add3A_498, %add3A_557] : memref<128x128xf32, #tpu.memory_space<vmem>>[vector<16xi32>, vector<16xi32>], vector<16xf32>,
        %add3A_559 = vector.broadcast %mul3A_547 : i32 to vector<16xi32>
        %add3A_560 = arith.addi %add3A_559, %rem3A_335 : vector<16xi32>
        %add3A_561 = arith.addi %add3A_560, %get3A_529 : vector<16xi32>
        %gather3A_562 = tpu.vector_load_idx %arg9[%add3A_498, %add3A_561] : memref<128x128xf32, #tpu.memory_space<vmem>>[vector<16xi32>, vector<16xi32>], vector<16xf32>,
        %add3A_563 = vector.broadcast %mul3A_547 : i32 to vector<16xi32>
        %add3A_564 = arith.addi %add3A_563, %rem3A_341 : vector<16xi32>
        %add3A_565 = arith.addi %add3A_564, %get3A_529 : vector<16xi32>
        %gather3A_566 = tpu.vector_load_idx %arg9[%add3A_498, %add3A_565] : memref<128x128xf32, #tpu.memory_space<vmem>>[vector<16xi32>, vector<16xi32>], vector<16xf32>,
        %add3A_567 = vector.broadcast %mul3A_547 : i32 to vector<16xi32>
        %add3A_568 = arith.addi %add3A_567, %rem3A_347 : vector<16xi32>
        %add3A_569 = arith.addi %add3A_568, %get3A_529 : vector<16xi32>
        %gather3A_570 = tpu.vector_load_idx %arg9[%add3A_498, %add3A_569] : memref<128x128xf32, #tpu.memory_space<vmem>>[vector<16xi32>, vector<16xi32>], vector<16xf32>,
        %add3A_571 = vector.broadcast %mul3A_547 : i32 to vector<16xi32>
        %add3A_572 = arith.addi %add3A_571, %rem3A_353 : vector<16xi32>
        %add3A_573 = arith.addi %add3A_572, %get3A_529 : vector<16xi32>
        %gather3A_574 = tpu.vector_load_idx %arg9[%add3A_498, %add3A_573] : memref<128x128xf32, #tpu.memory_space<vmem>>[vector<16xi32>, vector<16xi32>], vector<16xf32>,
        %add3A_575 = vector.broadcast %mul3A_547 : i32 to vector<16xi32>
        %add3A_576 = arith.addi %add3A_575, %rem3A_359 : vector<16xi32>
        %add3A_577 = arith.addi %add3A_576, %get3A_529 : vector<16xi32>
        %gather3A_578 = tpu.vector_load_idx %arg9[%add3A_498, %add3A_577] : memref<128x128xf32, #tpu.memory_space<vmem>>[vector<16xi32>, vector<16xi32>], vector<16xf32>,
        %add3A_579 = vector.broadcast %mul3A_547 : i32 to vector<16xi32>
        %add3A_580 = arith.addi %add3A_579, %rem3A_365 : vector<16xi32>
        %add3A_581 = arith.addi %add3A_580, %get3A_529 : vector<16xi32>
        %gather3A_582 = tpu.vector_load_idx %arg9[%add3A_498, %add3A_581] : memref<128x128xf32, #tpu.memory_space<vmem>>[vector<16xi32>, vector<16xi32>], vector<16xf32>,
        %add3A_583 = vector.broadcast %mul3A_547 : i32 to vector<16xi32>
        %add3A_584 = arith.addi %add3A_583, %rem3A_371 : vector<16xi32>
        %add3A_585 = arith.addi %add3A_584, %get3A_529 : vector<16xi32>
        %gather3A_586 = tpu.vector_load_idx %arg9[%add3A_498, %add3A_585] : memref<128x128xf32, #tpu.memory_space<vmem>>[vector<16xi32>, vector<16xi32>], vector<16xf32>,
        %add3A_587 = vector.broadcast %mul3A_547 : i32 to vector<16xi32>
        %add3A_588 = arith.addi %add3A_587, %rem3A_377 : vector<16xi32>
        %add3A_589 = arith.addi %add3A_588, %get3A_529 : vector<16xi32>
        %gather3A_590 = tpu.vector_load_idx %arg9[%add3A_498, %add3A_589] : memref<128x128xf32, #tpu.memory_space<vmem>>[vector<16xi32>, vector<16xi32>], vector<16xf32>,
        %add3A_591 = vector.broadcast %mul3A_547 : i32 to vector<16xi32>
        %add3A_592 = arith.addi %add3A_591, %rem3A_383 : vector<16xi32>
        %add3A_593 = arith.addi %add3A_592, %get3A_529 : vector<16xi32>
        %gather3A_594 = tpu.vector_load_idx %arg9[%add3A_498, %add3A_593] : memref<128x128xf32, #tpu.memory_space<vmem>>[vector<16xi32>, vector<16xi32>], vector<16xf32>,
        %add3A_595 = vector.broadcast %mul3A_547 : i32 to vector<16xi32>
        %add3A_596 = arith.addi %add3A_595, %rem3A_389 : vector<16xi32>
        %add3A_597 = arith.addi %add3A_596, %get3A_529 : vector<16xi32>
        %gather3A_598 = tpu.vector_load_idx %arg9[%add3A_498, %add3A_597] : memref<128x128xf32, #tpu.memory_space<vmem>>[vector<16xi32>, vector<16xi32>], vector<16xf32>,
        %add3A_599 = vector.broadcast %mul3A_547 : i32 to vector<16xi32>
        %add3A_600 = arith.addi %add3A_599, %rem3A_395 : vector<16xi32>
        %add3A_601 = arith.addi %add3A_600, %get3A_529 : vector<16xi32>
        %gather3A_602 = tpu.vector_load_idx %arg9[%add3A_498, %add3A_601] : memref<128x128xf32, #tpu.memory_space<vmem>>[vector<16xi32>, vector<16xi32>], vector<16xf32>,
        %add3A_603 = vector.broadcast %mul3A_547 : i32 to vector<16xi32>
        %add3A_604 = arith.addi %add3A_603, %rem3A_401 : vector<16xi32>
        %add3A_605 = arith.addi %add3A_604, %get3A_529 : vector<16xi32>
        %gather3A_606 = tpu.vector_load_idx %arg9[%add3A_498, %add3A_605] : memref<128x128xf32, #tpu.memory_space<vmem>>[vector<16xi32>, vector<16xi32>], vector<16xf32>,
        %add3A_607 = vector.broadcast %mul3A_547 : i32 to vector<16xi32>
        %add3A_608 = arith.addi %add3A_607, %rem3A_407 : vector<16xi32>
        %add3A_609 = arith.addi %add3A_608, %get3A_529 : vector<16xi32>
        %gather3A_610 = tpu.vector_load_idx %arg9[%add3A_498, %add3A_609] : memref<128x128xf32, #tpu.memory_space<vmem>>[vector<16xi32>, vector<16xi32>], vector<16xf32>,
        %add3A_611 = vector.broadcast %mul3A_547 : i32 to vector<16xi32>
        %add3A_612 = arith.addi %add3A_611, %rem3A_317 : vector<16xi32>
        tpu.vector_store_idx %arg11[%add3A_612, %add3A_498], %gather3A : memref<64x128xf32, #tpu.memory_space<vmem>>[vector<16xi32>, vector<16xi32>], vector<16xf32>,
        %add3A_613 = vector.broadcast %mul3A_547 : i32 to vector<16xi32>
        %add3A_614 = arith.addi %add3A_613, %rem3A_323 : vector<16xi32>
        tpu.vector_store_idx %arg11[%add3A_614, %add3A_498], %gather3A_554 : memref<64x128xf32, #tpu.memory_space<vmem>>[vector<16xi32>, vector<16xi32>], vector<16xf32>,
        %add3A_615 = vector.broadcast %mul3A_547 : i32 to vector<16xi32>
        %add3A_616 = arith.addi %add3A_615, %rem3A_329 : vector<16xi32>
        tpu.vector_store_idx %arg11[%add3A_616, %add3A_498], %gather3A_558 : memref<64x128xf32, #tpu.memory_space<vmem>>[vector<16xi32>, vector<16xi32>], vector<16xf32>,
        %add3A_617 = vector.broadcast %mul3A_547 : i32 to vector<16xi32>
        %add3A_618 = arith.addi %add3A_617, %rem3A_335 : vector<16xi32>
        tpu.vector_store_idx %arg11[%add3A_618, %add3A_498], %gather3A_562 : memref<64x128xf32, #tpu.memory_space<vmem>>[vector<16xi32>, vector<16xi32>], vector<16xf32>,
        %add3A_619 = vector.broadcast %mul3A_547 : i32 to vector<16xi32>
        %add3A_620 = arith.addi %add3A_619, %rem3A_341 : vector<16xi32>
        tpu.vector_store_idx %arg11[%add3A_620, %add3A_498], %gather3A_566 : memref<64x128xf32, #tpu.memory_space<vmem>>[vector<16xi32>, vector<16xi32>], vector<16xf32>,
        %add3A_621 = vector.broadcast %mul3A_547 : i32 to vector<16xi32>
        %add3A_622 = arith.addi %add3A_621, %rem3A_347 : vector<16xi32>
        tpu.vector_store_idx %arg11[%add3A_622, %add3A_498], %gather3A_570 : memref<64x128xf32, #tpu.memory_space<vmem>>[vector<16xi32>, vector<16xi32>], vector<16xf32>,
        %add3A_623 = vector.broadcast %mul3A_547 : i32 to vector<16xi32>
        %add3A_624 = arith.addi %add3A_623, %rem3A_353 : vector<16xi32>
        tpu.vector_store_idx %arg11[%add3A_624, %add3A_498], %gather3A_574 : memref<64x128xf32, #tpu.memory_space<vmem>>[vector<16xi32>, vector<16xi32>], vector<16xf32>,
        %add3A_625 = vector.broadcast %mul3A_547 : i32 to vector<16xi32>
        %add3A_626 = arith.addi %add3A_625, %rem3A_359 : vector<16xi32>
        tpu.vector_store_idx %arg11[%add3A_626, %add3A_498], %gather3A_578 : memref<64x128xf32, #tpu.memory_space<vmem>>[vector<16xi32>, vector<16xi32>], vector<16xf32>,
        %add3A_627 = vector.broadcast %mul3A_547 : i32 to vector<16xi32>
        %add3A_628 = arith.addi %add3A_627, %rem3A_365 : vector<16xi32>
        tpu.vector_store_idx %arg11[%add3A_628, %add3A_498], %gather3A_582 : memref<64x128xf32, #tpu.memory_space<vmem>>[vector<16xi32>, vector<16xi32>], vector<16xf32>,
        %add3A_629 = vector.broadcast %mul3A_547 : i32 to vector<16xi32>
        %add3A_630 = arith.addi %add3A_629, %rem3A_371 : vector<16xi32>
        tpu.vector_store_idx %arg11[%add3A_630, %add3A_498], %gather3A_586 : memref<64x128xf32, #tpu.memory_space<vmem>>[vector<16xi32>, vector<16xi32>], vector<16xf32>,
        %add3A_631 = vector.broadcast %mul3A_547 : i32 to vector<16xi32>
        %add3A_632 = arith.addi %add3A_631, %rem3A_377 : vector<16xi32>
        tpu.vector_store_idx %arg11[%add3A_632, %add3A_498], %gather3A_590 : memref<64x128xf32, #tpu.memory_space<vmem>>[vector<16xi32>, vector<16xi32>], vector<16xf32>,
        %add3A_633 = vector.broadcast %mul3A_547 : i32 to vector<16xi32>
        %add3A_634 = arith.addi %add3A_633, %rem3A_383 : vector<16xi32>
        tpu.vector_store_idx %arg11[%add3A_634, %add3A_498], %gather3A_594 : memref<64x128xf32, #tpu.memory_space<vmem>>[vector<16xi32>, vector<16xi32>], vector<16xf32>,
        %add3A_635 = vector.broadcast %mul3A_547 : i32 to vector<16xi32>
        %add3A_636 = arith.addi %add3A_635, %rem3A_389 : vector<16xi32>
        tpu.vector_store_idx %arg11[%add3A_636, %add3A_498], %gather3A_598 : memref<64x128xf32, #tpu.memory_space<vmem>>[vector<16xi32>, vector<16xi32>], vector<16xf32>,
        %add3A_637 = vector.broadcast %mul3A_547 : i32 to vector<16xi32>
        %add3A_638 = arith.addi %add3A_637, %rem3A_395 : vector<16xi32>
        tpu.vector_store_idx %arg11[%add3A_638, %add3A_498], %gather3A_602 : memref<64x128xf32, #tpu.memory_space<vmem>>[vector<16xi32>, vector<16xi32>], vector<16xf32>,
        %add3A_639 = vector.broadcast %mul3A_547 : i32 to vector<16xi32>
        %add3A_640 = arith.addi %add3A_639, %rem3A_401 : vector<16xi32>
        tpu.vector_store_idx %arg11[%add3A_640, %add3A_498], %gather3A_606 : memref<64x128xf32, #tpu.memory_space<vmem>>[vector<16xi32>, vector<16xi32>], vector<16xf32>,
        %add3A_641 = vector.broadcast %mul3A_547 : i32 to vector<16xi32>
        %add3A_642 = arith.addi %add3A_641, %rem3A_407 : vector<16xi32>
        tpu.vector_store_idx %arg11[%add3A_642, %add3A_498], %gather3A_610 : memref<64x128xf32, #tpu.memory_space<vmem>>[vector<16xi32>, vector<16xi32>], vector<16xf32>,
        %scan3A_643 = arith.constant 1 : i32
        %scan3A_644 = arith.addi %scan3A_470, %scan3A_643 : i32
        %jit3A_645 = arith.constant 4 : i32
        %div3A_646 = arith.divsi %scan3A_644, %jit3A_645 : i32
        %sign3A_647 = arith.constant 0 : i32
        %sign3A_648 = arith.cmpi sgt, %scan3A_644, %sign3A_647 : i32
        %sign3A_649 = arith.extui %sign3A_648 : i1 to i32
        %sign3A_650 = arith.constant 0 : i32
        %sign3A_651 = arith.cmpi slt, %scan3A_644, %sign3A_650 : i32
        %sign3A_652 = arith.extui %sign3A_651 : i1 to i32
        %sign3A_653 = arith.subi %sign3A_649, %sign3A_652 : i32
        %sign3A_654 = arith.constant 0 : i32
        %sign3A_655 = arith.cmpi sgt, %jit3A_645, %sign3A_654 : i32
        %sign3A_656 = arith.extui %sign3A_655 : i1 to i32
        %sign3A_657 = arith.constant 0 : i32
        %sign3A_658 = arith.cmpi slt, %jit3A_645, %sign3A_657 : i32
        %sign3A_659 = arith.extui %sign3A_658 : i1 to i32
        %sign3A_660 = arith.subi %sign3A_656, %sign3A_659 : i32
        %ne3A_661 = arith.cmpi ne, %sign3A_653, %sign3A_660 : i32
        %rem3A_662 = arith.remsi %scan3A_644, %jit3A_645 : i32
        %ne3A_663 = arith.constant 0 : i32
        %ne3A_664 = arith.cmpi ne, %rem3A_662, %ne3A_663 : i32
        %and3A_665 = arith.andi %ne3A_661, %ne3A_664 : i1
        %sub3A_666 = arith.constant 1 : i32
        %sub3A_667 = arith.subi %div3A_646, %sub3A_666 : i32
        %select_n3A_668 = arith.select %and3A_665, %sub3A_667, %div3A_646 : i32
        %mul3A_669 = arith.constant 16 : i32
        %mul3A_670 = arith.muli %select_n3A_668, %mul3A_669 : i32
        %add3A_671 = vector.broadcast %mul3A_670 : i32 to vector<16xi32>
        %add3A_672 = arith.addi %get3A_2, %add3A_671 : vector<16xi32>
        %mul3A_673 = arith.constant 128 : i32
        %mul3A_674 = arith.muli %add3A_299, %mul3A_673 : i32
        %jit3A_675 = arith.constant 4 : i32
        %div3A_676 = arith.divsi %scan3A_644, %jit3A_675 : i32
        %sign3A_677 = arith.constant 0 : i32
        %sign3A_678 = arith.cmpi sgt, %scan3A_644, %sign3A_677 : i32
        %sign3A_679 = arith.extui %sign3A_678 : i1 to i32
        %sign3A_680 = arith.constant 0 : i32
        %sign3A_681 = arith.cmpi slt, %scan3A_644, %sign3A_680 : i32
        %sign3A_682 = arith.extui %sign3A_681 : i1 to i32
        %sign3A_683 = arith.subi %sign3A_679, %sign3A_682 : i32
        %sign3A_684 = arith.constant 0 : i32
        %sign3A_685 = arith.cmpi sgt, %jit3A_675, %sign3A_684 : i32
        %sign3A_686 = arith.extui %sign3A_685 : i1 to i32
        %sign3A_687 = arith.constant 0 : i32
        %sign3A_688 = arith.cmpi slt, %jit3A_675, %sign3A_687 : i32
        %sign3A_689 = arith.extui %sign3A_688 : i1 to i32
        %sign3A_690 = arith.subi %sign3A_686, %sign3A_689 : i32
        %ne3A_691 = arith.cmpi ne, %sign3A_683, %sign3A_690 : i32
        %rem3A_692 = arith.remsi %scan3A_644, %jit3A_675 : i32
        %ne3A_693 = arith.constant 0 : i32
        %ne3A_694 = arith.cmpi ne, %rem3A_692, %ne3A_693 : i32
        %and3A_695 = arith.andi %ne3A_691, %ne3A_694 : i1
        %sub3A_696 = arith.constant 1 : i32
        %sub3A_697 = arith.subi %div3A_676, %sub3A_696 : i32
        %select_n3A_698 = arith.select %and3A_695, %sub3A_697, %div3A_676 : i32
        %mul3A_699 = arith.constant 16 : i32
        %mul3A_700 = arith.muli %select_n3A_698, %mul3A_699 : i32
        %add3A_701 = arith.addi %mul3A_674, %mul3A_700 : i32
        %get3A_702 = arith.index_cast %add3A_701 : i32 to index
        %get3A_703 = tpu.vector_load %arg7[%get3A_702] {strides = array<i32>} : memref<13312xi32, #tpu.memory_space<vmem>>, vector<16xi32>,
        %jit3A_704 = arith.constant 4 : i32
        %eq3A_705 = arith.constant 0 : i32
        %eq3A_706 = arith.cmpi eq, %jit3A_704, %eq3A_705 : i32
        %jit3A_707 = arith.constant 1 : i32
        %select_n3A_708 = arith.select %eq3A_706, %jit3A_707, %jit3A_704 : i32
        %rem3A_709 = arith.remsi %scan3A_644, %select_n3A_708 : i32
        %ne3A_710 = arith.constant 0 : i32
        %ne3A_711 = arith.cmpi ne, %rem3A_709, %ne3A_710 : i32
        %lt3A_712 = arith.constant 0 : i32
        %lt3A_713 = arith.cmpi slt, %rem3A_709, %lt3A_712 : i32
        %lt3A_714 = arith.constant 0 : i32
        %lt3A_715 = arith.cmpi slt, %select_n3A_708, %lt3A_714 : i32
        %ne3A_716 = arith.xori %lt3A_713, %lt3A_715 : i1
        %and3A_717 = arith.andi %ne3A_716, %ne3A_711 : i1
        %add3A_718 = arith.addi %rem3A_709, %select_n3A_708 : i32
        %select_n3A_719 = arith.select %and3A_717, %add3A_718, %rem3A_709 : i32
        %mul3A_720 = arith.constant 16 : i32
        %mul3A_721 = arith.muli %select_n3A_719, %mul3A_720 : i32
        %add3A_722 = vector.broadcast %mul3A_721 : i32 to vector<16xi32>
        %add3A_723 = arith.addi %add3A_722, %rem3A_317 : vector<16xi32>
        %add3A_724 = arith.addi %add3A_723, %get3A_703 : vector<16xi32>
        %gather3A_725 = tpu.vector_load_idx %arg9[%add3A_672, %add3A_724] : memref<128x128xf32, #tpu.memory_space<vmem>>[vector<16xi32>, vector<16xi32>], vector<16xf32>,
        %add3A_726 = vector.broadcast %mul3A_721 : i32 to vector<16xi32>
        %add3A_727 = arith.addi %add3A_726, %rem3A_323 : vector<16xi32>
        %add3A_728 = arith.addi %add3A_727, %get3A_703 : vector<16xi32>
        %gather3A_729 = tpu.vector_load_idx %arg9[%add3A_672, %add3A_728] : memref<128x128xf32, #tpu.memory_space<vmem>>[vector<16xi32>, vector<16xi32>], vector<16xf32>,
        %add3A_730 = vector.broadcast %mul3A_721 : i32 to vector<16xi32>
        %add3A_731 = arith.addi %add3A_730, %rem3A_329 : vector<16xi32>
        %add3A_732 = arith.addi %add3A_731, %get3A_703 : vector<16xi32>
        %gather3A_733 = tpu.vector_load_idx %arg9[%add3A_672, %add3A_732] : memref<128x128xf32, #tpu.memory_space<vmem>>[vector<16xi32>, vector<16xi32>], vector<16xf32>,
        %add3A_734 = vector.broadcast %mul3A_721 : i32 to vector<16xi32>
        %add3A_735 = arith.addi %add3A_734, %rem3A_335 : vector<16xi32>
        %add3A_736 = arith.addi %add3A_735, %get3A_703 : vector<16xi32>
        %gather3A_737 = tpu.vector_load_idx %arg9[%add3A_672, %add3A_736] : memref<128x128xf32, #tpu.memory_space<vmem>>[vector<16xi32>, vector<16xi32>], vector<16xf32>,
        %add3A_738 = vector.broadcast %mul3A_721 : i32 to vector<16xi32>
        %add3A_739 = arith.addi %add3A_738, %rem3A_341 : vector<16xi32>
        %add3A_740 = arith.addi %add3A_739, %get3A_703 : vector<16xi32>
        %gather3A_741 = tpu.vector_load_idx %arg9[%add3A_672, %add3A_740] : memref<128x128xf32, #tpu.memory_space<vmem>>[vector<16xi32>, vector<16xi32>], vector<16xf32>,
        %add3A_742 = vector.broadcast %mul3A_721 : i32 to vector<16xi32>
        %add3A_743 = arith.addi %add3A_742, %rem3A_347 : vector<16xi32>
        %add3A_744 = arith.addi %add3A_743, %get3A_703 : vector<16xi32>
        %gather3A_745 = tpu.vector_load_idx %arg9[%add3A_672, %add3A_744] : memref<128x128xf32, #tpu.memory_space<vmem>>[vector<16xi32>, vector<16xi32>], vector<16xf32>,
        %add3A_746 = vector.broadcast %mul3A_721 : i32 to vector<16xi32>
        %add3A_747 = arith.addi %add3A_746, %rem3A_353 : vector<16xi32>
        %add3A_748 = arith.addi %add3A_747, %get3A_703 : vector<16xi32>
        %gather3A_749 = tpu.vector_load_idx %arg9[%add3A_672, %add3A_748] : memref<128x128xf32, #tpu.memory_space<vmem>>[vector<16xi32>, vector<16xi32>], vector<16xf32>,
        %add3A_750 = vector.broadcast %mul3A_721 : i32 to vector<16xi32>
        %add3A_751 = arith.addi %add3A_750, %rem3A_359 : vector<16xi32>
        %add3A_752 = arith.addi %add3A_751, %get3A_703 : vector<16xi32>
        %gather3A_753 = tpu.vector_load_idx %arg9[%add3A_672, %add3A_752] : memref<128x128xf32, #tpu.memory_space<vmem>>[vector<16xi32>, vector<16xi32>], vector<16xf32>,
        %add3A_754 = vector.broadcast %mul3A_721 : i32 to vector<16xi32>
        %add3A_755 = arith.addi %add3A_754, %rem3A_365 : vector<16xi32>
        %add3A_756 = arith.addi %add3A_755, %get3A_703 : vector<16xi32>
        %gather3A_757 = tpu.vector_load_idx %arg9[%add3A_672, %add3A_756] : memref<128x128xf32, #tpu.memory_space<vmem>>[vector<16xi32>, vector<16xi32>], vector<16xf32>,
        %add3A_758 = vector.broadcast %mul3A_721 : i32 to vector<16xi32>
        %add3A_759 = arith.addi %add3A_758, %rem3A_371 : vector<16xi32>
        %add3A_760 = arith.addi %add3A_759, %get3A_703 : vector<16xi32>
        %gather3A_761 = tpu.vector_load_idx %arg9[%add3A_672, %add3A_760] : memref<128x128xf32, #tpu.memory_space<vmem>>[vector<16xi32>, vector<16xi32>], vector<16xf32>,
        %add3A_762 = vector.broadcast %mul3A_721 : i32 to vector<16xi32>
        %add3A_763 = arith.addi %add3A_762, %rem3A_377 : vector<16xi32>
        %add3A_764 = arith.addi %add3A_763, %get3A_703 : vector<16xi32>
        %gather3A_765 = tpu.vector_load_idx %arg9[%add3A_672, %add3A_764] : memref<128x128xf32, #tpu.memory_space<vmem>>[vector<16xi32>, vector<16xi32>], vector<16xf32>,
        %add3A_766 = vector.broadcast %mul3A_721 : i32 to vector<16xi32>
        %add3A_767 = arith.addi %add3A_766, %rem3A_383 : vector<16xi32>
        %add3A_768 = arith.addi %add3A_767, %get3A_703 : vector<16xi32>
        %gather3A_769 = tpu.vector_load_idx %arg9[%add3A_672, %add3A_768] : memref<128x128xf32, #tpu.memory_space<vmem>>[vector<16xi32>, vector<16xi32>], vector<16xf32>,
        %add3A_770 = vector.broadcast %mul3A_721 : i32 to vector<16xi32>
        %add3A_771 = arith.addi %add3A_770, %rem3A_389 : vector<16xi32>
        %add3A_772 = arith.addi %add3A_771, %get3A_703 : vector<16xi32>
        %gather3A_773 = tpu.vector_load_idx %arg9[%add3A_672, %add3A_772] : memref<128x128xf32, #tpu.memory_space<vmem>>[vector<16xi32>, vector<16xi32>], vector<16xf32>,
        %add3A_774 = vector.broadcast %mul3A_721 : i32 to vector<16xi32>
        %add3A_775 = arith.addi %add3A_774, %rem3A_395 : vector<16xi32>
        %add3A_776 = arith.addi %add3A_775, %get3A_703 : vector<16xi32>
        %gather3A_777 = tpu.vector_load_idx %arg9[%add3A_672, %add3A_776] : memref<128x128xf32, #tpu.memory_space<vmem>>[vector<16xi32>, vector<16xi32>], vector<16xf32>,
        %add3A_778 = vector.broadcast %mul3A_721 : i32 to vector<16xi32>
        %add3A_779 = arith.addi %add3A_778, %rem3A_401 : vector<16xi32>
        %add3A_780 = arith.addi %add3A_779, %get3A_703 : vector<16xi32>
        %gather3A_781 = tpu.vector_load_idx %arg9[%add3A_672, %add3A_780] : memref<128x128xf32, #tpu.memory_space<vmem>>[vector<16xi32>, vector<16xi32>], vector<16xf32>,
        %add3A_782 = vector.broadcast %mul3A_721 : i32 to vector<16xi32>
        %add3A_783 = arith.addi %add3A_782, %rem3A_407 : vector<16xi32>
        %add3A_784 = arith.addi %add3A_783, %get3A_703 : vector<16xi32>
        %gather3A_785 = tpu.vector_load_idx %arg9[%add3A_672, %add3A_784] : memref<128x128xf32, #tpu.memory_space<vmem>>[vector<16xi32>, vector<16xi32>], vector<16xf32>,
        %add3A_786 = vector.broadcast %mul3A_721 : i32 to vector<16xi32>
        %add3A_787 = arith.addi %add3A_786, %rem3A_317 : vector<16xi32>
        tpu.vector_store_idx %arg11[%add3A_787, %add3A_672], %gather3A_725 : memref<64x128xf32, #tpu.memory_space<vmem>>[vector<16xi32>, vector<16xi32>], vector<16xf32>,
        %add3A_788 = vector.broadcast %mul3A_721 : i32 to vector<16xi32>
        %add3A_789 = arith.addi %add3A_788, %rem3A_323 : vector<16xi32>
        tpu.vector_store_idx %arg11[%add3A_789, %add3A_672], %gather3A_729 : memref<64x128xf32, #tpu.memory_space<vmem>>[vector<16xi32>, vector<16xi32>], vector<16xf32>,
        %add3A_790 = vector.broadcast %mul3A_721 : i32 to vector<16xi32>
        %add3A_791 = arith.addi %add3A_790, %rem3A_329 : vector<16xi32>
        tpu.vector_store_idx %arg11[%add3A_791, %add3A_672], %gather3A_733 : memref<64x128xf32, #tpu.memory_space<vmem>>[vector<16xi32>, vector<16xi32>], vector<16xf32>,
        %add3A_792 = vector.broadcast %mul3A_721 : i32 to vector<16xi32>
        %add3A_793 = arith.addi %add3A_792, %rem3A_335 : vector<16xi32>
        tpu.vector_store_idx %arg11[%add3A_793, %add3A_672], %gather3A_737 : memref<64x128xf32, #tpu.memory_space<vmem>>[vector<16xi32>, vector<16xi32>], vector<16xf32>,
        %add3A_794 = vector.broadcast %mul3A_721 : i32 to vector<16xi32>
        %add3A_795 = arith.addi %add3A_794, %rem3A_341 : vector<16xi32>
        tpu.vector_store_idx %arg11[%add3A_795, %add3A_672], %gather3A_741 : memref<64x128xf32, #tpu.memory_space<vmem>>[vector<16xi32>, vector<16xi32>], vector<16xf32>,
        %add3A_796 = vector.broadcast %mul3A_721 : i32 to vector<16xi32>
        %add3A_797 = arith.addi %add3A_796, %rem3A_347 : vector<16xi32>
        tpu.vector_store_idx %arg11[%add3A_797, %add3A_672], %gather3A_745 : memref<64x128xf32, #tpu.memory_space<vmem>>[vector<16xi32>, vector<16xi32>], vector<16xf32>,
        %add3A_798 = vector.broadcast %mul3A_721 : i32 to vector<16xi32>
        %add3A_799 = arith.addi %add3A_798, %rem3A_353 : vector<16xi32>
        tpu.vector_store_idx %arg11[%add3A_799, %add3A_672], %gather3A_749 : memref<64x128xf32, #tpu.memory_space<vmem>>[vector<16xi32>, vector<16xi32>], vector<16xf32>,
        %add3A_800 = vector.broadcast %mul3A_721 : i32 to vector<16xi32>
        %add3A_801 = arith.addi %add3A_800, %rem3A_359 : vector<16xi32>
        tpu.vector_store_idx %arg11[%add3A_801, %add3A_672], %gather3A_753 : memref<64x128xf32, #tpu.memory_space<vmem>>[vector<16xi32>, vector<16xi32>], vector<16xf32>,
        %add3A_802 = vector.broadcast %mul3A_721 : i32 to vector<16xi32>
        %add3A_803 = arith.addi %add3A_802, %rem3A_365 : vector<16xi32>
        tpu.vector_store_idx %arg11[%add3A_803, %add3A_672], %gather3A_757 : memref<64x128xf32, #tpu.memory_space<vmem>>[vector<16xi32>, vector<16xi32>], vector<16xf32>,
        %add3A_804 = vector.broadcast %mul3A_721 : i32 to vector<16xi32>
        %add3A_805 = arith.addi %add3A_804, %rem3A_371 : vector<16xi32>
        tpu.vector_store_idx %arg11[%add3A_805, %add3A_672], %gather3A_761 : memref<64x128xf32, #tpu.memory_space<vmem>>[vector<16xi32>, vector<16xi32>], vector<16xf32>,
        %add3A_806 = vector.broadcast %mul3A_721 : i32 to vector<16xi32>
        %add3A_807 = arith.addi %add3A_806, %rem3A_377 : vector<16xi32>
        tpu.vector_store_idx %arg11[%add3A_807, %add3A_672], %gather3A_765 : memref<64x128xf32, #tpu.memory_space<vmem>>[vector<16xi32>, vector<16xi32>], vector<16xf32>,
        %add3A_808 = vector.broadcast %mul3A_721 : i32 to vector<16xi32>
        %add3A_809 = arith.addi %add3A_808, %rem3A_383 : vector<16xi32>
        tpu.vector_store_idx %arg11[%add3A_809, %add3A_672], %gather3A_769 : memref<64x128xf32, #tpu.memory_space<vmem>>[vector<16xi32>, vector<16xi32>], vector<16xf32>,
        %add3A_810 = vector.broadcast %mul3A_721 : i32 to vector<16xi32>
        %add3A_811 = arith.addi %add3A_810, %rem3A_389 : vector<16xi32>
        tpu.vector_store_idx %arg11[%add3A_811, %add3A_672], %gather3A_773 : memref<64x128xf32, #tpu.memory_space<vmem>>[vector<16xi32>, vector<16xi32>], vector<16xf32>,
        %add3A_812 = vector.broadcast %mul3A_721 : i32 to vector<16xi32>
        %add3A_813 = arith.addi %add3A_812, %rem3A_395 : vector<16xi32>
        tpu.vector_store_idx %arg11[%add3A_813, %add3A_672], %gather3A_777 : memref<64x128xf32, #tpu.memory_space<vmem>>[vector<16xi32>, vector<16xi32>], vector<16xf32>,
        %add3A_814 = vector.broadcast %mul3A_721 : i32 to vector<16xi32>
        %add3A_815 = arith.addi %add3A_814, %rem3A_401 : vector<16xi32>
        tpu.vector_store_idx %arg11[%add3A_815, %add3A_672], %gather3A_781 : memref<64x128xf32, #tpu.memory_space<vmem>>[vector<16xi32>, vector<16xi32>], vector<16xf32>,
        %add3A_816 = vector.broadcast %mul3A_721 : i32 to vector<16xi32>
        %add3A_817 = arith.addi %add3A_816, %rem3A_407 : vector<16xi32>
        tpu.vector_store_idx %arg11[%add3A_817, %add3A_672], %gather3A_785 : memref<64x128xf32, #tpu.memory_space<vmem>>[vector<16xi32>, vector<16xi32>], vector<16xf32>,
      }
      %scan3A_413 = arith.constant 32 : i32
      %add3A_414 = arith.addi %mul3A_4, %add3A_299 : i32
      %jit3A_415 = arith.constant 128 : i32
      %div3A_416 = arith.divsi %add3A_414, %jit3A_415 : i32
      %sign3A_417 = arith.constant 0 : i32
      %sign3A_418 = arith.cmpi sgt, %add3A_414, %sign3A_417 : i32
      %sign3A_419 = arith.extui %sign3A_418 : i1 to i32
      %sign3A_420 = arith.constant 0 : i32
      %sign3A_421 = arith.cmpi slt, %add3A_414, %sign3A_420 : i32
      %sign3A_422 = arith.extui %sign3A_421 : i1 to i32
      %sign3A_423 = arith.subi %sign3A_419, %sign3A_422 : i32
      %sign3A_424 = arith.constant 0 : i32
      %sign3A_425 = arith.cmpi sgt, %jit3A_415, %sign3A_424 : i32
      %sign3A_426 = arith.extui %sign3A_425 : i1 to i32
      %sign3A_427 = arith.constant 0 : i32
      %sign3A_428 = arith.cmpi slt, %jit3A_415, %sign3A_427 : i32
      %sign3A_429 = arith.extui %sign3A_428 : i1 to i32
      %sign3A_430 = arith.subi %sign3A_426, %sign3A_429 : i32
      %ne3A_431 = arith.cmpi ne, %sign3A_423, %sign3A_430 : i32
      %rem3A_432 = arith.remsi %add3A_414, %jit3A_415 : i32
      %ne3A_433 = arith.constant 0 : i32
      %ne3A_434 = arith.cmpi ne, %rem3A_432, %ne3A_433 : i32
      %and3A_435 = arith.andi %ne3A_431, %ne3A_434 : i1
      %sub3A_436 = arith.constant 1 : i32
      %sub3A_437 = arith.subi %div3A_416, %sub3A_436 : i32
      %select_n3A_438 = arith.select %and3A_435, %sub3A_437, %div3A_416 : i32
      %add3A_439 = arith.addi %mul3A_4, %add3A_299 : i32
      %jit3A_440 = arith.constant 128 : i32
      %eq3A_441 = arith.constant 0 : i32
      %eq3A_442 = arith.cmpi eq, %jit3A_440, %eq3A_441 : i32
      %jit3A_443 = arith.constant 1 : i32
      %select_n3A_444 = arith.select %eq3A_442, %jit3A_443, %jit3A_440 : i32
      %rem3A_445 = arith.remsi %add3A_439, %select_n3A_444 : i32
      %ne3A_446 = arith.constant 0 : i32
      %ne3A_447 = arith.cmpi ne, %rem3A_445, %ne3A_446 : i32
      %lt3A_448 = arith.constant 0 : i32
      %lt3A_449 = arith.cmpi slt, %rem3A_445, %lt3A_448 : i32
      %lt3A_450 = arith.constant 0 : i32
      %lt3A_451 = arith.cmpi slt, %select_n3A_444, %lt3A_450 : i32
      %ne3A_452 = arith.xori %lt3A_449, %lt3A_451 : i1
      %and3A_453 = arith.andi %ne3A_452, %ne3A_447 : i1
      %add3A_454 = arith.addi %rem3A_445, %select_n3A_444 : i32
      %select_n3A_455 = arith.select %and3A_453, %add3A_454, %rem3A_445 : i32
      %mul3A_456 = arith.constant 128 : i32
      %mul3A_457 = arith.muli %select_n3A_455, %mul3A_456 : i32
      %multiple_of3A_458 = tpu.assume_multiple %mul3A_457, 128 : i32
      %dma_start3A_459 = arith.constant 0 : i32
      %dma_start3A_460 = tpu.memref_slice %arg4[%select_n3A_438, %dma_start3A_459, %multiple_of3A_458] : memref<26x64x16384xf32, #tpu.memory_space<hbm>> -> memref<1x64x128xf32, #tpu.memory_space<hbm>>
      %dma_start3A_461 = tpu.memref_squeeze %dma_start3A_460 : memref<1x64x128xf32, #tpu.memory_space<hbm>> -> memref<64x128xf32, #tpu.memory_space<hbm>>
      %dma_start3A_462 = arith.constant 0 : i32
      %dma_start3A_463 = tpu.memref_slice %arg4[%select_n3A_438, %dma_start3A_462, %multiple_of3A_458] : memref<26x64x16384xf32, #tpu.memory_space<hbm>> -> memref<1x64x128xf32, #tpu.memory_space<hbm>>
      %dma_start3A_464 = tpu.memref_squeeze %dma_start3A_463 : memref<1x64x128xf32, #tpu.memory_space<hbm>> -> memref<64x128xf32, #tpu.memory_space<hbm>>
      tpu.enqueue_dma source(%arg11 : memref<64x128xf32, #tpu.memory_space<vmem>>) target(%dma_start3A_464 : memref<64x128xf32, #tpu.memory_space<hbm>>) target_semaphore(%arg16 : memref<!tpu.dma_semaphore, #tpu.memory_space<semaphore_mem>>)
      %lt3A_465 = arith.constant 51 : i32
      %lt3A_466 = arith.cmpi slt, %scan3A_124, %lt3A_465 : i32
      %convert_element_type3A_467 = arith.extui %lt3A_466 : i1 to i32
      %cond3A_468 = arith.constant 0 : i32
      %cond3A_469 = arith.cmpi ne, %convert_element_type3A_467, %cond3A_468 : i32
      scf.if %cond3A_469 {
        %add3A_470 = arith.constant 2 : i32
        %add3A_471 = arith.addi %add3A_299, %add3A_470 : i32
        %mul3A_472 = arith.constant 128 : i32
        %mul3A_473 = arith.muli %add3A_471, %mul3A_472 : i32
        %multiple_of3A_474 = tpu.assume_multiple %mul3A_473, 8 : i32
        %dma_start3A_475 = tpu.memref_slice %arg6[%multiple_of3A_474] : memref<13312xi32, #tpu.memory_space<vmem>> -> memref<128xi32, #tpu.memory_space<vmem>>
        %dma_start3A_476 = arith.constant 0 : i32
        %dma_start3A_477 = arith.constant 0 : i32
        %dma_start3A_478 = tpu.memref_slice %arg3[%dma_start3A_476, %dma_start3A_477] : memref<500000x128xf32, #tpu.memory_space<hbm>> -> memref<500000x128xf32, #tpu.memory_space<hbm>>
        tpu.enqueue_indirect_dma source(%dma_start3A_478 : memref<500000x128xf32, #tpu.memory_space<hbm>>) target(%arg9 : memref<128x128xf32, #tpu.memory_space<vmem>>) offsets(%dma_start3A_475 : memref<128xi32, #tpu.memory_space<vmem>>) semaphore(%arg14 : memref<!tpu.dma_semaphore, #tpu.memory_space<semaphore_mem>>)
      } else {
      }
    }
    %scan3A_28 = arith.constant 52 : i32
    %add3A_29 = arith.constant 102 : i32
    %add3A_30 = arith.addi %mul3A_4, %add3A_29 : i32
    %jit3A = arith.constant 128 : i32
    %div3A = arith.divsi %add3A_30, %jit3A : i32
    %sign3A = arith.constant 0 : i32
    %sign3A_31 = arith.cmpi sgt, %add3A_30, %sign3A : i32
    %sign3A_32 = arith.extui %sign3A_31 : i1 to i32
    %sign3A_33 = arith.constant 0 : i32
    %sign3A_34 = arith.cmpi slt, %add3A_30, %sign3A_33 : i32
    %sign3A_35 = arith.extui %sign3A_34 : i1 to i32
    %sign3A_36 = arith.subi %sign3A_32, %sign3A_35 : i32
    %sign3A_37 = arith.constant 0 : i32
    %sign3A_38 = arith.cmpi sgt, %jit3A, %sign3A_37 : i32
    %sign3A_39 = arith.extui %sign3A_38 : i1 to i32
    %sign3A_40 = arith.constant 0 : i32
    %sign3A_41 = arith.cmpi slt, %jit3A, %sign3A_40 : i32
    %sign3A_42 = arith.extui %sign3A_41 : i1 to i32
    %sign3A_43 = arith.subi %sign3A_39, %sign3A_42 : i32
    %ne3A = arith.cmpi ne, %sign3A_36, %sign3A_43 : i32
    %rem3A = arith.remsi %add3A_30, %jit3A : i32
    %ne3A_44 = arith.constant 0 : i32
    %ne3A_45 = arith.cmpi ne, %rem3A, %ne3A_44 : i32
    %and3A = arith.andi %ne3A, %ne3A_45 : i1
    %sub3A = arith.constant 1 : i32
    %sub3A_46 = arith.subi %div3A, %sub3A : i32
    %select_n3A = arith.select %and3A, %sub3A_46, %div3A : i32
    %add3A_47 = arith.constant 102 : i32
    %add3A_48 = arith.addi %mul3A_4, %add3A_47 : i32
    %jit3A_49 = arith.constant 128 : i32
    %eq3A = arith.constant 0 : i32
    %eq3A_50 = arith.cmpi eq, %jit3A_49, %eq3A : i32
    %jit3A_51 = arith.constant 1 : i32
    %select_n3A_52 = arith.select %eq3A_50, %jit3A_51, %jit3A_49 : i32
    %rem3A_53 = arith.remsi %add3A_48, %select_n3A_52 : i32
    %ne3A_54 = arith.constant 0 : i32
    %ne3A_55 = arith.cmpi ne, %rem3A_53, %ne3A_54 : i32
    %lt3A = arith.constant 0 : i32
    %lt3A_56 = arith.cmpi slt, %rem3A_53, %lt3A : i32
    %lt3A_57 = arith.constant 0 : i32
    %lt3A_58 = arith.cmpi slt, %select_n3A_52, %lt3A_57 : i32
    %ne3A_59 = arith.xori %lt3A_56, %lt3A_58 : i1
    %and3A_60 = arith.andi %ne3A_59, %ne3A_55 : i1
    %add3A_61 = arith.addi %rem3A_53, %select_n3A_52 : i32
    %select_n3A_62 = arith.select %and3A_60, %add3A_61, %rem3A_53 : i32
    %mul3A_63 = arith.constant 128 : i32
    %mul3A_64 = arith.muli %select_n3A_62, %mul3A_63 : i32
    %multiple_of3A_65 = tpu.assume_multiple %mul3A_64, 128 : i32
    %dma_wait3A = arith.constant 0 : i32
    %dma_wait3A_66 = tpu.memref_slice %arg4[%select_n3A, %dma_wait3A, %multiple_of3A_65] : memref<26x64x16384xf32, #tpu.memory_space<hbm>> -> memref<1x64x128xf32, #tpu.memory_space<hbm>>
    %dma_wait3A_67 = tpu.memref_squeeze %dma_wait3A_66 : memref<1x64x128xf32, #tpu.memory_space<hbm>> -> memref<64x128xf32, #tpu.memory_space<hbm>>
    %dma_wait3A_68 = arith.constant 0 : i32
    %dma_wait3A_69 = tpu.memref_slice %arg4[%select_n3A, %dma_wait3A_68, %multiple_of3A_65] : memref<26x64x16384xf32, #tpu.memory_space<hbm>> -> memref<1x64x128xf32, #tpu.memory_space<hbm>>
    %dma_wait3A_70 = tpu.memref_squeeze %dma_wait3A_69 : memref<1x64x128xf32, #tpu.memory_space<hbm>> -> memref<64x128xf32, #tpu.memory_space<hbm>>
    tpu.wait_dma2 semaphore(%arg15 : memref<!tpu.dma_semaphore, #tpu.memory_space<semaphore_mem>>) src(%arg10 : memref<64x128xf32, #tpu.memory_space<vmem>>) dst(%dma_wait3A_70 : memref<64x128xf32, #tpu.memory_space<hbm>>)
    %add3A_71 = arith.constant 103 : i32
    %add3A_72 = arith.addi %mul3A_4, %add3A_71 : i32
    %jit3A_73 = arith.constant 128 : i32
    %div3A_74 = arith.divsi %add3A_72, %jit3A_73 : i32
    %sign3A_75 = arith.constant 0 : i32
    %sign3A_76 = arith.cmpi sgt, %add3A_72, %sign3A_75 : i32
    %sign3A_77 = arith.extui %sign3A_76 : i1 to i32
    %sign3A_78 = arith.constant 0 : i32
    %sign3A_79 = arith.cmpi slt, %add3A_72, %sign3A_78 : i32
    %sign3A_80 = arith.extui %sign3A_79 : i1 to i32
    %sign3A_81 = arith.subi %sign3A_77, %sign3A_80 : i32
    %sign3A_82 = arith.constant 0 : i32
    %sign3A_83 = arith.cmpi sgt, %jit3A_73, %sign3A_82 : i32
    %sign3A_84 = arith.extui %sign3A_83 : i1 to i32
    %sign3A_85 = arith.constant 0 : i32
    %sign3A_86 = arith.cmpi slt, %jit3A_73, %sign3A_85 : i32
    %sign3A_87 = arith.extui %sign3A_86 : i1 to i32
    %sign3A_88 = arith.subi %sign3A_84, %sign3A_87 : i32
    %ne3A_89 = arith.cmpi ne, %sign3A_81, %sign3A_88 : i32
    %rem3A_90 = arith.remsi %add3A_72, %jit3A_73 : i32
    %ne3A_91 = arith.constant 0 : i32
    %ne3A_92 = arith.cmpi ne, %rem3A_90, %ne3A_91 : i32
    %and3A_93 = arith.andi %ne3A_89, %ne3A_92 : i1
    %sub3A_94 = arith.constant 1 : i32
    %sub3A_95 = arith.subi %div3A_74, %sub3A_94 : i32
    %select_n3A_96 = arith.select %and3A_93, %sub3A_95, %div3A_74 : i32
    %add3A_97 = arith.constant 103 : i32
    %add3A_98 = arith.addi %mul3A_4, %add3A_97 : i32
    %jit3A_99 = arith.constant 128 : i32
    %eq3A_100 = arith.constant 0 : i32
    %eq3A_101 = arith.cmpi eq, %jit3A_99, %eq3A_100 : i32
    %jit3A_102 = arith.constant 1 : i32
    %select_n3A_103 = arith.select %eq3A_101, %jit3A_102, %jit3A_99 : i32
    %rem3A_104 = arith.remsi %add3A_98, %select_n3A_103 : i32
    %ne3A_105 = arith.constant 0 : i32
    %ne3A_106 = arith.cmpi ne, %rem3A_104, %ne3A_105 : i32
    %lt3A_107 = arith.constant 0 : i32
    %lt3A_108 = arith.cmpi slt, %rem3A_104, %lt3A_107 : i32
    %lt3A_109 = arith.constant 0 : i32
    %lt3A_110 = arith.cmpi slt, %select_n3A_103, %lt3A_109 : i32
    %ne3A_111 = arith.xori %lt3A_108, %lt3A_110 : i1
    %and3A_112 = arith.andi %ne3A_111, %ne3A_106 : i1
    %add3A_113 = arith.addi %rem3A_104, %select_n3A_103 : i32
    %select_n3A_114 = arith.select %and3A_112, %add3A_113, %rem3A_104 : i32
    %mul3A_115 = arith.constant 128 : i32
    %mul3A_116 = arith.muli %select_n3A_114, %mul3A_115 : i32
    %multiple_of3A_117 = tpu.assume_multiple %mul3A_116, 128 : i32
    %dma_wait3A_118 = arith.constant 0 : i32
    %dma_wait3A_119 = tpu.memref_slice %arg4[%select_n3A_96, %dma_wait3A_118, %multiple_of3A_117] : memref<26x64x16384xf32, #tpu.memory_space<hbm>> -> memref<1x64x128xf32, #tpu.memory_space<hbm>>
    %dma_wait3A_120 = tpu.memref_squeeze %dma_wait3A_119 : memref<1x64x128xf32, #tpu.memory_space<hbm>> -> memref<64x128xf32, #tpu.memory_space<hbm>>
    %dma_wait3A_121 = arith.constant 0 : i32
    %dma_wait3A_122 = tpu.memref_slice %arg4[%select_n3A_96, %dma_wait3A_121, %multiple_of3A_117] : memref<26x64x16384xf32, #tpu.memory_space<hbm>> -> memref<1x64x128xf32, #tpu.memory_space<hbm>>
    %dma_wait3A_123 = tpu.memref_squeeze %dma_wait3A_122 : memref<1x64x128xf32, #tpu.memory_space<hbm>> -> memref<64x128xf32, #tpu.memory_space<hbm>>
    tpu.wait_dma2 semaphore(%arg16 : memref<!tpu.dma_semaphore, #tpu.memory_space<semaphore_mem>>) src(%arg11 : memref<64x128xf32, #tpu.memory_space<vmem>>) dst(%dma_wait3A_123 : memref<64x128xf32, #tpu.memory_space<hbm>>)
    return
  }
}

#map = affine_map<(d0, d1) -> (0, 0)>
module attributes {stable_mosaic.version = 14 : i64} {
  func.func @_widen_body(%arg0: i32, %arg1: i32, %arg2: memref<64x1000000xf32, #tpu.memory_space<hbm>>, %arg3: memref<64x256xf32, #tpu.memory_space<hbm>>, %arg4: memref<500000x128xf32, #tpu.memory_space<hbm>>, %arg5: memref<64x256xf32, #tpu.memory_space<vmem>>, %arg6: memref<64x256xf32, #tpu.memory_space<vmem>>, %arg7: memref<128x128xf32, #tpu.memory_space<vmem>>, %arg8: memref<128x128xf32, #tpu.memory_space<vmem>>, %arg9: memref<16xi32, #tpu.memory_space<vmem>>, %arg10: memref<!tpu.dma_semaphore, #tpu.memory_space<semaphore_mem>>, %arg11: memref<!tpu.dma_semaphore, #tpu.memory_space<semaphore_mem>>, %arg12: memref<!tpu.dma_semaphore, #tpu.memory_space<semaphore_mem>>, %arg13: memref<!tpu.dma_semaphore, #tpu.memory_space<semaphore_mem>>) attributes {dimension_semantics = [#tpu.dimension_semantics<core_parallel>, #tpu.dimension_semantics<subcore_parallel>], iteration_bounds = array<i64: 2, 16>, scalar_prefetch = 0 : i64, scratch_operands = 9 : i64, tpu.core_type = #tpu.core_type<sc_vector_subcore>, window_params = [{transform_indices = #map}, {transform_indices = #map}, {transform_indices = #map}]} {
    %mul3A = arith.constant 2 : i32
    %mul3A_0 = arith.muli %arg1, %mul3A : i32
    %add3A = arith.addi %mul3A_0, %arg0 : i32
    %iota3A = tpu.iota {dimensions = array<i32: 0>} : vector<16xi32>
    %swap3A = arith.constant 0 : index
    %swap3A_1 = tpu.vector_load %arg9[%swap3A] {strides = array<i32>} : memref<16xi32, #tpu.memory_space<vmem>>, vector<16xi32>,
    tpu.vector_store %arg9[%swap3A], %iota3A {strides = array<i32>} : memref<16xi32, #tpu.memory_space<vmem>>, vector<16xi32>,
    %get3A = arith.constant 0 : index
    %get3A_2 = tpu.vector_load %arg9[%get3A] {strides = array<i32>} : memref<16xi32, #tpu.memory_space<vmem>>, vector<16xi32>,
    %add3A_3 = arith.constant 0 : i32
    %add3A_4 = arith.addi %add3A, %add3A_3 : i32
    %lt3A = arith.constant 3906 : i32
    %lt3A_5 = arith.cmpi slt, %add3A_4, %lt3A : i32
    %convert_element_type3A = arith.extui %lt3A_5 : i1 to i32
    %cond3A = arith.constant 0 : i32
    %cond3A_6 = arith.cmpi ne, %convert_element_type3A, %cond3A : i32
    scf.if %cond3A_6 {
      %add3A_37 = arith.constant 0 : i32
      %add3A_38 = arith.addi %add3A, %add3A_37 : i32
      %mul3A_39 = arith.constant 256 : i32
      %mul3A_40 = arith.muli %add3A_38, %mul3A_39 : i32
      %multiple_of3A = tpu.assume_multiple %mul3A_40, 128 : i32
      %dma_start3A = arith.constant 0 : i32
      %dma_start3A_41 = tpu.memref_slice %arg2[%dma_start3A, %multiple_of3A] : memref<64x1000000xf32, #tpu.memory_space<hbm>> -> memref<64x256xf32, #tpu.memory_space<hbm>>
      %dma_start3A_42 = arith.constant 0 : i32
      %dma_start3A_43 = tpu.memref_slice %arg2[%dma_start3A_42, %multiple_of3A] : memref<64x1000000xf32, #tpu.memory_space<hbm>> -> memref<64x256xf32, #tpu.memory_space<hbm>>
      tpu.enqueue_dma source(%dma_start3A_43 : memref<64x256xf32, #tpu.memory_space<hbm>>) target(%arg5 : memref<64x256xf32, #tpu.memory_space<vmem>>) target_semaphore(%arg10 : memref<!tpu.dma_semaphore, #tpu.memory_space<semaphore_mem>>)
    } else {
    }
    %add3A_7 = arith.constant 32 : i32
    %add3A_8 = arith.addi %add3A, %add3A_7 : i32
    %lt3A_9 = arith.constant 3906 : i32
    %lt3A_10 = arith.cmpi slt, %add3A_8, %lt3A_9 : i32
    %convert_element_type3A_11 = arith.extui %lt3A_10 : i1 to i32
    %cond3A_12 = arith.constant 0 : i32
    %cond3A_13 = arith.cmpi ne, %convert_element_type3A_11, %cond3A_12 : i32
    scf.if %cond3A_13 {
      %add3A_37 = arith.constant 32 : i32
      %add3A_38 = arith.addi %add3A, %add3A_37 : i32
      %mul3A_39 = arith.constant 256 : i32
      %mul3A_40 = arith.muli %add3A_38, %mul3A_39 : i32
      %multiple_of3A = tpu.assume_multiple %mul3A_40, 128 : i32
      %dma_start3A = arith.constant 0 : i32
      %dma_start3A_41 = tpu.memref_slice %arg2[%dma_start3A, %multiple_of3A] : memref<64x1000000xf32, #tpu.memory_space<hbm>> -> memref<64x256xf32, #tpu.memory_space<hbm>>
      %dma_start3A_42 = arith.constant 0 : i32
      %dma_start3A_43 = tpu.memref_slice %arg2[%dma_start3A_42, %multiple_of3A] : memref<64x1000000xf32, #tpu.memory_space<hbm>> -> memref<64x256xf32, #tpu.memory_space<hbm>>
      tpu.enqueue_dma source(%dma_start3A_43 : memref<64x256xf32, #tpu.memory_space<hbm>>) target(%arg6 : memref<64x256xf32, #tpu.memory_space<vmem>>) target_semaphore(%arg11 : memref<!tpu.dma_semaphore, #tpu.memory_space<semaphore_mem>>)
    } else {
    }
    %scan3A = arith.constant 0 : i32
    %scan3A_14 = arith.constant 0 : i32
    %scan3A_15 = arith.constant 62 : i32
    %scan3A_16 = arith.addi %scan3A_14, %scan3A_15 : i32
    %scan3A_17 = arith.constant 1 : i32
    scf.for %scan3A_37 = %scan3A_14 to %scan3A_16 step %scan3A_17  : i32 {
      %mul3A_38 = arith.constant 2 : i32
      %mul3A_39 = arith.muli %scan3A_37, %mul3A_38 : i32
      %add3A_40 = arith.constant 0 : i32
      %add3A_41 = arith.addi %mul3A_39, %add3A_40 : i32
      %mul3A_42 = arith.constant 32 : i32
      %mul3A_43 = arith.muli %add3A_41, %mul3A_42 : i32
      %add3A_44 = arith.addi %add3A, %mul3A_43 : i32
      %lt3A_45 = arith.constant 3906 : i32
      %lt3A_46 = arith.cmpi slt, %add3A_44, %lt3A_45 : i32
      %convert_element_type3A_47 = arith.extui %lt3A_46 : i1 to i32
      %cond3A_48 = arith.constant 0 : i32
      %cond3A_49 = arith.cmpi ne, %convert_element_type3A_47, %cond3A_48 : i32
      scf.if %cond3A_49 {
        %mul3A_62 = arith.constant 32 : i32
        %mul3A_63 = arith.muli %add3A_41, %mul3A_62 : i32
        %add3A_64 = arith.addi %add3A, %mul3A_63 : i32
        %mul3A_65 = arith.constant 256 : i32
        %mul3A_66 = arith.muli %add3A_64, %mul3A_65 : i32
        %multiple_of3A = tpu.assume_multiple %mul3A_66, 128 : i32
        %dma_wait3A = arith.constant 0 : i32
        %dma_wait3A_67 = tpu.memref_slice %arg2[%dma_wait3A, %multiple_of3A] : memref<64x1000000xf32, #tpu.memory_space<hbm>> -> memref<64x256xf32, #tpu.memory_space<hbm>>
        %dma_wait3A_68 = arith.constant 0 : i32
        %dma_wait3A_69 = tpu.memref_slice %arg2[%dma_wait3A_68, %multiple_of3A] : memref<64x1000000xf32, #tpu.memory_space<hbm>> -> memref<64x256xf32, #tpu.memory_space<hbm>>
        tpu.wait_dma2 semaphore(%arg10 : memref<!tpu.dma_semaphore, #tpu.memory_space<semaphore_mem>>) src(%dma_wait3A_69 : memref<64x256xf32, #tpu.memory_space<hbm>>) dst(%arg5 : memref<64x256xf32, #tpu.memory_space<vmem>>)
        %ge3A = arith.constant 1 : i32
        %ge3A_70 = arith.cmpi sge, %scan3A_37, %ge3A : i32
        %convert_element_type3A_71 = arith.extui %ge3A_70 : i1 to i32
        %cond3A_72 = arith.constant 0 : i32
        %cond3A_73 = arith.cmpi ne, %convert_element_type3A_71, %cond3A_72 : i32
        scf.if %cond3A_73 {
          %sub3A = arith.constant 2 : i32
          %sub3A_335 = arith.subi %add3A_41, %sub3A : i32
          %mul3A_336 = arith.constant 32 : i32
          %mul3A_337 = arith.muli %sub3A_335, %mul3A_336 : i32
          %add3A_338 = arith.addi %add3A, %mul3A_337 : i32
          %mul3A_339 = arith.constant 128 : i32
          %mul3A_340 = arith.muli %add3A_338, %mul3A_339 : i32
          %multiple_of3A_341 = tpu.assume_multiple %mul3A_340, 128 : i32
          %dma_wait3A_342 = arith.constant 0 : i32
          %dma_wait3A_343 = tpu.memref_slice %arg4[%multiple_of3A_341, %dma_wait3A_342] : memref<500000x128xf32, #tpu.memory_space<hbm>> -> memref<128x128xf32, #tpu.memory_space<hbm>>
          %dma_wait3A_344 = arith.constant 0 : i32
          %dma_wait3A_345 = tpu.memref_slice %arg4[%multiple_of3A_341, %dma_wait3A_344] : memref<500000x128xf32, #tpu.memory_space<hbm>> -> memref<128x128xf32, #tpu.memory_space<hbm>>
          tpu.wait_dma2 semaphore(%arg12 : memref<!tpu.dma_semaphore, #tpu.memory_space<semaphore_mem>>) src(%arg7 : memref<128x128xf32, #tpu.memory_space<vmem>>) dst(%dma_wait3A_345 : memref<128x128xf32, #tpu.memory_space<hbm>>)
        } else {
        }
        %add3A_74 = arith.constant 0 : i32
        %add3A_75 = vector.broadcast %add3A_74 : i32 to vector<16xi32>
        %add3A_76 = arith.addi %get3A_2, %add3A_75 : vector<16xi32>
        %rem3A = arith.constant 16 : i32
        %rem3A_77 = vector.broadcast %rem3A : i32 to vector<16xi32>
        %rem3A_78 = arith.remsi %add3A_76, %rem3A_77 : vector<16xi32>
        %add3A_79 = arith.constant 1 : i32
        %add3A_80 = vector.broadcast %add3A_79 : i32 to vector<16xi32>
        %add3A_81 = arith.addi %get3A_2, %add3A_80 : vector<16xi32>
        %rem3A_82 = arith.constant 16 : i32
        %rem3A_83 = vector.broadcast %rem3A_82 : i32 to vector<16xi32>
        %rem3A_84 = arith.remsi %add3A_81, %rem3A_83 : vector<16xi32>
        %add3A_85 = arith.constant 2 : i32
        %add3A_86 = vector.broadcast %add3A_85 : i32 to vector<16xi32>
        %add3A_87 = arith.addi %get3A_2, %add3A_86 : vector<16xi32>
        %rem3A_88 = arith.constant 16 : i32
        %rem3A_89 = vector.broadcast %rem3A_88 : i32 to vector<16xi32>
        %rem3A_90 = arith.remsi %add3A_87, %rem3A_89 : vector<16xi32>
        %add3A_91 = arith.constant 3 : i32
        %add3A_92 = vector.broadcast %add3A_91 : i32 to vector<16xi32>
        %add3A_93 = arith.addi %get3A_2, %add3A_92 : vector<16xi32>
        %rem3A_94 = arith.constant 16 : i32
        %rem3A_95 = vector.broadcast %rem3A_94 : i32 to vector<16xi32>
        %rem3A_96 = arith.remsi %add3A_93, %rem3A_95 : vector<16xi32>
        %add3A_97 = arith.constant 4 : i32
        %add3A_98 = vector.broadcast %add3A_97 : i32 to vector<16xi32>
        %add3A_99 = arith.addi %get3A_2, %add3A_98 : vector<16xi32>
        %rem3A_100 = arith.constant 16 : i32
        %rem3A_101 = vector.broadcast %rem3A_100 : i32 to vector<16xi32>
        %rem3A_102 = arith.remsi %add3A_99, %rem3A_101 : vector<16xi32>
        %add3A_103 = arith.constant 5 : i32
        %add3A_104 = vector.broadcast %add3A_103 : i32 to vector<16xi32>
        %add3A_105 = arith.addi %get3A_2, %add3A_104 : vector<16xi32>
        %rem3A_106 = arith.constant 16 : i32
        %rem3A_107 = vector.broadcast %rem3A_106 : i32 to vector<16xi32>
        %rem3A_108 = arith.remsi %add3A_105, %rem3A_107 : vector<16xi32>
        %add3A_109 = arith.constant 6 : i32
        %add3A_110 = vector.broadcast %add3A_109 : i32 to vector<16xi32>
        %add3A_111 = arith.addi %get3A_2, %add3A_110 : vector<16xi32>
        %rem3A_112 = arith.constant 16 : i32
        %rem3A_113 = vector.broadcast %rem3A_112 : i32 to vector<16xi32>
        %rem3A_114 = arith.remsi %add3A_111, %rem3A_113 : vector<16xi32>
        %add3A_115 = arith.constant 7 : i32
        %add3A_116 = vector.broadcast %add3A_115 : i32 to vector<16xi32>
        %add3A_117 = arith.addi %get3A_2, %add3A_116 : vector<16xi32>
        %rem3A_118 = arith.constant 16 : i32
        %rem3A_119 = vector.broadcast %rem3A_118 : i32 to vector<16xi32>
        %rem3A_120 = arith.remsi %add3A_117, %rem3A_119 : vector<16xi32>
        %add3A_121 = arith.constant 8 : i32
        %add3A_122 = vector.broadcast %add3A_121 : i32 to vector<16xi32>
        %add3A_123 = arith.addi %get3A_2, %add3A_122 : vector<16xi32>
        %rem3A_124 = arith.constant 16 : i32
        %rem3A_125 = vector.broadcast %rem3A_124 : i32 to vector<16xi32>
        %rem3A_126 = arith.remsi %add3A_123, %rem3A_125 : vector<16xi32>
        %add3A_127 = arith.constant 9 : i32
        %add3A_128 = vector.broadcast %add3A_127 : i32 to vector<16xi32>
        %add3A_129 = arith.addi %get3A_2, %add3A_128 : vector<16xi32>
        %rem3A_130 = arith.constant 16 : i32
        %rem3A_131 = vector.broadcast %rem3A_130 : i32 to vector<16xi32>
        %rem3A_132 = arith.remsi %add3A_129, %rem3A_131 : vector<16xi32>
        %add3A_133 = arith.constant 10 : i32
        %add3A_134 = vector.broadcast %add3A_133 : i32 to vector<16xi32>
        %add3A_135 = arith.addi %get3A_2, %add3A_134 : vector<16xi32>
        %rem3A_136 = arith.constant 16 : i32
        %rem3A_137 = vector.broadcast %rem3A_136 : i32 to vector<16xi32>
        %rem3A_138 = arith.remsi %add3A_135, %rem3A_137 : vector<16xi32>
        %add3A_139 = arith.constant 11 : i32
        %add3A_140 = vector.broadcast %add3A_139 : i32 to vector<16xi32>
        %add3A_141 = arith.addi %get3A_2, %add3A_140 : vector<16xi32>
        %rem3A_142 = arith.constant 16 : i32
        %rem3A_143 = vector.broadcast %rem3A_142 : i32 to vector<16xi32>
        %rem3A_144 = arith.remsi %add3A_141, %rem3A_143 : vector<16xi32>
        %add3A_145 = arith.constant 12 : i32
        %add3A_146 = vector.broadcast %add3A_145 : i32 to vector<16xi32>
        %add3A_147 = arith.addi %get3A_2, %add3A_146 : vector<16xi32>
        %rem3A_148 = arith.constant 16 : i32
        %rem3A_149 = vector.broadcast %rem3A_148 : i32 to vector<16xi32>
        %rem3A_150 = arith.remsi %add3A_147, %rem3A_149 : vector<16xi32>
        %add3A_151 = arith.constant 13 : i32
        %add3A_152 = vector.broadcast %add3A_151 : i32 to vector<16xi32>
        %add3A_153 = arith.addi %get3A_2, %add3A_152 : vector<16xi32>
        %rem3A_154 = arith.constant 16 : i32
        %rem3A_155 = vector.broadcast %rem3A_154 : i32 to vector<16xi32>
        %rem3A_156 = arith.remsi %add3A_153, %rem3A_155 : vector<16xi32>
        %add3A_157 = arith.constant 14 : i32
        %add3A_158 = vector.broadcast %add3A_157 : i32 to vector<16xi32>
        %add3A_159 = arith.addi %get3A_2, %add3A_158 : vector<16xi32>
        %rem3A_160 = arith.constant 16 : i32
        %rem3A_161 = vector.broadcast %rem3A_160 : i32 to vector<16xi32>
        %rem3A_162 = arith.remsi %add3A_159, %rem3A_161 : vector<16xi32>
        %add3A_163 = arith.constant 15 : i32
        %add3A_164 = vector.broadcast %add3A_163 : i32 to vector<16xi32>
        %add3A_165 = arith.addi %get3A_2, %add3A_164 : vector<16xi32>
        %rem3A_166 = arith.constant 16 : i32
        %rem3A_167 = vector.broadcast %rem3A_166 : i32 to vector<16xi32>
        %rem3A_168 = arith.remsi %add3A_165, %rem3A_167 : vector<16xi32>
        %shift_right_logical3A = arith.constant 1 : i32
        %shift_right_logical3A_169 = vector.broadcast %shift_right_logical3A : i32 to vector<16xi32>
        %shift_right_logical3A_170 = arith.shrui %rem3A_78, %shift_right_logical3A_169 : vector<16xi32>
        %shift_right_logical3A_171 = arith.constant 1 : i32
        %shift_right_logical3A_172 = vector.broadcast %shift_right_logical3A_171 : i32 to vector<16xi32>
        %shift_right_logical3A_173 = arith.shrui %rem3A_84, %shift_right_logical3A_172 : vector<16xi32>
        %shift_right_logical3A_174 = arith.constant 1 : i32
        %shift_right_logical3A_175 = vector.broadcast %shift_right_logical3A_174 : i32 to vector<16xi32>
        %shift_right_logical3A_176 = arith.shrui %rem3A_90, %shift_right_logical3A_175 : vector<16xi32>
        %shift_right_logical3A_177 = arith.constant 1 : i32
        %shift_right_logical3A_178 = vector.broadcast %shift_right_logical3A_177 : i32 to vector<16xi32>
        %shift_right_logical3A_179 = arith.shrui %rem3A_96, %shift_right_logical3A_178 : vector<16xi32>
        %shift_right_logical3A_180 = arith.constant 1 : i32
        %shift_right_logical3A_181 = vector.broadcast %shift_right_logical3A_180 : i32 to vector<16xi32>
        %shift_right_logical3A_182 = arith.shrui %rem3A_102, %shift_right_logical3A_181 : vector<16xi32>
        %shift_right_logical3A_183 = arith.constant 1 : i32
        %shift_right_logical3A_184 = vector.broadcast %shift_right_logical3A_183 : i32 to vector<16xi32>
        %shift_right_logical3A_185 = arith.shrui %rem3A_108, %shift_right_logical3A_184 : vector<16xi32>
        %shift_right_logical3A_186 = arith.constant 1 : i32
        %shift_right_logical3A_187 = vector.broadcast %shift_right_logical3A_186 : i32 to vector<16xi32>
        %shift_right_logical3A_188 = arith.shrui %rem3A_114, %shift_right_logical3A_187 : vector<16xi32>
        %shift_right_logical3A_189 = arith.constant 1 : i32
        %shift_right_logical3A_190 = vector.broadcast %shift_right_logical3A_189 : i32 to vector<16xi32>
        %shift_right_logical3A_191 = arith.shrui %rem3A_120, %shift_right_logical3A_190 : vector<16xi32>
        %shift_right_logical3A_192 = arith.constant 1 : i32
        %shift_right_logical3A_193 = vector.broadcast %shift_right_logical3A_192 : i32 to vector<16xi32>
        %shift_right_logical3A_194 = arith.shrui %rem3A_126, %shift_right_logical3A_193 : vector<16xi32>
        %shift_right_logical3A_195 = arith.constant 1 : i32
        %shift_right_logical3A_196 = vector.broadcast %shift_right_logical3A_195 : i32 to vector<16xi32>
        %shift_right_logical3A_197 = arith.shrui %rem3A_132, %shift_right_logical3A_196 : vector<16xi32>
        %shift_right_logical3A_198 = arith.constant 1 : i32
        %shift_right_logical3A_199 = vector.broadcast %shift_right_logical3A_198 : i32 to vector<16xi32>
        %shift_right_logical3A_200 = arith.shrui %rem3A_138, %shift_right_logical3A_199 : vector<16xi32>
        %shift_right_logical3A_201 = arith.constant 1 : i32
        %shift_right_logical3A_202 = vector.broadcast %shift_right_logical3A_201 : i32 to vector<16xi32>
        %shift_right_logical3A_203 = arith.shrui %rem3A_144, %shift_right_logical3A_202 : vector<16xi32>
        %shift_right_logical3A_204 = arith.constant 1 : i32
        %shift_right_logical3A_205 = vector.broadcast %shift_right_logical3A_204 : i32 to vector<16xi32>
        %shift_right_logical3A_206 = arith.shrui %rem3A_150, %shift_right_logical3A_205 : vector<16xi32>
        %shift_right_logical3A_207 = arith.constant 1 : i32
        %shift_right_logical3A_208 = vector.broadcast %shift_right_logical3A_207 : i32 to vector<16xi32>
        %shift_right_logical3A_209 = arith.shrui %rem3A_156, %shift_right_logical3A_208 : vector<16xi32>
        %shift_right_logical3A_210 = arith.constant 1 : i32
        %shift_right_logical3A_211 = vector.broadcast %shift_right_logical3A_210 : i32 to vector<16xi32>
        %shift_right_logical3A_212 = arith.shrui %rem3A_162, %shift_right_logical3A_211 : vector<16xi32>
        %shift_right_logical3A_213 = arith.constant 1 : i32
        %shift_right_logical3A_214 = vector.broadcast %shift_right_logical3A_213 : i32 to vector<16xi32>
        %shift_right_logical3A_215 = arith.shrui %rem3A_168, %shift_right_logical3A_214 : vector<16xi32>
        %and3A = arith.constant 1 : i32
        %and3A_216 = vector.broadcast %and3A : i32 to vector<16xi32>
        %and3A_217 = arith.andi %rem3A_78, %and3A_216 : vector<16xi32>
        %shift_left3A = arith.constant 6 : i32
        %shift_left3A_218 = vector.broadcast %shift_left3A : i32 to vector<16xi32>
        %shift_left3A_219 = arith.shli %and3A_217, %shift_left3A_218 : vector<16xi32>
        %and3A_220 = arith.constant 1 : i32
        %and3A_221 = vector.broadcast %and3A_220 : i32 to vector<16xi32>
        %and3A_222 = arith.andi %rem3A_84, %and3A_221 : vector<16xi32>
        %shift_left3A_223 = arith.constant 6 : i32
        %shift_left3A_224 = vector.broadcast %shift_left3A_223 : i32 to vector<16xi32>
        %shift_left3A_225 = arith.shli %and3A_222, %shift_left3A_224 : vector<16xi32>
        %and3A_226 = arith.constant 1 : i32
        %and3A_227 = vector.broadcast %and3A_226 : i32 to vector<16xi32>
        %and3A_228 = arith.andi %rem3A_90, %and3A_227 : vector<16xi32>
        %shift_left3A_229 = arith.constant 6 : i32
        %shift_left3A_230 = vector.broadcast %shift_left3A_229 : i32 to vector<16xi32>
        %shift_left3A_231 = arith.shli %and3A_228, %shift_left3A_230 : vector<16xi32>
        %and3A_232 = arith.constant 1 : i32
        %and3A_233 = vector.broadcast %and3A_232 : i32 to vector<16xi32>
        %and3A_234 = arith.andi %rem3A_96, %and3A_233 : vector<16xi32>
        %shift_left3A_235 = arith.constant 6 : i32
        %shift_left3A_236 = vector.broadcast %shift_left3A_235 : i32 to vector<16xi32>
        %shift_left3A_237 = arith.shli %and3A_234, %shift_left3A_236 : vector<16xi32>
        %and3A_238 = arith.constant 1 : i32
        %and3A_239 = vector.broadcast %and3A_238 : i32 to vector<16xi32>
        %and3A_240 = arith.andi %rem3A_102, %and3A_239 : vector<16xi32>
        %shift_left3A_241 = arith.constant 6 : i32
        %shift_left3A_242 = vector.broadcast %shift_left3A_241 : i32 to vector<16xi32>
        %shift_left3A_243 = arith.shli %and3A_240, %shift_left3A_242 : vector<16xi32>
        %and3A_244 = arith.constant 1 : i32
        %and3A_245 = vector.broadcast %and3A_244 : i32 to vector<16xi32>
        %and3A_246 = arith.andi %rem3A_108, %and3A_245 : vector<16xi32>
        %shift_left3A_247 = arith.constant 6 : i32
        %shift_left3A_248 = vector.broadcast %shift_left3A_247 : i32 to vector<16xi32>
        %shift_left3A_249 = arith.shli %and3A_246, %shift_left3A_248 : vector<16xi32>
        %and3A_250 = arith.constant 1 : i32
        %and3A_251 = vector.broadcast %and3A_250 : i32 to vector<16xi32>
        %and3A_252 = arith.andi %rem3A_114, %and3A_251 : vector<16xi32>
        %shift_left3A_253 = arith.constant 6 : i32
        %shift_left3A_254 = vector.broadcast %shift_left3A_253 : i32 to vector<16xi32>
        %shift_left3A_255 = arith.shli %and3A_252, %shift_left3A_254 : vector<16xi32>
        %and3A_256 = arith.constant 1 : i32
        %and3A_257 = vector.broadcast %and3A_256 : i32 to vector<16xi32>
        %and3A_258 = arith.andi %rem3A_120, %and3A_257 : vector<16xi32>
        %shift_left3A_259 = arith.constant 6 : i32
        %shift_left3A_260 = vector.broadcast %shift_left3A_259 : i32 to vector<16xi32>
        %shift_left3A_261 = arith.shli %and3A_258, %shift_left3A_260 : vector<16xi32>
        %and3A_262 = arith.constant 1 : i32
        %and3A_263 = vector.broadcast %and3A_262 : i32 to vector<16xi32>
        %and3A_264 = arith.andi %rem3A_126, %and3A_263 : vector<16xi32>
        %shift_left3A_265 = arith.constant 6 : i32
        %shift_left3A_266 = vector.broadcast %shift_left3A_265 : i32 to vector<16xi32>
        %shift_left3A_267 = arith.shli %and3A_264, %shift_left3A_266 : vector<16xi32>
        %and3A_268 = arith.constant 1 : i32
        %and3A_269 = vector.broadcast %and3A_268 : i32 to vector<16xi32>
        %and3A_270 = arith.andi %rem3A_132, %and3A_269 : vector<16xi32>
        %shift_left3A_271 = arith.constant 6 : i32
        %shift_left3A_272 = vector.broadcast %shift_left3A_271 : i32 to vector<16xi32>
        %shift_left3A_273 = arith.shli %and3A_270, %shift_left3A_272 : vector<16xi32>
        %and3A_274 = arith.constant 1 : i32
        %and3A_275 = vector.broadcast %and3A_274 : i32 to vector<16xi32>
        %and3A_276 = arith.andi %rem3A_138, %and3A_275 : vector<16xi32>
        %shift_left3A_277 = arith.constant 6 : i32
        %shift_left3A_278 = vector.broadcast %shift_left3A_277 : i32 to vector<16xi32>
        %shift_left3A_279 = arith.shli %and3A_276, %shift_left3A_278 : vector<16xi32>
        %and3A_280 = arith.constant 1 : i32
        %and3A_281 = vector.broadcast %and3A_280 : i32 to vector<16xi32>
        %and3A_282 = arith.andi %rem3A_144, %and3A_281 : vector<16xi32>
        %shift_left3A_283 = arith.constant 6 : i32
        %shift_left3A_284 = vector.broadcast %shift_left3A_283 : i32 to vector<16xi32>
        %shift_left3A_285 = arith.shli %and3A_282, %shift_left3A_284 : vector<16xi32>
        %and3A_286 = arith.constant 1 : i32
        %and3A_287 = vector.broadcast %and3A_286 : i32 to vector<16xi32>
        %and3A_288 = arith.andi %rem3A_150, %and3A_287 : vector<16xi32>
        %shift_left3A_289 = arith.constant 6 : i32
        %shift_left3A_290 = vector.broadcast %shift_left3A_289 : i32 to vector<16xi32>
        %shift_left3A_291 = arith.shli %and3A_288, %shift_left3A_290 : vector<16xi32>
        %and3A_292 = arith.constant 1 : i32
        %and3A_293 = vector.broadcast %and3A_292 : i32 to vector<16xi32>
        %and3A_294 = arith.andi %rem3A_156, %and3A_293 : vector<16xi32>
        %shift_left3A_295 = arith.constant 6 : i32
        %shift_left3A_296 = vector.broadcast %shift_left3A_295 : i32 to vector<16xi32>
        %shift_left3A_297 = arith.shli %and3A_294, %shift_left3A_296 : vector<16xi32>
        %and3A_298 = arith.constant 1 : i32
        %and3A_299 = vector.broadcast %and3A_298 : i32 to vector<16xi32>
        %and3A_300 = arith.andi %rem3A_162, %and3A_299 : vector<16xi32>
        %shift_left3A_301 = arith.constant 6 : i32
        %shift_left3A_302 = vector.broadcast %shift_left3A_301 : i32 to vector<16xi32>
        %shift_left3A_303 = arith.shli %and3A_300, %shift_left3A_302 : vector<16xi32>
        %and3A_304 = arith.constant 1 : i32
        %and3A_305 = vector.broadcast %and3A_304 : i32 to vector<16xi32>
        %and3A_306 = arith.andi %rem3A_168, %and3A_305 : vector<16xi32>
        %shift_left3A_307 = arith.constant 6 : i32
        %shift_left3A_308 = vector.broadcast %shift_left3A_307 : i32 to vector<16xi32>
        %shift_left3A_309 = arith.shli %and3A_306, %shift_left3A_308 : vector<16xi32>
        %scan3A_310 = arith.constant 0 : i32
        %scan3A_311 = arith.constant 0 : i32
        %scan3A_312 = arith.constant 64 : i32
        %scan3A_313 = arith.addi %scan3A_311, %scan3A_312 : i32
        %scan3A_314 = arith.constant 2 : i32
        scf.for %scan3A_335 = %scan3A_311 to %scan3A_313 step %scan3A_314  : i32 {
          %jit3A = arith.constant 16 : i32
          %div3A = arith.divsi %scan3A_335, %jit3A : i32
          %sign3A = arith.constant 0 : i32
          %sign3A_336 = arith.cmpi sgt, %scan3A_335, %sign3A : i32
          %sign3A_337 = arith.extui %sign3A_336 : i1 to i32
          %sign3A_338 = arith.constant 0 : i32
          %sign3A_339 = arith.cmpi slt, %scan3A_335, %sign3A_338 : i32
          %sign3A_340 = arith.extui %sign3A_339 : i1 to i32
          %sign3A_341 = arith.subi %sign3A_337, %sign3A_340 : i32
          %sign3A_342 = arith.constant 0 : i32
          %sign3A_343 = arith.cmpi sgt, %jit3A, %sign3A_342 : i32
          %sign3A_344 = arith.extui %sign3A_343 : i1 to i32
          %sign3A_345 = arith.constant 0 : i32
          %sign3A_346 = arith.cmpi slt, %jit3A, %sign3A_345 : i32
          %sign3A_347 = arith.extui %sign3A_346 : i1 to i32
          %sign3A_348 = arith.subi %sign3A_344, %sign3A_347 : i32
          %ne3A = arith.cmpi ne, %sign3A_341, %sign3A_348 : i32
          %rem3A_349 = arith.remsi %scan3A_335, %jit3A : i32
          %ne3A_350 = arith.constant 0 : i32
          %ne3A_351 = arith.cmpi ne, %rem3A_349, %ne3A_350 : i32
          %and3A_352 = arith.andi %ne3A, %ne3A_351 : i1
          %sub3A = arith.constant 1 : i32
          %sub3A_353 = arith.subi %div3A, %sub3A : i32
          %select_n3A = arith.select %and3A_352, %sub3A_353, %div3A : i32
          %mul3A_354 = arith.constant 16 : i32
          %mul3A_355 = arith.muli %select_n3A, %mul3A_354 : i32
          %add3A_356 = vector.broadcast %mul3A_355 : i32 to vector<16xi32>
          %add3A_357 = arith.addi %get3A_2, %add3A_356 : vector<16xi32>
          %jit3A_358 = arith.constant 16 : i32
          %eq3A_359 = arith.constant 0 : i32
          %eq3A_360 = arith.cmpi eq, %jit3A_358, %eq3A_359 : i32
          %jit3A_361 = arith.constant 1 : i32
          %select_n3A_362 = arith.select %eq3A_360, %jit3A_361, %jit3A_358 : i32
          %rem3A_363 = arith.remsi %scan3A_335, %select_n3A_362 : i32
          %ne3A_364 = arith.constant 0 : i32
          %ne3A_365 = arith.cmpi ne, %rem3A_363, %ne3A_364 : i32
          %lt3A_366 = arith.constant 0 : i32
          %lt3A_367 = arith.cmpi slt, %rem3A_363, %lt3A_366 : i32
          %lt3A_368 = arith.constant 0 : i32
          %lt3A_369 = arith.cmpi slt, %select_n3A_362, %lt3A_368 : i32
          %ne3A_370 = arith.xori %lt3A_367, %lt3A_369 : i1
          %and3A_371 = arith.andi %ne3A_370, %ne3A_365 : i1
          %add3A_372 = arith.addi %rem3A_363, %select_n3A_362 : i32
          %select_n3A_373 = arith.select %and3A_371, %add3A_372, %rem3A_363 : i32
          %mul3A_374 = arith.constant 16 : i32
          %mul3A_375 = arith.muli %select_n3A_373, %mul3A_374 : i32
          %add3A_376 = vector.broadcast %mul3A_375 : i32 to vector<16xi32>
          %add3A_377 = arith.addi %add3A_376, %rem3A_78 : vector<16xi32>
          %gather3A = tpu.vector_load_idx %arg5[%add3A_357, %add3A_377] : memref<64x256xf32, #tpu.memory_space<vmem>>[vector<16xi32>, vector<16xi32>], vector<16xf32>,
          %add3A_378 = vector.broadcast %mul3A_375 : i32 to vector<16xi32>
          %add3A_379 = arith.addi %add3A_378, %rem3A_84 : vector<16xi32>
          %gather3A_380 = tpu.vector_load_idx %arg5[%add3A_357, %add3A_379] : memref<64x256xf32, #tpu.memory_space<vmem>>[vector<16xi32>, vector<16xi32>], vector<16xf32>,
          %add3A_381 = vector.broadcast %mul3A_375 : i32 to vector<16xi32>
          %add3A_382 = arith.addi %add3A_381, %rem3A_90 : vector<16xi32>
          %gather3A_383 = tpu.vector_load_idx %arg5[%add3A_357, %add3A_382] : memref<64x256xf32, #tpu.memory_space<vmem>>[vector<16xi32>, vector<16xi32>], vector<16xf32>,
          %add3A_384 = vector.broadcast %mul3A_375 : i32 to vector<16xi32>
          %add3A_385 = arith.addi %add3A_384, %rem3A_96 : vector<16xi32>
          %gather3A_386 = tpu.vector_load_idx %arg5[%add3A_357, %add3A_385] : memref<64x256xf32, #tpu.memory_space<vmem>>[vector<16xi32>, vector<16xi32>], vector<16xf32>,
          %add3A_387 = vector.broadcast %mul3A_375 : i32 to vector<16xi32>
          %add3A_388 = arith.addi %add3A_387, %rem3A_102 : vector<16xi32>
          %gather3A_389 = tpu.vector_load_idx %arg5[%add3A_357, %add3A_388] : memref<64x256xf32, #tpu.memory_space<vmem>>[vector<16xi32>, vector<16xi32>], vector<16xf32>,
          %add3A_390 = vector.broadcast %mul3A_375 : i32 to vector<16xi32>
          %add3A_391 = arith.addi %add3A_390, %rem3A_108 : vector<16xi32>
          %gather3A_392 = tpu.vector_load_idx %arg5[%add3A_357, %add3A_391] : memref<64x256xf32, #tpu.memory_space<vmem>>[vector<16xi32>, vector<16xi32>], vector<16xf32>,
          %add3A_393 = vector.broadcast %mul3A_375 : i32 to vector<16xi32>
          %add3A_394 = arith.addi %add3A_393, %rem3A_114 : vector<16xi32>
          %gather3A_395 = tpu.vector_load_idx %arg5[%add3A_357, %add3A_394] : memref<64x256xf32, #tpu.memory_space<vmem>>[vector<16xi32>, vector<16xi32>], vector<16xf32>,
          %add3A_396 = vector.broadcast %mul3A_375 : i32 to vector<16xi32>
          %add3A_397 = arith.addi %add3A_396, %rem3A_120 : vector<16xi32>
          %gather3A_398 = tpu.vector_load_idx %arg5[%add3A_357, %add3A_397] : memref<64x256xf32, #tpu.memory_space<vmem>>[vector<16xi32>, vector<16xi32>], vector<16xf32>,
          %add3A_399 = vector.broadcast %mul3A_375 : i32 to vector<16xi32>
          %add3A_400 = arith.addi %add3A_399, %rem3A_126 : vector<16xi32>
          %gather3A_401 = tpu.vector_load_idx %arg5[%add3A_357, %add3A_400] : memref<64x256xf32, #tpu.memory_space<vmem>>[vector<16xi32>, vector<16xi32>], vector<16xf32>,
          %add3A_402 = vector.broadcast %mul3A_375 : i32 to vector<16xi32>
          %add3A_403 = arith.addi %add3A_402, %rem3A_132 : vector<16xi32>
          %gather3A_404 = tpu.vector_load_idx %arg5[%add3A_357, %add3A_403] : memref<64x256xf32, #tpu.memory_space<vmem>>[vector<16xi32>, vector<16xi32>], vector<16xf32>,
          %add3A_405 = vector.broadcast %mul3A_375 : i32 to vector<16xi32>
          %add3A_406 = arith.addi %add3A_405, %rem3A_138 : vector<16xi32>
          %gather3A_407 = tpu.vector_load_idx %arg5[%add3A_357, %add3A_406] : memref<64x256xf32, #tpu.memory_space<vmem>>[vector<16xi32>, vector<16xi32>], vector<16xf32>,
          %add3A_408 = vector.broadcast %mul3A_375 : i32 to vector<16xi32>
          %add3A_409 = arith.addi %add3A_408, %rem3A_144 : vector<16xi32>
          %gather3A_410 = tpu.vector_load_idx %arg5[%add3A_357, %add3A_409] : memref<64x256xf32, #tpu.memory_space<vmem>>[vector<16xi32>, vector<16xi32>], vector<16xf32>,
          %add3A_411 = vector.broadcast %mul3A_375 : i32 to vector<16xi32>
          %add3A_412 = arith.addi %add3A_411, %rem3A_150 : vector<16xi32>
          %gather3A_413 = tpu.vector_load_idx %arg5[%add3A_357, %add3A_412] : memref<64x256xf32, #tpu.memory_space<vmem>>[vector<16xi32>, vector<16xi32>], vector<16xf32>,
          %add3A_414 = vector.broadcast %mul3A_375 : i32 to vector<16xi32>
          %add3A_415 = arith.addi %add3A_414, %rem3A_156 : vector<16xi32>
          %gather3A_416 = tpu.vector_load_idx %arg5[%add3A_357, %add3A_415] : memref<64x256xf32, #tpu.memory_space<vmem>>[vector<16xi32>, vector<16xi32>], vector<16xf32>,
          %add3A_417 = vector.broadcast %mul3A_375 : i32 to vector<16xi32>
          %add3A_418 = arith.addi %add3A_417, %rem3A_162 : vector<16xi32>
          %gather3A_419 = tpu.vector_load_idx %arg5[%add3A_357, %add3A_418] : memref<64x256xf32, #tpu.memory_space<vmem>>[vector<16xi32>, vector<16xi32>], vector<16xf32>,
          %add3A_420 = vector.broadcast %mul3A_375 : i32 to vector<16xi32>
          %add3A_421 = arith.addi %add3A_420, %rem3A_168 : vector<16xi32>
          %gather3A_422 = tpu.vector_load_idx %arg5[%add3A_357, %add3A_421] : memref<64x256xf32, #tpu.memory_space<vmem>>[vector<16xi32>, vector<16xi32>], vector<16xf32>,
          %shift_right_arithmetic3A = arith.constant 1 : i32
          %shift_right_arithmetic3A_423 = arith.shrsi %mul3A_375, %shift_right_arithmetic3A : i32
          %add3A_424 = vector.broadcast %shift_right_arithmetic3A_423 : i32 to vector<16xi32>
          %add3A_425 = arith.addi %add3A_424, %shift_right_logical3A_170 : vector<16xi32>
          %add3A_426 = arith.addi %add3A_357, %shift_left3A_219 : vector<16xi32>
          tpu.vector_store_idx %arg7[%add3A_425, %add3A_426], %gather3A : memref<128x128xf32, #tpu.memory_space<vmem>>[vector<16xi32>, vector<16xi32>], vector<16xf32>,
          %shift_right_arithmetic3A_427 = arith.constant 1 : i32
          %shift_right_arithmetic3A_428 = arith.shrsi %mul3A_375, %shift_right_arithmetic3A_427 : i32
          %add3A_429 = vector.broadcast %shift_right_arithmetic3A_428 : i32 to vector<16xi32>
          %add3A_430 = arith.addi %add3A_429, %shift_right_logical3A_173 : vector<16xi32>
          %add3A_431 = arith.addi %add3A_357, %shift_left3A_225 : vector<16xi32>
          tpu.vector_store_idx %arg7[%add3A_430, %add3A_431], %gather3A_380 : memref<128x128xf32, #tpu.memory_space<vmem>>[vector<16xi32>, vector<16xi32>], vector<16xf32>,
          %shift_right_arithmetic3A_432 = arith.constant 1 : i32
          %shift_right_arithmetic3A_433 = arith.shrsi %mul3A_375, %shift_right_arithmetic3A_432 : i32
          %add3A_434 = vector.broadcast %shift_right_arithmetic3A_433 : i32 to vector<16xi32>
          %add3A_435 = arith.addi %add3A_434, %shift_right_logical3A_176 : vector<16xi32>
          %add3A_436 = arith.addi %add3A_357, %shift_left3A_231 : vector<16xi32>
          tpu.vector_store_idx %arg7[%add3A_435, %add3A_436], %gather3A_383 : memref<128x128xf32, #tpu.memory_space<vmem>>[vector<16xi32>, vector<16xi32>], vector<16xf32>,
          %shift_right_arithmetic3A_437 = arith.constant 1 : i32
          %shift_right_arithmetic3A_438 = arith.shrsi %mul3A_375, %shift_right_arithmetic3A_437 : i32
          %add3A_439 = vector.broadcast %shift_right_arithmetic3A_438 : i32 to vector<16xi32>
          %add3A_440 = arith.addi %add3A_439, %shift_right_logical3A_179 : vector<16xi32>
          %add3A_441 = arith.addi %add3A_357, %shift_left3A_237 : vector<16xi32>
          tpu.vector_store_idx %arg7[%add3A_440, %add3A_441], %gather3A_386 : memref<128x128xf32, #tpu.memory_space<vmem>>[vector<16xi32>, vector<16xi32>], vector<16xf32>,
          %shift_right_arithmetic3A_442 = arith.constant 1 : i32
          %shift_right_arithmetic3A_443 = arith.shrsi %mul3A_375, %shift_right_arithmetic3A_442 : i32
          %add3A_444 = vector.broadcast %shift_right_arithmetic3A_443 : i32 to vector<16xi32>
          %add3A_445 = arith.addi %add3A_444, %shift_right_logical3A_182 : vector<16xi32>
          %add3A_446 = arith.addi %add3A_357, %shift_left3A_243 : vector<16xi32>
          tpu.vector_store_idx %arg7[%add3A_445, %add3A_446], %gather3A_389 : memref<128x128xf32, #tpu.memory_space<vmem>>[vector<16xi32>, vector<16xi32>], vector<16xf32>,
          %shift_right_arithmetic3A_447 = arith.constant 1 : i32
          %shift_right_arithmetic3A_448 = arith.shrsi %mul3A_375, %shift_right_arithmetic3A_447 : i32
          %add3A_449 = vector.broadcast %shift_right_arithmetic3A_448 : i32 to vector<16xi32>
          %add3A_450 = arith.addi %add3A_449, %shift_right_logical3A_185 : vector<16xi32>
          %add3A_451 = arith.addi %add3A_357, %shift_left3A_249 : vector<16xi32>
          tpu.vector_store_idx %arg7[%add3A_450, %add3A_451], %gather3A_392 : memref<128x128xf32, #tpu.memory_space<vmem>>[vector<16xi32>, vector<16xi32>], vector<16xf32>,
          %shift_right_arithmetic3A_452 = arith.constant 1 : i32
          %shift_right_arithmetic3A_453 = arith.shrsi %mul3A_375, %shift_right_arithmetic3A_452 : i32
          %add3A_454 = vector.broadcast %shift_right_arithmetic3A_453 : i32 to vector<16xi32>
          %add3A_455 = arith.addi %add3A_454, %shift_right_logical3A_188 : vector<16xi32>
          %add3A_456 = arith.addi %add3A_357, %shift_left3A_255 : vector<16xi32>
          tpu.vector_store_idx %arg7[%add3A_455, %add3A_456], %gather3A_395 : memref<128x128xf32, #tpu.memory_space<vmem>>[vector<16xi32>, vector<16xi32>], vector<16xf32>,
          %shift_right_arithmetic3A_457 = arith.constant 1 : i32
          %shift_right_arithmetic3A_458 = arith.shrsi %mul3A_375, %shift_right_arithmetic3A_457 : i32
          %add3A_459 = vector.broadcast %shift_right_arithmetic3A_458 : i32 to vector<16xi32>
          %add3A_460 = arith.addi %add3A_459, %shift_right_logical3A_191 : vector<16xi32>
          %add3A_461 = arith.addi %add3A_357, %shift_left3A_261 : vector<16xi32>
          tpu.vector_store_idx %arg7[%add3A_460, %add3A_461], %gather3A_398 : memref<128x128xf32, #tpu.memory_space<vmem>>[vector<16xi32>, vector<16xi32>], vector<16xf32>,
          %shift_right_arithmetic3A_462 = arith.constant 1 : i32
          %shift_right_arithmetic3A_463 = arith.shrsi %mul3A_375, %shift_right_arithmetic3A_462 : i32
          %add3A_464 = vector.broadcast %shift_right_arithmetic3A_463 : i32 to vector<16xi32>
          %add3A_465 = arith.addi %add3A_464, %shift_right_logical3A_194 : vector<16xi32>
          %add3A_466 = arith.addi %add3A_357, %shift_left3A_267 : vector<16xi32>
          tpu.vector_store_idx %arg7[%add3A_465, %add3A_466], %gather3A_401 : memref<128x128xf32, #tpu.memory_space<vmem>>[vector<16xi32>, vector<16xi32>], vector<16xf32>,
          %shift_right_arithmetic3A_467 = arith.constant 1 : i32
          %shift_right_arithmetic3A_468 = arith.shrsi %mul3A_375, %shift_right_arithmetic3A_467 : i32
          %add3A_469 = vector.broadcast %shift_right_arithmetic3A_468 : i32 to vector<16xi32>
          %add3A_470 = arith.addi %add3A_469, %shift_right_logical3A_197 : vector<16xi32>
          %add3A_471 = arith.addi %add3A_357, %shift_left3A_273 : vector<16xi32>
          tpu.vector_store_idx %arg7[%add3A_470, %add3A_471], %gather3A_404 : memref<128x128xf32, #tpu.memory_space<vmem>>[vector<16xi32>, vector<16xi32>], vector<16xf32>,
          %shift_right_arithmetic3A_472 = arith.constant 1 : i32
          %shift_right_arithmetic3A_473 = arith.shrsi %mul3A_375, %shift_right_arithmetic3A_472 : i32
          %add3A_474 = vector.broadcast %shift_right_arithmetic3A_473 : i32 to vector<16xi32>
          %add3A_475 = arith.addi %add3A_474, %shift_right_logical3A_200 : vector<16xi32>
          %add3A_476 = arith.addi %add3A_357, %shift_left3A_279 : vector<16xi32>
          tpu.vector_store_idx %arg7[%add3A_475, %add3A_476], %gather3A_407 : memref<128x128xf32, #tpu.memory_space<vmem>>[vector<16xi32>, vector<16xi32>], vector<16xf32>,
          %shift_right_arithmetic3A_477 = arith.constant 1 : i32
          %shift_right_arithmetic3A_478 = arith.shrsi %mul3A_375, %shift_right_arithmetic3A_477 : i32
          %add3A_479 = vector.broadcast %shift_right_arithmetic3A_478 : i32 to vector<16xi32>
          %add3A_480 = arith.addi %add3A_479, %shift_right_logical3A_203 : vector<16xi32>
          %add3A_481 = arith.addi %add3A_357, %shift_left3A_285 : vector<16xi32>
          tpu.vector_store_idx %arg7[%add3A_480, %add3A_481], %gather3A_410 : memref<128x128xf32, #tpu.memory_space<vmem>>[vector<16xi32>, vector<16xi32>], vector<16xf32>,
          %shift_right_arithmetic3A_482 = arith.constant 1 : i32
          %shift_right_arithmetic3A_483 = arith.shrsi %mul3A_375, %shift_right_arithmetic3A_482 : i32
          %add3A_484 = vector.broadcast %shift_right_arithmetic3A_483 : i32 to vector<16xi32>
          %add3A_485 = arith.addi %add3A_484, %shift_right_logical3A_206 : vector<16xi32>
          %add3A_486 = arith.addi %add3A_357, %shift_left3A_291 : vector<16xi32>
          tpu.vector_store_idx %arg7[%add3A_485, %add3A_486], %gather3A_413 : memref<128x128xf32, #tpu.memory_space<vmem>>[vector<16xi32>, vector<16xi32>], vector<16xf32>,
          %shift_right_arithmetic3A_487 = arith.constant 1 : i32
          %shift_right_arithmetic3A_488 = arith.shrsi %mul3A_375, %shift_right_arithmetic3A_487 : i32
          %add3A_489 = vector.broadcast %shift_right_arithmetic3A_488 : i32 to vector<16xi32>
          %add3A_490 = arith.addi %add3A_489, %shift_right_logical3A_209 : vector<16xi32>
          %add3A_491 = arith.addi %add3A_357, %shift_left3A_297 : vector<16xi32>
          tpu.vector_store_idx %arg7[%add3A_490, %add3A_491], %gather3A_416 : memref<128x128xf32, #tpu.memory_space<vmem>>[vector<16xi32>, vector<16xi32>], vector<16xf32>,
          %shift_right_arithmetic3A_492 = arith.constant 1 : i32
          %shift_right_arithmetic3A_493 = arith.shrsi %mul3A_375, %shift_right_arithmetic3A_492 : i32
          %add3A_494 = vector.broadcast %shift_right_arithmetic3A_493 : i32 to vector<16xi32>
          %add3A_495 = arith.addi %add3A_494, %shift_right_logical3A_212 : vector<16xi32>
          %add3A_496 = arith.addi %add3A_357, %shift_left3A_303 : vector<16xi32>
          tpu.vector_store_idx %arg7[%add3A_495, %add3A_496], %gather3A_419 : memref<128x128xf32, #tpu.memory_space<vmem>>[vector<16xi32>, vector<16xi32>], vector<16xf32>,
          %shift_right_arithmetic3A_497 = arith.constant 1 : i32
          %shift_right_arithmetic3A_498 = arith.shrsi %mul3A_375, %shift_right_arithmetic3A_497 : i32
          %add3A_499 = vector.broadcast %shift_right_arithmetic3A_498 : i32 to vector<16xi32>
          %add3A_500 = arith.addi %add3A_499, %shift_right_logical3A_215 : vector<16xi32>
          %add3A_501 = arith.addi %add3A_357, %shift_left3A_309 : vector<16xi32>
          tpu.vector_store_idx %arg7[%add3A_500, %add3A_501], %gather3A_422 : memref<128x128xf32, #tpu.memory_space<vmem>>[vector<16xi32>, vector<16xi32>], vector<16xf32>,
          %scan3A_502 = arith.constant 1 : i32
          %scan3A_503 = arith.addi %scan3A_335, %scan3A_502 : i32
          %jit3A_504 = arith.constant 16 : i32
          %div3A_505 = arith.divsi %scan3A_503, %jit3A_504 : i32
          %sign3A_506 = arith.constant 0 : i32
          %sign3A_507 = arith.cmpi sgt, %scan3A_503, %sign3A_506 : i32
          %sign3A_508 = arith.extui %sign3A_507 : i1 to i32
          %sign3A_509 = arith.constant 0 : i32
          %sign3A_510 = arith.cmpi slt, %scan3A_503, %sign3A_509 : i32
          %sign3A_511 = arith.extui %sign3A_510 : i1 to i32
          %sign3A_512 = arith.subi %sign3A_508, %sign3A_511 : i32
          %sign3A_513 = arith.constant 0 : i32
          %sign3A_514 = arith.cmpi sgt, %jit3A_504, %sign3A_513 : i32
          %sign3A_515 = arith.extui %sign3A_514 : i1 to i32
          %sign3A_516 = arith.constant 0 : i32
          %sign3A_517 = arith.cmpi slt, %jit3A_504, %sign3A_516 : i32
          %sign3A_518 = arith.extui %sign3A_517 : i1 to i32
          %sign3A_519 = arith.subi %sign3A_515, %sign3A_518 : i32
          %ne3A_520 = arith.cmpi ne, %sign3A_512, %sign3A_519 : i32
          %rem3A_521 = arith.remsi %scan3A_503, %jit3A_504 : i32
          %ne3A_522 = arith.constant 0 : i32
          %ne3A_523 = arith.cmpi ne, %rem3A_521, %ne3A_522 : i32
          %and3A_524 = arith.andi %ne3A_520, %ne3A_523 : i1
          %sub3A_525 = arith.constant 1 : i32
          %sub3A_526 = arith.subi %div3A_505, %sub3A_525 : i32
          %select_n3A_527 = arith.select %and3A_524, %sub3A_526, %div3A_505 : i32
          %mul3A_528 = arith.constant 16 : i32
          %mul3A_529 = arith.muli %select_n3A_527, %mul3A_528 : i32
          %add3A_530 = vector.broadcast %mul3A_529 : i32 to vector<16xi32>
          %add3A_531 = arith.addi %get3A_2, %add3A_530 : vector<16xi32>
          %jit3A_532 = arith.constant 16 : i32
          %eq3A_533 = arith.constant 0 : i32
          %eq3A_534 = arith.cmpi eq, %jit3A_532, %eq3A_533 : i32
          %jit3A_535 = arith.constant 1 : i32
          %select_n3A_536 = arith.select %eq3A_534, %jit3A_535, %jit3A_532 : i32
          %rem3A_537 = arith.remsi %scan3A_503, %select_n3A_536 : i32
          %ne3A_538 = arith.constant 0 : i32
          %ne3A_539 = arith.cmpi ne, %rem3A_537, %ne3A_538 : i32
          %lt3A_540 = arith.constant 0 : i32
          %lt3A_541 = arith.cmpi slt, %rem3A_537, %lt3A_540 : i32
          %lt3A_542 = arith.constant 0 : i32
          %lt3A_543 = arith.cmpi slt, %select_n3A_536, %lt3A_542 : i32
          %ne3A_544 = arith.xori %lt3A_541, %lt3A_543 : i1
          %and3A_545 = arith.andi %ne3A_544, %ne3A_539 : i1
          %add3A_546 = arith.addi %rem3A_537, %select_n3A_536 : i32
          %select_n3A_547 = arith.select %and3A_545, %add3A_546, %rem3A_537 : i32
          %mul3A_548 = arith.constant 16 : i32
          %mul3A_549 = arith.muli %select_n3A_547, %mul3A_548 : i32
          %add3A_550 = vector.broadcast %mul3A_549 : i32 to vector<16xi32>
          %add3A_551 = arith.addi %add3A_550, %rem3A_78 : vector<16xi32>
          %gather3A_552 = tpu.vector_load_idx %arg5[%add3A_531, %add3A_551] : memref<64x256xf32, #tpu.memory_space<vmem>>[vector<16xi32>, vector<16xi32>], vector<16xf32>,
          %add3A_553 = vector.broadcast %mul3A_549 : i32 to vector<16xi32>
          %add3A_554 = arith.addi %add3A_553, %rem3A_84 : vector<16xi32>
          %gather3A_555 = tpu.vector_load_idx %arg5[%add3A_531, %add3A_554] : memref<64x256xf32, #tpu.memory_space<vmem>>[vector<16xi32>, vector<16xi32>], vector<16xf32>,
          %add3A_556 = vector.broadcast %mul3A_549 : i32 to vector<16xi32>
          %add3A_557 = arith.addi %add3A_556, %rem3A_90 : vector<16xi32>
          %gather3A_558 = tpu.vector_load_idx %arg5[%add3A_531, %add3A_557] : memref<64x256xf32, #tpu.memory_space<vmem>>[vector<16xi32>, vector<16xi32>], vector<16xf32>,
          %add3A_559 = vector.broadcast %mul3A_549 : i32 to vector<16xi32>
          %add3A_560 = arith.addi %add3A_559, %rem3A_96 : vector<16xi32>
          %gather3A_561 = tpu.vector_load_idx %arg5[%add3A_531, %add3A_560] : memref<64x256xf32, #tpu.memory_space<vmem>>[vector<16xi32>, vector<16xi32>], vector<16xf32>,
          %add3A_562 = vector.broadcast %mul3A_549 : i32 to vector<16xi32>
          %add3A_563 = arith.addi %add3A_562, %rem3A_102 : vector<16xi32>
          %gather3A_564 = tpu.vector_load_idx %arg5[%add3A_531, %add3A_563] : memref<64x256xf32, #tpu.memory_space<vmem>>[vector<16xi32>, vector<16xi32>], vector<16xf32>,
          %add3A_565 = vector.broadcast %mul3A_549 : i32 to vector<16xi32>
          %add3A_566 = arith.addi %add3A_565, %rem3A_108 : vector<16xi32>
          %gather3A_567 = tpu.vector_load_idx %arg5[%add3A_531, %add3A_566] : memref<64x256xf32, #tpu.memory_space<vmem>>[vector<16xi32>, vector<16xi32>], vector<16xf32>,
          %add3A_568 = vector.broadcast %mul3A_549 : i32 to vector<16xi32>
          %add3A_569 = arith.addi %add3A_568, %rem3A_114 : vector<16xi32>
          %gather3A_570 = tpu.vector_load_idx %arg5[%add3A_531, %add3A_569] : memref<64x256xf32, #tpu.memory_space<vmem>>[vector<16xi32>, vector<16xi32>], vector<16xf32>,
          %add3A_571 = vector.broadcast %mul3A_549 : i32 to vector<16xi32>
          %add3A_572 = arith.addi %add3A_571, %rem3A_120 : vector<16xi32>
          %gather3A_573 = tpu.vector_load_idx %arg5[%add3A_531, %add3A_572] : memref<64x256xf32, #tpu.memory_space<vmem>>[vector<16xi32>, vector<16xi32>], vector<16xf32>,
          %add3A_574 = vector.broadcast %mul3A_549 : i32 to vector<16xi32>
          %add3A_575 = arith.addi %add3A_574, %rem3A_126 : vector<16xi32>
          %gather3A_576 = tpu.vector_load_idx %arg5[%add3A_531, %add3A_575] : memref<64x256xf32, #tpu.memory_space<vmem>>[vector<16xi32>, vector<16xi32>], vector<16xf32>,
          %add3A_577 = vector.broadcast %mul3A_549 : i32 to vector<16xi32>
          %add3A_578 = arith.addi %add3A_577, %rem3A_132 : vector<16xi32>
          %gather3A_579 = tpu.vector_load_idx %arg5[%add3A_531, %add3A_578] : memref<64x256xf32, #tpu.memory_space<vmem>>[vector<16xi32>, vector<16xi32>], vector<16xf32>,
          %add3A_580 = vector.broadcast %mul3A_549 : i32 to vector<16xi32>
          %add3A_581 = arith.addi %add3A_580, %rem3A_138 : vector<16xi32>
          %gather3A_582 = tpu.vector_load_idx %arg5[%add3A_531, %add3A_581] : memref<64x256xf32, #tpu.memory_space<vmem>>[vector<16xi32>, vector<16xi32>], vector<16xf32>,
          %add3A_583 = vector.broadcast %mul3A_549 : i32 to vector<16xi32>
          %add3A_584 = arith.addi %add3A_583, %rem3A_144 : vector<16xi32>
          %gather3A_585 = tpu.vector_load_idx %arg5[%add3A_531, %add3A_584] : memref<64x256xf32, #tpu.memory_space<vmem>>[vector<16xi32>, vector<16xi32>], vector<16xf32>,
          %add3A_586 = vector.broadcast %mul3A_549 : i32 to vector<16xi32>
          %add3A_587 = arith.addi %add3A_586, %rem3A_150 : vector<16xi32>
          %gather3A_588 = tpu.vector_load_idx %arg5[%add3A_531, %add3A_587] : memref<64x256xf32, #tpu.memory_space<vmem>>[vector<16xi32>, vector<16xi32>], vector<16xf32>,
          %add3A_589 = vector.broadcast %mul3A_549 : i32 to vector<16xi32>
          %add3A_590 = arith.addi %add3A_589, %rem3A_156 : vector<16xi32>
          %gather3A_591 = tpu.vector_load_idx %arg5[%add3A_531, %add3A_590] : memref<64x256xf32, #tpu.memory_space<vmem>>[vector<16xi32>, vector<16xi32>], vector<16xf32>,
          %add3A_592 = vector.broadcast %mul3A_549 : i32 to vector<16xi32>
          %add3A_593 = arith.addi %add3A_592, %rem3A_162 : vector<16xi32>
          %gather3A_594 = tpu.vector_load_idx %arg5[%add3A_531, %add3A_593] : memref<64x256xf32, #tpu.memory_space<vmem>>[vector<16xi32>, vector<16xi32>], vector<16xf32>,
          %add3A_595 = vector.broadcast %mul3A_549 : i32 to vector<16xi32>
          %add3A_596 = arith.addi %add3A_595, %rem3A_168 : vector<16xi32>
          %gather3A_597 = tpu.vector_load_idx %arg5[%add3A_531, %add3A_596] : memref<64x256xf32, #tpu.memory_space<vmem>>[vector<16xi32>, vector<16xi32>], vector<16xf32>,
          %shift_right_arithmetic3A_598 = arith.constant 1 : i32
          %shift_right_arithmetic3A_599 = arith.shrsi %mul3A_549, %shift_right_arithmetic3A_598 : i32
          %add3A_600 = vector.broadcast %shift_right_arithmetic3A_599 : i32 to vector<16xi32>
          %add3A_601 = arith.addi %add3A_600, %shift_right_logical3A_170 : vector<16xi32>
          %add3A_602 = arith.addi %add3A_531, %shift_left3A_219 : vector<16xi32>
          tpu.vector_store_idx %arg7[%add3A_601, %add3A_602], %gather3A_552 : memref<128x128xf32, #tpu.memory_space<vmem>>[vector<16xi32>, vector<16xi32>], vector<16xf32>,
          %shift_right_arithmetic3A_603 = arith.constant 1 : i32
          %shift_right_arithmetic3A_604 = arith.shrsi %mul3A_549, %shift_right_arithmetic3A_603 : i32
          %add3A_605 = vector.broadcast %shift_right_arithmetic3A_604 : i32 to vector<16xi32>
          %add3A_606 = arith.addi %add3A_605, %shift_right_logical3A_173 : vector<16xi32>
          %add3A_607 = arith.addi %add3A_531, %shift_left3A_225 : vector<16xi32>
          tpu.vector_store_idx %arg7[%add3A_606, %add3A_607], %gather3A_555 : memref<128x128xf32, #tpu.memory_space<vmem>>[vector<16xi32>, vector<16xi32>], vector<16xf32>,
          %shift_right_arithmetic3A_608 = arith.constant 1 : i32
          %shift_right_arithmetic3A_609 = arith.shrsi %mul3A_549, %shift_right_arithmetic3A_608 : i32
          %add3A_610 = vector.broadcast %shift_right_arithmetic3A_609 : i32 to vector<16xi32>
          %add3A_611 = arith.addi %add3A_610, %shift_right_logical3A_176 : vector<16xi32>
          %add3A_612 = arith.addi %add3A_531, %shift_left3A_231 : vector<16xi32>
          tpu.vector_store_idx %arg7[%add3A_611, %add3A_612], %gather3A_558 : memref<128x128xf32, #tpu.memory_space<vmem>>[vector<16xi32>, vector<16xi32>], vector<16xf32>,
          %shift_right_arithmetic3A_613 = arith.constant 1 : i32
          %shift_right_arithmetic3A_614 = arith.shrsi %mul3A_549, %shift_right_arithmetic3A_613 : i32
          %add3A_615 = vector.broadcast %shift_right_arithmetic3A_614 : i32 to vector<16xi32>
          %add3A_616 = arith.addi %add3A_615, %shift_right_logical3A_179 : vector<16xi32>
          %add3A_617 = arith.addi %add3A_531, %shift_left3A_237 : vector<16xi32>
          tpu.vector_store_idx %arg7[%add3A_616, %add3A_617], %gather3A_561 : memref<128x128xf32, #tpu.memory_space<vmem>>[vector<16xi32>, vector<16xi32>], vector<16xf32>,
          %shift_right_arithmetic3A_618 = arith.constant 1 : i32
          %shift_right_arithmetic3A_619 = arith.shrsi %mul3A_549, %shift_right_arithmetic3A_618 : i32
          %add3A_620 = vector.broadcast %shift_right_arithmetic3A_619 : i32 to vector<16xi32>
          %add3A_621 = arith.addi %add3A_620, %shift_right_logical3A_182 : vector<16xi32>
          %add3A_622 = arith.addi %add3A_531, %shift_left3A_243 : vector<16xi32>
          tpu.vector_store_idx %arg7[%add3A_621, %add3A_622], %gather3A_564 : memref<128x128xf32, #tpu.memory_space<vmem>>[vector<16xi32>, vector<16xi32>], vector<16xf32>,
          %shift_right_arithmetic3A_623 = arith.constant 1 : i32
          %shift_right_arithmetic3A_624 = arith.shrsi %mul3A_549, %shift_right_arithmetic3A_623 : i32
          %add3A_625 = vector.broadcast %shift_right_arithmetic3A_624 : i32 to vector<16xi32>
          %add3A_626 = arith.addi %add3A_625, %shift_right_logical3A_185 : vector<16xi32>
          %add3A_627 = arith.addi %add3A_531, %shift_left3A_249 : vector<16xi32>
          tpu.vector_store_idx %arg7[%add3A_626, %add3A_627], %gather3A_567 : memref<128x128xf32, #tpu.memory_space<vmem>>[vector<16xi32>, vector<16xi32>], vector<16xf32>,
          %shift_right_arithmetic3A_628 = arith.constant 1 : i32
          %shift_right_arithmetic3A_629 = arith.shrsi %mul3A_549, %shift_right_arithmetic3A_628 : i32
          %add3A_630 = vector.broadcast %shift_right_arithmetic3A_629 : i32 to vector<16xi32>
          %add3A_631 = arith.addi %add3A_630, %shift_right_logical3A_188 : vector<16xi32>
          %add3A_632 = arith.addi %add3A_531, %shift_left3A_255 : vector<16xi32>
          tpu.vector_store_idx %arg7[%add3A_631, %add3A_632], %gather3A_570 : memref<128x128xf32, #tpu.memory_space<vmem>>[vector<16xi32>, vector<16xi32>], vector<16xf32>,
          %shift_right_arithmetic3A_633 = arith.constant 1 : i32
          %shift_right_arithmetic3A_634 = arith.shrsi %mul3A_549, %shift_right_arithmetic3A_633 : i32
          %add3A_635 = vector.broadcast %shift_right_arithmetic3A_634 : i32 to vector<16xi32>
          %add3A_636 = arith.addi %add3A_635, %shift_right_logical3A_191 : vector<16xi32>
          %add3A_637 = arith.addi %add3A_531, %shift_left3A_261 : vector<16xi32>
          tpu.vector_store_idx %arg7[%add3A_636, %add3A_637], %gather3A_573 : memref<128x128xf32, #tpu.memory_space<vmem>>[vector<16xi32>, vector<16xi32>], vector<16xf32>,
          %shift_right_arithmetic3A_638 = arith.constant 1 : i32
          %shift_right_arithmetic3A_639 = arith.shrsi %mul3A_549, %shift_right_arithmetic3A_638 : i32
          %add3A_640 = vector.broadcast %shift_right_arithmetic3A_639 : i32 to vector<16xi32>
          %add3A_641 = arith.addi %add3A_640, %shift_right_logical3A_194 : vector<16xi32>
          %add3A_642 = arith.addi %add3A_531, %shift_left3A_267 : vector<16xi32>
          tpu.vector_store_idx %arg7[%add3A_641, %add3A_642], %gather3A_576 : memref<128x128xf32, #tpu.memory_space<vmem>>[vector<16xi32>, vector<16xi32>], vector<16xf32>,
          %shift_right_arithmetic3A_643 = arith.constant 1 : i32
          %shift_right_arithmetic3A_644 = arith.shrsi %mul3A_549, %shift_right_arithmetic3A_643 : i32
          %add3A_645 = vector.broadcast %shift_right_arithmetic3A_644 : i32 to vector<16xi32>
          %add3A_646 = arith.addi %add3A_645, %shift_right_logical3A_197 : vector<16xi32>
          %add3A_647 = arith.addi %add3A_531, %shift_left3A_273 : vector<16xi32>
          tpu.vector_store_idx %arg7[%add3A_646, %add3A_647], %gather3A_579 : memref<128x128xf32, #tpu.memory_space<vmem>>[vector<16xi32>, vector<16xi32>], vector<16xf32>,
          %shift_right_arithmetic3A_648 = arith.constant 1 : i32
          %shift_right_arithmetic3A_649 = arith.shrsi %mul3A_549, %shift_right_arithmetic3A_648 : i32
          %add3A_650 = vector.broadcast %shift_right_arithmetic3A_649 : i32 to vector<16xi32>
          %add3A_651 = arith.addi %add3A_650, %shift_right_logical3A_200 : vector<16xi32>
          %add3A_652 = arith.addi %add3A_531, %shift_left3A_279 : vector<16xi32>
          tpu.vector_store_idx %arg7[%add3A_651, %add3A_652], %gather3A_582 : memref<128x128xf32, #tpu.memory_space<vmem>>[vector<16xi32>, vector<16xi32>], vector<16xf32>,
          %shift_right_arithmetic3A_653 = arith.constant 1 : i32
          %shift_right_arithmetic3A_654 = arith.shrsi %mul3A_549, %shift_right_arithmetic3A_653 : i32
          %add3A_655 = vector.broadcast %shift_right_arithmetic3A_654 : i32 to vector<16xi32>
          %add3A_656 = arith.addi %add3A_655, %shift_right_logical3A_203 : vector<16xi32>
          %add3A_657 = arith.addi %add3A_531, %shift_left3A_285 : vector<16xi32>
          tpu.vector_store_idx %arg7[%add3A_656, %add3A_657], %gather3A_585 : memref<128x128xf32, #tpu.memory_space<vmem>>[vector<16xi32>, vector<16xi32>], vector<16xf32>,
          %shift_right_arithmetic3A_658 = arith.constant 1 : i32
          %shift_right_arithmetic3A_659 = arith.shrsi %mul3A_549, %shift_right_arithmetic3A_658 : i32
          %add3A_660 = vector.broadcast %shift_right_arithmetic3A_659 : i32 to vector<16xi32>
          %add3A_661 = arith.addi %add3A_660, %shift_right_logical3A_206 : vector<16xi32>
          %add3A_662 = arith.addi %add3A_531, %shift_left3A_291 : vector<16xi32>
          tpu.vector_store_idx %arg7[%add3A_661, %add3A_662], %gather3A_588 : memref<128x128xf32, #tpu.memory_space<vmem>>[vector<16xi32>, vector<16xi32>], vector<16xf32>,
          %shift_right_arithmetic3A_663 = arith.constant 1 : i32
          %shift_right_arithmetic3A_664 = arith.shrsi %mul3A_549, %shift_right_arithmetic3A_663 : i32
          %add3A_665 = vector.broadcast %shift_right_arithmetic3A_664 : i32 to vector<16xi32>
          %add3A_666 = arith.addi %add3A_665, %shift_right_logical3A_209 : vector<16xi32>
          %add3A_667 = arith.addi %add3A_531, %shift_left3A_297 : vector<16xi32>
          tpu.vector_store_idx %arg7[%add3A_666, %add3A_667], %gather3A_591 : memref<128x128xf32, #tpu.memory_space<vmem>>[vector<16xi32>, vector<16xi32>], vector<16xf32>,
          %shift_right_arithmetic3A_668 = arith.constant 1 : i32
          %shift_right_arithmetic3A_669 = arith.shrsi %mul3A_549, %shift_right_arithmetic3A_668 : i32
          %add3A_670 = vector.broadcast %shift_right_arithmetic3A_669 : i32 to vector<16xi32>
          %add3A_671 = arith.addi %add3A_670, %shift_right_logical3A_212 : vector<16xi32>
          %add3A_672 = arith.addi %add3A_531, %shift_left3A_303 : vector<16xi32>
          tpu.vector_store_idx %arg7[%add3A_671, %add3A_672], %gather3A_594 : memref<128x128xf32, #tpu.memory_space<vmem>>[vector<16xi32>, vector<16xi32>], vector<16xf32>,
          %shift_right_arithmetic3A_673 = arith.constant 1 : i32
          %shift_right_arithmetic3A_674 = arith.shrsi %mul3A_549, %shift_right_arithmetic3A_673 : i32
          %add3A_675 = vector.broadcast %shift_right_arithmetic3A_674 : i32 to vector<16xi32>
          %add3A_676 = arith.addi %add3A_675, %shift_right_logical3A_215 : vector<16xi32>
          %add3A_677 = arith.addi %add3A_531, %shift_left3A_309 : vector<16xi32>
          tpu.vector_store_idx %arg7[%add3A_676, %add3A_677], %gather3A_597 : memref<128x128xf32, #tpu.memory_space<vmem>>[vector<16xi32>, vector<16xi32>], vector<16xf32>,
        }
        %scan3A_315 = arith.constant 64 : i32
        %mul3A_316 = arith.constant 32 : i32
        %mul3A_317 = arith.muli %add3A_41, %mul3A_316 : i32
        %add3A_318 = arith.addi %add3A, %mul3A_317 : i32
        %mul3A_319 = arith.constant 128 : i32
        %mul3A_320 = arith.muli %add3A_318, %mul3A_319 : i32
        %multiple_of3A_321 = tpu.assume_multiple %mul3A_320, 128 : i32
        %dma_start3A = arith.constant 0 : i32
        %dma_start3A_322 = tpu.memref_slice %arg4[%multiple_of3A_321, %dma_start3A] : memref<500000x128xf32, #tpu.memory_space<hbm>> -> memref<128x128xf32, #tpu.memory_space<hbm>>
        %dma_start3A_323 = arith.constant 0 : i32
        %dma_start3A_324 = tpu.memref_slice %arg4[%multiple_of3A_321, %dma_start3A_323] : memref<500000x128xf32, #tpu.memory_space<hbm>> -> memref<128x128xf32, #tpu.memory_space<hbm>>
        tpu.enqueue_dma source(%arg7 : memref<128x128xf32, #tpu.memory_space<vmem>>) target(%dma_start3A_324 : memref<128x128xf32, #tpu.memory_space<hbm>>) target_semaphore(%arg12 : memref<!tpu.dma_semaphore, #tpu.memory_space<semaphore_mem>>)
        %add3A_325 = arith.constant 2 : i32
        %add3A_326 = arith.addi %add3A_41, %add3A_325 : i32
        %mul3A_327 = arith.constant 32 : i32
        %mul3A_328 = arith.muli %add3A_326, %mul3A_327 : i32
        %add3A_329 = arith.addi %add3A, %mul3A_328 : i32
        %lt3A_330 = arith.constant 3906 : i32
        %lt3A_331 = arith.cmpi slt, %add3A_329, %lt3A_330 : i32
        %convert_element_type3A_332 = arith.extui %lt3A_331 : i1 to i32
        %cond3A_333 = arith.constant 0 : i32
        %cond3A_334 = arith.cmpi ne, %convert_element_type3A_332, %cond3A_333 : i32
        scf.if %cond3A_334 {
          %add3A_335 = arith.constant 2 : i32
          %add3A_336 = arith.addi %add3A_41, %add3A_335 : i32
          %mul3A_337 = arith.constant 32 : i32
          %mul3A_338 = arith.muli %add3A_336, %mul3A_337 : i32
          %add3A_339 = arith.addi %add3A, %mul3A_338 : i32
          %mul3A_340 = arith.constant 256 : i32
          %mul3A_341 = arith.muli %add3A_339, %mul3A_340 : i32
          %multiple_of3A_342 = tpu.assume_multiple %mul3A_341, 128 : i32
          %dma_start3A_343 = arith.constant 0 : i32
          %dma_start3A_344 = tpu.memref_slice %arg2[%dma_start3A_343, %multiple_of3A_342] : memref<64x1000000xf32, #tpu.memory_space<hbm>> -> memref<64x256xf32, #tpu.memory_space<hbm>>
          %dma_start3A_345 = arith.constant 0 : i32
          %dma_start3A_346 = tpu.memref_slice %arg2[%dma_start3A_345, %multiple_of3A_342] : memref<64x1000000xf32, #tpu.memory_space<hbm>> -> memref<64x256xf32, #tpu.memory_space<hbm>>
          tpu.enqueue_dma source(%dma_start3A_346 : memref<64x256xf32, #tpu.memory_space<hbm>>) target(%arg5 : memref<64x256xf32, #tpu.memory_space<vmem>>) target_semaphore(%arg10 : memref<!tpu.dma_semaphore, #tpu.memory_space<semaphore_mem>>)
        } else {
        }
      } else {
      }
      %mul3A_50 = arith.constant 2 : i32
      %mul3A_51 = arith.muli %scan3A_37, %mul3A_50 : i32
      %add3A_52 = arith.constant 1 : i32
      %add3A_53 = arith.addi %mul3A_51, %add3A_52 : i32
      %mul3A_54 = arith.constant 32 : i32
      %mul3A_55 = arith.muli %add3A_53, %mul3A_54 : i32
      %add3A_56 = arith.addi %add3A, %mul3A_55 : i32
      %lt3A_57 = arith.constant 3906 : i32
      %lt3A_58 = arith.cmpi slt, %add3A_56, %lt3A_57 : i32
      %convert_element_type3A_59 = arith.extui %lt3A_58 : i1 to i32
      %cond3A_60 = arith.constant 0 : i32
      %cond3A_61 = arith.cmpi ne, %convert_element_type3A_59, %cond3A_60 : i32
      scf.if %cond3A_61 {
        %mul3A_62 = arith.constant 32 : i32
        %mul3A_63 = arith.muli %add3A_53, %mul3A_62 : i32
        %add3A_64 = arith.addi %add3A, %mul3A_63 : i32
        %mul3A_65 = arith.constant 256 : i32
        %mul3A_66 = arith.muli %add3A_64, %mul3A_65 : i32
        %multiple_of3A = tpu.assume_multiple %mul3A_66, 128 : i32
        %dma_wait3A = arith.constant 0 : i32
        %dma_wait3A_67 = tpu.memref_slice %arg2[%dma_wait3A, %multiple_of3A] : memref<64x1000000xf32, #tpu.memory_space<hbm>> -> memref<64x256xf32, #tpu.memory_space<hbm>>
        %dma_wait3A_68 = arith.constant 0 : i32
        %dma_wait3A_69 = tpu.memref_slice %arg2[%dma_wait3A_68, %multiple_of3A] : memref<64x1000000xf32, #tpu.memory_space<hbm>> -> memref<64x256xf32, #tpu.memory_space<hbm>>
        tpu.wait_dma2 semaphore(%arg11 : memref<!tpu.dma_semaphore, #tpu.memory_space<semaphore_mem>>) src(%dma_wait3A_69 : memref<64x256xf32, #tpu.memory_space<hbm>>) dst(%arg6 : memref<64x256xf32, #tpu.memory_space<vmem>>)
        %ge3A = arith.constant 1 : i32
        %ge3A_70 = arith.cmpi sge, %scan3A_37, %ge3A : i32
        %convert_element_type3A_71 = arith.extui %ge3A_70 : i1 to i32
        %cond3A_72 = arith.constant 0 : i32
        %cond3A_73 = arith.cmpi ne, %convert_element_type3A_71, %cond3A_72 : i32
        scf.if %cond3A_73 {
          %sub3A = arith.constant 2 : i32
          %sub3A_335 = arith.subi %add3A_53, %sub3A : i32
          %mul3A_336 = arith.constant 32 : i32
          %mul3A_337 = arith.muli %sub3A_335, %mul3A_336 : i32
          %add3A_338 = arith.addi %add3A, %mul3A_337 : i32
          %mul3A_339 = arith.constant 128 : i32
          %mul3A_340 = arith.muli %add3A_338, %mul3A_339 : i32
          %multiple_of3A_341 = tpu.assume_multiple %mul3A_340, 128 : i32
          %dma_wait3A_342 = arith.constant 0 : i32
          %dma_wait3A_343 = tpu.memref_slice %arg4[%multiple_of3A_341, %dma_wait3A_342] : memref<500000x128xf32, #tpu.memory_space<hbm>> -> memref<128x128xf32, #tpu.memory_space<hbm>>
          %dma_wait3A_344 = arith.constant 0 : i32
          %dma_wait3A_345 = tpu.memref_slice %arg4[%multiple_of3A_341, %dma_wait3A_344] : memref<500000x128xf32, #tpu.memory_space<hbm>> -> memref<128x128xf32, #tpu.memory_space<hbm>>
          tpu.wait_dma2 semaphore(%arg13 : memref<!tpu.dma_semaphore, #tpu.memory_space<semaphore_mem>>) src(%arg8 : memref<128x128xf32, #tpu.memory_space<vmem>>) dst(%dma_wait3A_345 : memref<128x128xf32, #tpu.memory_space<hbm>>)
        } else {
        }
        %add3A_74 = arith.constant 0 : i32
        %add3A_75 = vector.broadcast %add3A_74 : i32 to vector<16xi32>
        %add3A_76 = arith.addi %get3A_2, %add3A_75 : vector<16xi32>
        %rem3A = arith.constant 16 : i32
        %rem3A_77 = vector.broadcast %rem3A : i32 to vector<16xi32>
        %rem3A_78 = arith.remsi %add3A_76, %rem3A_77 : vector<16xi32>
        %add3A_79 = arith.constant 1 : i32
        %add3A_80 = vector.broadcast %add3A_79 : i32 to vector<16xi32>
        %add3A_81 = arith.addi %get3A_2, %add3A_80 : vector<16xi32>
        %rem3A_82 = arith.constant 16 : i32
        %rem3A_83 = vector.broadcast %rem3A_82 : i32 to vector<16xi32>
        %rem3A_84 = arith.remsi %add3A_81, %rem3A_83 : vector<16xi32>
        %add3A_85 = arith.constant 2 : i32
        %add3A_86 = vector.broadcast %add3A_85 : i32 to vector<16xi32>
        %add3A_87 = arith.addi %get3A_2, %add3A_86 : vector<16xi32>
        %rem3A_88 = arith.constant 16 : i32
        %rem3A_89 = vector.broadcast %rem3A_88 : i32 to vector<16xi32>
        %rem3A_90 = arith.remsi %add3A_87, %rem3A_89 : vector<16xi32>
        %add3A_91 = arith.constant 3 : i32
        %add3A_92 = vector.broadcast %add3A_91 : i32 to vector<16xi32>
        %add3A_93 = arith.addi %get3A_2, %add3A_92 : vector<16xi32>
        %rem3A_94 = arith.constant 16 : i32
        %rem3A_95 = vector.broadcast %rem3A_94 : i32 to vector<16xi32>
        %rem3A_96 = arith.remsi %add3A_93, %rem3A_95 : vector<16xi32>
        %add3A_97 = arith.constant 4 : i32
        %add3A_98 = vector.broadcast %add3A_97 : i32 to vector<16xi32>
        %add3A_99 = arith.addi %get3A_2, %add3A_98 : vector<16xi32>
        %rem3A_100 = arith.constant 16 : i32
        %rem3A_101 = vector.broadcast %rem3A_100 : i32 to vector<16xi32>
        %rem3A_102 = arith.remsi %add3A_99, %rem3A_101 : vector<16xi32>
        %add3A_103 = arith.constant 5 : i32
        %add3A_104 = vector.broadcast %add3A_103 : i32 to vector<16xi32>
        %add3A_105 = arith.addi %get3A_2, %add3A_104 : vector<16xi32>
        %rem3A_106 = arith.constant 16 : i32
        %rem3A_107 = vector.broadcast %rem3A_106 : i32 to vector<16xi32>
        %rem3A_108 = arith.remsi %add3A_105, %rem3A_107 : vector<16xi32>
        %add3A_109 = arith.constant 6 : i32
        %add3A_110 = vector.broadcast %add3A_109 : i32 to vector<16xi32>
        %add3A_111 = arith.addi %get3A_2, %add3A_110 : vector<16xi32>
        %rem3A_112 = arith.constant 16 : i32
        %rem3A_113 = vector.broadcast %rem3A_112 : i32 to vector<16xi32>
        %rem3A_114 = arith.remsi %add3A_111, %rem3A_113 : vector<16xi32>
        %add3A_115 = arith.constant 7 : i32
        %add3A_116 = vector.broadcast %add3A_115 : i32 to vector<16xi32>
        %add3A_117 = arith.addi %get3A_2, %add3A_116 : vector<16xi32>
        %rem3A_118 = arith.constant 16 : i32
        %rem3A_119 = vector.broadcast %rem3A_118 : i32 to vector<16xi32>
        %rem3A_120 = arith.remsi %add3A_117, %rem3A_119 : vector<16xi32>
        %add3A_121 = arith.constant 8 : i32
        %add3A_122 = vector.broadcast %add3A_121 : i32 to vector<16xi32>
        %add3A_123 = arith.addi %get3A_2, %add3A_122 : vector<16xi32>
        %rem3A_124 = arith.constant 16 : i32
        %rem3A_125 = vector.broadcast %rem3A_124 : i32 to vector<16xi32>
        %rem3A_126 = arith.remsi %add3A_123, %rem3A_125 : vector<16xi32>
        %add3A_127 = arith.constant 9 : i32
        %add3A_128 = vector.broadcast %add3A_127 : i32 to vector<16xi32>
        %add3A_129 = arith.addi %get3A_2, %add3A_128 : vector<16xi32>
        %rem3A_130 = arith.constant 16 : i32
        %rem3A_131 = vector.broadcast %rem3A_130 : i32 to vector<16xi32>
        %rem3A_132 = arith.remsi %add3A_129, %rem3A_131 : vector<16xi32>
        %add3A_133 = arith.constant 10 : i32
        %add3A_134 = vector.broadcast %add3A_133 : i32 to vector<16xi32>
        %add3A_135 = arith.addi %get3A_2, %add3A_134 : vector<16xi32>
        %rem3A_136 = arith.constant 16 : i32
        %rem3A_137 = vector.broadcast %rem3A_136 : i32 to vector<16xi32>
        %rem3A_138 = arith.remsi %add3A_135, %rem3A_137 : vector<16xi32>
        %add3A_139 = arith.constant 11 : i32
        %add3A_140 = vector.broadcast %add3A_139 : i32 to vector<16xi32>
        %add3A_141 = arith.addi %get3A_2, %add3A_140 : vector<16xi32>
        %rem3A_142 = arith.constant 16 : i32
        %rem3A_143 = vector.broadcast %rem3A_142 : i32 to vector<16xi32>
        %rem3A_144 = arith.remsi %add3A_141, %rem3A_143 : vector<16xi32>
        %add3A_145 = arith.constant 12 : i32
        %add3A_146 = vector.broadcast %add3A_145 : i32 to vector<16xi32>
        %add3A_147 = arith.addi %get3A_2, %add3A_146 : vector<16xi32>
        %rem3A_148 = arith.constant 16 : i32
        %rem3A_149 = vector.broadcast %rem3A_148 : i32 to vector<16xi32>
        %rem3A_150 = arith.remsi %add3A_147, %rem3A_149 : vector<16xi32>
        %add3A_151 = arith.constant 13 : i32
        %add3A_152 = vector.broadcast %add3A_151 : i32 to vector<16xi32>
        %add3A_153 = arith.addi %get3A_2, %add3A_152 : vector<16xi32>
        %rem3A_154 = arith.constant 16 : i32
        %rem3A_155 = vector.broadcast %rem3A_154 : i32 to vector<16xi32>
        %rem3A_156 = arith.remsi %add3A_153, %rem3A_155 : vector<16xi32>
        %add3A_157 = arith.constant 14 : i32
        %add3A_158 = vector.broadcast %add3A_157 : i32 to vector<16xi32>
        %add3A_159 = arith.addi %get3A_2, %add3A_158 : vector<16xi32>
        %rem3A_160 = arith.constant 16 : i32
        %rem3A_161 = vector.broadcast %rem3A_160 : i32 to vector<16xi32>
        %rem3A_162 = arith.remsi %add3A_159, %rem3A_161 : vector<16xi32>
        %add3A_163 = arith.constant 15 : i32
        %add3A_164 = vector.broadcast %add3A_163 : i32 to vector<16xi32>
        %add3A_165 = arith.addi %get3A_2, %add3A_164 : vector<16xi32>
        %rem3A_166 = arith.constant 16 : i32
        %rem3A_167 = vector.broadcast %rem3A_166 : i32 to vector<16xi32>
        %rem3A_168 = arith.remsi %add3A_165, %rem3A_167 : vector<16xi32>
        %shift_right_logical3A = arith.constant 1 : i32
        %shift_right_logical3A_169 = vector.broadcast %shift_right_logical3A : i32 to vector<16xi32>
        %shift_right_logical3A_170 = arith.shrui %rem3A_78, %shift_right_logical3A_169 : vector<16xi32>
        %shift_right_logical3A_171 = arith.constant 1 : i32
        %shift_right_logical3A_172 = vector.broadcast %shift_right_logical3A_171 : i32 to vector<16xi32>
        %shift_right_logical3A_173 = arith.shrui %rem3A_84, %shift_right_logical3A_172 : vector<16xi32>
        %shift_right_logical3A_174 = arith.constant 1 : i32
        %shift_right_logical3A_175 = vector.broadcast %shift_right_logical3A_174 : i32 to vector<16xi32>
        %shift_right_logical3A_176 = arith.shrui %rem3A_90, %shift_right_logical3A_175 : vector<16xi32>
        %shift_right_logical3A_177 = arith.constant 1 : i32
        %shift_right_logical3A_178 = vector.broadcast %shift_right_logical3A_177 : i32 to vector<16xi32>
        %shift_right_logical3A_179 = arith.shrui %rem3A_96, %shift_right_logical3A_178 : vector<16xi32>
        %shift_right_logical3A_180 = arith.constant 1 : i32
        %shift_right_logical3A_181 = vector.broadcast %shift_right_logical3A_180 : i32 to vector<16xi32>
        %shift_right_logical3A_182 = arith.shrui %rem3A_102, %shift_right_logical3A_181 : vector<16xi32>
        %shift_right_logical3A_183 = arith.constant 1 : i32
        %shift_right_logical3A_184 = vector.broadcast %shift_right_logical3A_183 : i32 to vector<16xi32>
        %shift_right_logical3A_185 = arith.shrui %rem3A_108, %shift_right_logical3A_184 : vector<16xi32>
        %shift_right_logical3A_186 = arith.constant 1 : i32
        %shift_right_logical3A_187 = vector.broadcast %shift_right_logical3A_186 : i32 to vector<16xi32>
        %shift_right_logical3A_188 = arith.shrui %rem3A_114, %shift_right_logical3A_187 : vector<16xi32>
        %shift_right_logical3A_189 = arith.constant 1 : i32
        %shift_right_logical3A_190 = vector.broadcast %shift_right_logical3A_189 : i32 to vector<16xi32>
        %shift_right_logical3A_191 = arith.shrui %rem3A_120, %shift_right_logical3A_190 : vector<16xi32>
        %shift_right_logical3A_192 = arith.constant 1 : i32
        %shift_right_logical3A_193 = vector.broadcast %shift_right_logical3A_192 : i32 to vector<16xi32>
        %shift_right_logical3A_194 = arith.shrui %rem3A_126, %shift_right_logical3A_193 : vector<16xi32>
        %shift_right_logical3A_195 = arith.constant 1 : i32
        %shift_right_logical3A_196 = vector.broadcast %shift_right_logical3A_195 : i32 to vector<16xi32>
        %shift_right_logical3A_197 = arith.shrui %rem3A_132, %shift_right_logical3A_196 : vector<16xi32>
        %shift_right_logical3A_198 = arith.constant 1 : i32
        %shift_right_logical3A_199 = vector.broadcast %shift_right_logical3A_198 : i32 to vector<16xi32>
        %shift_right_logical3A_200 = arith.shrui %rem3A_138, %shift_right_logical3A_199 : vector<16xi32>
        %shift_right_logical3A_201 = arith.constant 1 : i32
        %shift_right_logical3A_202 = vector.broadcast %shift_right_logical3A_201 : i32 to vector<16xi32>
        %shift_right_logical3A_203 = arith.shrui %rem3A_144, %shift_right_logical3A_202 : vector<16xi32>
        %shift_right_logical3A_204 = arith.constant 1 : i32
        %shift_right_logical3A_205 = vector.broadcast %shift_right_logical3A_204 : i32 to vector<16xi32>
        %shift_right_logical3A_206 = arith.shrui %rem3A_150, %shift_right_logical3A_205 : vector<16xi32>
        %shift_right_logical3A_207 = arith.constant 1 : i32
        %shift_right_logical3A_208 = vector.broadcast %shift_right_logical3A_207 : i32 to vector<16xi32>
        %shift_right_logical3A_209 = arith.shrui %rem3A_156, %shift_right_logical3A_208 : vector<16xi32>
        %shift_right_logical3A_210 = arith.constant 1 : i32
        %shift_right_logical3A_211 = vector.broadcast %shift_right_logical3A_210 : i32 to vector<16xi32>
        %shift_right_logical3A_212 = arith.shrui %rem3A_162, %shift_right_logical3A_211 : vector<16xi32>
        %shift_right_logical3A_213 = arith.constant 1 : i32
        %shift_right_logical3A_214 = vector.broadcast %shift_right_logical3A_213 : i32 to vector<16xi32>
        %shift_right_logical3A_215 = arith.shrui %rem3A_168, %shift_right_logical3A_214 : vector<16xi32>
        %and3A = arith.constant 1 : i32
        %and3A_216 = vector.broadcast %and3A : i32 to vector<16xi32>
        %and3A_217 = arith.andi %rem3A_78, %and3A_216 : vector<16xi32>
        %shift_left3A = arith.constant 6 : i32
        %shift_left3A_218 = vector.broadcast %shift_left3A : i32 to vector<16xi32>
        %shift_left3A_219 = arith.shli %and3A_217, %shift_left3A_218 : vector<16xi32>
        %and3A_220 = arith.constant 1 : i32
        %and3A_221 = vector.broadcast %and3A_220 : i32 to vector<16xi32>
        %and3A_222 = arith.andi %rem3A_84, %and3A_221 : vector<16xi32>
        %shift_left3A_223 = arith.constant 6 : i32
        %shift_left3A_224 = vector.broadcast %shift_left3A_223 : i32 to vector<16xi32>
        %shift_left3A_225 = arith.shli %and3A_222, %shift_left3A_224 : vector<16xi32>
        %and3A_226 = arith.constant 1 : i32
        %and3A_227 = vector.broadcast %and3A_226 : i32 to vector<16xi32>
        %and3A_228 = arith.andi %rem3A_90, %and3A_227 : vector<16xi32>
        %shift_left3A_229 = arith.constant 6 : i32
        %shift_left3A_230 = vector.broadcast %shift_left3A_229 : i32 to vector<16xi32>
        %shift_left3A_231 = arith.shli %and3A_228, %shift_left3A_230 : vector<16xi32>
        %and3A_232 = arith.constant 1 : i32
        %and3A_233 = vector.broadcast %and3A_232 : i32 to vector<16xi32>
        %and3A_234 = arith.andi %rem3A_96, %and3A_233 : vector<16xi32>
        %shift_left3A_235 = arith.constant 6 : i32
        %shift_left3A_236 = vector.broadcast %shift_left3A_235 : i32 to vector<16xi32>
        %shift_left3A_237 = arith.shli %and3A_234, %shift_left3A_236 : vector<16xi32>
        %and3A_238 = arith.constant 1 : i32
        %and3A_239 = vector.broadcast %and3A_238 : i32 to vector<16xi32>
        %and3A_240 = arith.andi %rem3A_102, %and3A_239 : vector<16xi32>
        %shift_left3A_241 = arith.constant 6 : i32
        %shift_left3A_242 = vector.broadcast %shift_left3A_241 : i32 to vector<16xi32>
        %shift_left3A_243 = arith.shli %and3A_240, %shift_left3A_242 : vector<16xi32>
        %and3A_244 = arith.constant 1 : i32
        %and3A_245 = vector.broadcast %and3A_244 : i32 to vector<16xi32>
        %and3A_246 = arith.andi %rem3A_108, %and3A_245 : vector<16xi32>
        %shift_left3A_247 = arith.constant 6 : i32
        %shift_left3A_248 = vector.broadcast %shift_left3A_247 : i32 to vector<16xi32>
        %shift_left3A_249 = arith.shli %and3A_246, %shift_left3A_248 : vector<16xi32>
        %and3A_250 = arith.constant 1 : i32
        %and3A_251 = vector.broadcast %and3A_250 : i32 to vector<16xi32>
        %and3A_252 = arith.andi %rem3A_114, %and3A_251 : vector<16xi32>
        %shift_left3A_253 = arith.constant 6 : i32
        %shift_left3A_254 = vector.broadcast %shift_left3A_253 : i32 to vector<16xi32>
        %shift_left3A_255 = arith.shli %and3A_252, %shift_left3A_254 : vector<16xi32>
        %and3A_256 = arith.constant 1 : i32
        %and3A_257 = vector.broadcast %and3A_256 : i32 to vector<16xi32>
        %and3A_258 = arith.andi %rem3A_120, %and3A_257 : vector<16xi32>
        %shift_left3A_259 = arith.constant 6 : i32
        %shift_left3A_260 = vector.broadcast %shift_left3A_259 : i32 to vector<16xi32>
        %shift_left3A_261 = arith.shli %and3A_258, %shift_left3A_260 : vector<16xi32>
        %and3A_262 = arith.constant 1 : i32
        %and3A_263 = vector.broadcast %and3A_262 : i32 to vector<16xi32>
        %and3A_264 = arith.andi %rem3A_126, %and3A_263 : vector<16xi32>
        %shift_left3A_265 = arith.constant 6 : i32
        %shift_left3A_266 = vector.broadcast %shift_left3A_265 : i32 to vector<16xi32>
        %shift_left3A_267 = arith.shli %and3A_264, %shift_left3A_266 : vector<16xi32>
        %and3A_268 = arith.constant 1 : i32
        %and3A_269 = vector.broadcast %and3A_268 : i32 to vector<16xi32>
        %and3A_270 = arith.andi %rem3A_132, %and3A_269 : vector<16xi32>
        %shift_left3A_271 = arith.constant 6 : i32
        %shift_left3A_272 = vector.broadcast %shift_left3A_271 : i32 to vector<16xi32>
        %shift_left3A_273 = arith.shli %and3A_270, %shift_left3A_272 : vector<16xi32>
        %and3A_274 = arith.constant 1 : i32
        %and3A_275 = vector.broadcast %and3A_274 : i32 to vector<16xi32>
        %and3A_276 = arith.andi %rem3A_138, %and3A_275 : vector<16xi32>
        %shift_left3A_277 = arith.constant 6 : i32
        %shift_left3A_278 = vector.broadcast %shift_left3A_277 : i32 to vector<16xi32>
        %shift_left3A_279 = arith.shli %and3A_276, %shift_left3A_278 : vector<16xi32>
        %and3A_280 = arith.constant 1 : i32
        %and3A_281 = vector.broadcast %and3A_280 : i32 to vector<16xi32>
        %and3A_282 = arith.andi %rem3A_144, %and3A_281 : vector<16xi32>
        %shift_left3A_283 = arith.constant 6 : i32
        %shift_left3A_284 = vector.broadcast %shift_left3A_283 : i32 to vector<16xi32>
        %shift_left3A_285 = arith.shli %and3A_282, %shift_left3A_284 : vector<16xi32>
        %and3A_286 = arith.constant 1 : i32
        %and3A_287 = vector.broadcast %and3A_286 : i32 to vector<16xi32>
        %and3A_288 = arith.andi %rem3A_150, %and3A_287 : vector<16xi32>
        %shift_left3A_289 = arith.constant 6 : i32
        %shift_left3A_290 = vector.broadcast %shift_left3A_289 : i32 to vector<16xi32>
        %shift_left3A_291 = arith.shli %and3A_288, %shift_left3A_290 : vector<16xi32>
        %and3A_292 = arith.constant 1 : i32
        %and3A_293 = vector.broadcast %and3A_292 : i32 to vector<16xi32>
        %and3A_294 = arith.andi %rem3A_156, %and3A_293 : vector<16xi32>
        %shift_left3A_295 = arith.constant 6 : i32
        %shift_left3A_296 = vector.broadcast %shift_left3A_295 : i32 to vector<16xi32>
        %shift_left3A_297 = arith.shli %and3A_294, %shift_left3A_296 : vector<16xi32>
        %and3A_298 = arith.constant 1 : i32
        %and3A_299 = vector.broadcast %and3A_298 : i32 to vector<16xi32>
        %and3A_300 = arith.andi %rem3A_162, %and3A_299 : vector<16xi32>
        %shift_left3A_301 = arith.constant 6 : i32
        %shift_left3A_302 = vector.broadcast %shift_left3A_301 : i32 to vector<16xi32>
        %shift_left3A_303 = arith.shli %and3A_300, %shift_left3A_302 : vector<16xi32>
        %and3A_304 = arith.constant 1 : i32
        %and3A_305 = vector.broadcast %and3A_304 : i32 to vector<16xi32>
        %and3A_306 = arith.andi %rem3A_168, %and3A_305 : vector<16xi32>
        %shift_left3A_307 = arith.constant 6 : i32
        %shift_left3A_308 = vector.broadcast %shift_left3A_307 : i32 to vector<16xi32>
        %shift_left3A_309 = arith.shli %and3A_306, %shift_left3A_308 : vector<16xi32>
        %scan3A_310 = arith.constant 0 : i32
        %scan3A_311 = arith.constant 0 : i32
        %scan3A_312 = arith.constant 64 : i32
        %scan3A_313 = arith.addi %scan3A_311, %scan3A_312 : i32
        %scan3A_314 = arith.constant 2 : i32
        scf.for %scan3A_335 = %scan3A_311 to %scan3A_313 step %scan3A_314  : i32 {
          %jit3A = arith.constant 16 : i32
          %div3A = arith.divsi %scan3A_335, %jit3A : i32
          %sign3A = arith.constant 0 : i32
          %sign3A_336 = arith.cmpi sgt, %scan3A_335, %sign3A : i32
          %sign3A_337 = arith.extui %sign3A_336 : i1 to i32
          %sign3A_338 = arith.constant 0 : i32
          %sign3A_339 = arith.cmpi slt, %scan3A_335, %sign3A_338 : i32
          %sign3A_340 = arith.extui %sign3A_339 : i1 to i32
          %sign3A_341 = arith.subi %sign3A_337, %sign3A_340 : i32
          %sign3A_342 = arith.constant 0 : i32
          %sign3A_343 = arith.cmpi sgt, %jit3A, %sign3A_342 : i32
          %sign3A_344 = arith.extui %sign3A_343 : i1 to i32
          %sign3A_345 = arith.constant 0 : i32
          %sign3A_346 = arith.cmpi slt, %jit3A, %sign3A_345 : i32
          %sign3A_347 = arith.extui %sign3A_346 : i1 to i32
          %sign3A_348 = arith.subi %sign3A_344, %sign3A_347 : i32
          %ne3A = arith.cmpi ne, %sign3A_341, %sign3A_348 : i32
          %rem3A_349 = arith.remsi %scan3A_335, %jit3A : i32
          %ne3A_350 = arith.constant 0 : i32
          %ne3A_351 = arith.cmpi ne, %rem3A_349, %ne3A_350 : i32
          %and3A_352 = arith.andi %ne3A, %ne3A_351 : i1
          %sub3A = arith.constant 1 : i32
          %sub3A_353 = arith.subi %div3A, %sub3A : i32
          %select_n3A = arith.select %and3A_352, %sub3A_353, %div3A : i32
          %mul3A_354 = arith.constant 16 : i32
          %mul3A_355 = arith.muli %select_n3A, %mul3A_354 : i32
          %add3A_356 = vector.broadcast %mul3A_355 : i32 to vector<16xi32>
          %add3A_357 = arith.addi %get3A_2, %add3A_356 : vector<16xi32>
          %jit3A_358 = arith.constant 16 : i32
          %eq3A_359 = arith.constant 0 : i32
          %eq3A_360 = arith.cmpi eq, %jit3A_358, %eq3A_359 : i32
          %jit3A_361 = arith.constant 1 : i32
          %select_n3A_362 = arith.select %eq3A_360, %jit3A_361, %jit3A_358 : i32
          %rem3A_363 = arith.remsi %scan3A_335, %select_n3A_362 : i32
          %ne3A_364 = arith.constant 0 : i32
          %ne3A_365 = arith.cmpi ne, %rem3A_363, %ne3A_364 : i32
          %lt3A_366 = arith.constant 0 : i32
          %lt3A_367 = arith.cmpi slt, %rem3A_363, %lt3A_366 : i32
          %lt3A_368 = arith.constant 0 : i32
          %lt3A_369 = arith.cmpi slt, %select_n3A_362, %lt3A_368 : i32
          %ne3A_370 = arith.xori %lt3A_367, %lt3A_369 : i1
          %and3A_371 = arith.andi %ne3A_370, %ne3A_365 : i1
          %add3A_372 = arith.addi %rem3A_363, %select_n3A_362 : i32
          %select_n3A_373 = arith.select %and3A_371, %add3A_372, %rem3A_363 : i32
          %mul3A_374 = arith.constant 16 : i32
          %mul3A_375 = arith.muli %select_n3A_373, %mul3A_374 : i32
          %add3A_376 = vector.broadcast %mul3A_375 : i32 to vector<16xi32>
          %add3A_377 = arith.addi %add3A_376, %rem3A_78 : vector<16xi32>
          %gather3A = tpu.vector_load_idx %arg6[%add3A_357, %add3A_377] : memref<64x256xf32, #tpu.memory_space<vmem>>[vector<16xi32>, vector<16xi32>], vector<16xf32>,
          %add3A_378 = vector.broadcast %mul3A_375 : i32 to vector<16xi32>
          %add3A_379 = arith.addi %add3A_378, %rem3A_84 : vector<16xi32>
          %gather3A_380 = tpu.vector_load_idx %arg6[%add3A_357, %add3A_379] : memref<64x256xf32, #tpu.memory_space<vmem>>[vector<16xi32>, vector<16xi32>], vector<16xf32>,
          %add3A_381 = vector.broadcast %mul3A_375 : i32 to vector<16xi32>
          %add3A_382 = arith.addi %add3A_381, %rem3A_90 : vector<16xi32>
          %gather3A_383 = tpu.vector_load_idx %arg6[%add3A_357, %add3A_382] : memref<64x256xf32, #tpu.memory_space<vmem>>[vector<16xi32>, vector<16xi32>], vector<16xf32>,
          %add3A_384 = vector.broadcast %mul3A_375 : i32 to vector<16xi32>
          %add3A_385 = arith.addi %add3A_384, %rem3A_96 : vector<16xi32>
          %gather3A_386 = tpu.vector_load_idx %arg6[%add3A_357, %add3A_385] : memref<64x256xf32, #tpu.memory_space<vmem>>[vector<16xi32>, vector<16xi32>], vector<16xf32>,
          %add3A_387 = vector.broadcast %mul3A_375 : i32 to vector<16xi32>
          %add3A_388 = arith.addi %add3A_387, %rem3A_102 : vector<16xi32>
          %gather3A_389 = tpu.vector_load_idx %arg6[%add3A_357, %add3A_388] : memref<64x256xf32, #tpu.memory_space<vmem>>[vector<16xi32>, vector<16xi32>], vector<16xf32>,
          %add3A_390 = vector.broadcast %mul3A_375 : i32 to vector<16xi32>
          %add3A_391 = arith.addi %add3A_390, %rem3A_108 : vector<16xi32>
          %gather3A_392 = tpu.vector_load_idx %arg6[%add3A_357, %add3A_391] : memref<64x256xf32, #tpu.memory_space<vmem>>[vector<16xi32>, vector<16xi32>], vector<16xf32>,
          %add3A_393 = vector.broadcast %mul3A_375 : i32 to vector<16xi32>
          %add3A_394 = arith.addi %add3A_393, %rem3A_114 : vector<16xi32>
          %gather3A_395 = tpu.vector_load_idx %arg6[%add3A_357, %add3A_394] : memref<64x256xf32, #tpu.memory_space<vmem>>[vector<16xi32>, vector<16xi32>], vector<16xf32>,
          %add3A_396 = vector.broadcast %mul3A_375 : i32 to vector<16xi32>
          %add3A_397 = arith.addi %add3A_396, %rem3A_120 : vector<16xi32>
          %gather3A_398 = tpu.vector_load_idx %arg6[%add3A_357, %add3A_397] : memref<64x256xf32, #tpu.memory_space<vmem>>[vector<16xi32>, vector<16xi32>], vector<16xf32>,
          %add3A_399 = vector.broadcast %mul3A_375 : i32 to vector<16xi32>
          %add3A_400 = arith.addi %add3A_399, %rem3A_126 : vector<16xi32>
          %gather3A_401 = tpu.vector_load_idx %arg6[%add3A_357, %add3A_400] : memref<64x256xf32, #tpu.memory_space<vmem>>[vector<16xi32>, vector<16xi32>], vector<16xf32>,
          %add3A_402 = vector.broadcast %mul3A_375 : i32 to vector<16xi32>
          %add3A_403 = arith.addi %add3A_402, %rem3A_132 : vector<16xi32>
          %gather3A_404 = tpu.vector_load_idx %arg6[%add3A_357, %add3A_403] : memref<64x256xf32, #tpu.memory_space<vmem>>[vector<16xi32>, vector<16xi32>], vector<16xf32>,
          %add3A_405 = vector.broadcast %mul3A_375 : i32 to vector<16xi32>
          %add3A_406 = arith.addi %add3A_405, %rem3A_138 : vector<16xi32>
          %gather3A_407 = tpu.vector_load_idx %arg6[%add3A_357, %add3A_406] : memref<64x256xf32, #tpu.memory_space<vmem>>[vector<16xi32>, vector<16xi32>], vector<16xf32>,
          %add3A_408 = vector.broadcast %mul3A_375 : i32 to vector<16xi32>
          %add3A_409 = arith.addi %add3A_408, %rem3A_144 : vector<16xi32>
          %gather3A_410 = tpu.vector_load_idx %arg6[%add3A_357, %add3A_409] : memref<64x256xf32, #tpu.memory_space<vmem>>[vector<16xi32>, vector<16xi32>], vector<16xf32>,
          %add3A_411 = vector.broadcast %mul3A_375 : i32 to vector<16xi32>
          %add3A_412 = arith.addi %add3A_411, %rem3A_150 : vector<16xi32>
          %gather3A_413 = tpu.vector_load_idx %arg6[%add3A_357, %add3A_412] : memref<64x256xf32, #tpu.memory_space<vmem>>[vector<16xi32>, vector<16xi32>], vector<16xf32>,
          %add3A_414 = vector.broadcast %mul3A_375 : i32 to vector<16xi32>
          %add3A_415 = arith.addi %add3A_414, %rem3A_156 : vector<16xi32>
          %gather3A_416 = tpu.vector_load_idx %arg6[%add3A_357, %add3A_415] : memref<64x256xf32, #tpu.memory_space<vmem>>[vector<16xi32>, vector<16xi32>], vector<16xf32>,
          %add3A_417 = vector.broadcast %mul3A_375 : i32 to vector<16xi32>
          %add3A_418 = arith.addi %add3A_417, %rem3A_162 : vector<16xi32>
          %gather3A_419 = tpu.vector_load_idx %arg6[%add3A_357, %add3A_418] : memref<64x256xf32, #tpu.memory_space<vmem>>[vector<16xi32>, vector<16xi32>], vector<16xf32>,
          %add3A_420 = vector.broadcast %mul3A_375 : i32 to vector<16xi32>
          %add3A_421 = arith.addi %add3A_420, %rem3A_168 : vector<16xi32>
          %gather3A_422 = tpu.vector_load_idx %arg6[%add3A_357, %add3A_421] : memref<64x256xf32, #tpu.memory_space<vmem>>[vector<16xi32>, vector<16xi32>], vector<16xf32>,
          %shift_right_arithmetic3A = arith.constant 1 : i32
          %shift_right_arithmetic3A_423 = arith.shrsi %mul3A_375, %shift_right_arithmetic3A : i32
          %add3A_424 = vector.broadcast %shift_right_arithmetic3A_423 : i32 to vector<16xi32>
          %add3A_425 = arith.addi %add3A_424, %shift_right_logical3A_170 : vector<16xi32>
          %add3A_426 = arith.addi %add3A_357, %shift_left3A_219 : vector<16xi32>
          tpu.vector_store_idx %arg8[%add3A_425, %add3A_426], %gather3A : memref<128x128xf32, #tpu.memory_space<vmem>>[vector<16xi32>, vector<16xi32>], vector<16xf32>,
          %shift_right_arithmetic3A_427 = arith.constant 1 : i32
          %shift_right_arithmetic3A_428 = arith.shrsi %mul3A_375, %shift_right_arithmetic3A_427 : i32
          %add3A_429 = vector.broadcast %shift_right_arithmetic3A_428 : i32 to vector<16xi32>
          %add3A_430 = arith.addi %add3A_429, %shift_right_logical3A_173 : vector<16xi32>
          %add3A_431 = arith.addi %add3A_357, %shift_left3A_225 : vector<16xi32>
          tpu.vector_store_idx %arg8[%add3A_430, %add3A_431], %gather3A_380 : memref<128x128xf32, #tpu.memory_space<vmem>>[vector<16xi32>, vector<16xi32>], vector<16xf32>,
          %shift_right_arithmetic3A_432 = arith.constant 1 : i32
          %shift_right_arithmetic3A_433 = arith.shrsi %mul3A_375, %shift_right_arithmetic3A_432 : i32
          %add3A_434 = vector.broadcast %shift_right_arithmetic3A_433 : i32 to vector<16xi32>
          %add3A_435 = arith.addi %add3A_434, %shift_right_logical3A_176 : vector<16xi32>
          %add3A_436 = arith.addi %add3A_357, %shift_left3A_231 : vector<16xi32>
          tpu.vector_store_idx %arg8[%add3A_435, %add3A_436], %gather3A_383 : memref<128x128xf32, #tpu.memory_space<vmem>>[vector<16xi32>, vector<16xi32>], vector<16xf32>,
          %shift_right_arithmetic3A_437 = arith.constant 1 : i32
          %shift_right_arithmetic3A_438 = arith.shrsi %mul3A_375, %shift_right_arithmetic3A_437 : i32
          %add3A_439 = vector.broadcast %shift_right_arithmetic3A_438 : i32 to vector<16xi32>
          %add3A_440 = arith.addi %add3A_439, %shift_right_logical3A_179 : vector<16xi32>
          %add3A_441 = arith.addi %add3A_357, %shift_left3A_237 : vector<16xi32>
          tpu.vector_store_idx %arg8[%add3A_440, %add3A_441], %gather3A_386 : memref<128x128xf32, #tpu.memory_space<vmem>>[vector<16xi32>, vector<16xi32>], vector<16xf32>,
          %shift_right_arithmetic3A_442 = arith.constant 1 : i32
          %shift_right_arithmetic3A_443 = arith.shrsi %mul3A_375, %shift_right_arithmetic3A_442 : i32
          %add3A_444 = vector.broadcast %shift_right_arithmetic3A_443 : i32 to vector<16xi32>
          %add3A_445 = arith.addi %add3A_444, %shift_right_logical3A_182 : vector<16xi32>
          %add3A_446 = arith.addi %add3A_357, %shift_left3A_243 : vector<16xi32>
          tpu.vector_store_idx %arg8[%add3A_445, %add3A_446], %gather3A_389 : memref<128x128xf32, #tpu.memory_space<vmem>>[vector<16xi32>, vector<16xi32>], vector<16xf32>,
          %shift_right_arithmetic3A_447 = arith.constant 1 : i32
          %shift_right_arithmetic3A_448 = arith.shrsi %mul3A_375, %shift_right_arithmetic3A_447 : i32
          %add3A_449 = vector.broadcast %shift_right_arithmetic3A_448 : i32 to vector<16xi32>
          %add3A_450 = arith.addi %add3A_449, %shift_right_logical3A_185 : vector<16xi32>
          %add3A_451 = arith.addi %add3A_357, %shift_left3A_249 : vector<16xi32>
          tpu.vector_store_idx %arg8[%add3A_450, %add3A_451], %gather3A_392 : memref<128x128xf32, #tpu.memory_space<vmem>>[vector<16xi32>, vector<16xi32>], vector<16xf32>,
          %shift_right_arithmetic3A_452 = arith.constant 1 : i32
          %shift_right_arithmetic3A_453 = arith.shrsi %mul3A_375, %shift_right_arithmetic3A_452 : i32
          %add3A_454 = vector.broadcast %shift_right_arithmetic3A_453 : i32 to vector<16xi32>
          %add3A_455 = arith.addi %add3A_454, %shift_right_logical3A_188 : vector<16xi32>
          %add3A_456 = arith.addi %add3A_357, %shift_left3A_255 : vector<16xi32>
          tpu.vector_store_idx %arg8[%add3A_455, %add3A_456], %gather3A_395 : memref<128x128xf32, #tpu.memory_space<vmem>>[vector<16xi32>, vector<16xi32>], vector<16xf32>,
          %shift_right_arithmetic3A_457 = arith.constant 1 : i32
          %shift_right_arithmetic3A_458 = arith.shrsi %mul3A_375, %shift_right_arithmetic3A_457 : i32
          %add3A_459 = vector.broadcast %shift_right_arithmetic3A_458 : i32 to vector<16xi32>
          %add3A_460 = arith.addi %add3A_459, %shift_right_logical3A_191 : vector<16xi32>
          %add3A_461 = arith.addi %add3A_357, %shift_left3A_261 : vector<16xi32>
          tpu.vector_store_idx %arg8[%add3A_460, %add3A_461], %gather3A_398 : memref<128x128xf32, #tpu.memory_space<vmem>>[vector<16xi32>, vector<16xi32>], vector<16xf32>,
          %shift_right_arithmetic3A_462 = arith.constant 1 : i32
          %shift_right_arithmetic3A_463 = arith.shrsi %mul3A_375, %shift_right_arithmetic3A_462 : i32
          %add3A_464 = vector.broadcast %shift_right_arithmetic3A_463 : i32 to vector<16xi32>
          %add3A_465 = arith.addi %add3A_464, %shift_right_logical3A_194 : vector<16xi32>
          %add3A_466 = arith.addi %add3A_357, %shift_left3A_267 : vector<16xi32>
          tpu.vector_store_idx %arg8[%add3A_465, %add3A_466], %gather3A_401 : memref<128x128xf32, #tpu.memory_space<vmem>>[vector<16xi32>, vector<16xi32>], vector<16xf32>,
          %shift_right_arithmetic3A_467 = arith.constant 1 : i32
          %shift_right_arithmetic3A_468 = arith.shrsi %mul3A_375, %shift_right_arithmetic3A_467 : i32
          %add3A_469 = vector.broadcast %shift_right_arithmetic3A_468 : i32 to vector<16xi32>
          %add3A_470 = arith.addi %add3A_469, %shift_right_logical3A_197 : vector<16xi32>
          %add3A_471 = arith.addi %add3A_357, %shift_left3A_273 : vector<16xi32>
          tpu.vector_store_idx %arg8[%add3A_470, %add3A_471], %gather3A_404 : memref<128x128xf32, #tpu.memory_space<vmem>>[vector<16xi32>, vector<16xi32>], vector<16xf32>,
          %shift_right_arithmetic3A_472 = arith.constant 1 : i32
          %shift_right_arithmetic3A_473 = arith.shrsi %mul3A_375, %shift_right_arithmetic3A_472 : i32
          %add3A_474 = vector.broadcast %shift_right_arithmetic3A_473 : i32 to vector<16xi32>
          %add3A_475 = arith.addi %add3A_474, %shift_right_logical3A_200 : vector<16xi32>
          %add3A_476 = arith.addi %add3A_357, %shift_left3A_279 : vector<16xi32>
          tpu.vector_store_idx %arg8[%add3A_475, %add3A_476], %gather3A_407 : memref<128x128xf32, #tpu.memory_space<vmem>>[vector<16xi32>, vector<16xi32>], vector<16xf32>,
          %shift_right_arithmetic3A_477 = arith.constant 1 : i32
          %shift_right_arithmetic3A_478 = arith.shrsi %mul3A_375, %shift_right_arithmetic3A_477 : i32
          %add3A_479 = vector.broadcast %shift_right_arithmetic3A_478 : i32 to vector<16xi32>
          %add3A_480 = arith.addi %add3A_479, %shift_right_logical3A_203 : vector<16xi32>
          %add3A_481 = arith.addi %add3A_357, %shift_left3A_285 : vector<16xi32>
          tpu.vector_store_idx %arg8[%add3A_480, %add3A_481], %gather3A_410 : memref<128x128xf32, #tpu.memory_space<vmem>>[vector<16xi32>, vector<16xi32>], vector<16xf32>,
          %shift_right_arithmetic3A_482 = arith.constant 1 : i32
          %shift_right_arithmetic3A_483 = arith.shrsi %mul3A_375, %shift_right_arithmetic3A_482 : i32
          %add3A_484 = vector.broadcast %shift_right_arithmetic3A_483 : i32 to vector<16xi32>
          %add3A_485 = arith.addi %add3A_484, %shift_right_logical3A_206 : vector<16xi32>
          %add3A_486 = arith.addi %add3A_357, %shift_left3A_291 : vector<16xi32>
          tpu.vector_store_idx %arg8[%add3A_485, %add3A_486], %gather3A_413 : memref<128x128xf32, #tpu.memory_space<vmem>>[vector<16xi32>, vector<16xi32>], vector<16xf32>,
          %shift_right_arithmetic3A_487 = arith.constant 1 : i32
          %shift_right_arithmetic3A_488 = arith.shrsi %mul3A_375, %shift_right_arithmetic3A_487 : i32
          %add3A_489 = vector.broadcast %shift_right_arithmetic3A_488 : i32 to vector<16xi32>
          %add3A_490 = arith.addi %add3A_489, %shift_right_logical3A_209 : vector<16xi32>
          %add3A_491 = arith.addi %add3A_357, %shift_left3A_297 : vector<16xi32>
          tpu.vector_store_idx %arg8[%add3A_490, %add3A_491], %gather3A_416 : memref<128x128xf32, #tpu.memory_space<vmem>>[vector<16xi32>, vector<16xi32>], vector<16xf32>,
          %shift_right_arithmetic3A_492 = arith.constant 1 : i32
          %shift_right_arithmetic3A_493 = arith.shrsi %mul3A_375, %shift_right_arithmetic3A_492 : i32
          %add3A_494 = vector.broadcast %shift_right_arithmetic3A_493 : i32 to vector<16xi32>
          %add3A_495 = arith.addi %add3A_494, %shift_right_logical3A_212 : vector<16xi32>
          %add3A_496 = arith.addi %add3A_357, %shift_left3A_303 : vector<16xi32>
          tpu.vector_store_idx %arg8[%add3A_495, %add3A_496], %gather3A_419 : memref<128x128xf32, #tpu.memory_space<vmem>>[vector<16xi32>, vector<16xi32>], vector<16xf32>,
          %shift_right_arithmetic3A_497 = arith.constant 1 : i32
          %shift_right_arithmetic3A_498 = arith.shrsi %mul3A_375, %shift_right_arithmetic3A_497 : i32
          %add3A_499 = vector.broadcast %shift_right_arithmetic3A_498 : i32 to vector<16xi32>
          %add3A_500 = arith.addi %add3A_499, %shift_right_logical3A_215 : vector<16xi32>
          %add3A_501 = arith.addi %add3A_357, %shift_left3A_309 : vector<16xi32>
          tpu.vector_store_idx %arg8[%add3A_500, %add3A_501], %gather3A_422 : memref<128x128xf32, #tpu.memory_space<vmem>>[vector<16xi32>, vector<16xi32>], vector<16xf32>,
          %scan3A_502 = arith.constant 1 : i32
          %scan3A_503 = arith.addi %scan3A_335, %scan3A_502 : i32
          %jit3A_504 = arith.constant 16 : i32
          %div3A_505 = arith.divsi %scan3A_503, %jit3A_504 : i32
          %sign3A_506 = arith.constant 0 : i32
          %sign3A_507 = arith.cmpi sgt, %scan3A_503, %sign3A_506 : i32
          %sign3A_508 = arith.extui %sign3A_507 : i1 to i32
          %sign3A_509 = arith.constant 0 : i32
          %sign3A_510 = arith.cmpi slt, %scan3A_503, %sign3A_509 : i32
          %sign3A_511 = arith.extui %sign3A_510 : i1 to i32
          %sign3A_512 = arith.subi %sign3A_508, %sign3A_511 : i32
          %sign3A_513 = arith.constant 0 : i32
          %sign3A_514 = arith.cmpi sgt, %jit3A_504, %sign3A_513 : i32
          %sign3A_515 = arith.extui %sign3A_514 : i1 to i32
          %sign3A_516 = arith.constant 0 : i32
          %sign3A_517 = arith.cmpi slt, %jit3A_504, %sign3A_516 : i32
          %sign3A_518 = arith.extui %sign3A_517 : i1 to i32
          %sign3A_519 = arith.subi %sign3A_515, %sign3A_518 : i32
          %ne3A_520 = arith.cmpi ne, %sign3A_512, %sign3A_519 : i32
          %rem3A_521 = arith.remsi %scan3A_503, %jit3A_504 : i32
          %ne3A_522 = arith.constant 0 : i32
          %ne3A_523 = arith.cmpi ne, %rem3A_521, %ne3A_522 : i32
          %and3A_524 = arith.andi %ne3A_520, %ne3A_523 : i1
          %sub3A_525 = arith.constant 1 : i32
          %sub3A_526 = arith.subi %div3A_505, %sub3A_525 : i32
          %select_n3A_527 = arith.select %and3A_524, %sub3A_526, %div3A_505 : i32
          %mul3A_528 = arith.constant 16 : i32
          %mul3A_529 = arith.muli %select_n3A_527, %mul3A_528 : i32
          %add3A_530 = vector.broadcast %mul3A_529 : i32 to vector<16xi32>
          %add3A_531 = arith.addi %get3A_2, %add3A_530 : vector<16xi32>
          %jit3A_532 = arith.constant 16 : i32
          %eq3A_533 = arith.constant 0 : i32
          %eq3A_534 = arith.cmpi eq, %jit3A_532, %eq3A_533 : i32
          %jit3A_535 = arith.constant 1 : i32
          %select_n3A_536 = arith.select %eq3A_534, %jit3A_535, %jit3A_532 : i32
          %rem3A_537 = arith.remsi %scan3A_503, %select_n3A_536 : i32
          %ne3A_538 = arith.constant 0 : i32
          %ne3A_539 = arith.cmpi ne, %rem3A_537, %ne3A_538 : i32
          %lt3A_540 = arith.constant 0 : i32
          %lt3A_541 = arith.cmpi slt, %rem3A_537, %lt3A_540 : i32
          %lt3A_542 = arith.constant 0 : i32
          %lt3A_543 = arith.cmpi slt, %select_n3A_536, %lt3A_542 : i32
          %ne3A_544 = arith.xori %lt3A_541, %lt3A_543 : i1
          %and3A_545 = arith.andi %ne3A_544, %ne3A_539 : i1
          %add3A_546 = arith.addi %rem3A_537, %select_n3A_536 : i32
          %select_n3A_547 = arith.select %and3A_545, %add3A_546, %rem3A_537 : i32
          %mul3A_548 = arith.constant 16 : i32
          %mul3A_549 = arith.muli %select_n3A_547, %mul3A_548 : i32
          %add3A_550 = vector.broadcast %mul3A_549 : i32 to vector<16xi32>
          %add3A_551 = arith.addi %add3A_550, %rem3A_78 : vector<16xi32>
          %gather3A_552 = tpu.vector_load_idx %arg6[%add3A_531, %add3A_551] : memref<64x256xf32, #tpu.memory_space<vmem>>[vector<16xi32>, vector<16xi32>], vector<16xf32>,
          %add3A_553 = vector.broadcast %mul3A_549 : i32 to vector<16xi32>
          %add3A_554 = arith.addi %add3A_553, %rem3A_84 : vector<16xi32>
          %gather3A_555 = tpu.vector_load_idx %arg6[%add3A_531, %add3A_554] : memref<64x256xf32, #tpu.memory_space<vmem>>[vector<16xi32>, vector<16xi32>], vector<16xf32>,
          %add3A_556 = vector.broadcast %mul3A_549 : i32 to vector<16xi32>
          %add3A_557 = arith.addi %add3A_556, %rem3A_90 : vector<16xi32>
          %gather3A_558 = tpu.vector_load_idx %arg6[%add3A_531, %add3A_557] : memref<64x256xf32, #tpu.memory_space<vmem>>[vector<16xi32>, vector<16xi32>], vector<16xf32>,
          %add3A_559 = vector.broadcast %mul3A_549 : i32 to vector<16xi32>
          %add3A_560 = arith.addi %add3A_559, %rem3A_96 : vector<16xi32>
          %gather3A_561 = tpu.vector_load_idx %arg6[%add3A_531, %add3A_560] : memref<64x256xf32, #tpu.memory_space<vmem>>[vector<16xi32>, vector<16xi32>], vector<16xf32>,
          %add3A_562 = vector.broadcast %mul3A_549 : i32 to vector<16xi32>
          %add3A_563 = arith.addi %add3A_562, %rem3A_102 : vector<16xi32>
          %gather3A_564 = tpu.vector_load_idx %arg6[%add3A_531, %add3A_563] : memref<64x256xf32, #tpu.memory_space<vmem>>[vector<16xi32>, vector<16xi32>], vector<16xf32>,
          %add3A_565 = vector.broadcast %mul3A_549 : i32 to vector<16xi32>
          %add3A_566 = arith.addi %add3A_565, %rem3A_108 : vector<16xi32>
          %gather3A_567 = tpu.vector_load_idx %arg6[%add3A_531, %add3A_566] : memref<64x256xf32, #tpu.memory_space<vmem>>[vector<16xi32>, vector<16xi32>], vector<16xf32>,
          %add3A_568 = vector.broadcast %mul3A_549 : i32 to vector<16xi32>
          %add3A_569 = arith.addi %add3A_568, %rem3A_114 : vector<16xi32>
          %gather3A_570 = tpu.vector_load_idx %arg6[%add3A_531, %add3A_569] : memref<64x256xf32, #tpu.memory_space<vmem>>[vector<16xi32>, vector<16xi32>], vector<16xf32>,
          %add3A_571 = vector.broadcast %mul3A_549 : i32 to vector<16xi32>
          %add3A_572 = arith.addi %add3A_571, %rem3A_120 : vector<16xi32>
          %gather3A_573 = tpu.vector_load_idx %arg6[%add3A_531, %add3A_572] : memref<64x256xf32, #tpu.memory_space<vmem>>[vector<16xi32>, vector<16xi32>], vector<16xf32>,
          %add3A_574 = vector.broadcast %mul3A_549 : i32 to vector<16xi32>
          %add3A_575 = arith.addi %add3A_574, %rem3A_126 : vector<16xi32>
          %gather3A_576 = tpu.vector_load_idx %arg6[%add3A_531, %add3A_575] : memref<64x256xf32, #tpu.memory_space<vmem>>[vector<16xi32>, vector<16xi32>], vector<16xf32>,
          %add3A_577 = vector.broadcast %mul3A_549 : i32 to vector<16xi32>
          %add3A_578 = arith.addi %add3A_577, %rem3A_132 : vector<16xi32>
          %gather3A_579 = tpu.vector_load_idx %arg6[%add3A_531, %add3A_578] : memref<64x256xf32, #tpu.memory_space<vmem>>[vector<16xi32>, vector<16xi32>], vector<16xf32>,
          %add3A_580 = vector.broadcast %mul3A_549 : i32 to vector<16xi32>
          %add3A_581 = arith.addi %add3A_580, %rem3A_138 : vector<16xi32>
          %gather3A_582 = tpu.vector_load_idx %arg6[%add3A_531, %add3A_581] : memref<64x256xf32, #tpu.memory_space<vmem>>[vector<16xi32>, vector<16xi32>], vector<16xf32>,
          %add3A_583 = vector.broadcast %mul3A_549 : i32 to vector<16xi32>
          %add3A_584 = arith.addi %add3A_583, %rem3A_144 : vector<16xi32>
          %gather3A_585 = tpu.vector_load_idx %arg6[%add3A_531, %add3A_584] : memref<64x256xf32, #tpu.memory_space<vmem>>[vector<16xi32>, vector<16xi32>], vector<16xf32>,
          %add3A_586 = vector.broadcast %mul3A_549 : i32 to vector<16xi32>
          %add3A_587 = arith.addi %add3A_586, %rem3A_150 : vector<16xi32>
          %gather3A_588 = tpu.vector_load_idx %arg6[%add3A_531, %add3A_587] : memref<64x256xf32, #tpu.memory_space<vmem>>[vector<16xi32>, vector<16xi32>], vector<16xf32>,
          %add3A_589 = vector.broadcast %mul3A_549 : i32 to vector<16xi32>
          %add3A_590 = arith.addi %add3A_589, %rem3A_156 : vector<16xi32>
          %gather3A_591 = tpu.vector_load_idx %arg6[%add3A_531, %add3A_590] : memref<64x256xf32, #tpu.memory_space<vmem>>[vector<16xi32>, vector<16xi32>], vector<16xf32>,
          %add3A_592 = vector.broadcast %mul3A_549 : i32 to vector<16xi32>
          %add3A_593 = arith.addi %add3A_592, %rem3A_162 : vector<16xi32>
          %gather3A_594 = tpu.vector_load_idx %arg6[%add3A_531, %add3A_593] : memref<64x256xf32, #tpu.memory_space<vmem>>[vector<16xi32>, vector<16xi32>], vector<16xf32>,
          %add3A_595 = vector.broadcast %mul3A_549 : i32 to vector<16xi32>
          %add3A_596 = arith.addi %add3A_595, %rem3A_168 : vector<16xi32>
          %gather3A_597 = tpu.vector_load_idx %arg6[%add3A_531, %add3A_596] : memref<64x256xf32, #tpu.memory_space<vmem>>[vector<16xi32>, vector<16xi32>], vector<16xf32>,
          %shift_right_arithmetic3A_598 = arith.constant 1 : i32
          %shift_right_arithmetic3A_599 = arith.shrsi %mul3A_549, %shift_right_arithmetic3A_598 : i32
          %add3A_600 = vector.broadcast %shift_right_arithmetic3A_599 : i32 to vector<16xi32>
          %add3A_601 = arith.addi %add3A_600, %shift_right_logical3A_170 : vector<16xi32>
          %add3A_602 = arith.addi %add3A_531, %shift_left3A_219 : vector<16xi32>
          tpu.vector_store_idx %arg8[%add3A_601, %add3A_602], %gather3A_552 : memref<128x128xf32, #tpu.memory_space<vmem>>[vector<16xi32>, vector<16xi32>], vector<16xf32>,
          %shift_right_arithmetic3A_603 = arith.constant 1 : i32
          %shift_right_arithmetic3A_604 = arith.shrsi %mul3A_549, %shift_right_arithmetic3A_603 : i32
          %add3A_605 = vector.broadcast %shift_right_arithmetic3A_604 : i32 to vector<16xi32>
          %add3A_606 = arith.addi %add3A_605, %shift_right_logical3A_173 : vector<16xi32>
          %add3A_607 = arith.addi %add3A_531, %shift_left3A_225 : vector<16xi32>
          tpu.vector_store_idx %arg8[%add3A_606, %add3A_607], %gather3A_555 : memref<128x128xf32, #tpu.memory_space<vmem>>[vector<16xi32>, vector<16xi32>], vector<16xf32>,
          %shift_right_arithmetic3A_608 = arith.constant 1 : i32
          %shift_right_arithmetic3A_609 = arith.shrsi %mul3A_549, %shift_right_arithmetic3A_608 : i32
          %add3A_610 = vector.broadcast %shift_right_arithmetic3A_609 : i32 to vector<16xi32>
          %add3A_611 = arith.addi %add3A_610, %shift_right_logical3A_176 : vector<16xi32>
          %add3A_612 = arith.addi %add3A_531, %shift_left3A_231 : vector<16xi32>
          tpu.vector_store_idx %arg8[%add3A_611, %add3A_612], %gather3A_558 : memref<128x128xf32, #tpu.memory_space<vmem>>[vector<16xi32>, vector<16xi32>], vector<16xf32>,
          %shift_right_arithmetic3A_613 = arith.constant 1 : i32
          %shift_right_arithmetic3A_614 = arith.shrsi %mul3A_549, %shift_right_arithmetic3A_613 : i32
          %add3A_615 = vector.broadcast %shift_right_arithmetic3A_614 : i32 to vector<16xi32>
          %add3A_616 = arith.addi %add3A_615, %shift_right_logical3A_179 : vector<16xi32>
          %add3A_617 = arith.addi %add3A_531, %shift_left3A_237 : vector<16xi32>
          tpu.vector_store_idx %arg8[%add3A_616, %add3A_617], %gather3A_561 : memref<128x128xf32, #tpu.memory_space<vmem>>[vector<16xi32>, vector<16xi32>], vector<16xf32>,
          %shift_right_arithmetic3A_618 = arith.constant 1 : i32
          %shift_right_arithmetic3A_619 = arith.shrsi %mul3A_549, %shift_right_arithmetic3A_618 : i32
          %add3A_620 = vector.broadcast %shift_right_arithmetic3A_619 : i32 to vector<16xi32>
          %add3A_621 = arith.addi %add3A_620, %shift_right_logical3A_182 : vector<16xi32>
          %add3A_622 = arith.addi %add3A_531, %shift_left3A_243 : vector<16xi32>
          tpu.vector_store_idx %arg8[%add3A_621, %add3A_622], %gather3A_564 : memref<128x128xf32, #tpu.memory_space<vmem>>[vector<16xi32>, vector<16xi32>], vector<16xf32>,
          %shift_right_arithmetic3A_623 = arith.constant 1 : i32
          %shift_right_arithmetic3A_624 = arith.shrsi %mul3A_549, %shift_right_arithmetic3A_623 : i32
          %add3A_625 = vector.broadcast %shift_right_arithmetic3A_624 : i32 to vector<16xi32>
          %add3A_626 = arith.addi %add3A_625, %shift_right_logical3A_185 : vector<16xi32>
          %add3A_627 = arith.addi %add3A_531, %shift_left3A_249 : vector<16xi32>
          tpu.vector_store_idx %arg8[%add3A_626, %add3A_627], %gather3A_567 : memref<128x128xf32, #tpu.memory_space<vmem>>[vector<16xi32>, vector<16xi32>], vector<16xf32>,
          %shift_right_arithmetic3A_628 = arith.constant 1 : i32
          %shift_right_arithmetic3A_629 = arith.shrsi %mul3A_549, %shift_right_arithmetic3A_628 : i32
          %add3A_630 = vector.broadcast %shift_right_arithmetic3A_629 : i32 to vector<16xi32>
          %add3A_631 = arith.addi %add3A_630, %shift_right_logical3A_188 : vector<16xi32>
          %add3A_632 = arith.addi %add3A_531, %shift_left3A_255 : vector<16xi32>
          tpu.vector_store_idx %arg8[%add3A_631, %add3A_632], %gather3A_570 : memref<128x128xf32, #tpu.memory_space<vmem>>[vector<16xi32>, vector<16xi32>], vector<16xf32>,
          %shift_right_arithmetic3A_633 = arith.constant 1 : i32
          %shift_right_arithmetic3A_634 = arith.shrsi %mul3A_549, %shift_right_arithmetic3A_633 : i32
          %add3A_635 = vector.broadcast %shift_right_arithmetic3A_634 : i32 to vector<16xi32>
          %add3A_636 = arith.addi %add3A_635, %shift_right_logical3A_191 : vector<16xi32>
          %add3A_637 = arith.addi %add3A_531, %shift_left3A_261 : vector<16xi32>
          tpu.vector_store_idx %arg8[%add3A_636, %add3A_637], %gather3A_573 : memref<128x128xf32, #tpu.memory_space<vmem>>[vector<16xi32>, vector<16xi32>], vector<16xf32>,
          %shift_right_arithmetic3A_638 = arith.constant 1 : i32
          %shift_right_arithmetic3A_639 = arith.shrsi %mul3A_549, %shift_right_arithmetic3A_638 : i32
          %add3A_640 = vector.broadcast %shift_right_arithmetic3A_639 : i32 to vector<16xi32>
          %add3A_641 = arith.addi %add3A_640, %shift_right_logical3A_194 : vector<16xi32>
          %add3A_642 = arith.addi %add3A_531, %shift_left3A_267 : vector<16xi32>
          tpu.vector_store_idx %arg8[%add3A_641, %add3A_642], %gather3A_576 : memref<128x128xf32, #tpu.memory_space<vmem>>[vector<16xi32>, vector<16xi32>], vector<16xf32>,
          %shift_right_arithmetic3A_643 = arith.constant 1 : i32
          %shift_right_arithmetic3A_644 = arith.shrsi %mul3A_549, %shift_right_arithmetic3A_643 : i32
          %add3A_645 = vector.broadcast %shift_right_arithmetic3A_644 : i32 to vector<16xi32>
          %add3A_646 = arith.addi %add3A_645, %shift_right_logical3A_197 : vector<16xi32>
          %add3A_647 = arith.addi %add3A_531, %shift_left3A_273 : vector<16xi32>
          tpu.vector_store_idx %arg8[%add3A_646, %add3A_647], %gather3A_579 : memref<128x128xf32, #tpu.memory_space<vmem>>[vector<16xi32>, vector<16xi32>], vector<16xf32>,
          %shift_right_arithmetic3A_648 = arith.constant 1 : i32
          %shift_right_arithmetic3A_649 = arith.shrsi %mul3A_549, %shift_right_arithmetic3A_648 : i32
          %add3A_650 = vector.broadcast %shift_right_arithmetic3A_649 : i32 to vector<16xi32>
          %add3A_651 = arith.addi %add3A_650, %shift_right_logical3A_200 : vector<16xi32>
          %add3A_652 = arith.addi %add3A_531, %shift_left3A_279 : vector<16xi32>
          tpu.vector_store_idx %arg8[%add3A_651, %add3A_652], %gather3A_582 : memref<128x128xf32, #tpu.memory_space<vmem>>[vector<16xi32>, vector<16xi32>], vector<16xf32>,
          %shift_right_arithmetic3A_653 = arith.constant 1 : i32
          %shift_right_arithmetic3A_654 = arith.shrsi %mul3A_549, %shift_right_arithmetic3A_653 : i32
          %add3A_655 = vector.broadcast %shift_right_arithmetic3A_654 : i32 to vector<16xi32>
          %add3A_656 = arith.addi %add3A_655, %shift_right_logical3A_203 : vector<16xi32>
          %add3A_657 = arith.addi %add3A_531, %shift_left3A_285 : vector<16xi32>
          tpu.vector_store_idx %arg8[%add3A_656, %add3A_657], %gather3A_585 : memref<128x128xf32, #tpu.memory_space<vmem>>[vector<16xi32>, vector<16xi32>], vector<16xf32>,
          %shift_right_arithmetic3A_658 = arith.constant 1 : i32
          %shift_right_arithmetic3A_659 = arith.shrsi %mul3A_549, %shift_right_arithmetic3A_658 : i32
          %add3A_660 = vector.broadcast %shift_right_arithmetic3A_659 : i32 to vector<16xi32>
          %add3A_661 = arith.addi %add3A_660, %shift_right_logical3A_206 : vector<16xi32>
          %add3A_662 = arith.addi %add3A_531, %shift_left3A_291 : vector<16xi32>
          tpu.vector_store_idx %arg8[%add3A_661, %add3A_662], %gather3A_588 : memref<128x128xf32, #tpu.memory_space<vmem>>[vector<16xi32>, vector<16xi32>], vector<16xf32>,
          %shift_right_arithmetic3A_663 = arith.constant 1 : i32
          %shift_right_arithmetic3A_664 = arith.shrsi %mul3A_549, %shift_right_arithmetic3A_663 : i32
          %add3A_665 = vector.broadcast %shift_right_arithmetic3A_664 : i32 to vector<16xi32>
          %add3A_666 = arith.addi %add3A_665, %shift_right_logical3A_209 : vector<16xi32>
          %add3A_667 = arith.addi %add3A_531, %shift_left3A_297 : vector<16xi32>
          tpu.vector_store_idx %arg8[%add3A_666, %add3A_667], %gather3A_591 : memref<128x128xf32, #tpu.memory_space<vmem>>[vector<16xi32>, vector<16xi32>], vector<16xf32>,
          %shift_right_arithmetic3A_668 = arith.constant 1 : i32
          %shift_right_arithmetic3A_669 = arith.shrsi %mul3A_549, %shift_right_arithmetic3A_668 : i32
          %add3A_670 = vector.broadcast %shift_right_arithmetic3A_669 : i32 to vector<16xi32>
          %add3A_671 = arith.addi %add3A_670, %shift_right_logical3A_212 : vector<16xi32>
          %add3A_672 = arith.addi %add3A_531, %shift_left3A_303 : vector<16xi32>
          tpu.vector_store_idx %arg8[%add3A_671, %add3A_672], %gather3A_594 : memref<128x128xf32, #tpu.memory_space<vmem>>[vector<16xi32>, vector<16xi32>], vector<16xf32>,
          %shift_right_arithmetic3A_673 = arith.constant 1 : i32
          %shift_right_arithmetic3A_674 = arith.shrsi %mul3A_549, %shift_right_arithmetic3A_673 : i32
          %add3A_675 = vector.broadcast %shift_right_arithmetic3A_674 : i32 to vector<16xi32>
          %add3A_676 = arith.addi %add3A_675, %shift_right_logical3A_215 : vector<16xi32>
          %add3A_677 = arith.addi %add3A_531, %shift_left3A_309 : vector<16xi32>
          tpu.vector_store_idx %arg8[%add3A_676, %add3A_677], %gather3A_597 : memref<128x128xf32, #tpu.memory_space<vmem>>[vector<16xi32>, vector<16xi32>], vector<16xf32>,
        }
        %scan3A_315 = arith.constant 64 : i32
        %mul3A_316 = arith.constant 32 : i32
        %mul3A_317 = arith.muli %add3A_53, %mul3A_316 : i32
        %add3A_318 = arith.addi %add3A, %mul3A_317 : i32
        %mul3A_319 = arith.constant 128 : i32
        %mul3A_320 = arith.muli %add3A_318, %mul3A_319 : i32
        %multiple_of3A_321 = tpu.assume_multiple %mul3A_320, 128 : i32
        %dma_start3A = arith.constant 0 : i32
        %dma_start3A_322 = tpu.memref_slice %arg4[%multiple_of3A_321, %dma_start3A] : memref<500000x128xf32, #tpu.memory_space<hbm>> -> memref<128x128xf32, #tpu.memory_space<hbm>>
        %dma_start3A_323 = arith.constant 0 : i32
        %dma_start3A_324 = tpu.memref_slice %arg4[%multiple_of3A_321, %dma_start3A_323] : memref<500000x128xf32, #tpu.memory_space<hbm>> -> memref<128x128xf32, #tpu.memory_space<hbm>>
        tpu.enqueue_dma source(%arg8 : memref<128x128xf32, #tpu.memory_space<vmem>>) target(%dma_start3A_324 : memref<128x128xf32, #tpu.memory_space<hbm>>) target_semaphore(%arg13 : memref<!tpu.dma_semaphore, #tpu.memory_space<semaphore_mem>>)
        %add3A_325 = arith.constant 2 : i32
        %add3A_326 = arith.addi %add3A_53, %add3A_325 : i32
        %mul3A_327 = arith.constant 32 : i32
        %mul3A_328 = arith.muli %add3A_326, %mul3A_327 : i32
        %add3A_329 = arith.addi %add3A, %mul3A_328 : i32
        %lt3A_330 = arith.constant 3906 : i32
        %lt3A_331 = arith.cmpi slt, %add3A_329, %lt3A_330 : i32
        %convert_element_type3A_332 = arith.extui %lt3A_331 : i1 to i32
        %cond3A_333 = arith.constant 0 : i32
        %cond3A_334 = arith.cmpi ne, %convert_element_type3A_332, %cond3A_333 : i32
        scf.if %cond3A_334 {
          %add3A_335 = arith.constant 2 : i32
          %add3A_336 = arith.addi %add3A_53, %add3A_335 : i32
          %mul3A_337 = arith.constant 32 : i32
          %mul3A_338 = arith.muli %add3A_336, %mul3A_337 : i32
          %add3A_339 = arith.addi %add3A, %mul3A_338 : i32
          %mul3A_340 = arith.constant 256 : i32
          %mul3A_341 = arith.muli %add3A_339, %mul3A_340 : i32
          %multiple_of3A_342 = tpu.assume_multiple %mul3A_341, 128 : i32
          %dma_start3A_343 = arith.constant 0 : i32
          %dma_start3A_344 = tpu.memref_slice %arg2[%dma_start3A_343, %multiple_of3A_342] : memref<64x1000000xf32, #tpu.memory_space<hbm>> -> memref<64x256xf32, #tpu.memory_space<hbm>>
          %dma_start3A_345 = arith.constant 0 : i32
          %dma_start3A_346 = tpu.memref_slice %arg2[%dma_start3A_345, %multiple_of3A_342] : memref<64x1000000xf32, #tpu.memory_space<hbm>> -> memref<64x256xf32, #tpu.memory_space<hbm>>
          tpu.enqueue_dma source(%dma_start3A_346 : memref<64x256xf32, #tpu.memory_space<hbm>>) target(%arg6 : memref<64x256xf32, #tpu.memory_space<vmem>>) target_semaphore(%arg11 : memref<!tpu.dma_semaphore, #tpu.memory_space<semaphore_mem>>)
        } else {
        }
      } else {
      }
    }
    %scan3A_18 = arith.constant 62 : i32
    %add3A_19 = arith.constant 3872 : i32
    %add3A_20 = arith.addi %add3A, %add3A_19 : i32
    %lt3A_21 = arith.constant 3906 : i32
    %lt3A_22 = arith.cmpi slt, %add3A_20, %lt3A_21 : i32
    %convert_element_type3A_23 = arith.extui %lt3A_22 : i1 to i32
    %cond3A_24 = arith.constant 0 : i32
    %cond3A_25 = arith.cmpi ne, %convert_element_type3A_23, %cond3A_24 : i32
    scf.if %cond3A_25 {
      %add3A_37 = arith.constant 3872 : i32
      %add3A_38 = arith.addi %add3A, %add3A_37 : i32
      %mul3A_39 = arith.constant 128 : i32
      %mul3A_40 = arith.muli %add3A_38, %mul3A_39 : i32
      %multiple_of3A = tpu.assume_multiple %mul3A_40, 128 : i32
      %dma_wait3A = arith.constant 0 : i32
      %dma_wait3A_41 = tpu.memref_slice %arg4[%multiple_of3A, %dma_wait3A] : memref<500000x128xf32, #tpu.memory_space<hbm>> -> memref<128x128xf32, #tpu.memory_space<hbm>>
      %dma_wait3A_42 = arith.constant 0 : i32
      %dma_wait3A_43 = tpu.memref_slice %arg4[%multiple_of3A, %dma_wait3A_42] : memref<500000x128xf32, #tpu.memory_space<hbm>> -> memref<128x128xf32, #tpu.memory_space<hbm>>
      tpu.wait_dma2 semaphore(%arg13 : memref<!tpu.dma_semaphore, #tpu.memory_space<semaphore_mem>>) src(%arg8 : memref<128x128xf32, #tpu.memory_space<vmem>>) dst(%dma_wait3A_43 : memref<128x128xf32, #tpu.memory_space<hbm>>)
    } else {
    }
    %add3A_26 = arith.constant 3904 : i32
    %add3A_27 = arith.addi %add3A, %add3A_26 : i32
    %lt3A_28 = arith.constant 3906 : i32
    %lt3A_29 = arith.cmpi slt, %add3A_27, %lt3A_28 : i32
    %convert_element_type3A_30 = arith.extui %lt3A_29 : i1 to i32
    %cond3A_31 = arith.constant 0 : i32
    %cond3A_32 = arith.cmpi ne, %convert_element_type3A_30, %cond3A_31 : i32
    scf.if %cond3A_32 {
      %add3A_37 = arith.constant 3904 : i32
      %add3A_38 = arith.addi %add3A, %add3A_37 : i32
      %mul3A_39 = arith.constant 128 : i32
      %mul3A_40 = arith.muli %add3A_38, %mul3A_39 : i32
      %multiple_of3A = tpu.assume_multiple %mul3A_40, 128 : i32
      %dma_wait3A = arith.constant 0 : i32
      %dma_wait3A_41 = tpu.memref_slice %arg4[%multiple_of3A, %dma_wait3A] : memref<500000x128xf32, #tpu.memory_space<hbm>> -> memref<128x128xf32, #tpu.memory_space<hbm>>
      %dma_wait3A_42 = arith.constant 0 : i32
      %dma_wait3A_43 = tpu.memref_slice %arg4[%multiple_of3A, %dma_wait3A_42] : memref<500000x128xf32, #tpu.memory_space<hbm>> -> memref<128x128xf32, #tpu.memory_space<hbm>>
      tpu.wait_dma2 semaphore(%arg12 : memref<!tpu.dma_semaphore, #tpu.memory_space<semaphore_mem>>) src(%arg7 : memref<128x128xf32, #tpu.memory_space<vmem>>) dst(%dma_wait3A_43 : memref<128x128xf32, #tpu.memory_space<hbm>>)
    } else {
    }
    %eq3A = arith.constant 4 : i32
    %eq3A_33 = arith.cmpi eq, %add3A, %eq3A : i32
    %convert_element_type3A_34 = arith.extui %eq3A_33 : i1 to i32
    %cond3A_35 = arith.constant 0 : i32
    %cond3A_36 = arith.cmpi ne, %convert_element_type3A_34, %cond3A_35 : i32
    scf.if %cond3A_36 {
      "tpu.region"() ({
        %run_scoped3A = tpu.sem_alloc : memref<!tpu.dma_semaphore, #tpu.memory_space<semaphore_mem>>
        tpu.enqueue_dma source(%arg3 : memref<64x256xf32, #tpu.memory_space<hbm>>) target(%arg5 : memref<64x256xf32, #tpu.memory_space<vmem>>) target_semaphore(%run_scoped3A : memref<!tpu.dma_semaphore, #tpu.memory_space<semaphore_mem>>)
        tpu.wait_dma2 semaphore(%run_scoped3A : memref<!tpu.dma_semaphore, #tpu.memory_space<semaphore_mem>>) src(%arg3 : memref<64x256xf32, #tpu.memory_space<hbm>>) dst(%arg5 : memref<64x256xf32, #tpu.memory_space<vmem>>)
        tpu.yield
      }) : () -> ()
      %add3A_37 = arith.constant 0 : i32
      %add3A_38 = vector.broadcast %add3A_37 : i32 to vector<16xi32>
      %add3A_39 = arith.addi %get3A_2, %add3A_38 : vector<16xi32>
      %rem3A = arith.constant 16 : i32
      %rem3A_40 = vector.broadcast %rem3A : i32 to vector<16xi32>
      %rem3A_41 = arith.remsi %add3A_39, %rem3A_40 : vector<16xi32>
      %add3A_42 = arith.constant 1 : i32
      %add3A_43 = vector.broadcast %add3A_42 : i32 to vector<16xi32>
      %add3A_44 = arith.addi %get3A_2, %add3A_43 : vector<16xi32>
      %rem3A_45 = arith.constant 16 : i32
      %rem3A_46 = vector.broadcast %rem3A_45 : i32 to vector<16xi32>
      %rem3A_47 = arith.remsi %add3A_44, %rem3A_46 : vector<16xi32>
      %add3A_48 = arith.constant 2 : i32
      %add3A_49 = vector.broadcast %add3A_48 : i32 to vector<16xi32>
      %add3A_50 = arith.addi %get3A_2, %add3A_49 : vector<16xi32>
      %rem3A_51 = arith.constant 16 : i32
      %rem3A_52 = vector.broadcast %rem3A_51 : i32 to vector<16xi32>
      %rem3A_53 = arith.remsi %add3A_50, %rem3A_52 : vector<16xi32>
      %add3A_54 = arith.constant 3 : i32
      %add3A_55 = vector.broadcast %add3A_54 : i32 to vector<16xi32>
      %add3A_56 = arith.addi %get3A_2, %add3A_55 : vector<16xi32>
      %rem3A_57 = arith.constant 16 : i32
      %rem3A_58 = vector.broadcast %rem3A_57 : i32 to vector<16xi32>
      %rem3A_59 = arith.remsi %add3A_56, %rem3A_58 : vector<16xi32>
      %add3A_60 = arith.constant 4 : i32
      %add3A_61 = vector.broadcast %add3A_60 : i32 to vector<16xi32>
      %add3A_62 = arith.addi %get3A_2, %add3A_61 : vector<16xi32>
      %rem3A_63 = arith.constant 16 : i32
      %rem3A_64 = vector.broadcast %rem3A_63 : i32 to vector<16xi32>
      %rem3A_65 = arith.remsi %add3A_62, %rem3A_64 : vector<16xi32>
      %add3A_66 = arith.constant 5 : i32
      %add3A_67 = vector.broadcast %add3A_66 : i32 to vector<16xi32>
      %add3A_68 = arith.addi %get3A_2, %add3A_67 : vector<16xi32>
      %rem3A_69 = arith.constant 16 : i32
      %rem3A_70 = vector.broadcast %rem3A_69 : i32 to vector<16xi32>
      %rem3A_71 = arith.remsi %add3A_68, %rem3A_70 : vector<16xi32>
      %add3A_72 = arith.constant 6 : i32
      %add3A_73 = vector.broadcast %add3A_72 : i32 to vector<16xi32>
      %add3A_74 = arith.addi %get3A_2, %add3A_73 : vector<16xi32>
      %rem3A_75 = arith.constant 16 : i32
      %rem3A_76 = vector.broadcast %rem3A_75 : i32 to vector<16xi32>
      %rem3A_77 = arith.remsi %add3A_74, %rem3A_76 : vector<16xi32>
      %add3A_78 = arith.constant 7 : i32
      %add3A_79 = vector.broadcast %add3A_78 : i32 to vector<16xi32>
      %add3A_80 = arith.addi %get3A_2, %add3A_79 : vector<16xi32>
      %rem3A_81 = arith.constant 16 : i32
      %rem3A_82 = vector.broadcast %rem3A_81 : i32 to vector<16xi32>
      %rem3A_83 = arith.remsi %add3A_80, %rem3A_82 : vector<16xi32>
      %add3A_84 = arith.constant 8 : i32
      %add3A_85 = vector.broadcast %add3A_84 : i32 to vector<16xi32>
      %add3A_86 = arith.addi %get3A_2, %add3A_85 : vector<16xi32>
      %rem3A_87 = arith.constant 16 : i32
      %rem3A_88 = vector.broadcast %rem3A_87 : i32 to vector<16xi32>
      %rem3A_89 = arith.remsi %add3A_86, %rem3A_88 : vector<16xi32>
      %add3A_90 = arith.constant 9 : i32
      %add3A_91 = vector.broadcast %add3A_90 : i32 to vector<16xi32>
      %add3A_92 = arith.addi %get3A_2, %add3A_91 : vector<16xi32>
      %rem3A_93 = arith.constant 16 : i32
      %rem3A_94 = vector.broadcast %rem3A_93 : i32 to vector<16xi32>
      %rem3A_95 = arith.remsi %add3A_92, %rem3A_94 : vector<16xi32>
      %add3A_96 = arith.constant 10 : i32
      %add3A_97 = vector.broadcast %add3A_96 : i32 to vector<16xi32>
      %add3A_98 = arith.addi %get3A_2, %add3A_97 : vector<16xi32>
      %rem3A_99 = arith.constant 16 : i32
      %rem3A_100 = vector.broadcast %rem3A_99 : i32 to vector<16xi32>
      %rem3A_101 = arith.remsi %add3A_98, %rem3A_100 : vector<16xi32>
      %add3A_102 = arith.constant 11 : i32
      %add3A_103 = vector.broadcast %add3A_102 : i32 to vector<16xi32>
      %add3A_104 = arith.addi %get3A_2, %add3A_103 : vector<16xi32>
      %rem3A_105 = arith.constant 16 : i32
      %rem3A_106 = vector.broadcast %rem3A_105 : i32 to vector<16xi32>
      %rem3A_107 = arith.remsi %add3A_104, %rem3A_106 : vector<16xi32>
      %add3A_108 = arith.constant 12 : i32
      %add3A_109 = vector.broadcast %add3A_108 : i32 to vector<16xi32>
      %add3A_110 = arith.addi %get3A_2, %add3A_109 : vector<16xi32>
      %rem3A_111 = arith.constant 16 : i32
      %rem3A_112 = vector.broadcast %rem3A_111 : i32 to vector<16xi32>
      %rem3A_113 = arith.remsi %add3A_110, %rem3A_112 : vector<16xi32>
      %add3A_114 = arith.constant 13 : i32
      %add3A_115 = vector.broadcast %add3A_114 : i32 to vector<16xi32>
      %add3A_116 = arith.addi %get3A_2, %add3A_115 : vector<16xi32>
      %rem3A_117 = arith.constant 16 : i32
      %rem3A_118 = vector.broadcast %rem3A_117 : i32 to vector<16xi32>
      %rem3A_119 = arith.remsi %add3A_116, %rem3A_118 : vector<16xi32>
      %add3A_120 = arith.constant 14 : i32
      %add3A_121 = vector.broadcast %add3A_120 : i32 to vector<16xi32>
      %add3A_122 = arith.addi %get3A_2, %add3A_121 : vector<16xi32>
      %rem3A_123 = arith.constant 16 : i32
      %rem3A_124 = vector.broadcast %rem3A_123 : i32 to vector<16xi32>
      %rem3A_125 = arith.remsi %add3A_122, %rem3A_124 : vector<16xi32>
      %add3A_126 = arith.constant 15 : i32
      %add3A_127 = vector.broadcast %add3A_126 : i32 to vector<16xi32>
      %add3A_128 = arith.addi %get3A_2, %add3A_127 : vector<16xi32>
      %rem3A_129 = arith.constant 16 : i32
      %rem3A_130 = vector.broadcast %rem3A_129 : i32 to vector<16xi32>
      %rem3A_131 = arith.remsi %add3A_128, %rem3A_130 : vector<16xi32>
      %shift_right_logical3A = arith.constant 1 : i32
      %shift_right_logical3A_132 = vector.broadcast %shift_right_logical3A : i32 to vector<16xi32>
      %shift_right_logical3A_133 = arith.shrui %rem3A_41, %shift_right_logical3A_132 : vector<16xi32>
      %shift_right_logical3A_134 = arith.constant 1 : i32
      %shift_right_logical3A_135 = vector.broadcast %shift_right_logical3A_134 : i32 to vector<16xi32>
      %shift_right_logical3A_136 = arith.shrui %rem3A_47, %shift_right_logical3A_135 : vector<16xi32>
      %shift_right_logical3A_137 = arith.constant 1 : i32
      %shift_right_logical3A_138 = vector.broadcast %shift_right_logical3A_137 : i32 to vector<16xi32>
      %shift_right_logical3A_139 = arith.shrui %rem3A_53, %shift_right_logical3A_138 : vector<16xi32>
      %shift_right_logical3A_140 = arith.constant 1 : i32
      %shift_right_logical3A_141 = vector.broadcast %shift_right_logical3A_140 : i32 to vector<16xi32>
      %shift_right_logical3A_142 = arith.shrui %rem3A_59, %shift_right_logical3A_141 : vector<16xi32>
      %shift_right_logical3A_143 = arith.constant 1 : i32
      %shift_right_logical3A_144 = vector.broadcast %shift_right_logical3A_143 : i32 to vector<16xi32>
      %shift_right_logical3A_145 = arith.shrui %rem3A_65, %shift_right_logical3A_144 : vector<16xi32>
      %shift_right_logical3A_146 = arith.constant 1 : i32
      %shift_right_logical3A_147 = vector.broadcast %shift_right_logical3A_146 : i32 to vector<16xi32>
      %shift_right_logical3A_148 = arith.shrui %rem3A_71, %shift_right_logical3A_147 : vector<16xi32>
      %shift_right_logical3A_149 = arith.constant 1 : i32
      %shift_right_logical3A_150 = vector.broadcast %shift_right_logical3A_149 : i32 to vector<16xi32>
      %shift_right_logical3A_151 = arith.shrui %rem3A_77, %shift_right_logical3A_150 : vector<16xi32>
      %shift_right_logical3A_152 = arith.constant 1 : i32
      %shift_right_logical3A_153 = vector.broadcast %shift_right_logical3A_152 : i32 to vector<16xi32>
      %shift_right_logical3A_154 = arith.shrui %rem3A_83, %shift_right_logical3A_153 : vector<16xi32>
      %shift_right_logical3A_155 = arith.constant 1 : i32
      %shift_right_logical3A_156 = vector.broadcast %shift_right_logical3A_155 : i32 to vector<16xi32>
      %shift_right_logical3A_157 = arith.shrui %rem3A_89, %shift_right_logical3A_156 : vector<16xi32>
      %shift_right_logical3A_158 = arith.constant 1 : i32
      %shift_right_logical3A_159 = vector.broadcast %shift_right_logical3A_158 : i32 to vector<16xi32>
      %shift_right_logical3A_160 = arith.shrui %rem3A_95, %shift_right_logical3A_159 : vector<16xi32>
      %shift_right_logical3A_161 = arith.constant 1 : i32
      %shift_right_logical3A_162 = vector.broadcast %shift_right_logical3A_161 : i32 to vector<16xi32>
      %shift_right_logical3A_163 = arith.shrui %rem3A_101, %shift_right_logical3A_162 : vector<16xi32>
      %shift_right_logical3A_164 = arith.constant 1 : i32
      %shift_right_logical3A_165 = vector.broadcast %shift_right_logical3A_164 : i32 to vector<16xi32>
      %shift_right_logical3A_166 = arith.shrui %rem3A_107, %shift_right_logical3A_165 : vector<16xi32>
      %shift_right_logical3A_167 = arith.constant 1 : i32
      %shift_right_logical3A_168 = vector.broadcast %shift_right_logical3A_167 : i32 to vector<16xi32>
      %shift_right_logical3A_169 = arith.shrui %rem3A_113, %shift_right_logical3A_168 : vector<16xi32>
      %shift_right_logical3A_170 = arith.constant 1 : i32
      %shift_right_logical3A_171 = vector.broadcast %shift_right_logical3A_170 : i32 to vector<16xi32>
      %shift_right_logical3A_172 = arith.shrui %rem3A_119, %shift_right_logical3A_171 : vector<16xi32>
      %shift_right_logical3A_173 = arith.constant 1 : i32
      %shift_right_logical3A_174 = vector.broadcast %shift_right_logical3A_173 : i32 to vector<16xi32>
      %shift_right_logical3A_175 = arith.shrui %rem3A_125, %shift_right_logical3A_174 : vector<16xi32>
      %shift_right_logical3A_176 = arith.constant 1 : i32
      %shift_right_logical3A_177 = vector.broadcast %shift_right_logical3A_176 : i32 to vector<16xi32>
      %shift_right_logical3A_178 = arith.shrui %rem3A_131, %shift_right_logical3A_177 : vector<16xi32>
      %and3A = arith.constant 1 : i32
      %and3A_179 = vector.broadcast %and3A : i32 to vector<16xi32>
      %and3A_180 = arith.andi %rem3A_41, %and3A_179 : vector<16xi32>
      %shift_left3A = arith.constant 6 : i32
      %shift_left3A_181 = vector.broadcast %shift_left3A : i32 to vector<16xi32>
      %shift_left3A_182 = arith.shli %and3A_180, %shift_left3A_181 : vector<16xi32>
      %and3A_183 = arith.constant 1 : i32
      %and3A_184 = vector.broadcast %and3A_183 : i32 to vector<16xi32>
      %and3A_185 = arith.andi %rem3A_47, %and3A_184 : vector<16xi32>
      %shift_left3A_186 = arith.constant 6 : i32
      %shift_left3A_187 = vector.broadcast %shift_left3A_186 : i32 to vector<16xi32>
      %shift_left3A_188 = arith.shli %and3A_185, %shift_left3A_187 : vector<16xi32>
      %and3A_189 = arith.constant 1 : i32
      %and3A_190 = vector.broadcast %and3A_189 : i32 to vector<16xi32>
      %and3A_191 = arith.andi %rem3A_53, %and3A_190 : vector<16xi32>
      %shift_left3A_192 = arith.constant 6 : i32
      %shift_left3A_193 = vector.broadcast %shift_left3A_192 : i32 to vector<16xi32>
      %shift_left3A_194 = arith.shli %and3A_191, %shift_left3A_193 : vector<16xi32>
      %and3A_195 = arith.constant 1 : i32
      %and3A_196 = vector.broadcast %and3A_195 : i32 to vector<16xi32>
      %and3A_197 = arith.andi %rem3A_59, %and3A_196 : vector<16xi32>
      %shift_left3A_198 = arith.constant 6 : i32
      %shift_left3A_199 = vector.broadcast %shift_left3A_198 : i32 to vector<16xi32>
      %shift_left3A_200 = arith.shli %and3A_197, %shift_left3A_199 : vector<16xi32>
      %and3A_201 = arith.constant 1 : i32
      %and3A_202 = vector.broadcast %and3A_201 : i32 to vector<16xi32>
      %and3A_203 = arith.andi %rem3A_65, %and3A_202 : vector<16xi32>
      %shift_left3A_204 = arith.constant 6 : i32
      %shift_left3A_205 = vector.broadcast %shift_left3A_204 : i32 to vector<16xi32>
      %shift_left3A_206 = arith.shli %and3A_203, %shift_left3A_205 : vector<16xi32>
      %and3A_207 = arith.constant 1 : i32
      %and3A_208 = vector.broadcast %and3A_207 : i32 to vector<16xi32>
      %and3A_209 = arith.andi %rem3A_71, %and3A_208 : vector<16xi32>
      %shift_left3A_210 = arith.constant 6 : i32
      %shift_left3A_211 = vector.broadcast %shift_left3A_210 : i32 to vector<16xi32>
      %shift_left3A_212 = arith.shli %and3A_209, %shift_left3A_211 : vector<16xi32>
      %and3A_213 = arith.constant 1 : i32
      %and3A_214 = vector.broadcast %and3A_213 : i32 to vector<16xi32>
      %and3A_215 = arith.andi %rem3A_77, %and3A_214 : vector<16xi32>
      %shift_left3A_216 = arith.constant 6 : i32
      %shift_left3A_217 = vector.broadcast %shift_left3A_216 : i32 to vector<16xi32>
      %shift_left3A_218 = arith.shli %and3A_215, %shift_left3A_217 : vector<16xi32>
      %and3A_219 = arith.constant 1 : i32
      %and3A_220 = vector.broadcast %and3A_219 : i32 to vector<16xi32>
      %and3A_221 = arith.andi %rem3A_83, %and3A_220 : vector<16xi32>
      %shift_left3A_222 = arith.constant 6 : i32
      %shift_left3A_223 = vector.broadcast %shift_left3A_222 : i32 to vector<16xi32>
      %shift_left3A_224 = arith.shli %and3A_221, %shift_left3A_223 : vector<16xi32>
      %and3A_225 = arith.constant 1 : i32
      %and3A_226 = vector.broadcast %and3A_225 : i32 to vector<16xi32>
      %and3A_227 = arith.andi %rem3A_89, %and3A_226 : vector<16xi32>
      %shift_left3A_228 = arith.constant 6 : i32
      %shift_left3A_229 = vector.broadcast %shift_left3A_228 : i32 to vector<16xi32>
      %shift_left3A_230 = arith.shli %and3A_227, %shift_left3A_229 : vector<16xi32>
      %and3A_231 = arith.constant 1 : i32
      %and3A_232 = vector.broadcast %and3A_231 : i32 to vector<16xi32>
      %and3A_233 = arith.andi %rem3A_95, %and3A_232 : vector<16xi32>
      %shift_left3A_234 = arith.constant 6 : i32
      %shift_left3A_235 = vector.broadcast %shift_left3A_234 : i32 to vector<16xi32>
      %shift_left3A_236 = arith.shli %and3A_233, %shift_left3A_235 : vector<16xi32>
      %and3A_237 = arith.constant 1 : i32
      %and3A_238 = vector.broadcast %and3A_237 : i32 to vector<16xi32>
      %and3A_239 = arith.andi %rem3A_101, %and3A_238 : vector<16xi32>
      %shift_left3A_240 = arith.constant 6 : i32
      %shift_left3A_241 = vector.broadcast %shift_left3A_240 : i32 to vector<16xi32>
      %shift_left3A_242 = arith.shli %and3A_239, %shift_left3A_241 : vector<16xi32>
      %and3A_243 = arith.constant 1 : i32
      %and3A_244 = vector.broadcast %and3A_243 : i32 to vector<16xi32>
      %and3A_245 = arith.andi %rem3A_107, %and3A_244 : vector<16xi32>
      %shift_left3A_246 = arith.constant 6 : i32
      %shift_left3A_247 = vector.broadcast %shift_left3A_246 : i32 to vector<16xi32>
      %shift_left3A_248 = arith.shli %and3A_245, %shift_left3A_247 : vector<16xi32>
      %and3A_249 = arith.constant 1 : i32
      %and3A_250 = vector.broadcast %and3A_249 : i32 to vector<16xi32>
      %and3A_251 = arith.andi %rem3A_113, %and3A_250 : vector<16xi32>
      %shift_left3A_252 = arith.constant 6 : i32
      %shift_left3A_253 = vector.broadcast %shift_left3A_252 : i32 to vector<16xi32>
      %shift_left3A_254 = arith.shli %and3A_251, %shift_left3A_253 : vector<16xi32>
      %and3A_255 = arith.constant 1 : i32
      %and3A_256 = vector.broadcast %and3A_255 : i32 to vector<16xi32>
      %and3A_257 = arith.andi %rem3A_119, %and3A_256 : vector<16xi32>
      %shift_left3A_258 = arith.constant 6 : i32
      %shift_left3A_259 = vector.broadcast %shift_left3A_258 : i32 to vector<16xi32>
      %shift_left3A_260 = arith.shli %and3A_257, %shift_left3A_259 : vector<16xi32>
      %and3A_261 = arith.constant 1 : i32
      %and3A_262 = vector.broadcast %and3A_261 : i32 to vector<16xi32>
      %and3A_263 = arith.andi %rem3A_125, %and3A_262 : vector<16xi32>
      %shift_left3A_264 = arith.constant 6 : i32
      %shift_left3A_265 = vector.broadcast %shift_left3A_264 : i32 to vector<16xi32>
      %shift_left3A_266 = arith.shli %and3A_263, %shift_left3A_265 : vector<16xi32>
      %and3A_267 = arith.constant 1 : i32
      %and3A_268 = vector.broadcast %and3A_267 : i32 to vector<16xi32>
      %and3A_269 = arith.andi %rem3A_131, %and3A_268 : vector<16xi32>
      %shift_left3A_270 = arith.constant 6 : i32
      %shift_left3A_271 = vector.broadcast %shift_left3A_270 : i32 to vector<16xi32>
      %shift_left3A_272 = arith.shli %and3A_269, %shift_left3A_271 : vector<16xi32>
      %scan3A_273 = arith.constant 0 : i32
      %scan3A_274 = arith.constant 0 : i32
      %scan3A_275 = arith.constant 64 : i32
      %scan3A_276 = arith.addi %scan3A_274, %scan3A_275 : i32
      %scan3A_277 = arith.constant 2 : i32
      scf.for %scan3A_279 = %scan3A_274 to %scan3A_276 step %scan3A_277  : i32 {
        %jit3A = arith.constant 16 : i32
        %div3A = arith.divsi %scan3A_279, %jit3A : i32
        %sign3A = arith.constant 0 : i32
        %sign3A_280 = arith.cmpi sgt, %scan3A_279, %sign3A : i32
        %sign3A_281 = arith.extui %sign3A_280 : i1 to i32
        %sign3A_282 = arith.constant 0 : i32
        %sign3A_283 = arith.cmpi slt, %scan3A_279, %sign3A_282 : i32
        %sign3A_284 = arith.extui %sign3A_283 : i1 to i32
        %sign3A_285 = arith.subi %sign3A_281, %sign3A_284 : i32
        %sign3A_286 = arith.constant 0 : i32
        %sign3A_287 = arith.cmpi sgt, %jit3A, %sign3A_286 : i32
        %sign3A_288 = arith.extui %sign3A_287 : i1 to i32
        %sign3A_289 = arith.constant 0 : i32
        %sign3A_290 = arith.cmpi slt, %jit3A, %sign3A_289 : i32
        %sign3A_291 = arith.extui %sign3A_290 : i1 to i32
        %sign3A_292 = arith.subi %sign3A_288, %sign3A_291 : i32
        %ne3A = arith.cmpi ne, %sign3A_285, %sign3A_292 : i32
        %rem3A_293 = arith.remsi %scan3A_279, %jit3A : i32
        %ne3A_294 = arith.constant 0 : i32
        %ne3A_295 = arith.cmpi ne, %rem3A_293, %ne3A_294 : i32
        %and3A_296 = arith.andi %ne3A, %ne3A_295 : i1
        %sub3A = arith.constant 1 : i32
        %sub3A_297 = arith.subi %div3A, %sub3A : i32
        %select_n3A = arith.select %and3A_296, %sub3A_297, %div3A : i32
        %mul3A_298 = arith.constant 16 : i32
        %mul3A_299 = arith.muli %select_n3A, %mul3A_298 : i32
        %add3A_300 = vector.broadcast %mul3A_299 : i32 to vector<16xi32>
        %add3A_301 = arith.addi %get3A_2, %add3A_300 : vector<16xi32>
        %jit3A_302 = arith.constant 16 : i32
        %eq3A_303 = arith.constant 0 : i32
        %eq3A_304 = arith.cmpi eq, %jit3A_302, %eq3A_303 : i32
        %jit3A_305 = arith.constant 1 : i32
        %select_n3A_306 = arith.select %eq3A_304, %jit3A_305, %jit3A_302 : i32
        %rem3A_307 = arith.remsi %scan3A_279, %select_n3A_306 : i32
        %ne3A_308 = arith.constant 0 : i32
        %ne3A_309 = arith.cmpi ne, %rem3A_307, %ne3A_308 : i32
        %lt3A_310 = arith.constant 0 : i32
        %lt3A_311 = arith.cmpi slt, %rem3A_307, %lt3A_310 : i32
        %lt3A_312 = arith.constant 0 : i32
        %lt3A_313 = arith.cmpi slt, %select_n3A_306, %lt3A_312 : i32
        %ne3A_314 = arith.xori %lt3A_311, %lt3A_313 : i1
        %and3A_315 = arith.andi %ne3A_314, %ne3A_309 : i1
        %add3A_316 = arith.addi %rem3A_307, %select_n3A_306 : i32
        %select_n3A_317 = arith.select %and3A_315, %add3A_316, %rem3A_307 : i32
        %mul3A_318 = arith.constant 16 : i32
        %mul3A_319 = arith.muli %select_n3A_317, %mul3A_318 : i32
        %add3A_320 = vector.broadcast %mul3A_319 : i32 to vector<16xi32>
        %add3A_321 = arith.addi %add3A_320, %rem3A_41 : vector<16xi32>
        %gather3A = tpu.vector_load_idx %arg5[%add3A_301, %add3A_321] : memref<64x256xf32, #tpu.memory_space<vmem>>[vector<16xi32>, vector<16xi32>], vector<16xf32>,
        %add3A_322 = vector.broadcast %mul3A_319 : i32 to vector<16xi32>
        %add3A_323 = arith.addi %add3A_322, %rem3A_47 : vector<16xi32>
        %gather3A_324 = tpu.vector_load_idx %arg5[%add3A_301, %add3A_323] : memref<64x256xf32, #tpu.memory_space<vmem>>[vector<16xi32>, vector<16xi32>], vector<16xf32>,
        %add3A_325 = vector.broadcast %mul3A_319 : i32 to vector<16xi32>
        %add3A_326 = arith.addi %add3A_325, %rem3A_53 : vector<16xi32>
        %gather3A_327 = tpu.vector_load_idx %arg5[%add3A_301, %add3A_326] : memref<64x256xf32, #tpu.memory_space<vmem>>[vector<16xi32>, vector<16xi32>], vector<16xf32>,
        %add3A_328 = vector.broadcast %mul3A_319 : i32 to vector<16xi32>
        %add3A_329 = arith.addi %add3A_328, %rem3A_59 : vector<16xi32>
        %gather3A_330 = tpu.vector_load_idx %arg5[%add3A_301, %add3A_329] : memref<64x256xf32, #tpu.memory_space<vmem>>[vector<16xi32>, vector<16xi32>], vector<16xf32>,
        %add3A_331 = vector.broadcast %mul3A_319 : i32 to vector<16xi32>
        %add3A_332 = arith.addi %add3A_331, %rem3A_65 : vector<16xi32>
        %gather3A_333 = tpu.vector_load_idx %arg5[%add3A_301, %add3A_332] : memref<64x256xf32, #tpu.memory_space<vmem>>[vector<16xi32>, vector<16xi32>], vector<16xf32>,
        %add3A_334 = vector.broadcast %mul3A_319 : i32 to vector<16xi32>
        %add3A_335 = arith.addi %add3A_334, %rem3A_71 : vector<16xi32>
        %gather3A_336 = tpu.vector_load_idx %arg5[%add3A_301, %add3A_335] : memref<64x256xf32, #tpu.memory_space<vmem>>[vector<16xi32>, vector<16xi32>], vector<16xf32>,
        %add3A_337 = vector.broadcast %mul3A_319 : i32 to vector<16xi32>
        %add3A_338 = arith.addi %add3A_337, %rem3A_77 : vector<16xi32>
        %gather3A_339 = tpu.vector_load_idx %arg5[%add3A_301, %add3A_338] : memref<64x256xf32, #tpu.memory_space<vmem>>[vector<16xi32>, vector<16xi32>], vector<16xf32>,
        %add3A_340 = vector.broadcast %mul3A_319 : i32 to vector<16xi32>
        %add3A_341 = arith.addi %add3A_340, %rem3A_83 : vector<16xi32>
        %gather3A_342 = tpu.vector_load_idx %arg5[%add3A_301, %add3A_341] : memref<64x256xf32, #tpu.memory_space<vmem>>[vector<16xi32>, vector<16xi32>], vector<16xf32>,
        %add3A_343 = vector.broadcast %mul3A_319 : i32 to vector<16xi32>
        %add3A_344 = arith.addi %add3A_343, %rem3A_89 : vector<16xi32>
        %gather3A_345 = tpu.vector_load_idx %arg5[%add3A_301, %add3A_344] : memref<64x256xf32, #tpu.memory_space<vmem>>[vector<16xi32>, vector<16xi32>], vector<16xf32>,
        %add3A_346 = vector.broadcast %mul3A_319 : i32 to vector<16xi32>
        %add3A_347 = arith.addi %add3A_346, %rem3A_95 : vector<16xi32>
        %gather3A_348 = tpu.vector_load_idx %arg5[%add3A_301, %add3A_347] : memref<64x256xf32, #tpu.memory_space<vmem>>[vector<16xi32>, vector<16xi32>], vector<16xf32>,
        %add3A_349 = vector.broadcast %mul3A_319 : i32 to vector<16xi32>
        %add3A_350 = arith.addi %add3A_349, %rem3A_101 : vector<16xi32>
        %gather3A_351 = tpu.vector_load_idx %arg5[%add3A_301, %add3A_350] : memref<64x256xf32, #tpu.memory_space<vmem>>[vector<16xi32>, vector<16xi32>], vector<16xf32>,
        %add3A_352 = vector.broadcast %mul3A_319 : i32 to vector<16xi32>
        %add3A_353 = arith.addi %add3A_352, %rem3A_107 : vector<16xi32>
        %gather3A_354 = tpu.vector_load_idx %arg5[%add3A_301, %add3A_353] : memref<64x256xf32, #tpu.memory_space<vmem>>[vector<16xi32>, vector<16xi32>], vector<16xf32>,
        %add3A_355 = vector.broadcast %mul3A_319 : i32 to vector<16xi32>
        %add3A_356 = arith.addi %add3A_355, %rem3A_113 : vector<16xi32>
        %gather3A_357 = tpu.vector_load_idx %arg5[%add3A_301, %add3A_356] : memref<64x256xf32, #tpu.memory_space<vmem>>[vector<16xi32>, vector<16xi32>], vector<16xf32>,
        %add3A_358 = vector.broadcast %mul3A_319 : i32 to vector<16xi32>
        %add3A_359 = arith.addi %add3A_358, %rem3A_119 : vector<16xi32>
        %gather3A_360 = tpu.vector_load_idx %arg5[%add3A_301, %add3A_359] : memref<64x256xf32, #tpu.memory_space<vmem>>[vector<16xi32>, vector<16xi32>], vector<16xf32>,
        %add3A_361 = vector.broadcast %mul3A_319 : i32 to vector<16xi32>
        %add3A_362 = arith.addi %add3A_361, %rem3A_125 : vector<16xi32>
        %gather3A_363 = tpu.vector_load_idx %arg5[%add3A_301, %add3A_362] : memref<64x256xf32, #tpu.memory_space<vmem>>[vector<16xi32>, vector<16xi32>], vector<16xf32>,
        %add3A_364 = vector.broadcast %mul3A_319 : i32 to vector<16xi32>
        %add3A_365 = arith.addi %add3A_364, %rem3A_131 : vector<16xi32>
        %gather3A_366 = tpu.vector_load_idx %arg5[%add3A_301, %add3A_365] : memref<64x256xf32, #tpu.memory_space<vmem>>[vector<16xi32>, vector<16xi32>], vector<16xf32>,
        %shift_right_arithmetic3A = arith.constant 1 : i32
        %shift_right_arithmetic3A_367 = arith.shrsi %mul3A_319, %shift_right_arithmetic3A : i32
        %add3A_368 = vector.broadcast %shift_right_arithmetic3A_367 : i32 to vector<16xi32>
        %add3A_369 = arith.addi %add3A_368, %shift_right_logical3A_133 : vector<16xi32>
        %add3A_370 = arith.addi %add3A_301, %shift_left3A_182 : vector<16xi32>
        tpu.vector_store_idx %arg7[%add3A_369, %add3A_370], %gather3A : memref<128x128xf32, #tpu.memory_space<vmem>>[vector<16xi32>, vector<16xi32>], vector<16xf32>,
        %shift_right_arithmetic3A_371 = arith.constant 1 : i32
        %shift_right_arithmetic3A_372 = arith.shrsi %mul3A_319, %shift_right_arithmetic3A_371 : i32
        %add3A_373 = vector.broadcast %shift_right_arithmetic3A_372 : i32 to vector<16xi32>
        %add3A_374 = arith.addi %add3A_373, %shift_right_logical3A_136 : vector<16xi32>
        %add3A_375 = arith.addi %add3A_301, %shift_left3A_188 : vector<16xi32>
        tpu.vector_store_idx %arg7[%add3A_374, %add3A_375], %gather3A_324 : memref<128x128xf32, #tpu.memory_space<vmem>>[vector<16xi32>, vector<16xi32>], vector<16xf32>,
        %shift_right_arithmetic3A_376 = arith.constant 1 : i32
        %shift_right_arithmetic3A_377 = arith.shrsi %mul3A_319, %shift_right_arithmetic3A_376 : i32
        %add3A_378 = vector.broadcast %shift_right_arithmetic3A_377 : i32 to vector<16xi32>
        %add3A_379 = arith.addi %add3A_378, %shift_right_logical3A_139 : vector<16xi32>
        %add3A_380 = arith.addi %add3A_301, %shift_left3A_194 : vector<16xi32>
        tpu.vector_store_idx %arg7[%add3A_379, %add3A_380], %gather3A_327 : memref<128x128xf32, #tpu.memory_space<vmem>>[vector<16xi32>, vector<16xi32>], vector<16xf32>,
        %shift_right_arithmetic3A_381 = arith.constant 1 : i32
        %shift_right_arithmetic3A_382 = arith.shrsi %mul3A_319, %shift_right_arithmetic3A_381 : i32
        %add3A_383 = vector.broadcast %shift_right_arithmetic3A_382 : i32 to vector<16xi32>
        %add3A_384 = arith.addi %add3A_383, %shift_right_logical3A_142 : vector<16xi32>
        %add3A_385 = arith.addi %add3A_301, %shift_left3A_200 : vector<16xi32>
        tpu.vector_store_idx %arg7[%add3A_384, %add3A_385], %gather3A_330 : memref<128x128xf32, #tpu.memory_space<vmem>>[vector<16xi32>, vector<16xi32>], vector<16xf32>,
        %shift_right_arithmetic3A_386 = arith.constant 1 : i32
        %shift_right_arithmetic3A_387 = arith.shrsi %mul3A_319, %shift_right_arithmetic3A_386 : i32
        %add3A_388 = vector.broadcast %shift_right_arithmetic3A_387 : i32 to vector<16xi32>
        %add3A_389 = arith.addi %add3A_388, %shift_right_logical3A_145 : vector<16xi32>
        %add3A_390 = arith.addi %add3A_301, %shift_left3A_206 : vector<16xi32>
        tpu.vector_store_idx %arg7[%add3A_389, %add3A_390], %gather3A_333 : memref<128x128xf32, #tpu.memory_space<vmem>>[vector<16xi32>, vector<16xi32>], vector<16xf32>,
        %shift_right_arithmetic3A_391 = arith.constant 1 : i32
        %shift_right_arithmetic3A_392 = arith.shrsi %mul3A_319, %shift_right_arithmetic3A_391 : i32
        %add3A_393 = vector.broadcast %shift_right_arithmetic3A_392 : i32 to vector<16xi32>
        %add3A_394 = arith.addi %add3A_393, %shift_right_logical3A_148 : vector<16xi32>
        %add3A_395 = arith.addi %add3A_301, %shift_left3A_212 : vector<16xi32>
        tpu.vector_store_idx %arg7[%add3A_394, %add3A_395], %gather3A_336 : memref<128x128xf32, #tpu.memory_space<vmem>>[vector<16xi32>, vector<16xi32>], vector<16xf32>,
        %shift_right_arithmetic3A_396 = arith.constant 1 : i32
        %shift_right_arithmetic3A_397 = arith.shrsi %mul3A_319, %shift_right_arithmetic3A_396 : i32
        %add3A_398 = vector.broadcast %shift_right_arithmetic3A_397 : i32 to vector<16xi32>
        %add3A_399 = arith.addi %add3A_398, %shift_right_logical3A_151 : vector<16xi32>
        %add3A_400 = arith.addi %add3A_301, %shift_left3A_218 : vector<16xi32>
        tpu.vector_store_idx %arg7[%add3A_399, %add3A_400], %gather3A_339 : memref<128x128xf32, #tpu.memory_space<vmem>>[vector<16xi32>, vector<16xi32>], vector<16xf32>,
        %shift_right_arithmetic3A_401 = arith.constant 1 : i32
        %shift_right_arithmetic3A_402 = arith.shrsi %mul3A_319, %shift_right_arithmetic3A_401 : i32
        %add3A_403 = vector.broadcast %shift_right_arithmetic3A_402 : i32 to vector<16xi32>
        %add3A_404 = arith.addi %add3A_403, %shift_right_logical3A_154 : vector<16xi32>
        %add3A_405 = arith.addi %add3A_301, %shift_left3A_224 : vector<16xi32>
        tpu.vector_store_idx %arg7[%add3A_404, %add3A_405], %gather3A_342 : memref<128x128xf32, #tpu.memory_space<vmem>>[vector<16xi32>, vector<16xi32>], vector<16xf32>,
        %shift_right_arithmetic3A_406 = arith.constant 1 : i32
        %shift_right_arithmetic3A_407 = arith.shrsi %mul3A_319, %shift_right_arithmetic3A_406 : i32
        %add3A_408 = vector.broadcast %shift_right_arithmetic3A_407 : i32 to vector<16xi32>
        %add3A_409 = arith.addi %add3A_408, %shift_right_logical3A_157 : vector<16xi32>
        %add3A_410 = arith.addi %add3A_301, %shift_left3A_230 : vector<16xi32>
        tpu.vector_store_idx %arg7[%add3A_409, %add3A_410], %gather3A_345 : memref<128x128xf32, #tpu.memory_space<vmem>>[vector<16xi32>, vector<16xi32>], vector<16xf32>,
        %shift_right_arithmetic3A_411 = arith.constant 1 : i32
        %shift_right_arithmetic3A_412 = arith.shrsi %mul3A_319, %shift_right_arithmetic3A_411 : i32
        %add3A_413 = vector.broadcast %shift_right_arithmetic3A_412 : i32 to vector<16xi32>
        %add3A_414 = arith.addi %add3A_413, %shift_right_logical3A_160 : vector<16xi32>
        %add3A_415 = arith.addi %add3A_301, %shift_left3A_236 : vector<16xi32>
        tpu.vector_store_idx %arg7[%add3A_414, %add3A_415], %gather3A_348 : memref<128x128xf32, #tpu.memory_space<vmem>>[vector<16xi32>, vector<16xi32>], vector<16xf32>,
        %shift_right_arithmetic3A_416 = arith.constant 1 : i32
        %shift_right_arithmetic3A_417 = arith.shrsi %mul3A_319, %shift_right_arithmetic3A_416 : i32
        %add3A_418 = vector.broadcast %shift_right_arithmetic3A_417 : i32 to vector<16xi32>
        %add3A_419 = arith.addi %add3A_418, %shift_right_logical3A_163 : vector<16xi32>
        %add3A_420 = arith.addi %add3A_301, %shift_left3A_242 : vector<16xi32>
        tpu.vector_store_idx %arg7[%add3A_419, %add3A_420], %gather3A_351 : memref<128x128xf32, #tpu.memory_space<vmem>>[vector<16xi32>, vector<16xi32>], vector<16xf32>,
        %shift_right_arithmetic3A_421 = arith.constant 1 : i32
        %shift_right_arithmetic3A_422 = arith.shrsi %mul3A_319, %shift_right_arithmetic3A_421 : i32
        %add3A_423 = vector.broadcast %shift_right_arithmetic3A_422 : i32 to vector<16xi32>
        %add3A_424 = arith.addi %add3A_423, %shift_right_logical3A_166 : vector<16xi32>
        %add3A_425 = arith.addi %add3A_301, %shift_left3A_248 : vector<16xi32>
        tpu.vector_store_idx %arg7[%add3A_424, %add3A_425], %gather3A_354 : memref<128x128xf32, #tpu.memory_space<vmem>>[vector<16xi32>, vector<16xi32>], vector<16xf32>,
        %shift_right_arithmetic3A_426 = arith.constant 1 : i32
        %shift_right_arithmetic3A_427 = arith.shrsi %mul3A_319, %shift_right_arithmetic3A_426 : i32
        %add3A_428 = vector.broadcast %shift_right_arithmetic3A_427 : i32 to vector<16xi32>
        %add3A_429 = arith.addi %add3A_428, %shift_right_logical3A_169 : vector<16xi32>
        %add3A_430 = arith.addi %add3A_301, %shift_left3A_254 : vector<16xi32>
        tpu.vector_store_idx %arg7[%add3A_429, %add3A_430], %gather3A_357 : memref<128x128xf32, #tpu.memory_space<vmem>>[vector<16xi32>, vector<16xi32>], vector<16xf32>,
        %shift_right_arithmetic3A_431 = arith.constant 1 : i32
        %shift_right_arithmetic3A_432 = arith.shrsi %mul3A_319, %shift_right_arithmetic3A_431 : i32
        %add3A_433 = vector.broadcast %shift_right_arithmetic3A_432 : i32 to vector<16xi32>
        %add3A_434 = arith.addi %add3A_433, %shift_right_logical3A_172 : vector<16xi32>
        %add3A_435 = arith.addi %add3A_301, %shift_left3A_260 : vector<16xi32>
        tpu.vector_store_idx %arg7[%add3A_434, %add3A_435], %gather3A_360 : memref<128x128xf32, #tpu.memory_space<vmem>>[vector<16xi32>, vector<16xi32>], vector<16xf32>,
        %shift_right_arithmetic3A_436 = arith.constant 1 : i32
        %shift_right_arithmetic3A_437 = arith.shrsi %mul3A_319, %shift_right_arithmetic3A_436 : i32
        %add3A_438 = vector.broadcast %shift_right_arithmetic3A_437 : i32 to vector<16xi32>
        %add3A_439 = arith.addi %add3A_438, %shift_right_logical3A_175 : vector<16xi32>
        %add3A_440 = arith.addi %add3A_301, %shift_left3A_266 : vector<16xi32>
        tpu.vector_store_idx %arg7[%add3A_439, %add3A_440], %gather3A_363 : memref<128x128xf32, #tpu.memory_space<vmem>>[vector<16xi32>, vector<16xi32>], vector<16xf32>,
        %shift_right_arithmetic3A_441 = arith.constant 1 : i32
        %shift_right_arithmetic3A_442 = arith.shrsi %mul3A_319, %shift_right_arithmetic3A_441 : i32
        %add3A_443 = vector.broadcast %shift_right_arithmetic3A_442 : i32 to vector<16xi32>
        %add3A_444 = arith.addi %add3A_443, %shift_right_logical3A_178 : vector<16xi32>
        %add3A_445 = arith.addi %add3A_301, %shift_left3A_272 : vector<16xi32>
        tpu.vector_store_idx %arg7[%add3A_444, %add3A_445], %gather3A_366 : memref<128x128xf32, #tpu.memory_space<vmem>>[vector<16xi32>, vector<16xi32>], vector<16xf32>,
        %scan3A_446 = arith.constant 1 : i32
        %scan3A_447 = arith.addi %scan3A_279, %scan3A_446 : i32
        %jit3A_448 = arith.constant 16 : i32
        %div3A_449 = arith.divsi %scan3A_447, %jit3A_448 : i32
        %sign3A_450 = arith.constant 0 : i32
        %sign3A_451 = arith.cmpi sgt, %scan3A_447, %sign3A_450 : i32
        %sign3A_452 = arith.extui %sign3A_451 : i1 to i32
        %sign3A_453 = arith.constant 0 : i32
        %sign3A_454 = arith.cmpi slt, %scan3A_447, %sign3A_453 : i32
        %sign3A_455 = arith.extui %sign3A_454 : i1 to i32
        %sign3A_456 = arith.subi %sign3A_452, %sign3A_455 : i32
        %sign3A_457 = arith.constant 0 : i32
        %sign3A_458 = arith.cmpi sgt, %jit3A_448, %sign3A_457 : i32
        %sign3A_459 = arith.extui %sign3A_458 : i1 to i32
        %sign3A_460 = arith.constant 0 : i32
        %sign3A_461 = arith.cmpi slt, %jit3A_448, %sign3A_460 : i32
        %sign3A_462 = arith.extui %sign3A_461 : i1 to i32
        %sign3A_463 = arith.subi %sign3A_459, %sign3A_462 : i32
        %ne3A_464 = arith.cmpi ne, %sign3A_456, %sign3A_463 : i32
        %rem3A_465 = arith.remsi %scan3A_447, %jit3A_448 : i32
        %ne3A_466 = arith.constant 0 : i32
        %ne3A_467 = arith.cmpi ne, %rem3A_465, %ne3A_466 : i32
        %and3A_468 = arith.andi %ne3A_464, %ne3A_467 : i1
        %sub3A_469 = arith.constant 1 : i32
        %sub3A_470 = arith.subi %div3A_449, %sub3A_469 : i32
        %select_n3A_471 = arith.select %and3A_468, %sub3A_470, %div3A_449 : i32
        %mul3A_472 = arith.constant 16 : i32
        %mul3A_473 = arith.muli %select_n3A_471, %mul3A_472 : i32
        %add3A_474 = vector.broadcast %mul3A_473 : i32 to vector<16xi32>
        %add3A_475 = arith.addi %get3A_2, %add3A_474 : vector<16xi32>
        %jit3A_476 = arith.constant 16 : i32
        %eq3A_477 = arith.constant 0 : i32
        %eq3A_478 = arith.cmpi eq, %jit3A_476, %eq3A_477 : i32
        %jit3A_479 = arith.constant 1 : i32
        %select_n3A_480 = arith.select %eq3A_478, %jit3A_479, %jit3A_476 : i32
        %rem3A_481 = arith.remsi %scan3A_447, %select_n3A_480 : i32
        %ne3A_482 = arith.constant 0 : i32
        %ne3A_483 = arith.cmpi ne, %rem3A_481, %ne3A_482 : i32
        %lt3A_484 = arith.constant 0 : i32
        %lt3A_485 = arith.cmpi slt, %rem3A_481, %lt3A_484 : i32
        %lt3A_486 = arith.constant 0 : i32
        %lt3A_487 = arith.cmpi slt, %select_n3A_480, %lt3A_486 : i32
        %ne3A_488 = arith.xori %lt3A_485, %lt3A_487 : i1
        %and3A_489 = arith.andi %ne3A_488, %ne3A_483 : i1
        %add3A_490 = arith.addi %rem3A_481, %select_n3A_480 : i32
        %select_n3A_491 = arith.select %and3A_489, %add3A_490, %rem3A_481 : i32
        %mul3A_492 = arith.constant 16 : i32
        %mul3A_493 = arith.muli %select_n3A_491, %mul3A_492 : i32
        %add3A_494 = vector.broadcast %mul3A_493 : i32 to vector<16xi32>
        %add3A_495 = arith.addi %add3A_494, %rem3A_41 : vector<16xi32>
        %gather3A_496 = tpu.vector_load_idx %arg5[%add3A_475, %add3A_495] : memref<64x256xf32, #tpu.memory_space<vmem>>[vector<16xi32>, vector<16xi32>], vector<16xf32>,
        %add3A_497 = vector.broadcast %mul3A_493 : i32 to vector<16xi32>
        %add3A_498 = arith.addi %add3A_497, %rem3A_47 : vector<16xi32>
        %gather3A_499 = tpu.vector_load_idx %arg5[%add3A_475, %add3A_498] : memref<64x256xf32, #tpu.memory_space<vmem>>[vector<16xi32>, vector<16xi32>], vector<16xf32>,
        %add3A_500 = vector.broadcast %mul3A_493 : i32 to vector<16xi32>
        %add3A_501 = arith.addi %add3A_500, %rem3A_53 : vector<16xi32>
        %gather3A_502 = tpu.vector_load_idx %arg5[%add3A_475, %add3A_501] : memref<64x256xf32, #tpu.memory_space<vmem>>[vector<16xi32>, vector<16xi32>], vector<16xf32>,
        %add3A_503 = vector.broadcast %mul3A_493 : i32 to vector<16xi32>
        %add3A_504 = arith.addi %add3A_503, %rem3A_59 : vector<16xi32>
        %gather3A_505 = tpu.vector_load_idx %arg5[%add3A_475, %add3A_504] : memref<64x256xf32, #tpu.memory_space<vmem>>[vector<16xi32>, vector<16xi32>], vector<16xf32>,
        %add3A_506 = vector.broadcast %mul3A_493 : i32 to vector<16xi32>
        %add3A_507 = arith.addi %add3A_506, %rem3A_65 : vector<16xi32>
        %gather3A_508 = tpu.vector_load_idx %arg5[%add3A_475, %add3A_507] : memref<64x256xf32, #tpu.memory_space<vmem>>[vector<16xi32>, vector<16xi32>], vector<16xf32>,
        %add3A_509 = vector.broadcast %mul3A_493 : i32 to vector<16xi32>
        %add3A_510 = arith.addi %add3A_509, %rem3A_71 : vector<16xi32>
        %gather3A_511 = tpu.vector_load_idx %arg5[%add3A_475, %add3A_510] : memref<64x256xf32, #tpu.memory_space<vmem>>[vector<16xi32>, vector<16xi32>], vector<16xf32>,
        %add3A_512 = vector.broadcast %mul3A_493 : i32 to vector<16xi32>
        %add3A_513 = arith.addi %add3A_512, %rem3A_77 : vector<16xi32>
        %gather3A_514 = tpu.vector_load_idx %arg5[%add3A_475, %add3A_513] : memref<64x256xf32, #tpu.memory_space<vmem>>[vector<16xi32>, vector<16xi32>], vector<16xf32>,
        %add3A_515 = vector.broadcast %mul3A_493 : i32 to vector<16xi32>
        %add3A_516 = arith.addi %add3A_515, %rem3A_83 : vector<16xi32>
        %gather3A_517 = tpu.vector_load_idx %arg5[%add3A_475, %add3A_516] : memref<64x256xf32, #tpu.memory_space<vmem>>[vector<16xi32>, vector<16xi32>], vector<16xf32>,
        %add3A_518 = vector.broadcast %mul3A_493 : i32 to vector<16xi32>
        %add3A_519 = arith.addi %add3A_518, %rem3A_89 : vector<16xi32>
        %gather3A_520 = tpu.vector_load_idx %arg5[%add3A_475, %add3A_519] : memref<64x256xf32, #tpu.memory_space<vmem>>[vector<16xi32>, vector<16xi32>], vector<16xf32>,
        %add3A_521 = vector.broadcast %mul3A_493 : i32 to vector<16xi32>
        %add3A_522 = arith.addi %add3A_521, %rem3A_95 : vector<16xi32>
        %gather3A_523 = tpu.vector_load_idx %arg5[%add3A_475, %add3A_522] : memref<64x256xf32, #tpu.memory_space<vmem>>[vector<16xi32>, vector<16xi32>], vector<16xf32>,
        %add3A_524 = vector.broadcast %mul3A_493 : i32 to vector<16xi32>
        %add3A_525 = arith.addi %add3A_524, %rem3A_101 : vector<16xi32>
        %gather3A_526 = tpu.vector_load_idx %arg5[%add3A_475, %add3A_525] : memref<64x256xf32, #tpu.memory_space<vmem>>[vector<16xi32>, vector<16xi32>], vector<16xf32>,
        %add3A_527 = vector.broadcast %mul3A_493 : i32 to vector<16xi32>
        %add3A_528 = arith.addi %add3A_527, %rem3A_107 : vector<16xi32>
        %gather3A_529 = tpu.vector_load_idx %arg5[%add3A_475, %add3A_528] : memref<64x256xf32, #tpu.memory_space<vmem>>[vector<16xi32>, vector<16xi32>], vector<16xf32>,
        %add3A_530 = vector.broadcast %mul3A_493 : i32 to vector<16xi32>
        %add3A_531 = arith.addi %add3A_530, %rem3A_113 : vector<16xi32>
        %gather3A_532 = tpu.vector_load_idx %arg5[%add3A_475, %add3A_531] : memref<64x256xf32, #tpu.memory_space<vmem>>[vector<16xi32>, vector<16xi32>], vector<16xf32>,
        %add3A_533 = vector.broadcast %mul3A_493 : i32 to vector<16xi32>
        %add3A_534 = arith.addi %add3A_533, %rem3A_119 : vector<16xi32>
        %gather3A_535 = tpu.vector_load_idx %arg5[%add3A_475, %add3A_534] : memref<64x256xf32, #tpu.memory_space<vmem>>[vector<16xi32>, vector<16xi32>], vector<16xf32>,
        %add3A_536 = vector.broadcast %mul3A_493 : i32 to vector<16xi32>
        %add3A_537 = arith.addi %add3A_536, %rem3A_125 : vector<16xi32>
        %gather3A_538 = tpu.vector_load_idx %arg5[%add3A_475, %add3A_537] : memref<64x256xf32, #tpu.memory_space<vmem>>[vector<16xi32>, vector<16xi32>], vector<16xf32>,
        %add3A_539 = vector.broadcast %mul3A_493 : i32 to vector<16xi32>
        %add3A_540 = arith.addi %add3A_539, %rem3A_131 : vector<16xi32>
        %gather3A_541 = tpu.vector_load_idx %arg5[%add3A_475, %add3A_540] : memref<64x256xf32, #tpu.memory_space<vmem>>[vector<16xi32>, vector<16xi32>], vector<16xf32>,
        %shift_right_arithmetic3A_542 = arith.constant 1 : i32
        %shift_right_arithmetic3A_543 = arith.shrsi %mul3A_493, %shift_right_arithmetic3A_542 : i32
        %add3A_544 = vector.broadcast %shift_right_arithmetic3A_543 : i32 to vector<16xi32>
        %add3A_545 = arith.addi %add3A_544, %shift_right_logical3A_133 : vector<16xi32>
        %add3A_546 = arith.addi %add3A_475, %shift_left3A_182 : vector<16xi32>
        tpu.vector_store_idx %arg7[%add3A_545, %add3A_546], %gather3A_496 : memref<128x128xf32, #tpu.memory_space<vmem>>[vector<16xi32>, vector<16xi32>], vector<16xf32>,
        %shift_right_arithmetic3A_547 = arith.constant 1 : i32
        %shift_right_arithmetic3A_548 = arith.shrsi %mul3A_493, %shift_right_arithmetic3A_547 : i32
        %add3A_549 = vector.broadcast %shift_right_arithmetic3A_548 : i32 to vector<16xi32>
        %add3A_550 = arith.addi %add3A_549, %shift_right_logical3A_136 : vector<16xi32>
        %add3A_551 = arith.addi %add3A_475, %shift_left3A_188 : vector<16xi32>
        tpu.vector_store_idx %arg7[%add3A_550, %add3A_551], %gather3A_499 : memref<128x128xf32, #tpu.memory_space<vmem>>[vector<16xi32>, vector<16xi32>], vector<16xf32>,
        %shift_right_arithmetic3A_552 = arith.constant 1 : i32
        %shift_right_arithmetic3A_553 = arith.shrsi %mul3A_493, %shift_right_arithmetic3A_552 : i32
        %add3A_554 = vector.broadcast %shift_right_arithmetic3A_553 : i32 to vector<16xi32>
        %add3A_555 = arith.addi %add3A_554, %shift_right_logical3A_139 : vector<16xi32>
        %add3A_556 = arith.addi %add3A_475, %shift_left3A_194 : vector<16xi32>
        tpu.vector_store_idx %arg7[%add3A_555, %add3A_556], %gather3A_502 : memref<128x128xf32, #tpu.memory_space<vmem>>[vector<16xi32>, vector<16xi32>], vector<16xf32>,
        %shift_right_arithmetic3A_557 = arith.constant 1 : i32
        %shift_right_arithmetic3A_558 = arith.shrsi %mul3A_493, %shift_right_arithmetic3A_557 : i32
        %add3A_559 = vector.broadcast %shift_right_arithmetic3A_558 : i32 to vector<16xi32>
        %add3A_560 = arith.addi %add3A_559, %shift_right_logical3A_142 : vector<16xi32>
        %add3A_561 = arith.addi %add3A_475, %shift_left3A_200 : vector<16xi32>
        tpu.vector_store_idx %arg7[%add3A_560, %add3A_561], %gather3A_505 : memref<128x128xf32, #tpu.memory_space<vmem>>[vector<16xi32>, vector<16xi32>], vector<16xf32>,
        %shift_right_arithmetic3A_562 = arith.constant 1 : i32
        %shift_right_arithmetic3A_563 = arith.shrsi %mul3A_493, %shift_right_arithmetic3A_562 : i32
        %add3A_564 = vector.broadcast %shift_right_arithmetic3A_563 : i32 to vector<16xi32>
        %add3A_565 = arith.addi %add3A_564, %shift_right_logical3A_145 : vector<16xi32>
        %add3A_566 = arith.addi %add3A_475, %shift_left3A_206 : vector<16xi32>
        tpu.vector_store_idx %arg7[%add3A_565, %add3A_566], %gather3A_508 : memref<128x128xf32, #tpu.memory_space<vmem>>[vector<16xi32>, vector<16xi32>], vector<16xf32>,
        %shift_right_arithmetic3A_567 = arith.constant 1 : i32
        %shift_right_arithmetic3A_568 = arith.shrsi %mul3A_493, %shift_right_arithmetic3A_567 : i32
        %add3A_569 = vector.broadcast %shift_right_arithmetic3A_568 : i32 to vector<16xi32>
        %add3A_570 = arith.addi %add3A_569, %shift_right_logical3A_148 : vector<16xi32>
        %add3A_571 = arith.addi %add3A_475, %shift_left3A_212 : vector<16xi32>
        tpu.vector_store_idx %arg7[%add3A_570, %add3A_571], %gather3A_511 : memref<128x128xf32, #tpu.memory_space<vmem>>[vector<16xi32>, vector<16xi32>], vector<16xf32>,
        %shift_right_arithmetic3A_572 = arith.constant 1 : i32
        %shift_right_arithmetic3A_573 = arith.shrsi %mul3A_493, %shift_right_arithmetic3A_572 : i32
        %add3A_574 = vector.broadcast %shift_right_arithmetic3A_573 : i32 to vector<16xi32>
        %add3A_575 = arith.addi %add3A_574, %shift_right_logical3A_151 : vector<16xi32>
        %add3A_576 = arith.addi %add3A_475, %shift_left3A_218 : vector<16xi32>
        tpu.vector_store_idx %arg7[%add3A_575, %add3A_576], %gather3A_514 : memref<128x128xf32, #tpu.memory_space<vmem>>[vector<16xi32>, vector<16xi32>], vector<16xf32>,
        %shift_right_arithmetic3A_577 = arith.constant 1 : i32
        %shift_right_arithmetic3A_578 = arith.shrsi %mul3A_493, %shift_right_arithmetic3A_577 : i32
        %add3A_579 = vector.broadcast %shift_right_arithmetic3A_578 : i32 to vector<16xi32>
        %add3A_580 = arith.addi %add3A_579, %shift_right_logical3A_154 : vector<16xi32>
        %add3A_581 = arith.addi %add3A_475, %shift_left3A_224 : vector<16xi32>
        tpu.vector_store_idx %arg7[%add3A_580, %add3A_581], %gather3A_517 : memref<128x128xf32, #tpu.memory_space<vmem>>[vector<16xi32>, vector<16xi32>], vector<16xf32>,
        %shift_right_arithmetic3A_582 = arith.constant 1 : i32
        %shift_right_arithmetic3A_583 = arith.shrsi %mul3A_493, %shift_right_arithmetic3A_582 : i32
        %add3A_584 = vector.broadcast %shift_right_arithmetic3A_583 : i32 to vector<16xi32>
        %add3A_585 = arith.addi %add3A_584, %shift_right_logical3A_157 : vector<16xi32>
        %add3A_586 = arith.addi %add3A_475, %shift_left3A_230 : vector<16xi32>
        tpu.vector_store_idx %arg7[%add3A_585, %add3A_586], %gather3A_520 : memref<128x128xf32, #tpu.memory_space<vmem>>[vector<16xi32>, vector<16xi32>], vector<16xf32>,
        %shift_right_arithmetic3A_587 = arith.constant 1 : i32
        %shift_right_arithmetic3A_588 = arith.shrsi %mul3A_493, %shift_right_arithmetic3A_587 : i32
        %add3A_589 = vector.broadcast %shift_right_arithmetic3A_588 : i32 to vector<16xi32>
        %add3A_590 = arith.addi %add3A_589, %shift_right_logical3A_160 : vector<16xi32>
        %add3A_591 = arith.addi %add3A_475, %shift_left3A_236 : vector<16xi32>
        tpu.vector_store_idx %arg7[%add3A_590, %add3A_591], %gather3A_523 : memref<128x128xf32, #tpu.memory_space<vmem>>[vector<16xi32>, vector<16xi32>], vector<16xf32>,
        %shift_right_arithmetic3A_592 = arith.constant 1 : i32
        %shift_right_arithmetic3A_593 = arith.shrsi %mul3A_493, %shift_right_arithmetic3A_592 : i32
        %add3A_594 = vector.broadcast %shift_right_arithmetic3A_593 : i32 to vector<16xi32>
        %add3A_595 = arith.addi %add3A_594, %shift_right_logical3A_163 : vector<16xi32>
        %add3A_596 = arith.addi %add3A_475, %shift_left3A_242 : vector<16xi32>
        tpu.vector_store_idx %arg7[%add3A_595, %add3A_596], %gather3A_526 : memref<128x128xf32, #tpu.memory_space<vmem>>[vector<16xi32>, vector<16xi32>], vector<16xf32>,
        %shift_right_arithmetic3A_597 = arith.constant 1 : i32
        %shift_right_arithmetic3A_598 = arith.shrsi %mul3A_493, %shift_right_arithmetic3A_597 : i32
        %add3A_599 = vector.broadcast %shift_right_arithmetic3A_598 : i32 to vector<16xi32>
        %add3A_600 = arith.addi %add3A_599, %shift_right_logical3A_166 : vector<16xi32>
        %add3A_601 = arith.addi %add3A_475, %shift_left3A_248 : vector<16xi32>
        tpu.vector_store_idx %arg7[%add3A_600, %add3A_601], %gather3A_529 : memref<128x128xf32, #tpu.memory_space<vmem>>[vector<16xi32>, vector<16xi32>], vector<16xf32>,
        %shift_right_arithmetic3A_602 = arith.constant 1 : i32
        %shift_right_arithmetic3A_603 = arith.shrsi %mul3A_493, %shift_right_arithmetic3A_602 : i32
        %add3A_604 = vector.broadcast %shift_right_arithmetic3A_603 : i32 to vector<16xi32>
        %add3A_605 = arith.addi %add3A_604, %shift_right_logical3A_169 : vector<16xi32>
        %add3A_606 = arith.addi %add3A_475, %shift_left3A_254 : vector<16xi32>
        tpu.vector_store_idx %arg7[%add3A_605, %add3A_606], %gather3A_532 : memref<128x128xf32, #tpu.memory_space<vmem>>[vector<16xi32>, vector<16xi32>], vector<16xf32>,
        %shift_right_arithmetic3A_607 = arith.constant 1 : i32
        %shift_right_arithmetic3A_608 = arith.shrsi %mul3A_493, %shift_right_arithmetic3A_607 : i32
        %add3A_609 = vector.broadcast %shift_right_arithmetic3A_608 : i32 to vector<16xi32>
        %add3A_610 = arith.addi %add3A_609, %shift_right_logical3A_172 : vector<16xi32>
        %add3A_611 = arith.addi %add3A_475, %shift_left3A_260 : vector<16xi32>
        tpu.vector_store_idx %arg7[%add3A_610, %add3A_611], %gather3A_535 : memref<128x128xf32, #tpu.memory_space<vmem>>[vector<16xi32>, vector<16xi32>], vector<16xf32>,
        %shift_right_arithmetic3A_612 = arith.constant 1 : i32
        %shift_right_arithmetic3A_613 = arith.shrsi %mul3A_493, %shift_right_arithmetic3A_612 : i32
        %add3A_614 = vector.broadcast %shift_right_arithmetic3A_613 : i32 to vector<16xi32>
        %add3A_615 = arith.addi %add3A_614, %shift_right_logical3A_175 : vector<16xi32>
        %add3A_616 = arith.addi %add3A_475, %shift_left3A_266 : vector<16xi32>
        tpu.vector_store_idx %arg7[%add3A_615, %add3A_616], %gather3A_538 : memref<128x128xf32, #tpu.memory_space<vmem>>[vector<16xi32>, vector<16xi32>], vector<16xf32>,
        %shift_right_arithmetic3A_617 = arith.constant 1 : i32
        %shift_right_arithmetic3A_618 = arith.shrsi %mul3A_493, %shift_right_arithmetic3A_617 : i32
        %add3A_619 = vector.broadcast %shift_right_arithmetic3A_618 : i32 to vector<16xi32>
        %add3A_620 = arith.addi %add3A_619, %shift_right_logical3A_178 : vector<16xi32>
        %add3A_621 = arith.addi %add3A_475, %shift_left3A_272 : vector<16xi32>
        tpu.vector_store_idx %arg7[%add3A_620, %add3A_621], %gather3A_541 : memref<128x128xf32, #tpu.memory_space<vmem>>[vector<16xi32>, vector<16xi32>], vector<16xf32>,
      }
      %scan3A_278 = arith.constant 64 : i32
      "tpu.region"() ({
        %run_scoped3A = tpu.sem_alloc : memref<!tpu.dma_semaphore, #tpu.memory_space<semaphore_mem>>
        %dma_start3A = arith.constant 499872 : i32
        %dma_start3A_279 = arith.constant 0 : i32
        %dma_start3A_280 = tpu.memref_slice %arg4[%dma_start3A, %dma_start3A_279] : memref<500000x128xf32, #tpu.memory_space<hbm>> -> memref<128x128xf32, #tpu.memory_space<hbm>>
        %dma_start3A_281 = arith.constant 499872 : i32
        %dma_start3A_282 = arith.constant 0 : i32
        %dma_start3A_283 = tpu.memref_slice %arg4[%dma_start3A_281, %dma_start3A_282] : memref<500000x128xf32, #tpu.memory_space<hbm>> -> memref<128x128xf32, #tpu.memory_space<hbm>>
        tpu.enqueue_dma source(%arg7 : memref<128x128xf32, #tpu.memory_space<vmem>>) target(%dma_start3A_283 : memref<128x128xf32, #tpu.memory_space<hbm>>) target_semaphore(%run_scoped3A : memref<!tpu.dma_semaphore, #tpu.memory_space<semaphore_mem>>)
        %dma_wait3A = arith.constant 499872 : i32
        %dma_wait3A_284 = arith.constant 0 : i32
        %dma_wait3A_285 = tpu.memref_slice %arg4[%dma_wait3A, %dma_wait3A_284] : memref<500000x128xf32, #tpu.memory_space<hbm>> -> memref<128x128xf32, #tpu.memory_space<hbm>>
        %dma_wait3A_286 = arith.constant 499872 : i32
        %dma_wait3A_287 = arith.constant 0 : i32
        %dma_wait3A_288 = tpu.memref_slice %arg4[%dma_wait3A_286, %dma_wait3A_287] : memref<500000x128xf32, #tpu.memory_space<hbm>> -> memref<128x128xf32, #tpu.memory_space<hbm>>
        tpu.wait_dma2 semaphore(%run_scoped3A : memref<!tpu.dma_semaphore, #tpu.memory_space<semaphore_mem>>) src(%arg7 : memref<128x128xf32, #tpu.memory_space<vmem>>) dst(%dma_wait3A_288 : memref<128x128xf32, #tpu.memory_space<hbm>>)
        tpu.yield
      }) : () -> ()
    } else {
    }
    return
  }
}

</mosaic_0001>

<sc_bundles>
// kernel: kernel.4.cloned.1.call-start
scs
__scs_entry_jumppad:
0x0: {  	(pc) =	sbr.rel $0x88, $3  }
0x1: {  	(tag) =	ssettag $0x0;
	lr =	simm.s32 $0x1  }
0x2: {  	[smem:$0x3F9F] =	sst lr;
	_ =	strace $0xD0000000  }
0x3: {  	_ = 	snop  }
0x4: {  	_ = 	snop  }
0x5: {  	_ = 	snop  }
0x6: {  	_ = 	snop  }
0x7: {  	_ = 	snop  }
__scs_overlays_trampoline_lowered:
0x8: {  	[smem:$0x3FAE] =	sst s0  }
0x9: {  	[smem:$0x3FAF] =	sst s1  }
0xa: {  	[smem:$0x3FB0] =	sst s2  }
0xb: {  	[smem:$0x3FB1] =	sst s3  }
0xc: {  	[smem:$0x3FB2] =	sst s4  }
0xd: {  	[smem:$0x3FB3] =	sst s5  }
0xe: {  	[smem:$0x3FB4] =	sst s6  }
0xf: {  	[smem:$0x3FB5] =	sst s7  }
0x10: {  	[smem:$0x3FB6] =	sst s8  }
0x11: {  	[smem:$0x3FB7] =	sst s9;
	s0 =	simm.s32 @!p0 $0x0  }
0x12: {  	s1 =	sld [smem:$0x3F9D];
	s0 =	simm.s32 @p0 $0x1  }
0x13: {  	[smem:$0x3FB8] =	sst s0;
	s0 =	simm.s32 @!p1 $0x0  }
0x14: {  	s2 =	sld [smem:$0x3F9C];
	s0 =	simm.s32 @p1 $0x1  }
0x15: {  	[smem:$0x3FB9] =	sst s0;
	s0 =	simm.s32 @!p2 $0x0  }
0x16: {  	s3 =	sld [smem:$0x3FDB];
	s0 =	simm.s32 @p2 $0x1  }
0x17: {  	s4 =	simm.s32 $0x1BF5;
	[smem:$0x3FBB] =	sst s0  }
0x18: {  	s0 =	sld [smem:$0x3F9E];
	_ =	swait.ge [sflag:s4], $0x0  }
0x19: {  	s7 =	sld [smem:$0x3F9F]  }
0x1a: {  	s8 =	sadd.s32 $0xFFFFE003, lr  }
0x1b: {  	s9 =	sadd.s32 $0xFFFFFEF7, lr;
	s5 =	simm.s32 $0xFFFFFFFF;
	p2 =	slt.u32 s8, $0xFFFFF086  }
0x1c: {  	p1 =	slt.u32 s9, $0xF7A;
	s5 =	simm.s32 @!p2 $0x0  }
0x1d: {  	s5 =	simm.s32 @p1 $0x1;
	p0 =	seq.s32 s7, s2  }
0x1e: {  	s7 =	smul.u32 @!p0 $0xF7A, s2;
	p2 =	seq.s32 @!p0 s5, $0x0  }
0x1f: {  	s9 =	smul.u32 $0xF7A, s1;
	s8 =	simm.s32 @!p0 $0x1BF5;
	p2 =	por !p2, p0  }
0x20: {  	[sflag:s8] =	ssyncset.s32 @!p0 $0xFFFFF086;
	s6 =	sadd.s32 @!p0 s3, s7;
	s7 =	simm.s32 @!p0 $0x108  }
0x21: {  	s3 =	sadd.s32 s3, s9;
	s6 =	sadd.s32 @!p0 $0x88, s6;
	s7 =	simm.s32 @p2 $0x1082  }
0x22: {  	[simem:s7], [sflag:s8] =	dma.local @!p0 [hbm:s6], $0xF7A  }
0x23: {  	s9 =	sor.u32 $0xD0000000, s2;
	s6 =	simm.s32 $0x108;
	_ =	swait.ge @!p0 [sflag:s8], $0x0  }
0x24: {  	s3 =	sadd.s32 $0x88, s3;
	s6 =	simm.s32 @!p1 $0x1082;
	[sflag:s4] =	ssyncset.s32 $0xFFFFF086  }
0x25: {  	[simem:s6], [sflag:s4] =	dma.local [hbm:s3], $0xF7A  }
0x26: {  	[smem:$0x3F9F] =	sst s1;
	(tag) =	ssettag s2;
	_ =	strace s9  }
0x27: {  	s1 =	sld [smem:$0x3FAF]  }
0x28: {  	s2 =	sld [smem:$0x3FB0]  }
0x29: {  	s4 =	sld [smem:$0x3FB2]  }
0x2a: {  	p0 =	seq.s32 s5, $0x0;
	s5 =	sld [smem:$0x3FB3]  }
0x2b: {  	s6 =	sld [smem:$0x3FB4]  }
0x2c: {  	s7 =	sld [smem:$0x3FB5]  }
0x2d: {  	s3 =	simm.s32 $0x108;
	s8 =	sld [smem:$0x3FB6]  }
0x2e: {  	s3 =	simm.s32 @!p0 $0x1082;
	s9 =	sld [smem:$0x3FB7]  }
0x2f: {  	lr =	sadd.s32 s0, s3;
	s0 =	sld [smem:$0x3FAE]  }
0x30: {  	s3 =	sld [smem:$0x3FB1]  }
0x31: {  	[smem:$0x3FBA] =	sst s10  }
0x32: {  	s10 =	sld [smem:$0x3FB8];
	_ =	sdelay $0x3  }
0x33: {  	p0 =	seq.s32 s10, $0x1;
	s10 =	sld [smem:$0x3FBA];
	_ =	sdelay $0x3  }
0x34: {  	[smem:$0x3FBA] =	sst s10  }
0x35: {  	s10 =	sld [smem:$0x3FB9];
	_ =	sdelay $0x3  }
0x36: {  	p1 =	seq.s32 s10, $0x1;
	s10 =	sld [smem:$0x3FBA];
	_ =	sdelay $0x3  }
0x37: {  	[smem:$0x3FBA] =	sst s10  }
0x38: {  	s10 =	sld [smem:$0x3FBB]  }
0x39: {  	_ = 	snop;
	(pc) =	sbr.ind lr, $3  }
0x3a: {  	_ = 	snop  }
0x3b: {  	_ = 	snop  }
0x3c: {  	p2 =	seq.s32 s10, $0x1;
	s10 =	sld [smem:$0x3FBA]  }
0x3d: {  	_ =	shalt  }
0x3e: {  	_ =	shalt  }
0x3f: {  	_ =	shalt  }
0x40: {  	_ =	shalt  }
0x41: {  	_ =	shalt  }
0x42: {  	_ =	shalt  }
0x43: {  	_ =	shalt  }
0x44: {  	_ =	shalt  }
0x45: {  	_ =	shalt  }
0x46: {  	_ =	shalt  }
0x47: {  	_ =	shalt  }
0x48: {  	_ =	shalt  }
0x49: {  	_ =	shalt  }
0x4a: {  	_ =	shalt  }
0x4b: {  	_ =	shalt  }
0x4c: {  	_ =	shalt  }
0x4d: {  	_ =	shalt  }
0x4e: {  	_ =	shalt  }
0x4f: {  	_ =	shalt  }
0x50: {  	_ =	shalt  }
0x51: {  	_ =	shalt  }
0x52: {  	_ =	shalt  }
0x53: {  	_ =	shalt  }
0x54: {  	_ =	shalt  }
0x55: {  	_ =	shalt  }
0x56: {  	_ =	shalt  }
0x57: {  	_ =	shalt  }
0x58: {  	_ =	shalt  }
0x59: {  	_ =	shalt  }
0x5a: {  	_ =	shalt  }
0x5b: {  	_ =	shalt  }
0x5c: {  	_ =	shalt  }
0x5d: {  	_ =	shalt  }
0x5e: {  	_ =	shalt  }
0x5f: {  	_ =	shalt  }
0x60: {  	_ =	shalt  }
0x61: {  	_ =	shalt  }
0x62: {  	_ =	shalt  }
0x63: {  	_ =	shalt  }
0x64: {  	_ =	shalt  }
0x65: {  	_ =	shalt  }
0x66: {  	_ =	shalt  }
0x67: {  	_ =	shalt  }
0x68: {  	_ =	shalt  }
0x69: {  	_ =	shalt  }
0x6a: {  	_ =	shalt  }
0x6b: {  	_ =	shalt  }
0x6c: {  	_ =	shalt  }
0x6d: {  	_ =	shalt  }
0x6e: {  	_ =	shalt  }
0x6f: {  	_ =	shalt  }
0x70: {  	_ =	shalt  }
0x71: {  	_ =	shalt  }
0x72: {  	_ =	shalt  }
0x73: {  	_ =	shalt  }
0x74: {  	_ =	shalt  }
0x75: {  	_ =	shalt  }
0x76: {  	_ =	shalt  }
0x77: {  	_ =	shalt  }
0x78: {  	_ =	shalt  }
0x79: {  	_ =	shalt  }
0x7a: {  	_ =	shalt  }
0x7b: {  	_ =	shalt  }
0x7c: {  	_ =	shalt  }
0x7d: {  	_ =	shalt  }
0x7e: {  	_ =	shalt  }
0x7f: {  	_ =	shalt  }
0x80: {  	_ =	shalt  }
0x81: {  	_ =	shalt  }
0x82: {  	_ =	shalt  }
0x83: {  	_ =	shalt  }
0x84: {  	_ =	shalt  }
0x85: {  	_ =	shalt  }
0x86: {  	_ =	shalt  }
0x87: {  	_ =	shalt  }
.Lfunc_end0:
.L_simem_size_0:
called_computation_lowered:
.L_overlay_start_0:
0x88: {  	s2 =	sld [smem:$0x3FD9]  }
0x89: {  	s3 =	sld [smem:$0x3FFE];
	_ =	sdelay $0x1  }
0x8a: {  	s1 =	srdreg.scid  }
0x8b: {  	s0 =	sand.u32 $0x1, s1  }
0x8c: {  	s17 =	sshll.u32 s0, $0xA;
	s2 =	sadd.s32 s3, s2  }
0x8d: {  	s2 =	sadd.s32 s2, s17  }
0x8e: {  	[smem:$0x3FC6] =	sst s2  }
0x8f: {  	_ = 	snop  }
0x90: {  	s2 =	sld [smem:$0x3FC8]  }
0x91: {  	s18 =	sld [smem:$0x3FD0];
	(tm) =	ssettm $0x1  }
0x92: {  	s4 =	sld [smem:$0x3FFB];
	_ =	sdelay $0x3  }
0x93: {  	_ =	strace s4  }
0x94: {  	s4 =	sld [smem:$0x3FFC];
	_ =	sdelay $0x3  }
0x95: {  	_ =	strace s4  }
0x96: {  	s4 =	sld [smem:$0x3FFD];
	_ =	sdelay $0x3  }
0x97: {  	_ =	strace s4  }
0x98: {  	_ =	strace $0x8FFFFFFF  }
0x99: {  	s19 =	sld [smem:$0x3FDB];
	_ =	sdelay $0x1  }
0x9a: {  	s5 =	simm.s32 $_scs_section_size  }
0x9b: {  	s6 =	simm.s32 $_size__tile_overlayer_lowered;
	s7 =	simm.s32 $_tile_overlayer_lowered  }
0x9c: {  	s22 =	simm.s32 $0x1BFF;
	s21 =	sshll.u32 s7, $0x1;
	s4 =	sadd.s32 s5, s19  }
0x9d: {  	s8 =	simm.s32 $0x0;
	s20 =	sshll.u32 s6, $0x1;
	s6 =	sadd.s32 s21, s4  }
0x9e: {  	[timem:s8], [sflag:s22] =	dma.local [hbm:s6], s20  }
0x9f: {  	_ =	swait.ge [sflag:s22], s20  }
0xa0: {  	s5 =	ssub.s32 $0x0, s20;
	[sflag:s22] =	ssyncset.done $0x0  }
0xa1: {  	[sflag:s22] =	ssyncadd.s32 s5;
	_ =	sdelay $0x1  }
0xa2: {  	s23 =	simm.s32 $0x1B8B  }
0xa3: {  	_ =	swait.ge [sflag:s23], $0x1  }
0xa4: {  	[sflag:s23] =	ssyncset.done $0x0  }
0xa5: {  	s25 =	simm.s32 $0x1B8E;
	s24 =	sld [smem:$0x3FFE];
	[sflag:s23] =	ssyncadd.s32 $0xFFFFFFFF  }
0xa6: {  	s26 =	simm.s32 $execute0_lowered;
	[smem:$0x3FD2] =	sst s25  }
0xa7: {  	s6 =	sshll.u32 s26, $0x1;
	_ =	strace $0x80000046;
	[dreg:$0x1] =	wrdreg $0xFFFFFFFF  }
0xa8: {  	s28 =	simm.s32 $_size_execute0_lowered;
	s4 =	sadd.s32 s4, s6;
	[dreg:$0x0] =	wrdreg $0x0  }
0xa9: {  	s6 =	sshll.u32 s28, $0x1;
	[dreg:$0x2] =	wrdreg s4  }
0xaa: {  	[dreg:$0x3] =	wrdreg s6  }
0xab: {  	[dreg:$0x4] =	wrdreg $0xC0  }
0xac: {  	_ =	task [dreg:s8], $0x5FFFF  }
0xad: {  	[dreg:$0x1] =	wrdreg $0xFFFFFFFF  }
0xae: {  	[dreg:$0x0] =	wrdreg $0x60  }
0xaf: {  	[dreg:$0x2] =	wrdreg s2  }
0xb0: {  	[dreg:$0x3] =	wrdreg s18  }
0xb1: {  	[dreg:$0x4] =	wrdreg s24  }
0xb2: {  	[dreg:$0x5] =	wrdreg $0x9  }
0xb3: {  	_ =	task.clear_ibuf [dreg:s8], $0x6FFFF;
	_ =	strace $0x90000046  }
0xb4: {  	s29 =	simm.s32 $0x9;
	_ =	strace $0x80000048  }
0xb5: {  	_ =	swait.ge [sflag:s29], $0x1  }
0xb6: {  	[sflag:s29] =	ssyncadd.s32 $0xFFFFFFFF  }
0xb7: {  	_ =	strace $0x90000048  }
0xb8: {  	_ =	sfence  }
0xb9: {  	s30 =	sld [smem:$0x0];
	_ =	sdelay $0x2  }
0xba: {  	s31 =	sshll.u32 s1, $0xD;
	s1 =	sshrl.u32 s1, $0x2  }
0xbb: {  	s3 =	sand.u32 $0x4000, s31;
	s1 =	sadd.s32 s1, s30  }
0xbc: {  	s0 =	sor.u32 s3, s0;
	s1 =	sshll.u32 s1, $0x11  }
0xbd: {  	s0 =	sor.u32 s1, s0  }
0xbe: {  	s0 =	sadd.s32 $0x8F2B, s0  }
0xbf: {  	[sflag:s0] =	ssyncadd.remote.s32 $0x1  }
0xc0: {  	_ =	sfence.sel $0xFFFF  }
0xc1: {  	[dreg:$0x0] =	wrdreg $0xFFFFFFFF;
	(pc) =	sbr.abs _section_cstart, $3  }
0xc2: {  	[dreg:$0x1] =	wrdreg $0xFFFFFFFF  }
0xc3: {  	_ =	task.clear_ibuf [dreg:s8], $0x2FFFF;
	_ =	strace $0x9FFFFFFF  }
0xc4: {  	(tm) =	ssettm $0x7FFFFFFF  }
0xc5: {  	_ =	shalt  }
tec
execute0_lowered:
.L_overlay_start_1:
0x0: {  	(tag) =	ssettag $0x1  }
0x1: {  	v0 =	vimm.s32 $0xFEDCBA9;
	v1 =	vimm.s32 $0x87654321;
	v2 =	vlaneseq.u32  }
0x2: {  	v3 =	vimm.s32 $0x10FEDCBA;
	v4 =	vimm.s32 $0x98765432;
	v5 =	vimm.s32 $0x210FEDCB  }
0x3: {  	v6 =	vimm.s32 $0xA9876543;
	v54 =	vimm.s32 $0x3210FEDC;
	v55 =	vimm.s32 $0xBA987654  }
0x4: {  	v56 =	vimm.s32 $0x43210FED;
	v7 =	vimm.s32 $0xCBA98765;
	v60 =	vimm.s32 $0x543210FE  }
0x5: {  	v16 =	vimm.s32 $0x6543210F;
	v17 =	vimm.s32 $0xFEDCBA98;
	v18 =	vimm.s32 $0xEDCBA987  }
0x6: {  	v19 =	vimm.s32 $0x76543210;
	v41 =	vimm.s32 $0x4B0A4908;
	v43 =	vimm.s32 $0x4F0E4D0C  }
0x7: {  	vm0 =	vcmask $0x1F10;
	v44 =	vimm.s32 $0x43024100;
	vm8 =	vcmask $0xB04  }
0x8: {  	vm6 =	vcmask $0x130C;
	vm5 =	vcmask $0x1B14;
	vm4 =	vcmask $0x231C  }
0x9: {  	vm3 =	vcmask $0x2B24;
	vm2 =	vcmask $0x332C;
	v47 =	vimm.s32 $0x300  }
0xa: {  	vm14 =	vcmask $0x700;
	vm13 =	vcmask $0xF08;
	vm1 =	vcmask $0x3B34  }
0xb: {  	vm12 =	vcmask $0x1710;
	vm11 =	vcmask $0x1F18;
	vm10 =	vcmask $0x2720  }
0xc: {  	vm9 =	vcmask $0x2F28;
	vm7 =	vcmask $0x3730;
	v50 =	vimm.s32 $0x280  }
0xd: {  	v0 =	vunpack.c.l.s4.s8 v0;
	v1 =	vunpack.c.l.s4.s8 v1;
	v23 =	vmul.u32 $0x100, v2  }
0xe: {  	v2 =	vand.u32 $0x7, v2;
	v3 =	vunpack.c.l.s4.s8 v3;
	v4 =	vunpack.c.l.s4.s8 v4  }
0xf: {  	v5 =	vunpack.c.l.s4.s8 v5;
	v53 =	vunpack.c.l.s4.s8 v6;
	v6 =	vunpack.c.l.s4.s8 v56  }
0x10: {  	v7 =	vunpack.c.l.s4.s8 v7;
	v17 =	vunpack.c.l.s4.s8 v17;
	v16 =	vunpack.c.l.s4.s8 v16  }
0x11: {  	v18 =	vunpack.c.l.s4.s8 v18;
	v19 =	vunpack.c.l.s4.s8 v19;
	v48 =	vsel vm14, $0x380, v47  }
0x12: {  	v2 =	vmul.u32 $0x80, v2;
	v0 =	vunpack.c.0.s8.s32 v0;
	v1 =	vunpack.c.0.s8.s32 v1  }
0x13: {  	v52 =	vunpack.c.0.s8.s32 v3;
	v10 =	vunpack.c.0.s8.s32 v4;
	v11 =	vunpack.c.0.s8.s32 v5  }
0x14: {  	v3 =	vunpack.c.0.s8.s32 v53;
	v4 =	vunpack.c.l.s4.s8 v54;
	v5 =	vunpack.c.l.s4.s8 v55  }
0x15: {  	v14 =	vunpack.c.0.s8.s32 v6;
	v15 =	vunpack.c.0.s8.s32 v7;
	v7 =	vunpack.c.l.s4.s8 v60  }
0x16: {  	v61 =	vunpack.c.0.s8.s32 v17;
	v17 =	vunpack.c.0.s8.s32 v16;
	v18 =	vunpack.c.0.s8.s32 v18  }
0x17: {  	v54 =	vsel vm8, $0x300, v50;
	v55 =	vimm.s32 $0x200;
	v51 =	vcombine.low v1, v0  }
0x18: {  	v56 =	vsel vm14, $0x280, v55;
	v8 =	vcombine.low v10, v52;
	v9 =	vcombine.low v3, v11  }
0x19: {  	v12 =	vunpack.c.0.s8.s32 v4;
	v13 =	vunpack.c.0.s8.s32 v5;
	v22 =	vcombine.low v18, v17  }
0x1a: {  	v20 =	vunpack.c.0.s8.s32 v7;
	v0 =	vcombine.low v0, v1;
	v33 =	vcombine.low v52, v10  }
0x1b: {  	v35 =	vcombine.low v11, v3;
	v11 =	vlaneseq.u32;
	v37 =	vcombine.low v14, v15  }
0x1c: {  	v42 =	vcombine.low v17, v18;
	v3 =	vunpack.c.0.s8.s32 v44;
	v17 =	vimm.s32 $0x380  }
0x1d: {  	v18 =	vimm.s32 $0x47064504;
	v52 =	vsel vm14, $0x300, v50;
	v4 =	vimm.s32 $0x180  }
0x1e: {  	v17 =	vsel vm8, $0x0, v17;
	v18 =	vunpack.c.0.s8.s32 v18;
	v53 =	vsel vm13, $0x380, v52  }
0x1f: {  	[tilespmem:$0x1FDD0] =	vst v2;
	v6 =	vsel vm14, $0x200, v4;
	v52 =	vimm.s32 $0x0;
	v2 =	vand.u32 $0xF, v51  }
0x20: {  	v57 =	vand.u32 $0xF, v8;
	v58 =	vand.u32 $0xF, v9;
	v59 =	vcombine.low v13, v12  }
0x21: {  	v8 =	vcombine.low v15, v14;
	v9 =	vimm.s32 $0xDCBA9876;
	v34 =	vand.u32 $0xF, v22  }
0x22: {  	v36 =	vcombine.low v12, v13;
	v0 =	vand.u32 $0xF, v0;
	v1 =	vand.u32 $0xF, v33  }
0x23: {  	v38 =	vand.u32 $0xF, v35;
	v17 =	vsel vm6, $0x80, v17;
	v33 =	vand.u32 $0xF, v42  }
0x24: {  	v35 =	vimm.s32 $0x100;
	v9 =	vunpack.c.l.s4.s8 v9;
	[tilespmem:$0x1FE60] =	vst v0;
	v0 =	vand.u32 $0xF, v37  }
0x25: {  	[tilespmem:$0x1FDE0] =	vst v2;
	v2 =	vunpack.c.0.s8.s32 v43;
	v45 =	vsel vm5, $0x100, v17;
	v3 =	vsel vm0, v18, v3  }
0x26: {  	[tilespmem:$0x1FE70] =	vst v1;
	v1 =	vsel vm8, $0x380, v47;
	v42 =	vsel vm14, $0x180, v35;
	v18 =	vimm.s32 $0xF4E0D4C  }
0x27: {  	v62 =	vand.u32 $0xF, v59;
	v63 =	vand.u32 $0xF, v8;
	v39 =	vand.u32 $0xF, v36  }
0x28: {  	[tilespmem:$0x1FEA0] =	vst v0;
	v0 =	vunpack.c.0.s8.s32 v41;
	v1 =	vsel vm6, $0x0, v1;
	v44 =	vsel vm13, $0x200, v42  }
0x29: {  	v18 =	vunpack.c.0.s8.s32 v18;
	v21 =	vunpack.c.0.s8.s32 v9;
	v9 =	vunpack.c.0.s8.s32 v19  }
0x2a: {  	v19 =	vand.u32 $0xF, v61;
	[tilespmem:$0x1FE20] =	vst v63;
	v1 =	vsel vm5, $0x80, v1;
	v63 =	vsel vm8, $0x280, v55  }
0x2b: {  	v55 =	vimm.s32 $0xB4A0948;
	v0 =	vsel vm0, v2, v0;
	v2 =	vsel vm4, $0x180, v45  }
0x2c: {  	v1 =	vsel vm4, $0x100, v1;
	v45 =	vsel vm8, $0x180, v35;
	v16 =	vcombine.low v21, v20  }
0x2d: {  	v46 =	vsel vm3, $0x200, v2;
	v2 =	vsel vm13, $0x0, v48;
	v1 =	vsel vm3, $0x180, v1  }
0x2e: {  	v8 =	vcombine.low v19, v9;
	v2 =	vsel vm12, $0x80, v2;
	v51 =	vsel vm2, $0x200, v1  }
0x2f: {  	v1 =	vsel vm6, $0x380, v54;
	v54 =	vsel vm14, $0x80, v52;
	v32 =	vand.u32 $0xF, v16  }
0x30: {  	v16 =	vcombine.low v20, v21;
	v2 =	vsel vm11, $0x100, v2;
	v59 =	vsel vm1, $0x280, v51  }
0x31: {  	v1 =	vsel vm5, $0x0, v1;
	[tilespmem:$0x1FE40] =	vst v32;
	v32 =	vcombine.low v3, v0;
	v0 =	vsel vm2, $0x280, v46  }
0x32: {  	v2 =	vsel vm10, $0x180, v2;
	v1 =	vsel vm4, $0x80, v1;
	v3 =	vsel vm13, $0x300, v56  }
0x33: {  	v46 =	vimm.s32 $0x80;
	v56 =	vimm.s32 $0x3420140;
	v40 =	vand.u32 $0xF, v16  }
0x34: {  	v0 =	vsel vm1, $0x300, v0;
	v49 =	vsel vm9, $0x200, v2;
	v1 =	vsel vm3, $0x100, v1  }
0x35: {  	[tilespmem:$0x1FDF0] =	vst v57;
	v3 =	vsel vm12, $0x380, v3;
	v2 =	vsel vm8, $0x200, v4;
	v47 =	vsel vm14, $0x100, v46  }
0x36: {  	v51 =	vsel vm8, $0x100, v46;
	v4 =	vunpack.c.0.s8.s32 v56;
	[tilespmem:$0x1FEC0] =	vst v0;
	v0 =	vsel vm7, $0x280, v49  }
0x37: {  	[tilespmem:$0x1FE00] =	vst v58;
	v57 =	vsel vm2, $0x180, v1;
	v58 =	vsel vm11, $0x0, v3;
	v1 =	vsel vm6, $0x300, v63  }
0x38: {  	v2 =	vsel vm6, $0x280, v2;
	v3 =	vsel vm13, $0x180, v47;
	[tilespmem:$0x1FED0] =	vst v0;
	v0 =	vsel vm12, $0x0, v53  }
0x39: {  	[tilespmem:$0x1FE10] =	vst v62;
	v61 =	vsel vm1, $0x200, v57;
	v62 =	vsel vm10, $0x80, v58;
	v0 =	vsel vm11, $0x80, v0  }
0x3a: {  	v5 =	vsel vm5, $0x380, v1;
	v1 =	vsel vm13, $0x280, v6;
	v0 =	vsel vm10, $0x100, v0  }
0x3b: {  	v2 =	vsel vm5, $0x300, v2;
	v3 =	vsel vm12, $0x200, v3;
	v0 =	vsel vm9, $0x180, v0  }
0x3c: {  	v57 =	vimm.s32 $0x7460544;
	v20 =	vsel vm7, $0x200, v0;
	v0 =	vsel vm9, $0x100, v62  }
0x3d: {  	v1 =	vsel vm12, $0x300, v1;
	v41 =	vsel vm7, $0x180, v0;
	v0 =	vsel vm4, $0x0, v5  }
0x3e: {  	[tilespmem:$0x1FE50] =	vst v34;
	v34 =	vsel vm4, $0x380, v2;
	v1 =	vsel vm11, $0x380, v1;
	v0 =	vsel vm3, $0x80, v0  }
0x3f: {  	v49 =	vsel vm11, $0x280, v3;
	v7 =	vsel vm10, $0x0, v1;
	v0 =	vsel vm2, $0x100, v0  }
0x40: {  	v9 =	vmovc v23;
	v2 =	vsel vm8, $0x80, v52;
	v23 =	vsel vm1, $0x180, v0;
	v0 =	vsel vm9, $0x80, v7  }
0x41: {  	[tilespmem:$0x1FE80] =	vst v38;
	v3 =	vunpack.c.0.s8.s32 v55;
	v38 =	vsel vm7, $0x100, v0;
	v0 =	vsel vm12, $0x280, v44  }
0x42: {  	v6 =	vunpack.c.0.s8.s32 v57;
	v2 =	vsel vm6, $0x100, v2;
	v0 =	vsel vm11, $0x300, v0  }
0x43: {  	s0 =	rddreg [dreg:$0x0];
	[tilespmem:$0x1FE90] =	vst v39;
	v1 =	vsel vm3, $0x0, v34;
	v2 =	vsel vm5, $0x180, v2;
	v0 =	vsel vm10, $0x380, v0  }
0x44: {  	s1 =	rddreg [dreg:$0x1];
	[tilespmem:$0x1FEB0] =	vst v40;
	v40 =	vsel vm2, $0x80, v1;
	v1 =	vsel vm6, $0x200, v45;
	v0 =	vsel vm9, $0x0, v0  }
0x45: {  	s8 =	rddreg [dreg:$0x2];
	s3 =	simm.s32 $0x0;
	[tilespmem:$0x1FE30] =	vst v8;
	v60 =	vsel vm0, v18, v3;
	v1 =	vsel vm5, $0x280, v1;
	v0 =	vsel vm7, $0x80, v0  }
0x46: {  	[smem:$0x7FF] =	sst s3;
	v63 =	vsel vm0, v6, v4;
	v62 =	vshrl.u32 v11, $0x1;
	v1 =	vsel vm4, $0x300, v1;
	[tilespmem:$0x1FEE0] =	vst v0  }
0x47: {  	s2 =	rddreg [dreg:$0x3];
	v43 =	vsel vm1, $0x100, v40;
	v30 =	vmul.u32 $0x80, v62;
	v1 =	vsel vm3, $0x380, v1;
	_ =	strace $0x80000047;
	[tilespmem:$0x1FEF0] =	vst v23  }
0x48: {  	v2 =	vsel vm4, $0x200, v2;
	v48 =	vsel vm2, $0x0, v1;
	v1 =	vsel vm6, $0x180, v51;
	[tilespmem:$0x1FF00] =	vst v43  }
0x49: {  	v16 =	vcombine.low v63, v60;
	v53 =	vsel vm5, $0x200, v1;
	v1 =	vsel vm13, $0x100, v54;
	[tilespmem:$0x1FF20] =	vst v30  }
0x4a: {  	v2 =	vsel vm3, $0x280, v2;
	v1 =	vsel vm12, $0x180, v1;
	[tilespmem:$0x1FF30] =	vst v9  }
0x4b: {  	v58 =	vsel vm2, $0x300, v2;
	v1 =	vsel vm11, $0x200, v1;
	[tilespmem:$0x1FF40] =	vst v16  }
0x4c: {  	v27 =	vsel vm1, $0x380, v58;
	v1 =	vsel vm10, $0x280, v1;
	[tilespmem:$0x1FF50] =	vst v32  }
0x4d: {  	v1 =	vsel vm9, $0x300, v1;
	[tilespmem:$0x1FF70] =	vst v27  }
0x4e: {  	s4 =	srdreg.scid;
	s19 =	stileid.u32;
	v34 =	vsel vm7, $0x380, v1;
	[tilespmem:$0x1FF80] =	vst v41  }
0x4f: {  	s12 =	simm.s32 $0x800;
	s13 =	simm.s32 $0x7A1400;
	s14 =	simm.s32 $0x4000;
	v29 =	vsel vm1, $0x80, v48;
	[tilespmem:$0x1FF90] =	vst v34  }
0x50: {  	s15 =	simm.s32 $0x1;
	s16 =	simm.s32 $0x8000;
	s17 =	simm.s32 $0x2;
	[tilespmem:$0x1FFA0] =	vst v29  }
0x51: {  	s18 =	simm.s32 $0xC000;
	s20 =	simm.s32 $0x5;
	s21 =	simm.s32 $0x0;
	v50 =	vsel vm10, $0x300, v49;
	[tilespmem:$0x1FFB0] =	vst v20  }
0x52: {  	s5 =	sand.u32 $0x1, s4;
	s31 =	sshll.u32 s19, $0x1;
	p0 =	sne.s32 s19, $0x0;
	v0 =	vsel vm9, $0x380, v50;
	[tilespmem:$0x1FFC0] =	vst v33  }
.Ltmp0:
0x53: {  	s19 =	simm.s32 $0x4;
	s4 =	sor.u32 s5, s31;
	v13 =	vsel vm7, $0x0, v0;
	v0 =	vsel vm4, $0x280, v53;
	[tilespmem:$0x1FFD0] =	vst v59;
	(pc) =	sbr.rel .LBB2_1-.Ltmp0, $4  }
0x54: {  	s7 =	ssub.s32 $0x2, s5;
	s5 =	sadd.s32 $0xA00, s8;
	s8 =	sadd.s32 $0x7A1400, s8;
	[tilespmem:$0x1FFE0] =	vst v61;
	v0 =	vsel vm3, $0x300, v0  }
0x55: {  	s6 =	sshll.u32 s4, $0x8;
	s9 =	sshrl.u32 s7, $0x1;
	s10 =	sor.u32 $0x60, s4;
	[tilespmem:$0x1FFF0] =	vst v38;
	v0 =	vsel vm2, $0x380, v0  }
0x56: {  	p1 =	sne.s32 s4, $0x4;
	s6 =	sadd.s32 s0, s6;
	s11 =	ssub.s32 s7, s9;
	[tilespmem:$0x1FF60] =	vst v13;
	v19 =	vsel vm1, $0x0, v0  }
0x57: {  	s9 =	sor.u32 $0x40, s4;
	s7 =	sadd.s32 $0x2000, s6;
	s11 =	smax.u32 s11, $0x1;
	[tilespmem:$0x1FF10] =	vst v19  }
.LBB2_15:
0x58: {  	s21 =	sadd.s32 $0x1, s21  }
0x59: {  	p2 =	sne.s32 s21, s11  }
.Ltmp1:
0x5a: {  	_ = 	snop;
	(pc) =	sbr.rel @!p2 .LBB2_16-.Ltmp1, $1  }
0x5b: {  	_ =	sdelay $0x3  }
.LBB2_1:
.Ltmp2:
0x5c: {  	(pc) =	sbr.rel .LBB2_2-.Ltmp2, $4  }
0x5d: {  	[tilespmem:$0x10000] =	vst v11  }
0x5e: {  	[tilespmem:s3], [sflag:$0x1] =	stream.strided.gather [hbm4b:s6+s12], $0x4000, s13, s12, $0x38;
	[tilespmem:$0x10080] =	vst v63  }
0x5f: {  	s22 =	simm.s32 $0x0  }
0x60: {  	[tilespmem:s14], [sflag:$0x2] =	stream.strided.gather [hbm4b:s7+s12], $0x4000, s13, s12, $0x38;
	[tilespmem:$0x10080] =	vst v63  }
.LBB2_10:
0x61: {  	s22 =	sadd.s32 $0x1, s22  }
0x62: {  	p2 =	sne.s32 s22, $0x3E  }
.Ltmp3:
0x63: {  	_ = 	snop;
	(pc) =	sbr.rel @!p2 .LBB2_11-.Ltmp3, $1  }
0x64: {  	_ =	sdelay $0x3  }
.LBB2_2:
0x65: {  	s23 =	sshll.u32 s22, $0x6  }
0x66: {  	s24 =	sor.u32 s4, s23  }
0x67: {  	p3 =	sgt.u32 s24, $0xF41  }
.Ltmp4:
0x68: {  	_ = 	snop;
	(pc) =	sbr.rel @p3 .LBB2_6-.Ltmp4, $2  }
0x69: {  	_ =	sdelay $0x2  }
0x6a: {  	p2 =	seq.s32 s22, $0x0  }
0x6b: {  	v4 =	vld [tilespmem:$0x1FE50];
	_ =	sdelay $0x1  }
0x6c: {  	s26 =	simm.s32 $0x0  }
0x6d: {  	s28 =	sand.u32 $0xE0, s26  }
0x6e: {  	s26 =	sor.u32 $0x10, s28  }
0x6f: {  	v18 =	vor.u32 s28, v4;
	v4 =	vmov s26  }
0x70: {  	[tilespmem:$0x1FD70] =	vst v4;
	v4 =	vld [tilespmem:$0x1FE00];
	_ =	sdelay $0x1  }
0x71: {  	s30 =	sshrl.u32 s26, $0x1  }
0x72: {  	v36 =	vmov s30  }
0x73: {  	v37 =	vshll.u32 v36, $0x7  }
0x74: {  	s25 =	simm.s32 $0x0;
	v35 =	vor.u32 s28, v4;
	v4 =	vor.u32 v34, v37  }
0x75: {  	s29 =	sand.u32 $0x30, s25;
	[tilespmem:$0x1FD90] =	vst v4;
	v4 =	vld [tilespmem:$0x1FDD0]  }
0x76: {  	v3 =	vmov s29  }
0x77: {  	v3 =	vshll.u32 v3, $0x8  }
0x78: {  	v3 =	vor.u32 v9, v3  }
0x79: {  	v3 =	vand.u32 $0x3800, v3  }
0x7a: {  	v4 =	vor.u32 v4, v3  }
0x7b: {  	v0 =	vmov s28;
	[tilespmem:$0x1FDA0] =	vst v4  }
0x7c: {  	v1 =	vld [tilespmem:$0x1FDE0];
	v0 =	vshll.u32 v0, $0x3;
	_ =	swait.ge [sflag:s15], $0x4000  }
0x7d: {  	v0 =	vand.u32 $0x400, v0;
	v25 =	vld [tilespmem:$0x1FEA0]  }
0x7e: {  	v18 =	vand.u32 $0x6F, v18;
	v0 =	vor.u32 v0, v4  }
0x7f: {  	v18 =	vor.u32 v18, v0;
	[sflag:s15] =	ssyncset.done $0x0  }
0x80: {  	s30 =	simm.s32 @!p2 $0x3;
	v12 =	vld [tilespmem:$0x1FE20];
	[sflag:s15] =	ssyncadd.s32 $0xFFFFC000  }
0x81: {  	v7 =	vld [tilespmem:$0x1FE60];
	_ =	swait.ge @!p2 [sflag:s30], $0x4000  }
0x82: {  	[sflag:s30] =	ssyncset.done @!p2 $0x0;
	v56 =	vor.u32 s28, v25  }
0x83: {  	v21 =	vld [tilespmem:$0x1FEB0];
	[sflag:s30] =	ssyncadd.s32 @!p2 $0xFFFFC000;
	v36 =	vand.u32 $0x6F, v56  }
0x84: {  	v4 =	vld.idx.msk [tilespmem:v18+s3+$0x0], $0xffff;
	v36 =	vor.u32 v36, v0  }
0x85: {  	v28 =	vld [tilespmem:$0x1FE40]  }
0x86: {  	v1 =	vor.u32 s28, v1;
	v49 =	vld [tilespmem:$0x1FE90]  }
0x87: {  	v2 =	vor.u32 s28, v33;
	v1 =	vand.u32 $0x6F, v1;
	v14 =	vld [tilespmem:$0x1FDF0]  }
0x88: {  	v22 =	vmovc v34;
	v39 =	vor.u32 s29, v16;
	s31 =	sshrl.u32 s28, $0x1;
	v2 =	vand.u32 $0x6F, v2;
	v1 =	vor.u32 v1, v0;
	v34 =	vld [tilespmem:$0x1FE80]  }
0x89: {  	v51 =	vmov s31;
	v35 =	vand.u32 $0x6F, v35;
	v3 =	vor.u32 s28, v11;
	[tilespmem:$0x1FD80] =	vst v4;
	v4 =	vld.idx.msk [tilespmem:v36+s3+$0x0], $0xffff  }
0x8a: {  	v3 =	vand.u32 $0x6F, v3;
	v35 =	vor.u32 v35, v0;
	v15 =	vld [tilespmem:$0x1FE10];
	v42 =	vor.u32 s28, v12  }
0x8b: {  	v3 =	vor.u32 v3, v0;
	v8 =	vld [tilespmem:$0x1FE70];
	v43 =	vor.u32 s28, v7;
	v42 =	vand.u32 $0x6F, v42  }
0x8c: {  	v24 =	vld [tilespmem:$0x1FF00];
	v43 =	vand.u32 $0x6F, v43;
	v42 =	vor.u32 v42, v0;
	v44 =	vor.u32 s28, v21  }
0x8d: {  	v17 =	vld.idx.msk [tilespmem:v1+s3+$0x0], $0xffff;
	v43 =	vor.u32 v43, v0;
	v45 =	vor.u32 s28, v28;
	v44 =	vand.u32 $0x6F, v44  }
0x8e: {  	v51 =	vshll.u32 v51, $0x7;
	v45 =	vand.u32 $0x6F, v45;
	v44 =	vor.u32 v44, v0;
	[tilespmem:$0x1FDB0] =	vst v4;
	v4 =	vld [tilespmem:$0x1FE30]  }
0x8f: {  	v53 =	vor.u32 v30, v51;
	v40 =	vld.idx.msk [tilespmem:v35+s3+$0x0], $0xffff;
	v47 =	vor.u32 s28, v14;
	v45 =	vor.u32 v45, v0  }
0x90: {  	v2 =	vor.u32 v2, v0;
	v3 =	vld.idx.msk [tilespmem:v3+s3+$0x0], $0xffff;
	v46 =	vor.u32 s28, v49;
	v47 =	vand.u32 $0x6F, v47  }
0x91: {  	v50 =	vor.u32 s28, v15;
	v46 =	vand.u32 $0x6F, v46;
	v47 =	vor.u32 v47, v0;
	v42 =	vld.idx.msk [tilespmem:v42+s3+$0x0], $0xffff  }
0x92: {  	v48 =	vor.u32 s28, v34;
	v50 =	vand.u32 $0x6F, v50;
	v46 =	vor.u32 v46, v0;
	v43 =	vld.idx.msk [tilespmem:v43+s3+$0x0], $0xffff  }
0x93: {  	v48 =	vand.u32 $0x6F, v48;
	v50 =	vor.u32 v50, v0;
	v1 =	vld.idx.msk [tilespmem:v44+s3+$0x0], $0xffff;
	v57 =	vor.u32 s28, v4  }
0x94: {  	v56 =	vor.u32 s28, v8;
	v48 =	vor.u32 v48, v0;
	v45 =	vld.idx.msk [tilespmem:v45+s3+$0x0], $0xffff;
	v36 =	vand.u32 $0x6F, v57  }
0x95: {  	v56 =	vand.u32 $0x6F, v56;
	v44 =	vld.idx.msk [tilespmem:v2+s3+$0x0], $0xffff;
	v52 =	vor.u32 v36, v0;
	v36 =	vor.u32 s29, v32  }
0x96: {  	v54 =	vor.u32 v27, v51;
	v47 =	vld.idx.msk [tilespmem:v47+s3+$0x0], $0xffff;
	v0 =	vor.u32 v56, v0;
	v53 =	vor.u32 v36, v53  }
0x97: {  	v55 =	vor.u32 v22, v51;
	v54 =	vor.u32 v39, v54;
	v46 =	vld.idx.msk [tilespmem:v46+s3+$0x0], $0xffff  }
0x98: {  	v50 =	vld.idx.msk [tilespmem:v50+s3+$0x0], $0xffff;
	v55 =	vor.u32 v36, v55  }
0x99: {  	v5 =	vmov v61;
	v48 =	vld.idx.msk [tilespmem:v48+s3+$0x0], $0xffff  }
0x9a: {  	v58 =	vor.u32 v13, v51;
	v61 =	vor.u32 v38, v51;
	v63 =	vor.u32 v41, v51;
	v52 =	vld.idx.msk [tilespmem:v52+s3+$0x0], $0xffff  }
0x9b: {  	v38 =	vmov v41;
	v57 =	vor.u32 v19, v51;
	v41 =	vld.idx.msk [tilespmem:v0+s3+$0x0], $0xffff;
	[tilespmem:v53+s16+$0x0] =	vst.idx.msk $0xffff, v3  }
0x9c: {  	v60 =	vor.u32 v24, v51;
	v57 =	vor.u32 v39, v57;
	[tilespmem:v54+s16+$0x0] =	vst.idx.msk $0xffff, v17  }
0x9d: {  	v58 =	vor.u32 v36, v58;
	[tilespmem:v55+s16+$0x0] =	vst.idx.msk $0xffff, v47;
	v55 =	vor.u32 v39, v60;
	v60 =	vor.u32 s26, v4;
	v4 =	vld [tilespmem:$0x1FE50];
	_ =	sdelay $0x2  }
0x9e: {  	v10 =	vld [tilespmem:$0x1FEE0]  }
0x9f: {  	v62 =	vor.u32 v23, v51;
	v56 =	vor.u32 v29, v51;
	[tilespmem:v57+s16+$0x0] =	vst.idx.msk $0xffff, v40  }
0xa0: {  	v53 =	vor.u32 v39, v56;
	[tilespmem:v58+s16+$0x0] =	vst.idx.msk $0xffff, v50;
	v58 =	vor.u32 v39, v62;
	v62 =	vor.u32 s26, v4;
	v4 =	vld [tilespmem:$0x1FE00];
	_ =	sdelay $0x2  }
0xa1: {  	v6 =	vmov v59;
	v59 =	vor.u32 v10, v51  }
0xa2: {  	v0 =	vor.u32 v36, v59  }
0xa3: {  	[tilespmem:v53+s16+$0x0] =	vst.idx.msk $0xffff, v42;
	v53 =	vor.u32 v36, v63;
	v63 =	vor.u32 s26, v4;
	v4 =	vld [tilespmem:$0x1FD80];
	_ =	sdelay $0x3  }
0xa4: {  	[tilespmem:v0+s16+$0x0] =	vst.idx.msk $0xffff, v45  }
0xa5: {  	[tilespmem:v55+s16+$0x0] =	vst.idx.msk $0xffff, v4;
	v4 =	vld [tilespmem:$0x1FD90];
	_ =	sdelay $0x4  }
0xa6: {  	v57 =	vor.u32 v36, v61;
	v42 =	vor.u32 s26, v33;
	v33 =	vor.u32 v36, v4;
	v4 =	vld [tilespmem:$0x1FDE0]  }
0xa7: {  	v26 =	vld [tilespmem:$0x1FED0]  }
0xa8: {  	v31 =	vld [tilespmem:$0x1FEC0]  }
0xa9: {  	v0 =	vld [tilespmem:$0x1FD70];
	_ =	sdelay $0x1  }
0xaa: {  	v18 =	vor.u32 v6, v51;
	[tilespmem:v57+s16+$0x0] =	vst.idx.msk $0xffff, v52;
	v52 =	vor.u32 s26, v4;
	v4 =	vld [tilespmem:$0x1FDA0]  }
0xab: {  	v18 =	vor.u32 v39, v18  }
0xac: {  	v35 =	vor.u32 v26, v51;
	v2 =	vor.u32 v20, v51;
	[tilespmem:$0x1FDC0] =	vst v1;
	v1 =	vor.u32 v5, v51  }
0xad: {  	v1 =	vor.u32 v39, v1;
	v51 =	vor.u32 v31, v51;
	v0 =	vshll.u32 v0, $0x3  }
0xae: {  	v2 =	vor.u32 v36, v2;
	v35 =	vor.u32 v36, v35;
	v0 =	vand.u32 $0x400, v0  }
0xaf: {  	v59 =	vor.u32 s26, v11;
	v3 =	vor.u32 s26, v15;
	v0 =	vor.u32 v0, v4;
	v4 =	vld [tilespmem:$0x1FDB0]  }
0xb0: {  	v56 =	vor.u32 s26, v14;
	v54 =	vor.u32 s26, v25;
	v3 =	vand.u32 $0x7F, v3;
	[tilespmem:v58+s16+$0x0] =	vst.idx.msk $0xffff, v43  }
0xb1: {  	v47 =	vor.u32 s26, v12;
	v40 =	vor.u32 s26, v7;
	v61 =	vor.u32 s26, v28;
	[tilespmem:v53+s16+$0x0] =	vst.idx.msk $0xffff, v41  }
0xb2: {  	v7 =	vand.u32 $0x7F, v54;
	v54 =	vand.u32 $0x7F, v60;
	v60 =	vand.u32 $0x7F, v59;
	[tilespmem:v1+s16+$0x0] =	vst.idx.msk $0xffff, v48  }
0xb3: {  	v50 =	vor.u32 s26, v34;
	v61 =	vand.u32 $0x7F, v61;
	v45 =	vor.u32 s26, v21;
	[tilespmem:v2+s16+$0x0] =	vst.idx.msk $0xffff, v46  }
0xb4: {  	v42 =	vand.u32 $0x7F, v42;
	v55 =	vor.u32 s26, v8;
	v58 =	vor.u32 s26, v49;
	[tilespmem:v18+s16+$0x0] =	vst.idx.msk $0xffff, v4;
	v4 =	vld [tilespmem:$0x1FDC0]  }
0xb5: {  	v49 =	vor.u32 v39, v51;
	v51 =	vand.u32 $0x7F, v50;
	v50 =	vand.u32 $0x7F, v62  }
0xb6: {  	v43 =	vand.u32 $0x7F, v58;
	v53 =	vand.u32 $0x7F, v56;
	v41 =	vor.u32 v7, v0  }
0xb7: {  	v58 =	vand.u32 $0x7F, v47;
	v1 =	vand.u32 $0x7F, v45;
	v2 =	vor.u32 v43, v0  }
0xb8: {  	v3 =	vor.u32 v3, v0;
	v57 =	vor.u32 v53, v0;
	v45 =	vor.u32 v51, v0  }
0xb9: {  	v59 =	vand.u32 $0x7F, v52;
	v7 =	vor.u32 v61, v0;
	v1 =	vor.u32 v1, v0;
	[tilespmem:v35+s16+$0x0] =	vst.idx.msk $0xffff, v4  }
0xba: {  	v51 =	vand.u32 $0x7F, v63;
	v43 =	vor.u32 v50, v0;
	v18 =	vand.u32 $0x7F, v40;
	[tilespmem:v49+s16+$0x0] =	vst.idx.msk $0xffff, v44  }
0xbb: {  	v35 =	vor.u32 v58, v0;
	v58 =	vand.u32 $0x7F, v55;
	v44 =	vor.u32 v54, v0;
	v40 =	vld.idx.msk [tilespmem:v41+s3+$0x0], $0xffff  }
0xbc: {  	v18 =	vor.u32 v18, v0;
	v61 =	vor.u32 v58, v0;
	v41 =	vld.idx.msk [tilespmem:v2+s3+$0x0], $0xffff;
	v2 =	vor.u32 v42, v0  }
0xbd: {  	v47 =	vld.idx.msk [tilespmem:v3+s3+$0x0], $0xffff;
	v3 =	vor.u32 v60, v0;
	v60 =	vor.u32 v51, v0;
	v0 =	vor.u32 v59, v0  }
0xbe: {  	v42 =	vld.idx.msk [tilespmem:v45+s3+$0x0], $0xffff  }
0xbf: {  	v54 =	vor.u32 v19, v37;
	v46 =	vld.idx.msk [tilespmem:v1+s3+$0x0], $0xffff  }
0xc0: {  	v53 =	vor.u32 v27, v37;
	v45 =	vor.u32 v39, v54;
	v54 =	vld.idx.msk [tilespmem:v44+s3+$0x0], $0xffff  }
0xc1: {  	v63 =	vor.u32 v24, v37;
	v56 =	vor.u32 v39, v53;
	v1 =	vor.u32 v5, v37;
	v49 =	vld.idx.msk [tilespmem:v2+s3+$0x0], $0xffff  }
0xc2: {  	v53 =	vor.u32 v39, v63;
	v51 =	vor.u32 v39, v1;
	v1 =	vor.u32 v31, v37;
	v63 =	vld.idx.msk [tilespmem:v0+s3+$0x0], $0xffff  }
0xc3: {  	v44 =	vor.u32 v39, v1;
	v1 =	vor.u32 v30, v37;
	v0 =	vld [tilespmem:$0x1FFF0]  }
0xc4: {  	v2 =	vor.u32 v36, v1;
	v1 =	vld [tilespmem:$0x1FFB0]  }
0xc5: {  	v50 =	vld.idx.msk [tilespmem:v18+s3+$0x0], $0xffff;
	v18 =	vor.u32 v29, v37  }
0xc6: {  	v34 =	vmov v22;
	v59 =	vld.idx.msk [tilespmem:v7+s3+$0x0], $0xffff;
	v55 =	vor.u32 v39, v18;
	v18 =	vor.u32 v23, v37  }
0xc7: {  	v52 =	vor.u32 v39, v18;
	v18 =	vor.u32 v6, v37;
	v6 =	vor.u32 v38, v37;
	v58 =	vld.idx.msk [tilespmem:v35+s3+$0x0], $0xffff  }
0xc8: {  	v48 =	vor.u32 v39, v18;
	v35 =	vor.u32 v10, v37;
	v39 =	vld.idx.msk [tilespmem:v3+s3+$0x0], $0xffff;
	v3 =	vor.u32 v13, v37  }
0xc9: {  	v18 =	vor.u32 v0, v37;
	v0 =	vld.idx.msk [tilespmem:v57+s3+$0x0], $0xffff;
	v7 =	vor.u32 v1, v37;
	v37 =	vor.u32 v26, v37  }
0xca: {  	s26 =	simm.s32 $0x20;
	v62 =	vor.u32 v36, v6;
	v1 =	vld.idx.msk [tilespmem:v60+s3+$0x0], $0xffff;
	v60 =	vor.u32 v36, v7;
	v57 =	vor.u32 v36, v37  }
.LBB2_4:
0xcb: {  	s29 =	sand.u32 $0xE0, s26  }
0xcc: {  	v4 =	vld.idx.msk [tilespmem:v43+s3+$0x0], $0xffff;
	s28 =	sor.u32 $0x10, s29  }
0xcd: {  	v3 =	vor.u32 v36, v3;
	v61 =	vld.idx.msk [tilespmem:v61+s3+$0x0], $0xffff;
	[tilespmem:v2+s16+$0x0] =	vst.idx.msk $0xffff, v39;
	v8 =	vmov s28  }
0xce: {  	[tilespmem:$0x1FD20] =	vst v8  }
0xcf: {  	v25 =	vld [tilespmem:$0x1FE10];
	v35 =	vor.u32 v36, v35;
	[tilespmem:v56+s16+$0x0] =	vst.idx.msk $0xffff, v63  }
0xd0: {  	v10 =	vld [tilespmem:$0x1FDD0];
	[tilespmem:v33+s16+$0x0] =	vst.idx.msk $0xffff, v0  }
0xd1: {  	s25 =	sadd.s32 $0x2, s25;
	v18 =	vor.u32 v36, v18;
	v17 =	vld [tilespmem:$0x1FDE0];
	[tilespmem:v45+s16+$0x0] =	vst.idx.msk $0xffff, v1  }
0xd2: {  	v12 =	vld [tilespmem:$0x1FE50];
	s30 =	sand.u32 $0x30, s25;
	[tilespmem:v3+s16+$0x0] =	vst.idx.msk $0xffff, v47  }
0xd3: {  	v28 =	vld [tilespmem:$0x1FFC0];
	v37 =	vmov s30;
	[tilespmem:v55+s16+$0x0] =	vst.idx.msk $0xffff, v58  }
0xd4: {  	s31 =	sshrl.u32 s28, $0x1;
	v2 =	vshll.u32 v37, $0x8;
	v33 =	vld [tilespmem:$0x1FEA0];
	[tilespmem:v35+s16+$0x0] =	vst.idx.msk $0xffff, v59  }
0xd5: {  	v15 =	vld [tilespmem:$0x1FE00];
	v43 =	vmov s31;
	v26 =	vmovc v32;
	v32 =	vmov s29;
	v2 =	vor.u32 v9, v2;
	[tilespmem:v53+s16+$0x0] =	vst.idx.msk $0xffff, v4  }
0xd6: {  	v14 =	vld [tilespmem:$0x1FE20];
	v37 =	vshll.u32 v43, $0x7;
	v0 =	vand.u32 $0x3800, v2;
	v2 =	vshll.u32 v32, $0x3;
	[tilespmem:v18+s16+$0x0] =	vst.idx.msk $0xffff, v54  }
0xd7: {  	v31 =	vld [tilespmem:$0x1FE80];
	v7 =	vor.u32 s29, v12;
	v1 =	vand.u32 $0x400, v2;
	v45 =	vor.u32 v10, v0;
	[tilespmem:v52+s16+$0x0] =	vst.idx.msk $0xffff, v50  }
0xd8: {  	v21 =	vld [tilespmem:$0x1FFE0];
	v39 =	vor.u32 s30, v16;
	v7 =	vand.u32 $0x6F, v7;
	v1 =	vor.u32 v1, v45;
	[tilespmem:v62+s16+$0x0] =	vst.idx.msk $0xffff, v61  }
0xd9: {  	v16 =	vld [tilespmem:$0x1FDF0];
	v5 =	vor.u32 s29, v17;
	v7 =	vor.u32 v7, v1;
	v59 =	vor.u32 s29, v33;
	[tilespmem:v51+s16+$0x0] =	vst.idx.msk $0xffff, v42  }
0xda: {  	v9 =	vld [tilespmem:$0x1FE30];
	v8 =	vor.u32 s29, v15;
	v43 =	vor.u32 v34, v37;
	v36 =	vand.u32 $0x6F, v59;
	[tilespmem:v60+s16+$0x0] =	vst.idx.msk $0xffff, v41  }
0xdb: {  	v0 =	vor.u32 s29, v11;
	v11 =	vld [tilespmem:$0x1FE60];
	v3 =	vand.u32 $0x6F, v5;
	v36 =	vor.u32 v36, v1;
	[tilespmem:v48+s16+$0x0] =	vst.idx.msk $0xffff, v40  }
0xdc: {  	v22 =	vmovc v34;
	v34 =	vld [tilespmem:$0x1FEB0];
	v8 =	vand.u32 $0x6F, v8;
	v3 =	vor.u32 v3, v1;
	v4 =	vor.u32 s29, v14;
	[tilespmem:v57+s16+$0x0] =	vst.idx.msk $0xffff, v46  }
0xdd: {  	v32 =	vld [tilespmem:$0x1FE90];
	v8 =	vor.u32 v8, v1;
	v4 =	vand.u32 $0x6F, v4;
	[tilespmem:v44+s16+$0x0] =	vst.idx.msk $0xffff, v49  }
0xde: {  	v4 =	vor.u32 v4, v1;
	v7 =	vld.idx.msk [tilespmem:v7+s3+$0x0], $0xffff  }
0xdf: {  	v10 =	vld [tilespmem:$0x1FE40]  }
0xe0: {  	v5 =	vor.u32 s29, v11;
	v62 =	vld.idx.msk [tilespmem:v36+s3+$0x0], $0xffff  }
0xe1: {  	v6 =	vor.u32 s29, v28;
	v5 =	vand.u32 $0x6F, v5;
	v3 =	vld.idx.msk [tilespmem:v3+s3+$0x0], $0xffff  }
0xe2: {  	s31 =	sshrl.u32 s29, $0x1;
	v38 =	vor.u32 s29, v31;
	v0 =	vand.u32 $0x6F, v0;
	v5 =	vor.u32 v5, v1;
	v8 =	vld.idx.msk [tilespmem:v8+s3+$0x0], $0xffff  }
0xe3: {  	v2 =	vand.u32 $0x6F, v6;
	v0 =	vor.u32 v0, v1;
	v61 =	vmov s31;
	[tilespmem:$0x1FD30] =	vst v7;
	v7 =	vld.idx.msk [tilespmem:v4+s3+$0x0], $0xffff  }
0xe4: {  	v63 =	vor.u32 s29, v32;
	v35 =	vor.u32 s29, v10;
	v44 =	vshll.u32 v61, $0x7;
	v4 =	vld [tilespmem:$0x1FEE0]  }
0xe5: {  	v35 =	vand.u32 $0x6F, v35;
	v60 =	vand.u32 $0x6F, v63;
	v63 =	vor.u32 v30, v44;
	v30 =	vld [tilespmem:$0x1FF00]  }
0xe6: {  	v18 =	vor.u32 s29, v16;
	v35 =	vor.u32 v35, v1;
	v36 =	vor.u32 s30, v26;
	v26 =	vld [tilespmem:$0x1FF80]  }
0xe7: {  	v2 =	vor.u32 v2, v1;
	v6 =	vor.u32 s29, v34;
	v18 =	vand.u32 $0x6F, v18;
	v24 =	vld.idx.msk [tilespmem:v5+s3+$0x0], $0xffff  }
0xe8: {  	v6 =	vand.u32 $0x6F, v6;
	v18 =	vor.u32 v18, v1;
	v51 =	vor.u32 v19, v44;
	v19 =	vld [tilespmem:$0x1FE70]  }
0xe9: {  	v56 =	vor.u32 s29, v9;
	v6 =	vor.u32 v6, v1;
	v53 =	vor.u32 v4, v44;
	v4 =	vld [tilespmem:$0x1FFF0]  }
0xea: {  	v59 =	vand.u32 $0x6F, v56;
	v40 =	vmovc v20;
	v46 =	vor.u32 v60, v1;
	v60 =	vor.u32 v20, v44;
	v20 =	vld [tilespmem:$0x1FFD0]  }
0xeb: {  	v50 =	vand.u32 $0x6F, v38;
	v42 =	vor.u32 v59, v1;
	v35 =	vld.idx.msk [tilespmem:v35+s3+$0x0], $0xffff  }
0xec: {  	v58 =	vor.u32 s29, v25;
	v50 =	vor.u32 v50, v1;
	v2 =	vld.idx.msk [tilespmem:v2+s3+$0x0], $0xffff  }
0xed: {  	v41 =	vand.u32 $0x6F, v58;
	v18 =	vld.idx.msk [tilespmem:v18+s3+$0x0], $0xffff  }
0xee: {  	v41 =	vor.u32 v41, v1;
	v56 =	vor.u32 v4, v44;
	v4 =	vld.idx.msk [tilespmem:v6+s3+$0x0], $0xffff;
	v6 =	vor.u32 s29, v19  }
0xef: {  	v0 =	vld.idx.msk [tilespmem:v0+s3+$0x0], $0xffff;
	v47 =	vor.u32 v36, v63;
	v63 =	vand.u32 $0x6F, v6  }
0xf0: {  	v38 =	vor.u32 v27, v44;
	v42 =	vld.idx.msk [tilespmem:v42+s3+$0x0], $0xffff;
	v1 =	vor.u32 v63, v1  }
0xf1: {  	v49 =	vor.u32 v22, v44;
	v50 =	vld.idx.msk [tilespmem:v50+s3+$0x0], $0xffff;
	v48 =	vor.u32 v39, v38  }
0xf2: {  	v38 =	vld [tilespmem:$0x1FED0];
	v49 =	vor.u32 v36, v49;
	[tilespmem:$0x1FD40] =	vst v62  }
0xf3: {  	v52 =	vor.u32 v13, v44;
	v51 =	vor.u32 v39, v51;
	v41 =	vld.idx.msk [tilespmem:v41+s3+$0x0], $0xffff;
	[tilespmem:$0x1FD60] =	vst v2  }
0xf4: {  	v54 =	vor.u32 v29, v44;
	v52 =	vor.u32 v36, v52;
	v46 =	vld.idx.msk [tilespmem:v46+s3+$0x0], $0xffff;
	[tilespmem:$0x1FD50] =	vst v4  }
0xf5: {  	v57 =	vor.u32 v23, v44;
	v54 =	vor.u32 v39, v54;
	v1 =	vld.idx.msk [tilespmem:v1+s3+$0x0], $0xffff;
	[tilespmem:v47+s16+$0x0] =	vst.idx.msk $0xffff, v0  }
0xf6: {  	v13 =	vld [tilespmem:$0x1FEC0];
	v55 =	vor.u32 v30, v44;
	v2 =	vmov v19;
	v53 =	vor.u32 v36, v53;
	[tilespmem:v48+s16+$0x0] =	vst.idx.msk $0xffff, v3  }
0xf7: {  	v59 =	vor.u32 v21, v44;
	v55 =	vor.u32 v39, v55;
	v48 =	vor.u32 s28, v2;
	v2 =	vld [tilespmem:$0x1FD30];
	[tilespmem:v49+s16+$0x0] =	vst.idx.msk $0xffff, v18  }
0xf8: {  	v57 =	vor.u32 v39, v57;
	v56 =	vor.u32 v36, v56;
	[tilespmem:v51+s16+$0x0] =	vst.idx.msk $0xffff, v8  }
0xf9: {  	v32 =	vor.u32 s28, v32;
	v58 =	vor.u32 v26, v44;
	v61 =	vor.u32 v20, v44;
	[tilespmem:v52+s16+$0x0] =	vst.idx.msk $0xffff, v41  }
0xfa: {  	v5 =	vmov v16;
	v62 =	vor.u32 v38, v44;
	v0 =	vor.u32 v36, v58;
	[tilespmem:v54+s16+$0x0] =	vst.idx.msk $0xffff, v7  }
0xfb: {  	v16 =	vmov v11;
	v62 =	vor.u32 v36, v62;
	v18 =	vor.u32 v39, v59;
	[tilespmem:v53+s16+$0x0] =	vst.idx.msk $0xffff, v35  }
0xfc: {  	v11 =	vlaneseq.u32;
	v44 =	vor.u32 v13, v44;
	v4 =	vmovc v15;
	v59 =	vor.u32 v36, v60;
	[tilespmem:v55+s16+$0x0] =	vst.idx.msk $0xffff, v2  }
0xfd: {  	v63 =	vor.u32 s28, v25;
	v25 =	vmovc v14;
	v47 =	vor.u32 s28, v4;
	v4 =	vor.u32 v39, v61;
	v2 =	vld [tilespmem:$0x1FD40];
	[tilespmem:v56+s16+$0x0] =	vst.idx.msk $0xffff, v42  }
0xfe: {  	v11 =	vor.u32 s28, v11;
	v14 =	vmovc v9;
	v9 =	vor.u32 s28, v5;
	v6 =	vmovc v17;
	v17 =	vmov v12;
	[tilespmem:v57+s16+$0x0] =	vst.idx.msk $0xffff, v24  }
0xff: {  	v19 =	vmovc v31;
	v5 =	vand.u32 $0x7F, v11;
	v12 =	vor.u32 s28, v25;
	v17 =	vor.u32 s28, v17;
	[tilespmem:v0+s16+$0x0] =	vst.idx.msk $0xffff, v1  }
0x100: {  	v12 =	vand.u32 $0x7F, v12;
	v15 =	vmovc v10;
	v10 =	vor.u32 s28, v33;
	v25 =	vmovc v13;
	v13 =	vor.u32 s28, v14;
	v3 =	vld [tilespmem:$0x1FD20];
	[tilespmem:v18+s16+$0x0] =	vst.idx.msk $0xffff, v50  }
0x101: {  	v14 =	vor.u32 s28, v16;
	v16 =	vor.u32 s28, v19;
	v19 =	vor.u32 s28, v28;
	[tilespmem:v59+s16+$0x0] =	vst.idx.msk $0xffff, v46  }
0x102: {  	v31 =	vmovc v34;
	v33 =	vor.u32 v36, v43;
	v15 =	vor.u32 s28, v15;
	v19 =	vand.u32 $0x7F, v19;
	[tilespmem:v4+s16+$0x0] =	vst.idx.msk $0xffff, v2;
	v2 =	vld [tilespmem:$0x1FD50]  }
0x103: {  	v16 =	vand.u32 $0x7F, v16;
	v13 =	vand.u32 $0x7F, v13;
	v58 =	vor.u32 s28, v31  }
0x104: {  	v10 =	vand.u32 $0x7F, v10;
	v49 =	vor.u32 s28, v6;
	v60 =	vand.u32 $0x7F, v58  }
0x105: {  	v8 =	vand.u32 $0x7F, v32;
	v51 =	vor.u32 v39, v44;
	v3 =	vshll.u32 v3, $0x3  }
0x106: {  	v52 =	vand.u32 $0x7F, v63;
	v54 =	vor.u32 v27, v37;
	v3 =	vand.u32 $0x400, v3  }
0x107: {  	v3 =	vor.u32 v3, v45;
	v1 =	vand.u32 $0x7F, v14;
	v14 =	vand.u32 $0x7F, v17;
	[tilespmem:v62+s16+$0x0] =	vst.idx.msk $0xffff, v2;
	v2 =	vld [tilespmem:$0x1FD60]  }
0x108: {  	v53 =	vor.u32 v52, v3;
	v43 =	vor.u32 v14, v3;
	v14 =	vor.u32 v19, v3;
	v19 =	vld [tilespmem:$0x1FF10]  }
0x109: {  	v34 =	vmovc v22;
	v55 =	vand.u32 $0x7F, v48;
	v0 =	vor.u32 v5, v3;
	v5 =	vor.u32 v10, v3  }
0x10a: {  	v22 =	vmovc v30;
	v30 =	vld [tilespmem:$0x1FF20];
	v56 =	vor.u32 v39, v54;
	v8 =	vor.u32 v8, v3;
	v1 =	vor.u32 v1, v3  }
0x10b: {  	v32 =	vld [tilespmem:$0x1FF50];
	v11 =	vor.u32 v12, v3;
	v12 =	vor.u32 v13, v3;
	v13 =	vor.u32 v16, v3  }
0x10c: {  	v16 =	vld [tilespmem:$0x1FF40];
	v61 =	vor.u32 v55, v3;
	v10 =	vand.u32 $0x7F, v15;
	v15 =	vor.u32 v60, v3;
	[tilespmem:v51+s16+$0x0] =	vst.idx.msk $0xffff, v2  }
0x10d: {  	v7 =	vmovc v40;
	v10 =	vor.u32 v10, v3;
	v4 =	vand.u32 $0x7F, v47;
	v2 =	vor.u32 v19, v37;
	v47 =	vld.idx.msk [tilespmem:v53+s3+$0x0], $0xffff  }
0x10e: {  	v45 =	vor.u32 v39, v2;
	v2 =	vor.u32 v29, v37;
	v40 =	vld.idx.msk [tilespmem:v5+s3+$0x0], $0xffff;
	v5 =	vor.u32 v21, v37  }
0x10f: {  	v50 =	vld.idx.msk [tilespmem:v1+s3+$0x0], $0xffff;
	v1 =	vor.u32 v25, v37;
	v55 =	vor.u32 v39, v2;
	v2 =	vor.u32 v22, v37  }
0x110: {  	v41 =	vld.idx.msk [tilespmem:v8+s3+$0x0], $0xffff;
	v51 =	vor.u32 v39, v5;
	v53 =	vor.u32 v39, v2;
	v2 =	vor.u32 v23, v37  }
0x111: {  	v42 =	vld.idx.msk [tilespmem:v13+s3+$0x0], $0xffff;
	v44 =	vor.u32 v39, v1;
	v52 =	vor.u32 v39, v2;
	v2 =	vor.u32 v20, v37  }
0x112: {  	v48 =	vor.u32 v39, v2;
	v2 =	vand.u32 $0x7F, v49;
	v39 =	vld.idx.msk [tilespmem:v0+s3+$0x0], $0xffff;
	v0 =	vor.u32 v30, v37  }
0x113: {  	v1 =	vor.u32 v2, v3;
	v2 =	vor.u32 v36, v0;
	v0 =	vld [tilespmem:$0x1FEE0]  }
0x114: {  	v54 =	vld.idx.msk [tilespmem:v12+s3+$0x0], $0xffff  }
0x115: {  	v58 =	vld.idx.msk [tilespmem:v11+s3+$0x0], $0xffff  }
0x116: {  	v46 =	vld.idx.msk [tilespmem:v15+s3+$0x0], $0xffff  }
0x117: {  	v9 =	vand.u32 $0x7F, v9;
	v4 =	vor.u32 v4, v3;
	v59 =	vld.idx.msk [tilespmem:v10+s3+$0x0], $0xffff  }
0x118: {  	v9 =	vor.u32 v9, v3;
	v35 =	vor.u32 v0, v37;
	v0 =	vld [tilespmem:$0x1FFF0]  }
0x119: {  	p3 =	slt.u32 s25, $0x3E;
	v13 =	vld [tilespmem:$0x1FF60]  }
.Ltmp5:
0x11a: {  	v49 =	vld.idx.msk [tilespmem:v14+s3+$0x0], $0xffff;
	(pc) =	sbr.rel @p3 .LBB2_4-.Ltmp5, $4  }
0x11b: {  	v6 =	vor.u32 v7, v37;
	v63 =	vld.idx.msk [tilespmem:v1+s3+$0x0], $0xffff  }
0x11c: {  	v57 =	vor.u32 v38, v37;
	v60 =	vor.u32 v36, v6;
	v1 =	vld.idx.msk [tilespmem:v4+s3+$0x0], $0xffff  }
0x11d: {  	v57 =	vor.u32 v36, v57;
	v5 =	vor.u32 v26, v37;
	v18 =	vor.u32 v0, v37;
	v0 =	vld.idx.msk [tilespmem:v9+s3+$0x0], $0xffff  }
0x11e: {  	s26 =	sadd.s32 $0x20, s26;
	v11 =	vlaneseq.u32;
	v62 =	vor.u32 v36, v5;
	v20 =	vmovc v7;
	v3 =	vor.u32 v13, v37;
	v9 =	vld [tilespmem:$0x1FF30]  }
0x11f: {  	_ =	sdelay $0x3  }
0x120: {  	v4 =	vld.idx.msk [tilespmem:v43+s3+$0x0], $0xffff;
	v3 =	vor.u32 v36, v3  }
0x121: {  	v5 =	vld.idx.msk [tilespmem:v61+s3+$0x0], $0xffff;
	[tilespmem:v2+s16+$0x0] =	vst.idx.msk $0xffff, v39  }
0x122: {  	v61 =	vor.u32 v36, v35;
	[tilespmem:v56+s16+$0x0] =	vst.idx.msk $0xffff, v63  }
0x123: {  	[tilespmem:v33+s16+$0x0] =	vst.idx.msk $0xffff, v0  }
0x124: {  	v63 =	vor.u32 v36, v18;
	[tilespmem:v45+s16+$0x0] =	vst.idx.msk $0xffff, v1  }
0x125: {  	[tilespmem:v3+s16+$0x0] =	vst.idx.msk $0xffff, v47  }
0x126: {  	[tilespmem:v55+s16+$0x0] =	vst.idx.msk $0xffff, v58  }
0x127: {  	[tilespmem:v61+s16+$0x0] =	vst.idx.msk $0xffff, v59  }
0x128: {  	[tilespmem:v53+s16+$0x0] =	vst.idx.msk $0xffff, v4  }
0x129: {  	[tilespmem:v63+s16+$0x0] =	vst.idx.msk $0xffff, v54  }
0x12a: {  	[tilespmem:v52+s16+$0x0] =	vst.idx.msk $0xffff, v50  }
0x12b: {  	[tilespmem:v62+s16+$0x0] =	vst.idx.msk $0xffff, v5  }
0x12c: {  	[tilespmem:v51+s16+$0x0] =	vst.idx.msk $0xffff, v42  }
0x12d: {  	[tilespmem:v60+s16+$0x0] =	vst.idx.msk $0xffff, v41  }
0x12e: {  	[tilespmem:v48+s16+$0x0] =	vst.idx.msk $0xffff, v40  }
0x12f: {  	s25 =	sshll.u32 s24, $0xB;
	[tilespmem:v57+s16+$0x0] =	vst.idx.msk $0xffff, v46  }
0x130: {  	s25 =	sadd.s32 s5, s25;
	[tilespmem:v44+s16+$0x0] =	vst.idx.msk $0xffff, v49  }
0x131: {  	[hbm4b:s25+s3] =	stream.linear.scatter [tilespmem:s16], [sflag:$0x3], $0x4000, $0x38;
	[tilespmem:$0x10080] =	vst v63  }
0x132: {  	v38 =	vld [tilespmem:$0x1FFF0];
	s25 =	sadd.s32 s9, s23  }
0x133: {  	v33 =	vld [tilespmem:$0x1FFC0];
	p3 =	sgt.u32 s25, $0xF41  }
0x134: {  	v59 =	vld [tilespmem:$0x1FFD0];
	s25 =	sshll.u32 @!p3 s25, $0x8;
	s26 =	simm.s32 @!p3 $0x800  }
0x135: {  	v61 =	vld [tilespmem:$0x1FFE0];
	s28 =	simm.s32 @!p3 $0x7A1400;
	s29 =	simm.s32 @!p3 $0x0;
	s25 =	sadd.s32 @!p3 s0, s25  }
0x136: {  	v41 =	vld [tilespmem:$0x1FF80];
	[tilespmem:s29], [sflag:$0x1] =	stream.strided.gather @!p3 [hbm4b:s25+s26], $0x4000, s28, s26, $0x38  }
.LBB2_6:
0x137: {  	s24 =	sor.u32 $0x20, s24  }
0x138: {  	p3 =	sgt.u32 s24, $0xF41  }
.Ltmp6:
0x139: {  	_ = 	snop;
	(pc) =	sbr.rel @p3 .LBB2_10-.Ltmp6, $1  }
0x13a: {  	_ =	sdelay $0x3  }
0x13b: {  	v63 =	vmov v59;
	v59 =	vld [tilespmem:$0x1FDE0]  }
0x13c: {  	s26 =	simm.s32 $0x0;
	v54 =	vmov v27;
	v27 =	vld [tilespmem:$0x1FE50]  }
0x13d: {  	v23 =	vld [tilespmem:$0x1FE00];
	s28 =	sand.u32 $0xE0, s26  }
0x13e: {  	v7 =	vld [tilespmem:$0x1FDD0];
	_ =	swait.ge [sflag:s17], $0x4000;
	s26 =	sor.u32 $0x10, s28  }
0x13f: {  	v25 =	vld [tilespmem:$0x1FEA0];
	[sflag:s17] =	ssyncset.done $0x0;
	s30 =	sshrl.u32 s26, $0x1  }
0x140: {  	v30 =	vld [tilespmem:$0x1FE20];
	[sflag:s17] =	ssyncadd.s32 $0xFFFFC000;
	v6 =	vmov s30;
	s30 =	simm.s32 @!p2 $0x4  }
0x141: {  	v62 =	vld [tilespmem:$0x1FE60];
	_ =	swait.ge @!p2 [sflag:s30], $0x4000  }
0x142: {  	v31 =	vld [tilespmem:$0x1FEB0]  }
0x143: {  	s25 =	simm.s32 $0x0;
	v55 =	vmovc v33;
	v2 =	vor.u32 s28, v33;
	v33 =	vmov v20;
	v37 =	vshll.u32 v6, $0x7;
	v20 =	vld [tilespmem:$0x1FE40]  }
0x144: {  	v22 =	vmov v34;
	s29 =	sand.u32 $0x30, s25;
	v6 =	vor.u32 v34, v37;
	v34 =	vld [tilespmem:$0x1FE90]  }
0x145: {  	v18 =	vmov v32;
	v0 =	vmov s28;
	v3 =	vmov s29;
	v57 =	vld [tilespmem:$0x1FEC0]  }
0x146: {  	v39 =	vor.u32 s29, v16;
	v36 =	vor.u32 s29, v18;
	v3 =	vshll.u32 v3, $0x8;
	v53 =	vld [tilespmem:$0x1FDF0]  }
0x147: {  	v0 =	vshll.u32 v0, $0x3;
	v2 =	vand.u32 $0x6F, v2;
	v3 =	vor.u32 v9, v3;
	v56 =	vld [tilespmem:$0x1FE80]  }
0x148: {  	v0 =	vand.u32 $0x400, v0;
	v1 =	vor.u32 s28, v59;
	v3 =	vand.u32 $0x3800, v3;
	v24 =	vld [tilespmem:$0x1FE30]  }
0x149: {  	v4 =	vor.u32 s28, v27;
	v5 =	vor.u32 s28, v23;
	v40 =	vor.u32 v7, v3;
	v58 =	vld [tilespmem:$0x1FE10]  }
0x14a: {  	v4 =	vand.u32 $0x6F, v4;
	v47 =	vor.u32 s28, v25;
	v18 =	vld [tilespmem:$0x1FF20];
	v0 =	vor.u32 v0, v40  }
0x14b: {  	v21 =	vmovc v61;
	v61 =	vmovc v29;
	v8 =	vor.u32 s28, v30;
	v29 =	vld [tilespmem:$0x1FE70];
	v7 =	vand.u32 $0x6F, v47;
	v4 =	vor.u32 v4, v0  }
0x14c: {  	v3 =	vor.u32 s28, v11;
	v52 =	vld [tilespmem:$0x1FF10];
	v8 =	vand.u32 $0x6F, v8;
	v7 =	vor.u32 v7, v0  }
0x14d: {  	v1 =	vand.u32 $0x6F, v1;
	v48 =	vor.u32 s28, v62;
	v45 =	vld [tilespmem:$0x1FF00];
	v8 =	vor.u32 v8, v0  }
0x14e: {  	v5 =	vand.u32 $0x6F, v5;
	[sflag:s30] =	ssyncset.done @!p2 $0x0;
	v28 =	vld [tilespmem:$0x1FED0];
	v9 =	vand.u32 $0x6F, v48;
	v1 =	vor.u32 v1, v0  }
0x14f: {  	[sflag:s30] =	ssyncadd.s32 @!p2 $0xFFFFC000;
	v3 =	vand.u32 $0x6F, v3;
	v47 =	vld [tilespmem:$0x1FEF0];
	v5 =	vor.u32 v5, v0;
	v9 =	vor.u32 v9, v0  }
0x150: {  	v2 =	vor.u32 v2, v0;
	v3 =	vor.u32 v3, v0;
	v10 =	vor.u32 s28, v31;
	v4 =	vld.idx.msk [tilespmem:v4+s14+$0x0], $0xffff  }
0x151: {  	v49 =	vor.u32 s28, v20;
	v12 =	vor.u32 s28, v34;
	v17 =	vor.u32 s28, v53;
	v7 =	vld.idx.msk [tilespmem:v7+s14+$0x0], $0xffff  }
0x152: {  	v14 =	vor.u32 s28, v56;
	v15 =	vor.u32 s28, v24;
	v16 =	vor.u32 s28, v58;
	v8 =	vld.idx.msk [tilespmem:v8+s14+$0x0], $0xffff  }
0x153: {  	v51 =	vor.u32 s28, v29;
	v10 =	vand.u32 $0x6F, v10;
	v11 =	vand.u32 $0x6F, v49;
	v1 =	vld.idx.msk [tilespmem:v1+s14+$0x0], $0xffff  }
0x154: {  	v14 =	vand.u32 $0x6F, v14;
	v50 =	vand.u32 $0x6F, v17;
	v10 =	vor.u32 v10, v0;
	v5 =	vld.idx.msk [tilespmem:v5+s14+$0x0], $0xffff  }
0x155: {  	s31 =	sshrl.u32 s28, $0x1;
	v15 =	vand.u32 $0x6F, v15;
	v16 =	vand.u32 $0x6F, v16;
	v11 =	vor.u32 v11, v0;
	v9 =	vld.idx.msk [tilespmem:v9+s14+$0x0], $0xffff  }
0x156: {  	v32 =	vmovc v13;
	v12 =	vand.u32 $0x6F, v12;
	v17 =	vmov s31;
	v13 =	vor.u32 v50, v0;
	v2 =	vld.idx.msk [tilespmem:v2+s14+$0x0], $0xffff  }
0x157: {  	v60 =	vmovc v41;
	v41 =	vand.u32 $0x6F, v51;
	v15 =	vor.u32 v15, v0;
	v17 =	vshll.u32 v17, $0x7;
	v3 =	vld.idx.msk [tilespmem:v3+s14+$0x0], $0xffff  }
0x158: {  	v12 =	vor.u32 v12, v0;
	v16 =	vor.u32 v16, v0;
	v35 =	vor.u32 v22, v17;
	v22 =	vld [tilespmem:$0x1FEE0]  }
0x159: {  	v14 =	vor.u32 v14, v0;
	v0 =	vor.u32 v41, v0;
	v18 =	vor.u32 v18, v17;
	v10 =	vld.idx.msk [tilespmem:v10+s14+$0x0], $0xffff  }
0x15a: {  	v19 =	vor.u32 v54, v17;
	v42 =	vor.u32 v52, v17;
	v43 =	vor.u32 v32, v17;
	v11 =	vld.idx.msk [tilespmem:v11+s14+$0x0], $0xffff  }
0x15b: {  	v41 =	vor.u32 v61, v17;
	v45 =	vor.u32 v45, v17;
	v18 =	vor.u32 v36, v18;
	v13 =	vld.idx.msk [tilespmem:v13+s14+$0x0], $0xffff  }
0x15c: {  	v46 =	vor.u32 v38, v17;
	v47 =	vor.u32 v47, v17;
	v19 =	vor.u32 v39, v19;
	v15 =	vld.idx.msk [tilespmem:v15+s14+$0x0], $0xffff  }
0x15d: {  	v48 =	vor.u32 v60, v17;
	v49 =	vor.u32 v21, v17;
	v35 =	vor.u32 v36, v35;
	v12 =	vld.idx.msk [tilespmem:v12+s14+$0x0], $0xffff  }
0x15e: {  	v50 =	vor.u32 v33, v17;
	v51 =	vor.u32 v63, v17;
	v42 =	vor.u32 v39, v42;
	v16 =	vld.idx.msk [tilespmem:v16+s14+$0x0], $0xffff  }
0x15f: {  	v52 =	vor.u32 v28, v17;
	v43 =	vor.u32 v36, v43;
	v14 =	vld.idx.msk [tilespmem:v14+s14+$0x0], $0xffff;
	v44 =	vor.u32 v22, v17  }
0x160: {  	v26 =	vmov s26;
	v0 =	vld.idx.msk [tilespmem:v0+s14+$0x0], $0xffff;
	v17 =	vor.u32 v57, v17;
	[tilespmem:v18+s18+$0x0] =	vst.idx.msk $0xffff, v3;
	v18 =	vor.u32 v39, v41  }
0x161: {  	v3 =	vor.u32 s26, v58;
	v41 =	vor.u32 s26, v53;
	[tilespmem:v19+s18+$0x0] =	vst.idx.msk $0xffff, v1;
	v19 =	vor.u32 v36, v44  }
0x162: {  	v58 =	vlaneseq.u32;
	v53 =	vor.u32 s26, v27;
	[tilespmem:v35+s18+$0x0] =	vst.idx.msk $0xffff, v13;
	v35 =	vor.u32 v39, v45  }
0x163: {  	v27 =	vor.u32 s26, v55;
	v55 =	vor.u32 s26, v23;
	[tilespmem:v42+s18+$0x0] =	vst.idx.msk $0xffff, v5;
	v42 =	vor.u32 v36, v46  }
0x164: {  	v23 =	vor.u32 v39, v51;
	v45 =	vor.u32 s26, v24;
	v24 =	vor.u32 v39, v47;
	[tilespmem:v43+s18+$0x0] =	vst.idx.msk $0xffff, v16  }
0x165: {  	v17 =	vor.u32 v39, v17;
	v1 =	vor.u32 s26, v25;
	[tilespmem:v18+s18+$0x0] =	vst.idx.msk $0xffff, v8;
	v18 =	vor.u32 v36, v48  }
0x166: {  	v44 =	vor.u32 s26, v58;
	v58 =	vor.u32 v39, v49;
	v3 =	vand.u32 $0x7F, v3;
	[tilespmem:v19+s18+$0x0] =	vst.idx.msk $0xffff, v11  }
0x167: {  	v1 =	vand.u32 $0x7F, v1;
	v5 =	vor.u32 s26, v62;
	v62 =	vor.u32 v36, v50;
	[tilespmem:v35+s18+$0x0] =	vst.idx.msk $0xffff, v4  }
0x168: {  	v51 =	vand.u32 $0x7F, v44;
	v13 =	vor.u32 s26, v30;
	v19 =	vshll.u32 v26, $0x3;
	[tilespmem:v42+s18+$0x0] =	vst.idx.msk $0xffff, v15  }
0x169: {  	v47 =	vand.u32 $0x7F, v41;
	v19 =	vand.u32 $0x400, v19;
	[tilespmem:v24+s18+$0x0] =	vst.idx.msk $0xffff, v9;
	v24 =	vor.u32 v36, v52  }
0x16a: {  	v46 =	vor.u32 s26, v20;
	v49 =	vand.u32 $0x7F, v45;
	v9 =	vor.u32 v19, v40;
	[tilespmem:v18+s18+$0x0] =	vst.idx.msk $0xffff, v0  }
0x16b: {  	v50 =	vand.u32 $0x7F, v13;
	v19 =	vor.u32 s26, v34;
	v3 =	vor.u32 v3, v9;
	[tilespmem:v58+s18+$0x0] =	vst.idx.msk $0xffff, v14  }
0x16c: {  	v16 =	vor.u32 s26, v56;
	v19 =	vand.u32 $0x7F, v19;
	v1 =	vor.u32 v1, v9;
	[tilespmem:v62+s18+$0x0] =	vst.idx.msk $0xffff, v12  }
0x16d: {  	v25 =	vld [tilespmem:$0x1FF00];
	v0 =	vand.u32 $0x7F, v27;
	v27 =	vand.u32 $0x7F, v16;
	v34 =	vor.u32 v19, v9;
	[tilespmem:v23+s18+$0x0] =	vst.idx.msk $0xffff, v7  }
0x16e: {  	v30 =	vld [tilespmem:$0x1FF20];
	v56 =	vor.u32 s26, v31;
	v31 =	vor.u32 v36, v6;
	v11 =	vor.u32 v27, v9;
	[tilespmem:v24+s18+$0x0] =	vst.idx.msk $0xffff, v10  }
0x16f: {  	v5 =	vand.u32 $0x7F, v5;
	v52 =	vor.u32 v49, v9;
	[tilespmem:v17+s18+$0x0] =	vst.idx.msk $0xffff, v2;
	v2 =	vor.u32 v50, v9;
	v50 =	vld [tilespmem:$0x1FF10]  }
0x170: {  	v26 =	vand.u32 $0x7F, v56;
	v4 =	vor.u32 s26, v29;
	v7 =	vor.u32 v47, v9;
	v47 =	vld.idx.msk [tilespmem:v3+s14+$0x0], $0xffff  }
0x171: {  	v35 =	vor.u32 v22, v37;
	v15 =	vor.u32 s26, v59;
	v4 =	vand.u32 $0x7F, v4;
	v40 =	vld.idx.msk [tilespmem:v1+s14+$0x0], $0xffff  }
0x172: {  	v5 =	vor.u32 v5, v9;
	v49 =	vor.u32 v54, v37;
	v0 =	vor.u32 v0, v9;
	v41 =	vld.idx.msk [tilespmem:v34+s14+$0x0], $0xffff  }
0x173: {  	v18 =	vor.u32 v38, v37;
	v56 =	vor.u32 v39, v49;
	v62 =	vand.u32 $0x7F, v46;
	v42 =	vld.idx.msk [tilespmem:v11+s14+$0x0], $0xffff  }
0x174: {  	v23 =	vor.u32 v62, v9;
	v24 =	vand.u32 $0x7F, v53;
	v1 =	vor.u32 v26, v9;
	v54 =	vld.idx.msk [tilespmem:v52+s14+$0x0], $0xffff  }
0x175: {  	v43 =	vor.u32 v24, v9;
	v3 =	vor.u32 v51, v9;
	v26 =	vand.u32 $0x7F, v55;
	v58 =	vld.idx.msk [tilespmem:v2+s14+$0x0], $0xffff  }
0x176: {  	v51 =	vand.u32 $0x7F, v15;
	v27 =	vor.u32 v26, v9;
	v8 =	vor.u32 v50, v37;
	v2 =	vld [tilespmem:$0x1FEF0]  }
0x177: {  	v49 =	vld.idx.msk [tilespmem:v0+s14+$0x0], $0xffff;
	v0 =	vor.u32 v30, v37;
	v45 =	vor.u32 v39, v8;
	v8 =	vor.u32 v51, v9  }
0x178: {  	v50 =	vld.idx.msk [tilespmem:v5+s14+$0x0], $0xffff;
	v5 =	vor.u32 v61, v37;
	v61 =	vor.u32 v4, v9;
	v4 =	vor.u32 v25, v37  }
0x179: {  	v55 =	vor.u32 v39, v5;
	v53 =	vor.u32 v39, v4;
	v46 =	vld.idx.msk [tilespmem:v1+s14+$0x0], $0xffff;
	v1 =	vor.u32 v21, v37  }
0x17a: {  	v59 =	vld.idx.msk [tilespmem:v23+s14+$0x0], $0xffff;
	v4 =	vor.u32 v60, v37;
	v51 =	vor.u32 v39, v1;
	v1 =	vor.u32 v57, v37  }
0x17b: {  	v5 =	vor.u32 v33, v37;
	v44 =	vor.u32 v39, v1;
	v1 =	vld.idx.msk [tilespmem:v27+s14+$0x0], $0xffff;
	v2 =	vor.u32 v2, v37  }
0x17c: {  	v57 =	vor.u32 v28, v37;
	v52 =	vor.u32 v39, v2;
	v2 =	vor.u32 v63, v37;
	v63 =	vld.idx.msk [tilespmem:v8+s14+$0x0], $0xffff  }
0x17d: {  	v62 =	vor.u32 v36, v4;
	v60 =	vor.u32 v36, v5;
	v48 =	vor.u32 v39, v2;
	v39 =	vld.idx.msk [tilespmem:v3+s14+$0x0], $0xffff  }
0x17e: {  	s26 =	simm.s32 $0x20;
	v57 =	vor.u32 v36, v57;
	v2 =	vor.u32 v36, v0;
	v0 =	vld.idx.msk [tilespmem:v7+s14+$0x0], $0xffff;
	v3 =	vor.u32 v32, v37  }
.LBB2_8:
0x17f: {  	v4 =	vld.idx.msk [tilespmem:v43+s14+$0x0], $0xffff  }
0x180: {  	v43 =	vld [tilespmem:$0x1FDE0]  }
0x181: {  	v24 =	vld [tilespmem:$0x1FFC0]  }
0x182: {  	v10 =	vld.idx.msk [tilespmem:v61+s14+$0x0], $0xffff  }
0x183: {  	v28 =	vld [tilespmem:$0x1FE50]  }
0x184: {  	v23 =	vld [tilespmem:$0x1FE00]  }
0x185: {  	v14 =	vld [tilespmem:$0x1FF30]  }
0x186: {  	v6 =	vor.u32 v36, v18;
	v18 =	vld [tilespmem:$0x1FF90]  }
0x187: {  	v34 =	vld [tilespmem:$0x1FE90]  }
0x188: {  	v33 =	vld [tilespmem:$0x1FE80]  }
0x189: {  	v22 =	vld [tilespmem:$0x1FF70]  }
0x18a: {  	v19 =	vld [tilespmem:$0x1FF10]  }
0x18b: {  	v20 =	vld [tilespmem:$0x1FF60]  }
0x18c: {  	s29 =	sand.u32 $0xE0, s26;
	v21 =	vld [tilespmem:$0x1FFE0]  }
0x18d: {  	[tilespmem:v2+s18+$0x0] =	vst.idx.msk $0xffff, v39;
	v29 =	vld [tilespmem:$0x1FFB0];
	s28 =	sor.u32 $0x10, s29  }
0x18e: {  	s25 =	sadd.s32 $0x2, s25;
	v3 =	vor.u32 v36, v3;
	v32 =	vld [tilespmem:$0x1FEC0];
	[tilespmem:v56+s18+$0x0] =	vst.idx.msk $0xffff, v63;
	v13 =	vmov s28;
	s31 =	sshrl.u32 s28, $0x1  }
0x18f: {  	s30 =	sand.u32 $0x30, s25;
	v63 =	vld [tilespmem:$0x1FE60];
	[tilespmem:$0x1FD00] =	vst v13;
	v61 =	vmov s31  }
0x190: {  	v5 =	vor.u32 v36, v35;
	v56 =	vld [tilespmem:$0x1FE10];
	v11 =	vmov s30;
	v37 =	vshll.u32 v61, $0x7;
	[tilespmem:v31+s18+$0x0] =	vst.idx.msk $0xffff, v0  }
0x191: {  	v2 =	vshll.u32 v11, $0x8;
	v31 =	vld [tilespmem:$0x1FEB0];
	v15 =	vor.u32 v18, v37;
	[tilespmem:v45+s18+$0x0] =	vst.idx.msk $0xffff, v1  }
0x192: {  	v7 =	vmov s29;
	v61 =	vld [tilespmem:$0x1FE40];
	v2 =	vor.u32 v14, v2;
	v38 =	vor.u32 s29, v34;
	[tilespmem:$0x1FD10] =	vst v15  }
0x193: {  	v0 =	vand.u32 $0x3800, v2;
	v2 =	vshll.u32 v7, $0x3;
	[tilespmem:v3+s18+$0x0] =	vst.idx.msk $0xffff, v47;
	v13 =	vand.u32 $0x6F, v38;
	v38 =	vld [tilespmem:$0x1FFF0]  }
0x194: {  	v1 =	vand.u32 $0x400, v2;
	v2 =	vld [tilespmem:$0x1FDD0];
	[tilespmem:v55+s18+$0x0] =	vst.idx.msk $0xffff, v58  }
0x195: {  	s31 =	sshrl.u32 s29, $0x1;
	v55 =	vld [tilespmem:$0x1FEA0];
	[tilespmem:v5+s18+$0x0] =	vst.idx.msk $0xffff, v59  }
0x196: {  	v16 =	vmov s31;
	v8 =	vor.u32 s29, v43;
	v25 =	vor.u32 s29, v63;
	v58 =	vld [tilespmem:$0x1FE30];
	[tilespmem:v53+s18+$0x0] =	vst.idx.msk $0xffff, v4  }
0x197: {  	v9 =	vor.u32 s29, v24;
	v12 =	vor.u32 s29, v28;
	v7 =	vand.u32 $0x6F, v25;
	v25 =	vld [tilespmem:$0x1FF80];
	[tilespmem:v6+s18+$0x0] =	vst.idx.msk $0xffff, v54  }
0x198: {  	v35 =	vor.u32 s29, v23;
	v12 =	vand.u32 $0x6F, v12;
	v3 =	vand.u32 $0x6F, v8;
	v59 =	vld [tilespmem:$0x1FE20];
	[tilespmem:v52+s18+$0x0] =	vst.idx.msk $0xffff, v50  }
0x199: {  	v15 =	vor.u32 s29, v56;
	v26 =	vor.u32 s29, v31;
	v54 =	vld [tilespmem:$0x1FDF0];
	v45 =	vor.u32 v2, v0;
	[tilespmem:v62+s18+$0x0] =	vst.idx.msk $0xffff, v10  }
0x19a: {  	v5 =	vand.u32 $0x6F, v35;
	v8 =	vand.u32 $0x6F, v26;
	v26 =	vld [tilespmem:$0x1FED0];
	v1 =	vor.u32 v1, v45;
	[tilespmem:v51+s18+$0x0] =	vst.idx.msk $0xffff, v42  }
0x19b: {  	v0 =	vld [tilespmem:$0x1FF40];
	v36 =	vor.u32 s29, v55;
	v12 =	vor.u32 v12, v1;
	[tilespmem:v60+s18+$0x0] =	vst.idx.msk $0xffff, v41;
	v60 =	vshll.u32 v16, $0x7  }
0x19c: {  	v27 =	vor.u32 s29, v61;
	v11 =	vand.u32 $0x6F, v36;
	v35 =	vor.u32 v20, v60;
	v20 =	vld [tilespmem:$0x1FEE0]  }
0x19d: {  	v2 =	vand.u32 $0x6F, v9;
	v9 =	vand.u32 $0x6F, v27;
	v27 =	vld [tilespmem:$0x1FFA0];
	v11 =	vor.u32 v11, v1;
	[tilespmem:v48+s18+$0x0] =	vst.idx.msk $0xffff, v40  }
0x19e: {  	v15 =	vand.u32 $0x6F, v15;
	v3 =	vor.u32 v3, v1;
	v16 =	vor.u32 v30, v60;
	v30 =	vld [tilespmem:$0x1FE70];
	[tilespmem:v57+s18+$0x0] =	vst.idx.msk $0xffff, v46  }
0x19f: {  	v52 =	vor.u32 s29, v33;
	v53 =	vor.u32 s29, v58;
	v5 =	vor.u32 v5, v1;
	v57 =	vld [tilespmem:$0x1FF50];
	[tilespmem:v44+s18+$0x0] =	vst.idx.msk $0xffff, v49  }
0x1a0: {  	v14 =	vand.u32 $0x6F, v52;
	v4 =	vor.u32 s29, v59;
	v10 =	vand.u32 $0x6F, v53;
	v12 =	vld.idx.msk [tilespmem:v12+s14+$0x0], $0xffff  }
0x1a1: {  	v4 =	vand.u32 $0x6F, v4;
	v2 =	vor.u32 v2, v1;
	v41 =	vor.u32 v20, v60;
	v20 =	vld [tilespmem:$0x1FF00]  }
0x1a2: {  	v7 =	vor.u32 v7, v1;
	v9 =	vor.u32 v9, v1;
	v8 =	vor.u32 v8, v1;
	v40 =	vld.idx.msk [tilespmem:v11+s14+$0x0], $0xffff  }
0x1a3: {  	v10 =	vor.u32 v10, v1;
	v13 =	vor.u32 v13, v1;
	v15 =	vor.u32 v15, v1;
	v3 =	vld.idx.msk [tilespmem:v3+s14+$0x0], $0xffff  }
0x1a4: {  	v14 =	vor.u32 v14, v1;
	v47 =	vor.u32 s29, v54;
	v17 =	vor.u32 v22, v60;
	v5 =	vld.idx.msk [tilespmem:v5+s14+$0x0], $0xffff  }
0x1a5: {  	v39 =	vor.u32 s30, v0;
	v0 =	vlaneseq.u32;
	v36 =	vor.u32 s30, v57;
	v57 =	vld [tilespmem:$0x1FEF0]  }
0x1a6: {  	v18 =	vor.u32 v18, v60;
	v0 =	vor.u32 s29, v0;
	v44 =	vor.u32 v20, v60;
	v20 =	vld [tilespmem:$0x1FFD0]  }
0x1a7: {  	v19 =	vor.u32 v19, v60;
	v48 =	vor.u32 v25, v60;
	v0 =	vand.u32 $0x6F, v0;
	v8 =	vld.idx.msk [tilespmem:v8+s14+$0x0], $0xffff  }
0x1a8: {  	v50 =	vor.u32 v29, v60;
	v6 =	vand.u32 $0x6F, v47;
	v7 =	vld.idx.msk [tilespmem:v7+s14+$0x0], $0xffff;
	v0 =	vor.u32 v0, v1  }
0x1a9: {  	v52 =	vor.u32 v26, v60;
	v46 =	vor.u32 v38, v60;
	v6 =	vor.u32 v6, v1;
	v9 =	vld.idx.msk [tilespmem:v9+s14+$0x0], $0xffff  }
0x1aa: {  	v62 =	vor.u32 v27, v60;
	v49 =	vor.u32 v21, v60;
	v11 =	vor.u32 v32, v60;
	v2 =	vld.idx.msk [tilespmem:v2+s14+$0x0], $0xffff  }
0x1ab: {  	v10 =	vld.idx.msk [tilespmem:v10+s14+$0x0], $0xffff;
	v47 =	vor.u32 v57, v60;
	v51 =	vor.u32 v20, v60;
	v60 =	vor.u32 s29, v30  }
0x1ac: {  	v4 =	vor.u32 v4, v1;
	v13 =	vld.idx.msk [tilespmem:v13+s14+$0x0], $0xffff;
	v53 =	vand.u32 $0x6F, v60  }
0x1ad: {  	v16 =	vor.u32 v36, v16;
	v0 =	vld.idx.msk [tilespmem:v0+s14+$0x0], $0xffff;
	v1 =	vor.u32 v53, v1  }
0x1ae: {  	v17 =	vor.u32 v39, v17;
	v15 =	vld.idx.msk [tilespmem:v15+s14+$0x0], $0xffff  }
0x1af: {  	v18 =	vor.u32 v36, v18;
	v6 =	vld.idx.msk [tilespmem:v6+s14+$0x0], $0xffff  }
0x1b0: {  	v19 =	vor.u32 v39, v19;
	v14 =	vld.idx.msk [tilespmem:v14+s14+$0x0], $0xffff  }
0x1b1: {  	v55 =	vor.u32 s28, v55;
	v58 =	vor.u32 s28, v58;
	v4 =	vld.idx.msk [tilespmem:v4+s14+$0x0], $0xffff;
	v35 =	vor.u32 v36, v35  }
0x1b2: {  	v42 =	vor.u32 v39, v62;
	v11 =	vor.u32 v39, v11;
	v1 =	vld.idx.msk [tilespmem:v1+s14+$0x0], $0xffff;
	[tilespmem:v16+s18+$0x0] =	vst.idx.msk $0xffff, v0  }
0x1b3: {  	v41 =	vor.u32 v36, v41;
	v60 =	vor.u32 s28, v61;
	v61 =	vor.u32 s28, v33;
	v33 =	vld [tilespmem:$0x1FD10];
	[tilespmem:v17+s18+$0x0] =	vst.idx.msk $0xffff, v3  }
0x1b4: {  	v62 =	vlaneseq.u32;
	v46 =	vor.u32 v36, v46;
	v44 =	vor.u32 v39, v44;
	v3 =	vld [tilespmem:$0x1FD00];
	[tilespmem:v18+s18+$0x0] =	vst.idx.msk $0xffff, v6  }
0x1b5: {  	v57 =	vor.u32 s28, v59;
	v59 =	vor.u32 s28, v63;
	v63 =	vor.u32 s28, v24;
	[tilespmem:v19+s18+$0x0] =	vst.idx.msk $0xffff, v5  }
0x1b6: {  	v24 =	vand.u32 $0x7F, v58;
	v47 =	vor.u32 v39, v47;
	v53 =	vor.u32 s28, v56;
	[tilespmem:v35+s18+$0x0] =	vst.idx.msk $0xffff, v15  }
0x1b7: {  	v56 =	vor.u32 s28, v62;
	v62 =	vor.u32 s28, v28;
	v0 =	vor.u32 v36, v48;
	[tilespmem:v42+s18+$0x0] =	vst.idx.msk $0xffff, v4  }
0x1b8: {  	v48 =	vor.u32 s28, v31;
	v31 =	vor.u32 v36, v33;
	v6 =	vor.u32 v39, v49;
	[tilespmem:v41+s18+$0x0] =	vst.idx.msk $0xffff, v9  }
0x1b9: {  	v28 =	vld [tilespmem:$0x1FEF0];
	v33 =	vand.u32 $0x7F, v53;
	v15 =	vor.u32 v36, v50;
	v3 =	vshll.u32 v3, $0x3;
	[tilespmem:v44+s18+$0x0] =	vst.idx.msk $0xffff, v12  }
0x1ba: {  	v19 =	vand.u32 $0x7F, v63;
	v4 =	vor.u32 v39, v51;
	v3 =	vand.u32 $0x400, v3;
	[tilespmem:v46+s18+$0x0] =	vst.idx.msk $0xffff, v10  }
0x1bb: {  	v42 =	vand.u32 $0x7F, v61;
	v61 =	vor.u32 v36, v52;
	v3 =	vor.u32 v3, v45;
	[tilespmem:v47+s18+$0x0] =	vst.idx.msk $0xffff, v7  }
0x1bc: {  	v16 =	vor.u32 s28, v23;
	v12 =	vor.u32 v33, v3;
	v33 =	vor.u32 v19, v3;
	v19 =	vld [tilespmem:$0x1FF10];
	[tilespmem:v0+s18+$0x0] =	vst.idx.msk $0xffff, v1  }
0x1bd: {  	v17 =	vor.u32 s28, v30;
	v18 =	vor.u32 s28, v43;
	v49 =	vor.u32 s28, v34;
	[tilespmem:v6+s18+$0x0] =	vst.idx.msk $0xffff, v14  }
0x1be: {  	v23 =	vmovc v28;
	v28 =	vld [tilespmem:$0x1FF00];
	v34 =	vand.u32 $0x7F, v55;
	v5 =	vand.u32 $0x7F, v49;
	v35 =	vand.u32 $0x7F, v48;
	[tilespmem:v15+s18+$0x0] =	vst.idx.msk $0xffff, v13  }
0x1bf: {  	v48 =	vand.u32 $0x7F, v60;
	v51 =	vand.u32 $0x7F, v57;
	v53 =	vor.u32 v34, v3;
	[tilespmem:v4+s18+$0x0] =	vst.idx.msk $0xffff, v40  }
0x1c0: {  	v5 =	vor.u32 v5, v3;
	v50 =	vor.u32 v42, v3;
	v1 =	vand.u32 $0x7F, v59;
	[tilespmem:v61+s18+$0x0] =	vst.idx.msk $0xffff, v8  }
0x1c1: {  	v52 =	vand.u32 $0x7F, v56;
	v1 =	vor.u32 v1, v3;
	[tilespmem:v11+s18+$0x0] =	vst.idx.msk $0xffff, v2;
	v2 =	vor.u32 v19, v37  }
0x1c2: {  	v30 =	vld [tilespmem:$0x1FF20];
	v46 =	vor.u32 v51, v3;
	v45 =	vor.u32 v39, v2;
	v2 =	vor.u32 v27, v37  }
0x1c3: {  	v49 =	vor.u32 v24, v3;
	v47 =	vld.idx.msk [tilespmem:v12+s14+$0x0], $0xffff;
	v55 =	vor.u32 v39, v2;
	v2 =	vor.u32 v28, v37  }
0x1c4: {  	v0 =	vor.u32 v52, v3;
	v40 =	vld.idx.msk [tilespmem:v53+s14+$0x0], $0xffff;
	v53 =	vor.u32 v39, v2;
	v2 =	vor.u32 v23, v37  }
0x1c5: {  	v6 =	vor.u32 v48, v3;
	v42 =	vld.idx.msk [tilespmem:v50+s14+$0x0], $0xffff;
	v52 =	vor.u32 v39, v2;
	v2 =	vor.u32 v20, v37  }
0x1c6: {  	v50 =	vld.idx.msk [tilespmem:v1+s14+$0x0], $0xffff;
	v1 =	vor.u32 v32, v37;
	v48 =	vor.u32 v39, v2;
	v2 =	vand.u32 $0x7F, v18  }
0x1c7: {  	v54 =	vor.u32 s28, v54;
	v41 =	vld.idx.msk [tilespmem:v5+s14+$0x0], $0xffff;
	v44 =	vor.u32 v39, v1;
	v1 =	vor.u32 v2, v3  }
0x1c8: {  	v63 =	vand.u32 $0x7F, v54;
	v54 =	vld.idx.msk [tilespmem:v49+s14+$0x0], $0xffff  }
0x1c9: {  	v24 =	vor.u32 v35, v3;
	v34 =	vor.u32 v22, v37;
	v5 =	vor.u32 v21, v37;
	v58 =	vld.idx.msk [tilespmem:v46+s14+$0x0], $0xffff  }
0x1ca: {  	v56 =	vor.u32 v39, v34;
	v51 =	vor.u32 v39, v5;
	v39 =	vld.idx.msk [tilespmem:v0+s14+$0x0], $0xffff;
	v0 =	vor.u32 v30, v37  }
0x1cb: {  	v10 =	vor.u32 v63, v3;
	v63 =	vand.u32 $0x7F, v62;
	v2 =	vor.u32 v36, v0;
	v0 =	vld [tilespmem:$0x1FEE0]  }
0x1cc: {  	v43 =	vor.u32 v63, v3;
	v4 =	vand.u32 $0x7F, v16;
	v63 =	vld.idx.msk [tilespmem:v1+s14+$0x0], $0xffff  }
0x1cd: {  	p2 =	slt.u32 s25, $0x3E;
	v4 =	vor.u32 v4, v3;
	v1 =	vld [tilespmem:$0x1FF60]  }
.Ltmp7:
0x1ce: {  	v46 =	vld.idx.msk [tilespmem:v24+s14+$0x0], $0xffff;
	(pc) =	sbr.rel @p2 .LBB2_8-.Ltmp7, $4  }
0x1cf: {  	v57 =	vor.u32 v26, v37;
	v35 =	vand.u32 $0x7F, v17;
	v59 =	vld.idx.msk [tilespmem:v6+s14+$0x0], $0xffff  }
0x1d0: {  	v57 =	vor.u32 v36, v57;
	v61 =	vor.u32 v35, v3;
	v49 =	vld.idx.msk [tilespmem:v33+s14+$0x0], $0xffff;
	v5 =	vor.u32 v25, v37  }
0x1d1: {  	v18 =	vor.u32 v38, v37;
	v38 =	vor.u32 v29, v37;
	v35 =	vor.u32 v0, v37;
	v0 =	vld.idx.msk [tilespmem:v10+s14+$0x0], $0xffff  }
0x1d2: {  	s26 =	sadd.s32 $0x20, s26;
	v62 =	vor.u32 v36, v5;
	v60 =	vor.u32 v36, v38;
	v3 =	vor.u32 v1, v37;
	v1 =	vld.idx.msk [tilespmem:v4+s14+$0x0], $0xffff  }
0x1d3: {  	_ =	sdelay $0x3  }
0x1d4: {  	v4 =	vld.idx.msk [tilespmem:v43+s14+$0x0], $0xffff;
	v3 =	vor.u32 v36, v3  }
0x1d5: {  	v5 =	vld.idx.msk [tilespmem:v61+s14+$0x0], $0xffff;
	[tilespmem:v2+s18+$0x0] =	vst.idx.msk $0xffff, v39  }
0x1d6: {  	v61 =	vor.u32 v36, v35;
	[tilespmem:v56+s18+$0x0] =	vst.idx.msk $0xffff, v63  }
0x1d7: {  	[tilespmem:v31+s18+$0x0] =	vst.idx.msk $0xffff, v0  }
0x1d8: {  	v63 =	vor.u32 v36, v18;
	[tilespmem:v45+s18+$0x0] =	vst.idx.msk $0xffff, v1  }
0x1d9: {  	[tilespmem:v3+s18+$0x0] =	vst.idx.msk $0xffff, v47  }
0x1da: {  	[tilespmem:v55+s18+$0x0] =	vst.idx.msk $0xffff, v58  }
0x1db: {  	v9 =	vld [tilespmem:$0x1FF30];
	[tilespmem:v61+s18+$0x0] =	vst.idx.msk $0xffff, v59  }
0x1dc: {  	v33 =	vld [tilespmem:$0x1FFC0];
	[tilespmem:v53+s18+$0x0] =	vst.idx.msk $0xffff, v4  }
0x1dd: {  	v32 =	vld [tilespmem:$0x1FF50];
	[tilespmem:v63+s18+$0x0] =	vst.idx.msk $0xffff, v54  }
0x1de: {  	v20 =	vld [tilespmem:$0x1FFB0];
	[tilespmem:v52+s18+$0x0] =	vst.idx.msk $0xffff, v50  }
0x1df: {  	v38 =	vld [tilespmem:$0x1FFF0];
	[tilespmem:v62+s18+$0x0] =	vst.idx.msk $0xffff, v5  }
0x1e0: {  	v29 =	vld [tilespmem:$0x1FFA0];
	[tilespmem:v51+s18+$0x0] =	vst.idx.msk $0xffff, v42  }
0x1e1: {  	v13 =	vld [tilespmem:$0x1FF60];
	[tilespmem:v60+s18+$0x0] =	vst.idx.msk $0xffff, v41  }
0x1e2: {  	s23 =	sadd.s32 s10, s23;
	v34 =	vld [tilespmem:$0x1FF90];
	[tilespmem:v48+s18+$0x0] =	vst.idx.msk $0xffff, v40  }
.Ltmp8:
0x1e3: {  	s24 =	sshll.u32 s24, $0xB;
	v27 =	vld [tilespmem:$0x1FF70];
	p2 =	sgt.u32 s23, $0xF41;
	[tilespmem:v57+s18+$0x0] =	vst.idx.msk $0xffff, v46;
	(pc) =	sbr.rel .LBB2_10-.Ltmp8, $4  }
0x1e4: {  	v16 =	vld [tilespmem:$0x1FF40];
	s24 =	sadd.s32 s5, s24;
	s23 =	sshll.u32 @!p2 s23, $0x8;
	s25 =	simm.s32 @!p2 $0x7A1400;
	[tilespmem:v44+s18+$0x0] =	vst.idx.msk $0xffff, v49  }
0x1e5: {  	v59 =	vld [tilespmem:$0x1FFD0];
	[hbm4b:s24+s3] =	stream.linear.scatter [tilespmem:s18], [sflag:$0x4], $0x4000, $0x38  }
0x1e6: {  	s26 =	simm.s32 @!p2 $0x4000;
	s23 =	sadd.s32 @!p2 s0, s23;
	v61 =	vld [tilespmem:$0x1FFE0];
	s24 =	simm.s32 @!p2 $0x800  }
0x1e7: {  	v11 =	vlaneseq.u32;
	v41 =	vld [tilespmem:$0x1FF80];
	[tilespmem:s26], [sflag:$0x2] =	stream.strided.gather @!p2 [hbm4b:s23+s24], $0x4000, s25, s24, $0x38  }
.LBB2_11:
0x1e8: {  	_ =	swait.ge [sflag:s19], $0x4000  }
.Ltmp9:
0x1e9: {  	[sflag:s19] =	ssyncset.done $0x0;
	(pc) =	sbr.rel @p1 .LBB2_15-.Ltmp9, $4  }
0x1ea: {  	s22 =	simm.s32 @!p0 $0x3;
	[sflag:s19] =	ssyncadd.s32 $0xFFFFC000  }
0x1eb: {  	_ =	swait.ge @!p0 [sflag:s22], $0x4000  }
0x1ec: {  	[sflag:s22] =	ssyncset.done @!p0 $0x0  }
0x1ed: {  	[sflag:s22] =	ssyncadd.s32 @!p0 $0xFFFFC000  }
0x1ee: {  	s26 =	simm.s32 $0x0  }
0x1ef: {  	s22 =	simm.s32 $0x0;
	v54 =	vld [tilespmem:$0x1FDE0];
	s24 =	sand.u32 $0xE0, s26  }
0x1f0: {  	v58 =	vmov v27;
	v27 =	vld [tilespmem:$0x1FE50];
	s30 =	sand.u32 $0x30, s22;
	s23 =	sor.u32 $0x10, s24  }
0x1f1: {  	v22 =	vld [tilespmem:$0x1FE00];
	v4 =	vmov s30;
	s25 =	sshrl.u32 s23, $0x1  }
0x1f2: {  	v8 =	vld [tilespmem:$0x1FDD0];
	v4 =	vshll.u32 v4, $0x8;
	v0 =	vmov s25  }
0x1f3: {  	v25 =	vld [tilespmem:$0x1FEA0];
	v4 =	vor.u32 v9, v4;
	v37 =	vshll.u32 v0, $0x7  }
0x1f4: {  	v52 =	vld [tilespmem:$0x1FED0];
	[tilespmem:s26], [sflag:$0x5] =	stream.linear.gather [hbm4b:s1+s26], $0x4000, $0x38;
	v0 =	vand.u32 $0x3800, v4;
	v4 =	vor.u32 v34, v37  }
0x1f5: {  	v62 =	vld [tilespmem:$0x1FE20];
	[tilespmem:$0x1FCF0] =	vst v4  }
0x1f6: {  	v57 =	vld [tilespmem:$0x1FE60];
	_ =	swait.ge [sflag:s20], $0x4000  }
0x1f7: {  	v31 =	vld [tilespmem:$0x1FEB0]  }
0x1f8: {  	v60 =	vld [tilespmem:$0x1FEC0]  }
0x1f9: {  	v1 =	vmov s24;
	v3 =	vor.u32 s24, v33;
	v39 =	vor.u32 s30, v16;
	v53 =	vld [tilespmem:$0x1FE40]  }
0x1fa: {  	v47 =	vor.u32 s24, v11;
	s31 =	sshrl.u32 s24, $0x1;
	v36 =	vor.u32 s30, v32;
	v6 =	vmov s23;
	v4 =	vmovc v33;
	v33 =	vld [tilespmem:$0x1FE90]  }
0x1fb: {  	v1 =	vshll.u32 v1, $0x3;
	v3 =	vand.u32 $0x6F, v3;
	v19 =	vmov s31;
	v23 =	vld [tilespmem:$0x1FDF0]  }
0x1fc: {  	v30 =	vmovc v34;
	v1 =	vand.u32 $0x400, v1;
	v19 =	vshll.u32 v19, $0x7;
	v2 =	vor.u32 s24, v54;
	v34 =	vld [tilespmem:$0x1FE80]  }
0x1fd: {  	v5 =	vor.u32 s24, v27;
	v7 =	vor.u32 s24, v22;
	v0 =	vor.u32 v8, v0;
	v24 =	vld [tilespmem:$0x1FE30]  }
0x1fe: {  	v48 =	vor.u32 s24, v25;
	v5 =	vand.u32 $0x6F, v5;
	v1 =	vor.u32 v1, v0;
	v56 =	vld [tilespmem:$0x1FE10]  }
0x1ff: {  	v26 =	vmovc v29;
	v29 =	vmovc v20;
	v10 =	vor.u32 s24, v62;
	v9 =	vand.u32 $0x6F, v48;
	v5 =	vor.u32 v5, v1;
	v20 =	vld [tilespmem:$0x1FF20]  }
0x200: {  	v40 =	vor.u32 v30, v19;
	v10 =	vand.u32 $0x6F, v10;
	v9 =	vor.u32 v9, v1;
	v30 =	vld [tilespmem:$0x1FE70]  }
0x201: {  	v49 =	vor.u32 s24, v57;
	v2 =	vand.u32 $0x6F, v2;
	v10 =	vor.u32 v10, v1;
	v42 =	vld [tilespmem:$0x1FF10]  }
0x202: {  	v51 =	vor.u32 v58, v19;
	v7 =	vand.u32 $0x6F, v7;
	v2 =	vor.u32 v2, v1;
	[sflag:s20] =	ssyncset.done $0x0;
	v45 =	vld [tilespmem:$0x1FF00]  }
0x203: {  	v28 =	vmovc v38;
	v21 =	vmovc v13;
	v11 =	vand.u32 $0x6F, v49;
	v8 =	vand.u32 $0x6F, v47;
	v7 =	vor.u32 v7, v1;
	v47 =	vld [tilespmem:$0x1FEF0];
	[sflag:s20] =	ssyncadd.s32 $0xFFFFC000  }
0x204: {  	v43 =	vor.u32 v21, v19;
	v46 =	vor.u32 v28, v19;
	v11 =	vor.u32 v11, v1;
	v5 =	vld.idx.msk [tilespmem:v5+s3+$0x0], $0xffff  }
0x205: {  	v6 =	vshll.u32 v6, $0x3;
	v32 =	vmovc v52;
	v52 =	vor.u32 v52, v19;
	v3 =	vor.u32 v3, v1;
	v9 =	vld.idx.msk [tilespmem:v9+s3+$0x0], $0xffff  }
0x206: {  	v8 =	vor.u32 v8, v1;
	v10 =	vld.idx.msk [tilespmem:v10+s3+$0x0], $0xffff;
	v12 =	vor.u32 s24, v31;
	v17 =	vor.u32 s24, v53  }
0x207: {  	v2 =	vld.idx.msk [tilespmem:v2+s3+$0x0], $0xffff;
	v14 =	vor.u32 s24, v33;
	v15 =	vor.u32 s24, v23;
	v12 =	vand.u32 $0x6F, v12  }
0x208: {  	v7 =	vld.idx.msk [tilespmem:v7+s3+$0x0], $0xffff;
	v16 =	vor.u32 s24, v34;
	v18 =	vand.u32 $0x6F, v17;
	v12 =	vor.u32 v12, v1  }
0x209: {  	v11 =	vld.idx.msk [tilespmem:v11+s3+$0x0], $0xffff;
	v55 =	vor.u32 s24, v30;
	v15 =	vand.u32 $0x6F, v15;
	v50 =	vor.u32 v18, v1  }
0x20a: {  	v3 =	vld.idx.msk [tilespmem:v3+s3+$0x0], $0xffff;
	v17 =	vor.u32 s24, v24;
	v14 =	vand.u32 $0x6F, v14;
	v15 =	vor.u32 v15, v1  }
0x20b: {  	v63 =	vmovc v41;
	v8 =	vld.idx.msk [tilespmem:v8+s3+$0x0], $0xffff;
	v16 =	vand.u32 $0x6F, v16;
	v41 =	vand.u32 $0x6F, v55;
	v14 =	vor.u32 v14, v1  }
0x20c: {  	v55 =	vld [tilespmem:$0x1FEE0];
	v18 =	vor.u32 s24, v56;
	v17 =	vand.u32 $0x6F, v17;
	v16 =	vor.u32 v16, v1  }
0x20d: {  	v28 =	vmovc v61;
	v6 =	vand.u32 $0x400, v6;
	v18 =	vand.u32 $0x6F, v18;
	v17 =	vor.u32 v17, v1;
	v12 =	vld.idx.msk [tilespmem:v12+s3+$0x0], $0xffff  }
0x20e: {  	v38 =	vor.u32 v39, v51;
	v35 =	vor.u32 v20, v19;
	v18 =	vor.u32 v18, v1;
	v13 =	vld.idx.msk [tilespmem:v50+s3+$0x0], $0xffff  }
0x20f: {  	v48 =	vor.u32 v63, v19;
	v35 =	vor.u32 v36, v35;
	v1 =	vor.u32 v41, v1;
	v15 =	vld.idx.msk [tilespmem:v15+s3+$0x0], $0xffff  }
0x210: {  	v49 =	vor.u32 v61, v19;
	v40 =	vor.u32 v36, v40;
	v51 =	vor.u32 v59, v19;
	v14 =	vld.idx.msk [tilespmem:v14+s3+$0x0], $0xffff  }
0x211: {  	v43 =	vor.u32 v36, v43;
	v0 =	vor.u32 v6, v0;
	v42 =	vor.u32 v42, v19;
	v16 =	vld.idx.msk [tilespmem:v16+s3+$0x0], $0xffff  }
0x212: {  	v45 =	vor.u32 v45, v19;
	v47 =	vor.u32 v47, v19;
	v42 =	vor.u32 v39, v42;
	v17 =	vld.idx.msk [tilespmem:v17+s3+$0x0], $0xffff  }
0x213: {  	v61 =	vor.u32 v39, v47;
	v41 =	vor.u32 v26, v19;
	v44 =	vor.u32 v55, v19;
	v18 =	vld.idx.msk [tilespmem:v18+s3+$0x0], $0xffff  }
0x214: {  	v50 =	vor.u32 v29, v19;
	v1 =	vld.idx.msk [tilespmem:v1+s3+$0x0], $0xffff;
	[tilespmem:v35+s16+$0x0] =	vst.idx.msk $0xffff, v8;
	v35 =	vor.u32 v39, v41  }
0x215: {  	v20 =	vlaneseq.u32;
	v19 =	vor.u32 v60, v19;
	[tilespmem:v38+s16+$0x0] =	vst.idx.msk $0xffff, v2;
	v38 =	vor.u32 v36, v44  }
0x216: {  	[tilespmem:v40+s16+$0x0] =	vst.idx.msk $0xffff, v15;
	v15 =	vor.u32 s23, v62;
	v40 =	vor.u32 v39, v45;
	v62 =	vor.u32 s23, v4;
	v4 =	vld [tilespmem:$0x1FCF0]  }
0x217: {  	v8 =	vor.u32 s23, v56;
	v56 =	vor.u32 s23, v57;
	v57 =	vor.u32 v36, v46;
	[tilespmem:v42+s16+$0x0] =	vst.idx.msk $0xffff, v7  }
0x218: {  	v19 =	vor.u32 v39, v19;
	v41 =	vor.u32 s23, v23;
	v46 =	vor.u32 s23, v53;
	[tilespmem:v43+s16+$0x0] =	vst.idx.msk $0xffff, v18  }
0x219: {  	v53 =	vor.u32 s23, v27;
	v45 =	vor.u32 s23, v24;
	v24 =	vor.u32 v36, v48;
	[tilespmem:v35+s16+$0x0] =	vst.idx.msk $0xffff, v10  }
0x21a: {  	v27 =	vor.u32 s23, v31;
	v18 =	vor.u32 s23, v34;
	v34 =	vor.u32 v39, v49;
	[tilespmem:v38+s16+$0x0] =	vst.idx.msk $0xffff, v13  }
0x21b: {  	v2 =	vor.u32 s23, v25;
	[tilespmem:v40+s16+$0x0] =	vst.idx.msk $0xffff, v5;
	v31 =	vor.u32 v36, v4;
	v4 =	vor.u32 v36, v50  }
0x21c: {  	v44 =	vor.u32 s23, v20;
	v25 =	vor.u32 s23, v22;
	v38 =	vor.u32 v39, v51;
	[tilespmem:v57+s16+$0x0] =	vst.idx.msk $0xffff, v17  }
0x21d: {  	v8 =	vand.u32 $0x7F, v8;
	v2 =	vand.u32 $0x7F, v2;
	v49 =	vor.u32 v36, v52;
	[tilespmem:v61+s16+$0x0] =	vst.idx.msk $0xffff, v11  }
0x21e: {  	v8 =	vor.u32 v8, v0;
	v25 =	vand.u32 $0x7F, v25;
	v2 =	vor.u32 v2, v0;
	[tilespmem:v24+s16+$0x0] =	vst.idx.msk $0xffff, v1  }
0x21f: {  	v7 =	vand.u32 $0x7F, v56;
	v43 =	vor.u32 s23, v33;
	v52 =	vand.u32 $0x7F, v41;
	[tilespmem:v34+s16+$0x0] =	vst.idx.msk $0xffff, v16  }
0x220: {  	v7 =	vor.u32 v7, v0;
	v6 =	vand.u32 $0x7F, v43;
	v51 =	vand.u32 $0x7F, v18;
	[tilespmem:v4+s16+$0x0] =	vst.idx.msk $0xffff, v14  }
0x221: {  	v35 =	vand.u32 $0x7F, v46;
	v5 =	vor.u32 s23, v30;
	v56 =	vor.u32 v51, v0;
	[tilespmem:v38+s16+$0x0] =	vst.idx.msk $0xffff, v9  }
0x222: {  	v33 =	vld [tilespmem:$0x1FF10];
	v50 =	vand.u32 $0x7F, v27;
	v17 =	vor.u32 s23, v54;
	v54 =	vand.u32 $0x7F, v45;
	[tilespmem:v49+s16+$0x0] =	vst.idx.msk $0xffff, v12  }
0x223: {  	v30 =	vld [tilespmem:$0x1FF20];
	v57 =	vand.u32 $0x7F, v15;
	v5 =	vand.u32 $0x7F, v5;
	v4 =	vor.u32 v6, v0;
	[tilespmem:v19+s16+$0x0] =	vst.idx.msk $0xffff, v3  }
0x224: {  	v61 =	vand.u32 $0x7F, v44;
	v24 =	vand.u32 $0x7F, v53;
	v3 =	vor.u32 v57, v0;
	v47 =	vld.idx.msk [tilespmem:v8+s3+$0x0], $0xffff  }
0x225: {  	v1 =	vand.u32 $0x7F, v62;
	v62 =	vor.u32 v54, v0;
	v43 =	vor.u32 v24, v0;
	v40 =	vld.idx.msk [tilespmem:v2+s3+$0x0], $0xffff  }
0x226: {  	v1 =	vor.u32 v1, v0;
	v38 =	vor.u32 v35, v0;
	v35 =	vand.u32 $0x7F, v17;
	v42 =	vld.idx.msk [tilespmem:v56+s3+$0x0], $0xffff  }
0x227: {  	v8 =	vor.u32 v61, v0;
	v2 =	vor.u32 v50, v0;
	v61 =	vor.u32 v5, v0;
	v5 =	vld [tilespmem:$0x1FF00]  }
0x228: {  	v6 =	vor.u32 v52, v0;
	v41 =	vld.idx.msk [tilespmem:v4+s3+$0x0], $0xffff;
	v4 =	vor.u32 v25, v0;
	v0 =	vor.u32 v35, v0  }
0x229: {  	v27 =	vor.u32 v58, v37;
	v58 =	vld.idx.msk [tilespmem:v3+s3+$0x0], $0xffff  }
0x22a: {  	v3 =	vld [tilespmem:$0x1FEF0]  }
0x22b: {  	v20 =	vmov v55;
	v34 =	vor.u32 v26, v37;
	v50 =	vld.idx.msk [tilespmem:v7+s3+$0x0], $0xffff  }
0x22c: {  	v55 =	vor.u32 v39, v34;
	v9 =	vor.u32 v33, v37;
	v5 =	vor.u32 v5, v37;
	v46 =	vld.idx.msk [tilespmem:v2+s3+$0x0], $0xffff  }
0x22d: {  	v44 =	vor.u32 v39, v9;
	v53 =	vor.u32 v39, v5;
	v5 =	vor.u32 v63, v37;
	v63 =	vld.idx.msk [tilespmem:v0+s3+$0x0], $0xffff  }
0x22e: {  	v57 =	vor.u32 v32, v37;
	v56 =	vor.u32 v39, v27;
	v2 =	vor.u32 v28, v37;
	v0 =	vld [tilespmem:$0x1FFF0]  }
0x22f: {  	v49 =	vld.idx.msk [tilespmem:v1+s3+$0x0], $0xffff;
	v1 =	vor.u32 v30, v37;
	v51 =	vor.u32 v39, v2;
	v3 =	vor.u32 v3, v37  }
0x230: {  	v54 =	vld.idx.msk [tilespmem:v62+s3+$0x0], $0xffff;
	v2 =	vor.u32 v60, v37;
	v52 =	vor.u32 v39, v3;
	v3 =	vor.u32 v59, v37  }
0x231: {  	v45 =	vor.u32 v39, v2;
	v2 =	vor.u32 v36, v1;
	v48 =	vor.u32 v39, v3;
	v39 =	vld.idx.msk [tilespmem:v8+s3+$0x0], $0xffff  }
0x232: {  	v57 =	vor.u32 v36, v57;
	v59 =	vld.idx.msk [tilespmem:v38+s3+$0x0], $0xffff  }
0x233: {  	v35 =	vor.u32 v20, v37;
	v38 =	vor.u32 v29, v37;
	v18 =	vor.u32 v0, v37;
	v0 =	vld.idx.msk [tilespmem:v6+s3+$0x0], $0xffff  }
0x234: {  	s23 =	simm.s32 $0x20;
	v1 =	vld.idx.msk [tilespmem:v4+s3+$0x0], $0xffff;
	v62 =	vor.u32 v36, v5;
	v3 =	vor.u32 v21, v37;
	v60 =	vor.u32 v36, v38  }
.LBB2_13:
0x235: {  	v4 =	vld.idx.msk [tilespmem:v43+s3+$0x0], $0xffff;
	v3 =	vor.u32 v36, v3  }
0x236: {  	v10 =	vld.idx.msk [tilespmem:v61+s3+$0x0], $0xffff;
	[tilespmem:v2+s16+$0x0] =	vst.idx.msk $0xffff, v39  }
0x237: {  	v5 =	vor.u32 v36, v35;
	[tilespmem:v56+s16+$0x0] =	vst.idx.msk $0xffff, v63  }
0x238: {  	[tilespmem:v31+s16+$0x0] =	vst.idx.msk $0xffff, v0  }
0x239: {  	v6 =	vor.u32 v36, v18;
	v43 =	vld [tilespmem:$0x1FDE0];
	[tilespmem:v44+s16+$0x0] =	vst.idx.msk $0xffff, v1  }
0x23a: {  	v38 =	vld [tilespmem:$0x1FFC0];
	[tilespmem:v3+s16+$0x0] =	vst.idx.msk $0xffff, v47  }
0x23b: {  	v32 =	vld [tilespmem:$0x1FE50];
	[tilespmem:v55+s16+$0x0] =	vst.idx.msk $0xffff, v58  }
0x23c: {  	v29 =	vld [tilespmem:$0x1FE00];
	[tilespmem:v5+s16+$0x0] =	vst.idx.msk $0xffff, v59  }
0x23d: {  	v14 =	vld [tilespmem:$0x1FF30];
	[tilespmem:v53+s16+$0x0] =	vst.idx.msk $0xffff, v4  }
0x23e: {  	v18 =	vld [tilespmem:$0x1FF90];
	[tilespmem:v6+s16+$0x0] =	vst.idx.msk $0xffff, v54  }
0x23f: {  	v61 =	vld [tilespmem:$0x1FE40];
	[tilespmem:v52+s16+$0x0] =	vst.idx.msk $0xffff, v50  }
0x240: {  	s25 =	sand.u32 $0xE0, s23;
	v33 =	vld [tilespmem:$0x1FEA0];
	[tilespmem:v62+s16+$0x0] =	vst.idx.msk $0xffff, v10  }
0x241: {  	v24 =	vld [tilespmem:$0x1FE20];
	s31 =	sshrl.u32 s25, $0x1;
	[tilespmem:v51+s16+$0x0] =	vst.idx.msk $0xffff, v42  }
0x242: {  	v25 =	vld [tilespmem:$0x1FE90];
	v16 =	vmov s31;
	[tilespmem:v60+s16+$0x0] =	vst.idx.msk $0xffff, v41  }
0x243: {  	v23 =	vld [tilespmem:$0x1FDF0];
	v62 =	vshll.u32 v16, $0x7;
	[tilespmem:v48+s16+$0x0] =	vst.idx.msk $0xffff, v40  }
0x244: {  	[tilespmem:v57+s16+$0x0] =	vst.idx.msk $0xffff, v46;
	v57 =	vor.u32 v20, v62;
	v20 =	vld [tilespmem:$0x1FF00]  }
0x245: {  	s22 =	sadd.s32 $0x2, s22;
	v34 =	vld [tilespmem:$0x1FE80]  }
0x246: {  	v26 =	vld [tilespmem:$0x1FF70];
	s26 =	sand.u32 $0x30, s22  }
0x247: {  	v19 =	vld [tilespmem:$0x1FF10];
	v11 =	vmov s26  }
0x248: {  	v21 =	vld [tilespmem:$0x1FF60];
	v2 =	vshll.u32 v11, $0x8  }
0x249: {  	v7 =	vmov s25;
	v2 =	vor.u32 v14, v2;
	[tilespmem:v45+s16+$0x0] =	vst.idx.msk $0xffff, v49;
	v45 =	vor.u32 v20, v62;
	v20 =	vld [tilespmem:$0x1FFF0]  }
0x24a: {  	s24 =	sor.u32 $0x10, s25;
	v63 =	vld [tilespmem:$0x1FE60];
	v0 =	vand.u32 $0x3800, v2;
	v2 =	vshll.u32 v7, $0x3  }
0x24b: {  	s28 =	sshrl.u32 s24, $0x1;
	v1 =	vand.u32 $0x400, v2;
	v2 =	vld [tilespmem:$0x1FDD0]  }
0x24c: {  	v27 =	vld [tilespmem:$0x1FFA0];
	v13 =	vmov s24;
	v39 =	vmov s28  }
0x24d: {  	v28 =	vld [tilespmem:$0x1FFE0];
	v37 =	vshll.u32 v39, $0x7;
	v8 =	vor.u32 s25, v43;
	v9 =	vor.u32 s25, v38  }
0x24e: {  	v12 =	vor.u32 s25, v32;
	v35 =	vor.u32 s25, v29;
	v46 =	vor.u32 v20, v62;
	v20 =	vld [tilespmem:$0x1FF80]  }
0x24f: {  	v22 =	vld [tilespmem:$0x1FEC0];
	v56 =	vor.u32 v18, v37;
	v36 =	vor.u32 s25, v25;
	v12 =	vand.u32 $0x6F, v12  }
0x250: {  	v31 =	vld [tilespmem:$0x1FEB0];
	[tilespmem:$0x1FCE0] =	vst v56;
	v56 =	vlaneseq.u32;
	v58 =	vor.u32 s25, v63;
	v44 =	vor.u32 v2, v0  }
0x251: {  	v3 =	vand.u32 $0x6F, v8;
	v7 =	vand.u32 $0x6F, v58;
	v58 =	vld [tilespmem:$0x1FE30];
	v1 =	vor.u32 v1, v44  }
0x252: {  	v5 =	vand.u32 $0x6F, v35;
	v35 =	vor.u32 s25, v33;
	v54 =	vld [tilespmem:$0x1FE10];
	v12 =	vor.u32 v12, v1  }
0x253: {  	v4 =	vor.u32 s25, v24;
	v11 =	vand.u32 $0x6F, v35;
	v48 =	vor.u32 v20, v62;
	v20 =	vld [tilespmem:$0x1FFB0]  }
0x254: {  	v47 =	vor.u32 s25, v23;
	v4 =	vand.u32 $0x6F, v4;
	v0 =	vld [tilespmem:$0x1FF40];
	v11 =	vor.u32 v11, v1  }
0x255: {  	[tilespmem:$0x1FCD0] =	vst v13;
	v13 =	vand.u32 $0x6F, v36;
	v35 =	vor.u32 v21, v62;
	v21 =	vld [tilespmem:$0x1FFD0];
	v4 =	vor.u32 v4, v1  }
0x256: {  	v55 =	vor.u32 s25, v34;
	v8 =	vor.u32 s25, v31;
	v3 =	vor.u32 v3, v1;
	v60 =	vld [tilespmem:$0x1FF50]  }
0x257: {  	v14 =	vand.u32 $0x6F, v55;
	v6 =	vand.u32 $0x6F, v47;
	v8 =	vand.u32 $0x6F, v8;
	v12 =	vld.idx.msk [tilespmem:v12+s3+$0x0], $0xffff  }
0x258: {  	v2 =	vand.u32 $0x6F, v9;
	v9 =	vor.u32 s25, v61;
	v50 =	vor.u32 v20, v62;
	v20 =	vld [tilespmem:$0x1FED0]  }
0x259: {  	v59 =	vor.u32 s25, v58;
	v9 =	vand.u32 $0x6F, v9;
	v5 =	vor.u32 v5, v1;
	v40 =	vld.idx.msk [tilespmem:v11+s3+$0x0], $0xffff  }
0x25a: {  	v16 =	vor.u32 v30, v62;
	v17 =	vor.u32 v26, v62;
	v8 =	vor.u32 v8, v1;
	v4 =	vld.idx.msk [tilespmem:v4+s3+$0x0], $0xffff  }
0x25b: {  	v18 =	vor.u32 v18, v62;
	v19 =	vor.u32 v19, v62;
	v7 =	vor.u32 v7, v1;
	v3 =	vld.idx.msk [tilespmem:v3+s3+$0x0], $0xffff  }
0x25c: {  	v2 =	vor.u32 v2, v1;
	v9 =	vor.u32 v9, v1;
	v36 =	vor.u32 s26, v60;
	v60 =	vld [tilespmem:$0x1FEF0]  }
0x25d: {  	v39 =	vor.u32 s26, v0;
	v0 =	vor.u32 s25, v56;
	v52 =	vor.u32 v20, v62;
	v20 =	vld [tilespmem:$0x1FE70]  }
0x25e: {  	v10 =	vand.u32 $0x6F, v59;
	v6 =	vor.u32 v6, v1;
	v0 =	vand.u32 $0x6F, v0;
	v5 =	vld.idx.msk [tilespmem:v5+s3+$0x0], $0xffff  }
0x25f: {  	v13 =	vor.u32 v13, v1;
	v59 =	vor.u32 v27, v62;
	v0 =	vor.u32 v0, v1;
	v8 =	vld.idx.msk [tilespmem:v8+s3+$0x0], $0xffff  }
0x260: {  	v14 =	vor.u32 v14, v1;
	v15 =	vor.u32 s25, v54;
	v10 =	vor.u32 v10, v1;
	v7 =	vld.idx.msk [tilespmem:v7+s3+$0x0], $0xffff  }
0x261: {  	v15 =	vand.u32 $0x6F, v15;
	v49 =	vor.u32 v28, v62;
	v51 =	vor.u32 v21, v62;
	v9 =	vld.idx.msk [tilespmem:v9+s3+$0x0], $0xffff  }
0x262: {  	v11 =	vor.u32 v22, v62;
	v2 =	vld.idx.msk [tilespmem:v2+s3+$0x0], $0xffff;
	v47 =	vor.u32 v60, v62;
	v62 =	vor.u32 s25, v20  }
0x263: {  	v15 =	vor.u32 v15, v1;
	v6 =	vld.idx.msk [tilespmem:v6+s3+$0x0], $0xffff;
	v53 =	vand.u32 $0x6F, v62  }
0x264: {  	v16 =	vor.u32 v36, v16;
	v0 =	vld.idx.msk [tilespmem:v0+s3+$0x0], $0xffff;
	v1 =	vor.u32 v53, v1  }
0x265: {  	v17 =	vor.u32 v39, v17;
	v13 =	vld.idx.msk [tilespmem:v13+s3+$0x0], $0xffff  }
0x266: {  	v14 =	vld.idx.msk [tilespmem:v14+s3+$0x0], $0xffff;
	v18 =	vor.u32 v36, v18  }
0x267: {  	v19 =	vor.u32 v39, v19;
	v10 =	vld.idx.msk [tilespmem:v10+s3+$0x0], $0xffff  }
0x268: {  	v35 =	vor.u32 v36, v35;
	v15 =	vld.idx.msk [tilespmem:v15+s3+$0x0], $0xffff  }
0x269: {  	v42 =	vor.u32 v39, v59;
	v1 =	vld.idx.msk [tilespmem:v1+s3+$0x0], $0xffff;
	[tilespmem:v16+s16+$0x0] =	vst.idx.msk $0xffff, v0  }
0x26a: {  	v41 =	vor.u32 v36, v57;
	[tilespmem:v17+s16+$0x0] =	vst.idx.msk $0xffff, v3  }
0x26b: {  	v45 =	vor.u32 v39, v45;
	v3 =	vld [tilespmem:$0x1FCD0];
	[tilespmem:v18+s16+$0x0] =	vst.idx.msk $0xffff, v6  }
0x26c: {  	v46 =	vor.u32 v36, v46;
	[tilespmem:v19+s16+$0x0] =	vst.idx.msk $0xffff, v5  }
0x26d: {  	v55 =	vor.u32 s24, v33;
	v47 =	vor.u32 v39, v47;
	[tilespmem:v35+s16+$0x0] =	vst.idx.msk $0xffff, v15  }
0x26e: {  	v57 =	vor.u32 s24, v24;
	v11 =	vor.u32 v39, v11;
	v0 =	vor.u32 v36, v48;
	[tilespmem:v42+s16+$0x0] =	vst.idx.msk $0xffff, v4  }
0x26f: {  	v33 =	vand.u32 $0x7F, v57;
	v60 =	vor.u32 s24, v61;
	v6 =	vor.u32 v39, v49;
	[tilespmem:v41+s16+$0x0] =	vst.idx.msk $0xffff, v9  }
0x270: {  	v61 =	vor.u32 s24, v34;
	v15 =	vor.u32 v36, v50;
	v3 =	vshll.u32 v3, $0x3;
	[tilespmem:v45+s16+$0x0] =	vst.idx.msk $0xffff, v12  }
0x271: {  	v34 =	vor.u32 s24, v38;
	v4 =	vor.u32 v39, v51;
	v3 =	vand.u32 $0x400, v3;
	[tilespmem:v46+s16+$0x0] =	vst.idx.msk $0xffff, v10  }
0x272: {  	v52 =	vor.u32 v36, v52;
	v19 =	vand.u32 $0x7F, v34;
	v3 =	vor.u32 v3, v44;
	[tilespmem:v47+s16+$0x0] =	vst.idx.msk $0xffff, v7  }
0x273: {  	v46 =	vor.u32 v33, v3;
	v33 =	vor.u32 v19, v3;
	v19 =	vld [tilespmem:$0x1FF10];
	[tilespmem:v0+s16+$0x0] =	vst.idx.msk $0xffff, v1  }
0x274: {  	v59 =	vor.u32 s24, v63;
	[tilespmem:v6+s16+$0x0] =	vst.idx.msk $0xffff, v14  }
0x275: {  	v24 =	vld [tilespmem:$0x1FF00];
	v62 =	vor.u32 s24, v32;
	v32 =	vand.u32 $0x7F, v55;
	v53 =	vor.u32 s24, v54;
	[tilespmem:v15+s16+$0x0] =	vst.idx.msk $0xffff, v13  }
0x276: {  	v54 =	vor.u32 s24, v23;
	v23 =	vld [tilespmem:$0x1FEF0];
	v51 =	vand.u32 $0x7F, v61;
	v48 =	vor.u32 v32, v3;
	[tilespmem:v4+s16+$0x0] =	vst.idx.msk $0xffff, v40  }
0x277: {  	v50 =	vor.u32 v51, v3;
	v1 =	vand.u32 $0x7F, v59;
	[tilespmem:v52+s16+$0x0] =	vst.idx.msk $0xffff, v8  }
0x278: {  	v1 =	vor.u32 v1, v3;
	[tilespmem:v11+s16+$0x0] =	vst.idx.msk $0xffff, v2;
	v2 =	vor.u32 v19, v37  }
0x279: {  	v44 =	vor.u32 v39, v2;
	v2 =	vor.u32 v27, v37  }
0x27a: {  	v49 =	vor.u32 s24, v25;
	v55 =	vor.u32 v39, v2;
	v2 =	vor.u32 v24, v37  }
0x27b: {  	v25 =	vand.u32 $0x7F, v53;
	v40 =	vld.idx.msk [tilespmem:v48+s3+$0x0], $0xffff;
	v53 =	vor.u32 v39, v2;
	v2 =	vor.u32 v23, v37  }
0x27c: {  	v18 =	vor.u32 s24, v43;
	v42 =	vld.idx.msk [tilespmem:v50+s3+$0x0], $0xffff;
	v52 =	vor.u32 v39, v2;
	v2 =	vor.u32 v21, v37  }
0x27d: {  	v50 =	vld.idx.msk [tilespmem:v1+s3+$0x0], $0xffff;
	v1 =	vor.u32 v22, v37;
	v48 =	vor.u32 v39, v2;
	v2 =	vand.u32 $0x7F, v18  }
0x27e: {  	v45 =	vor.u32 v39, v1;
	v1 =	vor.u32 v2, v3;
	_ =	sdelay $0x1  }
0x27f: {  	v58 =	vor.u32 s24, v58;
	v38 =	vor.u32 s24, v31  }
0x280: {  	v63 =	vand.u32 $0x7F, v58;
	v35 =	vand.u32 $0x7F, v38  }
0x281: {  	v30 =	vld [tilespmem:$0x1FF20];
	v12 =	vor.u32 v25, v3;
	v38 =	vor.u32 v63, v3;
	v63 =	vand.u32 $0x7F, v62  }
0x282: {  	v43 =	vor.u32 v63, v3;
	v63 =	vld.idx.msk [tilespmem:v1+s3+$0x0], $0xffff  }
0x283: {  	v56 =	vor.u32 s24, v56;
	v5 =	vand.u32 $0x7F, v49;
	v1 =	vld [tilespmem:$0x1FF60]  }
0x284: {  	v16 =	vor.u32 s24, v29;
	v29 =	vld [tilespmem:$0x1FCE0];
	v17 =	vor.u32 s24, v20;
	v5 =	vor.u32 v5, v3  }
0x285: {  	v20 =	vld [tilespmem:$0x1FEE0];
	v34 =	vand.u32 $0x7F, v56;
	v49 =	vand.u32 $0x7F, v60;
	v61 =	vand.u32 $0x7F, v54  }
0x286: {  	v25 =	vor.u32 v35, v3;
	v35 =	vand.u32 $0x7F, v17;
	v0 =	vor.u32 v34, v3;
	v47 =	vld.idx.msk [tilespmem:v12+s3+$0x0], $0xffff  }
0x287: {  	v10 =	vor.u32 v61, v3;
	v61 =	vor.u32 v35, v3;
	v4 =	vand.u32 $0x7F, v16;
	v2 =	vld [tilespmem:$0x1FF80]  }
0x288: {  	v6 =	vor.u32 v49, v3;
	v4 =	vor.u32 v4, v3;
	v3 =	vor.u32 v1, v37;
	v1 =	vld [tilespmem:$0x1FFB0]  }
0x289: {  	v41 =	vld.idx.msk [tilespmem:v5+s3+$0x0], $0xffff  }
0x28a: {  	v34 =	vor.u32 v26, v37;
	v5 =	vor.u32 v28, v37;
	v54 =	vld.idx.msk [tilespmem:v38+s3+$0x0], $0xffff  }
0x28b: {  	v56 =	vor.u32 v39, v34;
	v51 =	vor.u32 v39, v5;
	v39 =	vld.idx.msk [tilespmem:v0+s3+$0x0], $0xffff;
	v0 =	vor.u32 v30, v37  }
0x28c: {  	v5 =	vor.u32 v2, v37;
	v2 =	vor.u32 v36, v0;
	v0 =	vld [tilespmem:$0x1FFF0]  }
0x28d: {  	v38 =	vor.u32 v1, v37;
	v1 =	vld [tilespmem:$0x1FED0]  }
0x28e: {  	p2 =	slt.u32 s22, $0x3E;
	v58 =	vld.idx.msk [tilespmem:v46+s3+$0x0], $0xffff  }
.Ltmp10:
0x28f: {  	v46 =	vld.idx.msk [tilespmem:v25+s3+$0x0], $0xffff;
	(pc) =	sbr.rel @p2 .LBB2_13-.Ltmp10, $4  }
0x290: {  	v59 =	vld.idx.msk [tilespmem:v6+s3+$0x0], $0xffff  }
0x291: {  	v31 =	vor.u32 v36, v29;
	v49 =	vld.idx.msk [tilespmem:v33+s3+$0x0], $0xffff  }
0x292: {  	v35 =	vor.u32 v20, v37;
	v18 =	vor.u32 v0, v37;
	v0 =	vld.idx.msk [tilespmem:v10+s3+$0x0], $0xffff;
	v57 =	vor.u32 v1, v37  }
0x293: {  	s23 =	sadd.s32 $0x20, s23;
	v62 =	vor.u32 v36, v5;
	v60 =	vor.u32 v36, v38;
	v1 =	vld.idx.msk [tilespmem:v4+s3+$0x0], $0xffff;
	v57 =	vor.u32 v36, v57  }
0x294: {  	_ =	sdelay $0x3  }
0x295: {  	v4 =	vld.idx.msk [tilespmem:v43+s3+$0x0], $0xffff;
	v3 =	vor.u32 v36, v3  }
0x296: {  	v5 =	vld.idx.msk [tilespmem:v61+s3+$0x0], $0xffff;
	[tilespmem:v2+s16+$0x0] =	vst.idx.msk $0xffff, v39  }
0x297: {  	v61 =	vor.u32 v36, v35;
	[tilespmem:v56+s16+$0x0] =	vst.idx.msk $0xffff, v63  }
0x298: {  	[tilespmem:v31+s16+$0x0] =	vst.idx.msk $0xffff, v0  }
0x299: {  	v63 =	vor.u32 v36, v18;
	[tilespmem:v44+s16+$0x0] =	vst.idx.msk $0xffff, v1  }
0x29a: {  	[tilespmem:v3+s16+$0x0] =	vst.idx.msk $0xffff, v47  }
0x29b: {  	[tilespmem:v55+s16+$0x0] =	vst.idx.msk $0xffff, v58  }
0x29c: {  	[tilespmem:v61+s16+$0x0] =	vst.idx.msk $0xffff, v59  }
0x29d: {  	[tilespmem:v53+s16+$0x0] =	vst.idx.msk $0xffff, v4  }
0x29e: {  	[tilespmem:v63+s16+$0x0] =	vst.idx.msk $0xffff, v54  }
0x29f: {  	[tilespmem:v52+s16+$0x0] =	vst.idx.msk $0xffff, v50  }
0x2a0: {  	[tilespmem:v62+s16+$0x0] =	vst.idx.msk $0xffff, v5  }
0x2a1: {  	[tilespmem:v51+s16+$0x0] =	vst.idx.msk $0xffff, v42  }
0x2a2: {  	[tilespmem:v60+s16+$0x0] =	vst.idx.msk $0xffff, v41  }
0x2a3: {  	[tilespmem:v48+s16+$0x0] =	vst.idx.msk $0xffff, v40  }
0x2a4: {  	[tilespmem:v57+s16+$0x0] =	vst.idx.msk $0xffff, v46  }
0x2a5: {  	[tilespmem:v45+s16+$0x0] =	vst.idx.msk $0xffff, v49  }
0x2a6: {  	[hbm4b:s8+s3] =	stream.linear.scatter [tilespmem:s16], [sflag:$0x5], $0x4000, $0x38;
	[tilespmem:$0x10080] =	vst v63  }
0x2a7: {  	_ =	swait.ge [sflag:s20], $0x4000  }
0x2a8: {  	v9 =	vld [tilespmem:$0x1FF30]  }
0x2a9: {  	v33 =	vld [tilespmem:$0x1FFC0]  }
0x2aa: {  	v32 =	vld [tilespmem:$0x1FF50]  }
0x2ab: {  	v59 =	vld [tilespmem:$0x1FFD0]  }
0x2ac: {  	v20 =	vld [tilespmem:$0x1FFB0]  }
0x2ad: {  	v61 =	vld [tilespmem:$0x1FFE0]  }
0x2ae: {  	v41 =	vld [tilespmem:$0x1FF80]  }
0x2af: {  	v38 =	vld [tilespmem:$0x1FFF0]  }
.Ltmp11:
0x2b0: {  	v29 =	vld [tilespmem:$0x1FFA0];
	(pc) =	sbr.rel .LBB2_15-.Ltmp11, $4  }
0x2b1: {  	v13 =	vld [tilespmem:$0x1FF60]  }
0x2b2: {  	v34 =	vld [tilespmem:$0x1FF90]  }
0x2b3: {  	[sflag:s20] =	ssyncset.done $0x0;
	v27 =	vld [tilespmem:$0x1FF70]  }
0x2b4: {  	v11 =	vlaneseq.u32;
	v16 =	vld [tilespmem:$0x1FF40];
	[sflag:s20] =	ssyncadd.s32 $0xFFFFC000  }
.LBB2_16:
0x2b5: {  	_ =	sfence.sel $0x180000  }
0x2b6: {  	[bflag:$0x0] =	sbarrier.arrive $0xFFFF  }
0x2b7: {  	_ =	strace $0x90000047  }
0x2b8: {  	s0 =	sadd.s32 @!p0 $0x100000, s2;
	[bflag:$0x2] =	sbarrier.arrive $0xFFFF  }
0x2b9: {  	[sflag:s0] =	ssyncadd.tile.s32 @!p0 $0x1;
	_ =	shalt  }
.Lfunc_end2:
_tile_overlayer_lowered:
.L_overlay_start_2:
0x2ba: {  	(tag) =	ssettag $0x2  }
0x2bb: {  	s0 =	rddreg [dreg:$0x0];
	s2 =	stileid.u32  }
0x2bc: {  	s1 =	rddreg [dreg:$0x1];
	p0 =	sne.s32 s2, $0x0  }
0x2bd: {  	s3 =	rddreg [dreg:$0x2];
	[bflag:$0x3] =	sbarrier.arrive $0xFFFF;
	s2 =	simm.s32 @!p0 $0x1C05  }
0x2be: {  	[timem:s3], [sflag:s2] =	dma.local @!p0 [hbm:s0], s1  }
0x2bf: {  	s0 =	simm.s32 @!p0 $0x5  }
0x2c0: {  	_ =	swait.ge @!p0 [sflag:s0], s1  }
0x2c1: {  	s1 =	ssub.s32 @!p0 $0x0, s1;
	[sflag:s0] =	ssyncset.done @!p0 $0x0  }
0x2c2: {  	[sflag:s0] =	ssyncadd.s32 @!p0 s1  }
0x2c3: {  	[bflag:$0x3] =	sbarrier.arrive $0xFFFF  }
0x2c4: {  	_ =	shalt  }

// kernel: kernel.7.cloned.1.call-start
scs
__scs_entry_jumppad:
0x0: {  	(pc) =	sbr.rel $0x88, $3  }
0x1: {  	(tag) =	ssettag $0x0;
	lr =	simm.s32 $0x1  }
0x2: {  	[smem:$0x3F9F] =	sst lr;
	_ =	strace $0xD0000000  }
0x3: {  	_ = 	snop  }
0x4: {  	_ = 	snop  }
0x5: {  	_ = 	snop  }
0x6: {  	_ = 	snop  }
0x7: {  	_ = 	snop  }
__scs_overlays_trampoline_lowered:
0x8: {  	[smem:$0x3FAE] =	sst s0  }
0x9: {  	[smem:$0x3FAF] =	sst s1  }
0xa: {  	[smem:$0x3FB0] =	sst s2  }
0xb: {  	[smem:$0x3FB1] =	sst s3  }
0xc: {  	[smem:$0x3FB2] =	sst s4  }
0xd: {  	[smem:$0x3FB3] =	sst s5  }
0xe: {  	[smem:$0x3FB4] =	sst s6  }
0xf: {  	[smem:$0x3FB5] =	sst s7  }
0x10: {  	[smem:$0x3FB6] =	sst s8  }
0x11: {  	[smem:$0x3FB7] =	sst s9;
	s0 =	simm.s32 @!p0 $0x0  }
0x12: {  	s1 =	sld [smem:$0x3F9D];
	s0 =	simm.s32 @p0 $0x1  }
0x13: {  	[smem:$0x3FB8] =	sst s0;
	s0 =	simm.s32 @!p1 $0x0  }
0x14: {  	s2 =	sld [smem:$0x3F9C];
	s0 =	simm.s32 @p1 $0x1  }
0x15: {  	[smem:$0x3FB9] =	sst s0;
	s0 =	simm.s32 @!p2 $0x0  }
0x16: {  	s3 =	sld [smem:$0x3FDB];
	s0 =	simm.s32 @p2 $0x1  }
0x17: {  	s4 =	simm.s32 $0x1BF5;
	[smem:$0x3FBB] =	sst s0  }
0x18: {  	s0 =	sld [smem:$0x3F9E];
	_ =	swait.ge [sflag:s4], $0x0  }
0x19: {  	s7 =	sld [smem:$0x3F9F]  }
0x1a: {  	s8 =	sadd.s32 $0xFFFFE003, lr  }
0x1b: {  	s9 =	sadd.s32 $0xFFFFFEF7, lr;
	s5 =	simm.s32 $0xFFFFFFFF;
	p2 =	slt.u32 s8, $0xFFFFF086  }
0x1c: {  	p1 =	slt.u32 s9, $0xF7A;
	s5 =	simm.s32 @!p2 $0x0  }
0x1d: {  	s5 =	simm.s32 @p1 $0x1;
	p0 =	seq.s32 s7, s2  }
0x1e: {  	s7 =	smul.u32 @!p0 $0xF7A, s2;
	p2 =	seq.s32 @!p0 s5, $0x0  }
0x1f: {  	s9 =	smul.u32 $0xF7A, s1;
	s8 =	simm.s32 @!p0 $0x1BF5;
	p2 =	por !p2, p0  }
0x20: {  	[sflag:s8] =	ssyncset.s32 @!p0 $0xFFFFF086;
	s6 =	sadd.s32 @!p0 s3, s7;
	s7 =	simm.s32 @!p0 $0x108  }
0x21: {  	s3 =	sadd.s32 s3, s9;
	s6 =	sadd.s32 @!p0 $0x88, s6;
	s7 =	simm.s32 @p2 $0x1082  }
0x22: {  	[simem:s7], [sflag:s8] =	dma.local @!p0 [hbm:s6], $0xF7A  }
0x23: {  	s9 =	sor.u32 $0xD0000000, s2;
	s6 =	simm.s32 $0x108;
	_ =	swait.ge @!p0 [sflag:s8], $0x0  }
0x24: {  	s3 =	sadd.s32 $0x88, s3;
	s6 =	simm.s32 @!p1 $0x1082;
	[sflag:s4] =	ssyncset.s32 $0xFFFFF086  }
0x25: {  	[simem:s6], [sflag:s4] =	dma.local [hbm:s3], $0xF7A  }
0x26: {  	[smem:$0x3F9F] =	sst s1;
	(tag) =	ssettag s2;
	_ =	strace s9  }
0x27: {  	s1 =	sld [smem:$0x3FAF]  }
0x28: {  	s2 =	sld [smem:$0x3FB0]  }
0x29: {  	s4 =	sld [smem:$0x3FB2]  }
0x2a: {  	p0 =	seq.s32 s5, $0x0;
	s5 =	sld [smem:$0x3FB3]  }
0x2b: {  	s6 =	sld [smem:$0x3FB4]  }
0x2c: {  	s7 =	sld [smem:$0x3FB5]  }
0x2d: {  	s3 =	simm.s32 $0x108;
	s8 =	sld [smem:$0x3FB6]  }
0x2e: {  	s3 =	simm.s32 @!p0 $0x1082;
	s9 =	sld [smem:$0x3FB7]  }
0x2f: {  	lr =	sadd.s32 s0, s3;
	s0 =	sld [smem:$0x3FAE]  }
0x30: {  	s3 =	sld [smem:$0x3FB1]  }
0x31: {  	[smem:$0x3FBA] =	sst s10  }
0x32: {  	s10 =	sld [smem:$0x3FB8];
	_ =	sdelay $0x3  }
0x33: {  	p0 =	seq.s32 s10, $0x1;
	s10 =	sld [smem:$0x3FBA];
	_ =	sdelay $0x3  }
0x34: {  	[smem:$0x3FBA] =	sst s10  }
0x35: {  	s10 =	sld [smem:$0x3FB9];
	_ =	sdelay $0x3  }
0x36: {  	p1 =	seq.s32 s10, $0x1;
	s10 =	sld [smem:$0x3FBA];
	_ =	sdelay $0x3  }
0x37: {  	[smem:$0x3FBA] =	sst s10  }
0x38: {  	s10 =	sld [smem:$0x3FBB]  }
0x39: {  	_ = 	snop;
	(pc) =	sbr.ind lr, $3  }
0x3a: {  	_ = 	snop  }
0x3b: {  	_ = 	snop  }
0x3c: {  	p2 =	seq.s32 s10, $0x1;
	s10 =	sld [smem:$0x3FBA]  }
0x3d: {  	_ =	shalt  }
0x3e: {  	_ =	shalt  }
0x3f: {  	_ =	shalt  }
0x40: {  	_ =	shalt  }
0x41: {  	_ =	shalt  }
0x42: {  	_ =	shalt  }
0x43: {  	_ =	shalt  }
0x44: {  	_ =	shalt  }
0x45: {  	_ =	shalt  }
0x46: {  	_ =	shalt  }
0x47: {  	_ =	shalt  }
0x48: {  	_ =	shalt  }
0x49: {  	_ =	shalt  }
0x4a: {  	_ =	shalt  }
0x4b: {  	_ =	shalt  }
0x4c: {  	_ =	shalt  }
0x4d: {  	_ =	shalt  }
0x4e: {  	_ =	shalt  }
0x4f: {  	_ =	shalt  }
0x50: {  	_ =	shalt  }
0x51: {  	_ =	shalt  }
0x52: {  	_ =	shalt  }
0x53: {  	_ =	shalt  }
0x54: {  	_ =	shalt  }
0x55: {  	_ =	shalt  }
0x56: {  	_ =	shalt  }
0x57: {  	_ =	shalt  }
0x58: {  	_ =	shalt  }
0x59: {  	_ =	shalt  }
0x5a: {  	_ =	shalt  }
0x5b: {  	_ =	shalt  }
0x5c: {  	_ =	shalt  }
0x5d: {  	_ =	shalt  }
0x5e: {  	_ =	shalt  }
0x5f: {  	_ =	shalt  }
0x60: {  	_ =	shalt  }
0x61: {  	_ =	shalt  }
0x62: {  	_ =	shalt  }
0x63: {  	_ =	shalt  }
0x64: {  	_ =	shalt  }
0x65: {  	_ =	shalt  }
0x66: {  	_ =	shalt  }
0x67: {  	_ =	shalt  }
0x68: {  	_ =	shalt  }
0x69: {  	_ =	shalt  }
0x6a: {  	_ =	shalt  }
0x6b: {  	_ =	shalt  }
0x6c: {  	_ =	shalt  }
0x6d: {  	_ =	shalt  }
0x6e: {  	_ =	shalt  }
0x6f: {  	_ =	shalt  }
0x70: {  	_ =	shalt  }
0x71: {  	_ =	shalt  }
0x72: {  	_ =	shalt  }
0x73: {  	_ =	shalt  }
0x74: {  	_ =	shalt  }
0x75: {  	_ =	shalt  }
0x76: {  	_ =	shalt  }
0x77: {  	_ =	shalt  }
0x78: {  	_ =	shalt  }
0x79: {  	_ =	shalt  }
0x7a: {  	_ =	shalt  }
0x7b: {  	_ =	shalt  }
0x7c: {  	_ =	shalt  }
0x7d: {  	_ =	shalt  }
0x7e: {  	_ =	shalt  }
0x7f: {  	_ =	shalt  }
0x80: {  	_ =	shalt  }
0x81: {  	_ =	shalt  }
0x82: {  	_ =	shalt  }
0x83: {  	_ =	shalt  }
0x84: {  	_ =	shalt  }
0x85: {  	_ =	shalt  }
0x86: {  	_ =	shalt  }
0x87: {  	_ =	shalt  }
.Lfunc_end0:
.L_simem_size_0:
called_computation.1_lowered:
.L_overlay_start_0:
0x88: {  	s2 =	sld [smem:$0x3FD9]  }
0x89: {  	s3 =	sld [smem:$0x3FFE];
	_ =	sdelay $0x1  }
0x8a: {  	s1 =	srdreg.scid  }
0x8b: {  	s0 =	sand.u32 $0x1, s1  }
0x8c: {  	s17 =	sshll.u32 s0, $0xA;
	s2 =	sadd.s32 s3, s2  }
0x8d: {  	s2 =	sadd.s32 s2, s17  }
0x8e: {  	[smem:$0x3FC6] =	sst s2  }
0x8f: {  	_ = 	snop  }
0x90: {  	s2 =	sld [smem:$0x3FD0];
	(tm) =	ssettm $0x1  }
0x91: {  	s18 =	sld [smem:$0x3FFB];
	_ =	sdelay $0x3  }
0x92: {  	_ =	strace s18  }
0x93: {  	s3 =	sld [smem:$0x3FFC];
	_ =	sdelay $0x3  }
0x94: {  	_ =	strace s3  }
0x95: {  	s3 =	sld [smem:$0x3FFD];
	_ =	sdelay $0x3  }
0x96: {  	_ =	strace s3  }
0x97: {  	_ =	strace $0x8FFFFFFF  }
0x98: {  	s19 =	sld [smem:$0x3FDB];
	_ =	sdelay $0x1  }
0x99: {  	s4 =	simm.s32 $_scs_section_size  }
0x9a: {  	s5 =	simm.s32 $_size__tile_overlayer_lowered;
	s6 =	simm.s32 $_tile_overlayer_lowered  }
0x9b: {  	s22 =	simm.s32 $0x1BFF;
	s21 =	sshll.u32 s6, $0x1;
	s3 =	sadd.s32 s4, s19  }
0x9c: {  	s7 =	simm.s32 $0x0;
	s20 =	sshll.u32 s5, $0x1;
	s5 =	sadd.s32 s21, s3  }
0x9d: {  	[timem:s7], [sflag:s22] =	dma.local [hbm:s5], s20  }
0x9e: {  	_ =	swait.ge [sflag:s22], s20  }
0x9f: {  	s4 =	ssub.s32 $0x0, s20;
	[sflag:s22] =	ssyncset.done $0x0  }
0xa0: {  	[sflag:s22] =	ssyncadd.s32 s4;
	_ =	sdelay $0x1  }
0xa1: {  	s23 =	simm.s32 $0x1B8B  }
0xa2: {  	_ =	swait.ge [sflag:s23], $0x1  }
0xa3: {  	[sflag:s23] =	ssyncset.done $0x0  }
0xa4: {  	s25 =	simm.s32 $0x1B8E;
	s24 =	sld [smem:$0x3FFE];
	[sflag:s23] =	ssyncadd.s32 $0xFFFFFFFF  }
0xa5: {  	s26 =	simm.s32 $execute0_lowered;
	[smem:$0x3FD2] =	sst s25  }
0xa6: {  	s5 =	sshll.u32 s26, $0x1;
	_ =	strace $0x80000049;
	[dreg:$0x1] =	wrdreg $0xFFFFFFFF  }
0xa7: {  	s28 =	simm.s32 $_size_execute0_lowered;
	s3 =	sadd.s32 s3, s5;
	[dreg:$0x0] =	wrdreg $0x0  }
0xa8: {  	s5 =	sshll.u32 s28, $0x1;
	[dreg:$0x2] =	wrdreg s3  }
0xa9: {  	[dreg:$0x3] =	wrdreg s5  }
0xaa: {  	[dreg:$0x4] =	wrdreg $0xC0  }
0xab: {  	_ =	task [dreg:s7], $0x5FFFF  }
0xac: {  	[dreg:$0x1] =	wrdreg $0xFFFFFFFF  }
0xad: {  	[dreg:$0x0] =	wrdreg $0x60  }
0xae: {  	[dreg:$0x2] =	wrdreg s24  }
0xaf: {  	[dreg:$0x3] =	wrdreg s2  }
0xb0: {  	[dreg:$0x4] =	wrdreg $0x9  }
0xb1: {  	_ =	task.clear_ibuf [dreg:s7], $0x5FFFF;
	_ =	strace $0x90000049  }
0xb2: {  	s29 =	simm.s32 $0x9;
	_ =	strace $0x8000004B  }
0xb3: {  	_ =	swait.ge [sflag:s29], $0x1  }
0xb4: {  	[sflag:s29] =	ssyncadd.s32 $0xFFFFFFFF  }
0xb5: {  	_ =	strace $0x9000004B  }
0xb6: {  	_ =	sfence  }
0xb7: {  	s30 =	sld [smem:$0x0];
	_ =	sdelay $0x2  }
0xb8: {  	s31 =	sshll.u32 s1, $0xD;
	s1 =	sshrl.u32 s1, $0x2  }
0xb9: {  	s3 =	sand.u32 $0x4000, s31;
	s1 =	sadd.s32 s1, s30  }
0xba: {  	s0 =	sor.u32 s3, s0;
	s1 =	sshll.u32 s1, $0x11  }
0xbb: {  	s0 =	sor.u32 s1, s0  }
0xbc: {  	s0 =	sadd.s32 $0x8F2B, s0  }
0xbd: {  	[sflag:s0] =	ssyncadd.remote.s32 $0x1  }
0xbe: {  	_ =	sfence.sel $0xFFFF  }
0xbf: {  	[dreg:$0x0] =	wrdreg $0xFFFFFFFF;
	(pc) =	sbr.abs _section_cstart, $3  }
0xc0: {  	[dreg:$0x1] =	wrdreg $0xFFFFFFFF  }
0xc1: {  	_ =	task.clear_ibuf [dreg:s7], $0x2FFFF;
	_ =	strace $0x9FFFFFFF  }
0xc2: {  	(tm) =	ssettm $0x7FFFFFFF  }
0xc3: {  	_ =	shalt  }
tec
execute0_lowered:
.L_overlay_start_1:
0x0: {  	(tag) =	ssettag $0x1  }
0x1: {  	v0 =	vimm.s32 $0xFEDCBA9  }
0x2: {  	v2 =	vimm.s32 $0x87654321;
	v3 =	vimm.s32 $0x98765432;
	v4 =	vimm.s32 $0x210FEDCB  }
0x3: {  	v5 =	vimm.s32 $0xA9876543;
	v15 =	vimm.s32 $0xCBA98765;
	v17 =	vimm.s32 $0x6543210F  }
0x4: {  	v18 =	vimm.s32 $0xEDCBA987;
	v19 =	vimm.s32 $0xFEDCBA98;
	v20 =	vimm.s32 $0x76543210  }
0x5: {  	v1 =	vunpack.c.l.s4.s8 v0;
	v0 =	vlaneseq.u32;
	v3 =	vunpack.c.l.s4.s8 v3  }
0x6: {  	v4 =	vunpack.c.l.s4.s8 v4;
	v17 =	vunpack.c.l.s4.s8 v17;
	v18 =	vunpack.c.l.s4.s8 v18  }
0x7: {  	v19 =	vunpack.c.l.s4.s8 v19;
	v7 =	vunpack.c.0.s8.s32 v1;
	v1 =	vunpack.c.l.s4.s8 v2  }
0x8: {  	v2 =	vimm.s32 $0x10FEDCBA;
	v10 =	vunpack.c.0.s8.s32 v3;
	v11 =	vunpack.c.0.s8.s32 v4  }
0x9: {  	v17 =	vunpack.c.0.s8.s32 v17;
	v18 =	vunpack.c.0.s8.s32 v18;
	v2 =	vunpack.c.l.s4.s8 v2  }
0xa: {  	v19 =	vunpack.c.0.s8.s32 v19;
	v8 =	vunpack.c.0.s8.s32 v1;
	v1 =	vunpack.c.l.s4.s8 v5  }
0xb: {  	v23 =	vcombine.low v18, v17;
	v9 =	vunpack.c.0.s8.s32 v2;
	v2 =	vimm.s32 $0x3210FEDC  }
0xc: {  	v19 =	vand.u32 $0xF, v19;
	v12 =	vunpack.c.0.s8.s32 v1;
	v1 =	vunpack.c.l.s4.s8 v2  }
0xd: {  	v2 =	vimm.s32 $0xBA987654;
	v3 =	vcombine.low v8, v7;
	v63 =	vcombine.low v7, v8  }
0xe: {  	v8 =	vand.u32 $0xF, v23;
	v4 =	vcombine.low v10, v9;
	v2 =	vunpack.c.l.s4.s8 v2  }
0xf: {  	v10 =	vcombine.low v9, v10;
	v5 =	vcombine.low v12, v11;
	v13 =	vunpack.c.0.s8.s32 v1  }
0x10: {  	s1 =	rddreg [dreg:$0x0];
	s3 =	srdreg.scid;
	v1 =	vimm.s32 $0x43210FED;
	v11 =	vcombine.low v11, v12;
	v14 =	vunpack.c.0.s8.s32 v2  }
0x11: {  	s0 =	stileid.u32;
	s2 =	rddreg [dreg:$0x1];
	s9 =	simm.s32 $0x80;
	v6 =	vunpack.c.l.s4.s8 v1;
	v2 =	vand.u32 $0xF, v4;
	v4 =	vunpack.c.l.s4.s8 v15  }
0x12: {  	s10 =	simm.s32 $0x3400;
	s11 =	simm.s32 $0x9C00;
	s12 =	simm.s32 $0x3480;
	v9 =	vand.u32 $0xF, v63;
	v1 =	vand.u32 $0xF, v3;
	v10 =	vand.u32 $0xF, v10  }
0x13: {  	s13 =	simm.s32 $0xDC00;
	s14 =	simm.s32 $0x1;
	s15 =	simm.s32 $0x11C00;
	v3 =	vand.u32 $0xF, v5;
	v15 =	vunpack.c.0.s8.s32 v6;
	v16 =	vunpack.c.0.s8.s32 v4  }
0x14: {  	s16 =	simm.s32 $0x400;
	s17 =	simm.s32 $0x20000;
	s18 =	simm.s32 $0x2;
	v4 =	vimm.s32 $0x543210FE;
	v6 =	vimm.s32 $0xDCBA9876;
	v12 =	vcombine.low v13, v14  }
0x15: {  	s19 =	simm.s32 $0x13C00;
	s20 =	simm.s32 $0x3;
	s21 =	simm.s32 $0x4;
	v11 =	vand.u32 $0xF, v11;
	v4 =	vunpack.c.l.s4.s8 v4;
	v6 =	vunpack.c.l.s4.s8 v6  }
0x16: {  	s22 =	simm.s32 $0x0;
	s4 =	sand.u32 $0x1, s3;
	s5 =	sshll.u32 s0, $0x1;
	v5 =	vcombine.low v14, v13;
	v13 =	vcombine.low v15, v16;
	v12 =	vand.u32 $0xF, v12  }
.Ltmp0:
0x17: {  	s3 =	simm.s32 $0x0;
	s5 =	sor.u32 s4, s5;
	v21 =	vunpack.c.0.s8.s32 v4;
	v22 =	vunpack.c.0.s8.s32 v6;
	v6 =	vunpack.c.l.s4.s8 v20;
	(pc) =	sbr.rel .LBB2_1-.Ltmp0, $4  }
0x18: {  	[smem:$0x7FF] =	sst s3;
	s7 =	ssub.s32 $0x2, s4;
	s6 =	smul.u32 $0x680, s5;
	v4 =	vand.u32 $0xF, v5;
	v5 =	vcombine.low v16, v15;
	v15 =	vcombine.low v17, v18  }
0x19: {  	s4 =	sadd.s32 $0xA00, s1;
	_ =	strace $0x8000004A;
	s8 =	sshrl.u32 s7, $0x1;
	v6 =	vunpack.c.0.s8.s32 v6;
	v62 =	vcombine.low v22, v21;
	v14 =	vcombine.low v21, v22  }
0x1a: {  	s5 =	smul.u32 $0x68, s5;
	s31 =	ssub.s32 s7, s8;
	s6 =	sadd.s32 s6, s1;
	v13 =	vand.u32 $0xF, v13;
	v5 =	vand.u32 $0xF, v5;
	v15 =	vand.u32 $0xF, v15  }
0x1b: {  	s8 =	simm.s32 $0x5;
	s7 =	smax.u32 s31, $0x1;
	s6 =	sadd.s32 $0x7A1C00, s6;
	v6 =	vcombine.low v19, v6;
	v7 =	vand.u32 $0xF, v62;
	v14 =	vand.u32 $0xF, v14  }
.LBB2_10:
0x1c: {  	s22 =	sadd.s32 $0x1, s22  }
0x1d: {  	_ =	swait.ge [sflag:s20], $0x2000;
	p0 =	sne.s32 s22, s7  }
.Ltmp1:
0x1e: {  	[sflag:s20] =	ssyncset.done $0x0;
	(pc) =	sbr.rel @!p0 .LBB2_11-.Ltmp1, $4  }
0x1f: {  	[sflag:s20] =	ssyncadd.s32 $0xFFFFE000  }
0x20: {  	_ =	swait.ge [sflag:s21], $0x2000  }
0x21: {  	[sflag:s21] =	ssyncset.done $0x0  }
0x22: {  	[sflag:s21] =	ssyncadd.s32 $0xFFFFE000  }
.LBB2_1:
0x23: {  	[tilespmem:$0x15C00] =	vst v0  }
0x24: {  	[tilespmem:s3], [sflag:$0x5] =	stream.linear.gather [hbm4b:s6+s3], $0x3400, $0x38;
	[tilespmem:$0x15C80] =	vst v63  }
0x25: {  	_ =	swait.ge [sflag:s8], $0x3400  }
0x26: {  	[sflag:s8] =	ssyncset.done $0x0  }
0x27: {  	s24 =	simm.s32 $0x20;
	[sflag:s8] =	ssyncadd.s32 $0xFFFFCC00  }
0x28: {  	v16 =	vld [tilespmem:s24+$0xFFFFFFE0];
	_ =	sdelay $0x4  }
0x29: {  	s1 =	simm.s32 $0x3420;
	v17 =	vshrl.u32 v16, $0x1;
	v16 =	vshll.u32 v16, $0x6  }
0x2a: {  	s23 =	simm.s32 $0x6820;
	[tilespmem:s1+$0xFFFFFFE0] =	vst v17;
	v16 =	vand.u32 $0x40, v16  }
0x2b: {  	[tilespmem:s23+$0xFFFFFFE0] =	vst v16  }
0x2c: {  	v16 =	vld [tilespmem:s24+$0xFFFFFFF0];
	_ =	sdelay $0x4  }
0x2d: {  	v17 =	vshrl.u32 v16, $0x1;
	v16 =	vshll.u32 v16, $0x6  }
0x2e: {  	[tilespmem:s1+$0xFFFFFFF0] =	vst v17;
	v16 =	vand.u32 $0x40, v16  }
0x2f: {  	[tilespmem:s23+$0xFFFFFFF0] =	vst v16  }
0x30: {  	v16 =	vld [tilespmem:s24+$0x0];
	_ =	sdelay $0x4  }
0x31: {  	v17 =	vshrl.u32 v16, $0x1;
	v16 =	vshll.u32 v16, $0x6  }
0x32: {  	[tilespmem:s1+$0x0] =	vst v17;
	v16 =	vand.u32 $0x40, v16  }
0x33: {  	[tilespmem:s23+$0x0] =	vst v16  }
0x34: {  	v16 =	vld [tilespmem:s24+$0x10];
	_ =	sdelay $0x4  }
0x35: {  	v17 =	vshrl.u32 v16, $0x1;
	v16 =	vshll.u32 v16, $0x6  }
0x36: {  	s25 =	simm.s32 $0x60;
	s24 =	simm.s32 $0x0;
	[tilespmem:s1+$0x10] =	vst v17;
	v16 =	vand.u32 $0x40, v16  }
.LBB2_2:
0x37: {  	s24 =	sadd.s32 $0x4, s24;
	[tilespmem:s23+$0x10] =	vst v16;
	s23 =	sadd.s32 $0x40, s23;
	s1 =	sadd.s32 $0x40, s1  }
0x38: {  	v16 =	vld [tilespmem:s25+$0xFFFFFFE0];
	p0 =	slt.u32 s24, $0x33C;
	_ =	sdelay $0x4  }
0x39: {  	v17 =	vshrl.u32 v16, $0x1;
	v16 =	vshll.u32 v16, $0x6  }
0x3a: {  	[tilespmem:s1+$0xFFFFFFE0] =	vst v17;
	v16 =	vand.u32 $0x40, v16  }
0x3b: {  	[tilespmem:s23+$0xFFFFFFE0] =	vst v16  }
0x3c: {  	v16 =	vld [tilespmem:s25+$0xFFFFFFF0];
	_ =	sdelay $0x4  }
0x3d: {  	v17 =	vshrl.u32 v16, $0x1;
	v16 =	vshll.u32 v16, $0x6  }
0x3e: {  	[tilespmem:s1+$0xFFFFFFF0] =	vst v17;
	v16 =	vand.u32 $0x40, v16  }
0x3f: {  	[tilespmem:s23+$0xFFFFFFF0] =	vst v16  }
0x40: {  	v16 =	vld [tilespmem:s25+$0x0];
	_ =	sdelay $0x4  }
0x41: {  	v17 =	vshrl.u32 v16, $0x1;
	v16 =	vshll.u32 v16, $0x6  }
0x42: {  	[tilespmem:s1+$0x0] =	vst v17;
	v16 =	vand.u32 $0x40, v16  }
0x43: {  	[tilespmem:s23+$0x0] =	vst v16  }
0x44: {  	v16 =	vld [tilespmem:s25+$0x10];
	_ =	sdelay $0x1  }
.Ltmp2:
0x45: {  	(pc) =	sbr.rel @p0 .LBB2_2-.Ltmp2, $3  }
0x46: {  	_ =	sdelay $0x1  }
0x47: {  	v17 =	vshrl.u32 v16, $0x1;
	v16 =	vshll.u32 v16, $0x6  }
0x48: {  	s25 =	sadd.s32 $0x40, s25;
	[tilespmem:s1+$0x10] =	vst v17;
	v16 =	vand.u32 $0x40, v16  }
0x49: {  	[tilespmem:s23+$0x10] =	vst v16  }
0x4a: {  	[tilespmem:s11], [sflag:$0x1] =	stream.indirect.gather [hbm4b:s4+s9], $0x80, s10, s9, $0xb8;
	[tilespmem:$0x15C80] =	vst v63  }
0x4b: {  	s23 =	simm.s32 $0x0  }
0x4c: {  	[tilespmem:s13], [sflag:$0x2] =	stream.indirect.gather [hbm4b:s4+s9], $0x80, s12, s9, $0xb8;
	[tilespmem:$0x15C80] =	vst v63  }
.LBB2_4:
0x4d: {  	s26 =	sshll.u32 s23, $0xA  }
0x4e: {  	_ =	swait.ge [sflag:s14], $0x4000;
	s24 =	sshrl.u32 s26, $0x2  }
0x4f: {  	p0 =	seq.s32 s23, $0x0;
	[sflag:s14] =	ssyncset.done $0x0;
	s31 =	sadd.s32 $0x6800, s24  }
0x50: {  	s1 =	simm.s32 @!p0 $0x3;
	[sflag:s14] =	ssyncadd.s32 $0xFFFFC000;
	v16 =	vmov s31  }
0x51: {  	_ =	swait.ge @!p0 [sflag:s1], $0x2000  }
0x52: {  	s25 =	sshll.u32 s23, $0x1;
	s28 =	simm.s32 $0xFFFFFFFE;
	[sflag:s1] =	ssyncset.done @!p0 $0x0  }
0x53: {  	s29 =	simm.s32 $0x0;
	s30 =	simm.s32 $0x0;
	[sflag:s1] =	ssyncadd.s32 @!p0 $0xFFFFE000  }
.LBB2_5:
0x54: {  	s31 =	sand.u32 $0x70, s30;
	s1 =	sand.u32 $0x20, s29  }
0x55: {  	v19 =	vld.idx.msk [tilespmem:v16+s31+$0x0 ss:$0x1], $0xffff;
	v20 =	vor.u32 s1, v0;
	v17 =	vor.u32 s31, v0  }
0x56: {  	v23 =	vor.u32 s1, v1;
	v25 =	vor.u32 s1, v2;
	v27 =	vor.u32 s1, v3  }
0x57: {  	v30 =	vor.u32 s1, v4;
	v31 =	vor.u32 s1, v5;
	v33 =	vor.u32 s1, v7  }
0x58: {  	v36 =	vor.u32 s1, v8;
	v37 =	vor.u32 s1, v6;
	v39 =	vor.u32 s1, v9  }
0x59: {  	v42 =	vor.u32 s1, v10;
	v43 =	vor.u32 s1, v11;
	v45 =	vor.u32 s1, v12  }
0x5a: {  	v18 =	vshll.u32 v17, $0x7;
	v21 =	vadd.s32 v20, v19;
	v48 =	vadd.s32 v23, v19  }
0x5b: {  	v26 =	vadd.s32 v25, v19;
	v28 =	vadd.s32 v27, v19;
	v51 =	vadd.s32 v30, v19  }
0x5c: {  	v32 =	vadd.s32 v31, v19;
	v34 =	vadd.s32 v33, v19;
	v56 =	vadd.s32 v36, v19  }
0x5d: {  	v38 =	vadd.s32 v37, v19;
	v40 =	vadd.s32 v39, v19;
	v60 =	vadd.s32 v42, v19  }
0x5e: {  	v44 =	vadd.s32 v43, v19;
	v46 =	vadd.s32 v45, v19;
	v22 =	vand.u32 $0xFFFFFF80, v21  }
0x5f: {  	v21 =	vand.u32 $0x7F, v21;
	v24 =	vand.u32 $0xFFFFFF80, v48;
	v49 =	vand.u32 $0xFFFFFF80, v26  }
0x60: {  	v26 =	vand.u32 $0x7F, v26;
	v29 =	vand.u32 $0xFFFFFF80, v28;
	v28 =	vand.u32 $0x7F, v28  }
0x61: {  	v52 =	vand.u32 $0xFFFFFF80, v51;
	v53 =	vand.u32 $0xFFFFFF80, v32;
	v32 =	vand.u32 $0x7F, v32  }
0x62: {  	v35 =	vand.u32 $0xFFFFFF80, v34;
	v34 =	vand.u32 $0x7F, v34;
	v57 =	vand.u32 $0xFFFFFF80, v56  }
0x63: {  	v58 =	vand.u32 $0xFFFFFF80, v38;
	v38 =	vand.u32 $0x7F, v38;
	v41 =	vand.u32 $0xFFFFFF80, v40  }
0x64: {  	v40 =	vand.u32 $0x7F, v40;
	v61 =	vand.u32 $0xFFFFFF80, v60;
	v62 =	vand.u32 $0xFFFFFF80, v44  }
0x65: {  	v44 =	vand.u32 $0x7F, v44;
	v47 =	vand.u32 $0xFFFFFF80, v46;
	v46 =	vand.u32 $0x7F, v46  }
0x66: {  	v22 =	vadd.s32 v18, v22;
	v24 =	vadd.s32 v18, v24;
	v29 =	vadd.s32 v18, v29  }
0x67: {  	v35 =	vadd.s32 v18, v35;
	v41 =	vadd.s32 v18, v41;
	v21 =	vor.u32 v21, v22  }
0x68: {  	v47 =	vadd.s32 v18, v47;
	v22 =	vand.u32 $0x7F, v48;
	v50 =	vor.u32 v28, v29  }
0x69: {  	v28 =	vand.u32 $0x7F, v51;
	v29 =	vadd.s32 v18, v52;
	v54 =	vor.u32 v34, v35  }
0x6a: {  	v34 =	vand.u32 $0x7F, v56;
	v35 =	vadd.s32 v18, v57;
	v59 =	vor.u32 v40, v41  }
0x6b: {  	v40 =	vand.u32 $0x7F, v60;
	v41 =	vadd.s32 v18, v61;
	v63 =	vor.u32 v46, v47  }
0x6c: {  	v48 =	vor.u32 s1, v13;
	v22 =	vor.u32 v22, v24;
	v24 =	vadd.s32 v18, v49;
	v21 =	vld.idx.msk [tilespmem:v21+s11+$0x0], $0xffff  }
0x6d: {  	v28 =	vor.u32 v28, v29;
	v29 =	vadd.s32 v18, v53;
	v24 =	vor.u32 v26, v24;
	v26 =	vld.idx.msk [tilespmem:v50+s11+$0x0], $0xffff  }
0x6e: {  	v34 =	vor.u32 v34, v35;
	v35 =	vadd.s32 v18, v58;
	v29 =	vor.u32 v32, v29;
	v32 =	vld.idx.msk [tilespmem:v54+s11+$0x0], $0xffff  }
0x6f: {  	v40 =	vor.u32 v40, v41;
	v41 =	vadd.s32 v18, v62;
	v35 =	vor.u32 v38, v35;
	v38 =	vld.idx.msk [tilespmem:v59+s11+$0x0], $0xffff  }
0x70: {  	v20 =	vshll.u32 v20, $0x7;
	v55 =	vadd.s32 v48, v19;
	v41 =	vor.u32 v44, v41;
	v44 =	vld.idx.msk [tilespmem:v63+s11+$0x0], $0xffff  }
0x71: {  	v51 =	vor.u32 s1, v15;
	v49 =	vor.u32 s1, v14;
	v56 =	vand.u32 $0xFFFFFF80, v55;
	v22 =	vld.idx.msk [tilespmem:v22+s11+$0x0], $0xffff  }
0x72: {  	v46 =	vand.u32 $0x7F, v55;
	v47 =	vadd.s32 v18, v56;
	v50 =	vadd.s32 v49, v19;
	v28 =	vld.idx.msk [tilespmem:v28+s11+$0x0], $0xffff  }
0x73: {  	v46 =	vor.u32 v46, v47;
	v19 =	vadd.s32 v51, v19;
	v34 =	vld.idx.msk [tilespmem:v34+s11+$0x0], $0xffff;
	v57 =	vand.u32 $0xFFFFFF80, v50  }
0x74: {  	v50 =	vand.u32 $0x7F, v50;
	v52 =	vand.u32 $0xFFFFFF80, v19;
	v40 =	vld.idx.msk [tilespmem:v40+s11+$0x0], $0xffff;
	v47 =	vadd.s32 v18, v57  }
0x75: {  	v19 =	vand.u32 $0x7F, v19;
	v24 =	vld.idx.msk [tilespmem:v24+s11+$0x0], $0xffff;
	v58 =	vadd.s32 v18, v52;
	v47 =	vor.u32 v50, v47  }
0x76: {  	v23 =	vshll.u32 v23, $0x7;
	v20 =	vor.u32 v17, v20;
	v29 =	vld.idx.msk [tilespmem:v29+s11+$0x0], $0xffff;
	v19 =	vor.u32 v19, v58  }
0x77: {  	v25 =	vshll.u32 v25, $0x7;
	v23 =	vor.u32 v17, v23;
	v35 =	vld.idx.msk [tilespmem:v35+s11+$0x0], $0xffff  }
0x78: {  	v27 =	vshll.u32 v27, $0x7;
	v25 =	vor.u32 v17, v25;
	v41 =	vld.idx.msk [tilespmem:v41+s11+$0x0], $0xffff  }
0x79: {  	v30 =	vshll.u32 v30, $0x7;
	v27 =	vor.u32 v17, v27;
	v46 =	vld.idx.msk [tilespmem:v46+s11+$0x0], $0xffff  }
0x7a: {  	v31 =	vshll.u32 v31, $0x7;
	v30 =	vor.u32 v17, v30;
	v47 =	vld.idx.msk [tilespmem:v47+s11+$0x0], $0xffff  }
0x7b: {  	v60 =	vshll.u32 v33, $0x7;
	v59 =	vor.u32 v17, v31;
	v19 =	vld.idx.msk [tilespmem:v19+s11+$0x0], $0xffff;
	[tilespmem:v20+s15+$0x0] =	vst.idx.msk $0xffff, v21  }
0x7c: {  	v61 =	vshll.u32 v36, $0x7;
	v21 =	vor.u32 v17, v60;
	[tilespmem:v23+s15+$0x0] =	vst.idx.msk $0xffff, v22  }
0x7d: {  	v62 =	vshll.u32 v37, $0x7;
	v22 =	vor.u32 v17, v61;
	[tilespmem:v25+s15+$0x0] =	vst.idx.msk $0xffff, v24  }
0x7e: {  	v63 =	vshll.u32 v39, $0x7;
	v23 =	vor.u32 v17, v62;
	[tilespmem:v27+s15+$0x0] =	vst.idx.msk $0xffff, v26  }
0x7f: {  	v24 =	vor.u32 v17, v63;
	[tilespmem:v30+s15+$0x0] =	vst.idx.msk $0xffff, v28;
	v28 =	vshll.u32 v42, $0x7  }
0x80: {  	v31 =	vshll.u32 v43, $0x7;
	[tilespmem:v59+s15+$0x0] =	vst.idx.msk $0xffff, v29;
	v30 =	vor.u32 v17, v28  }
0x81: {  	v33 =	vshll.u32 v45, $0x7;
	[tilespmem:v21+s15+$0x0] =	vst.idx.msk $0xffff, v32;
	v32 =	vor.u32 v17, v31  }
0x82: {  	v36 =	vor.u32 v17, v33;
	v37 =	vshll.u32 v48, $0x7;
	[tilespmem:v22+s15+$0x0] =	vst.idx.msk $0xffff, v34  }
0x83: {  	v39 =	vor.u32 v17, v37;
	v42 =	vshll.u32 v49, $0x7;
	[tilespmem:v23+s15+$0x0] =	vst.idx.msk $0xffff, v35  }
0x84: {  	v45 =	vshll.u32 v51, $0x7;
	v43 =	vor.u32 v17, v42;
	[tilespmem:v24+s15+$0x0] =	vst.idx.msk $0xffff, v38  }
0x85: {  	v48 =	vor.u32 v17, v45;
	[tilespmem:v30+s15+$0x0] =	vst.idx.msk $0xffff, v40  }
0x86: {  	[tilespmem:v32+s15+$0x0] =	vst.idx.msk $0xffff, v41  }
0x87: {  	[tilespmem:v36+s15+$0x0] =	vst.idx.msk $0xffff, v44  }
0x88: {  	[tilespmem:v39+s15+$0x0] =	vst.idx.msk $0xffff, v46  }
0x89: {  	[tilespmem:v43+s15+$0x0] =	vst.idx.msk $0xffff, v47  }
0x8a: {  	s1 =	sor.u32 $0x10, s1;
	[tilespmem:v48+s15+$0x0] =	vst.idx.msk $0xffff, v19  }
0x8b: {  	v33 =	vor.u32 s1, v7;
	v19 =	vld.idx.msk [tilespmem:v16+s31+$0x0 ss:$0x1], $0xffff  }
0x8c: {  	v45 =	vor.u32 s1, v12;
	v37 =	vor.u32 s1, v6;
	v20 =	vor.u32 s1, v0  }
0x8d: {  	v25 =	vor.u32 s1, v2;
	v27 =	vor.u32 s1, v3;
	v42 =	vor.u32 s1, v10  }
0x8e: {  	v31 =	vor.u32 s1, v5;
	v23 =	vor.u32 s1, v1;
	v30 =	vor.u32 s1, v4  }
0x8f: {  	v36 =	vor.u32 s1, v8;
	v39 =	vor.u32 s1, v9;
	v43 =	vor.u32 s1, v11  }
0x90: {  	v49 =	vadd.s32 v20, v19;
	v51 =	vadd.s32 v23, v19;
	v53 =	vadd.s32 v25, v19  }
0x91: {  	v55 =	vadd.s32 v27, v19;
	v57 =	vadd.s32 v30, v19;
	v59 =	vadd.s32 v31, v19  }
0x92: {  	v61 =	vadd.s32 v33, v19;
	v46 =	vadd.s32 v36, v19;
	v48 =	vadd.s32 v37, v19  }
0x93: {  	v50 =	vand.u32 $0xFFFFFF80, v49;
	v21 =	vand.u32 $0x7F, v49;
	v52 =	vand.u32 $0xFFFFFF80, v51  }
0x94: {  	v54 =	vand.u32 $0xFFFFFF80, v53;
	v26 =	vand.u32 $0x7F, v53;
	v56 =	vand.u32 $0xFFFFFF80, v55  }
0x95: {  	v28 =	vand.u32 $0x7F, v55;
	v58 =	vand.u32 $0xFFFFFF80, v57;
	v60 =	vand.u32 $0xFFFFFF80, v59  }
0x96: {  	v32 =	vand.u32 $0x7F, v59;
	v62 =	vand.u32 $0xFFFFFF80, v61;
	v34 =	vand.u32 $0x7F, v61  }
0x97: {  	v47 =	vand.u32 $0xFFFFFF80, v46;
	v49 =	vand.u32 $0xFFFFFF80, v48;
	v38 =	vand.u32 $0x7F, v48  }
0x98: {  	v48 =	vor.u32 s1, v13;
	v22 =	vadd.s32 v18, v50;
	v24 =	vadd.s32 v18, v52  }
0x99: {  	v29 =	vadd.s32 v18, v56;
	v35 =	vadd.s32 v18, v62;
	v50 =	vadd.s32 v39, v19  }
0x9a: {  	v52 =	vadd.s32 v42, v19;
	v56 =	vadd.s32 v45, v19;
	v59 =	vadd.s32 v48, v19  }
0x9b: {  	v21 =	vor.u32 v21, v22;
	v22 =	vand.u32 $0x7F, v51;
	v63 =	vor.u32 v34, v35  }
0x9c: {  	v34 =	vand.u32 $0x7F, v46;
	v35 =	vadd.s32 v18, v47;
	v51 =	vand.u32 $0xFFFFFF80, v50  }
0x9d: {  	v40 =	vand.u32 $0x7F, v50;
	v53 =	vand.u32 $0xFFFFFF80, v52;
	v46 =	vand.u32 $0x7F, v56  }
0x9e: {  	v22 =	vor.u32 v22, v24;
	v24 =	vadd.s32 v18, v54;
	v34 =	vor.u32 v34, v35  }
0x9f: {  	v35 =	vadd.s32 v18, v49;
	v41 =	vadd.s32 v18, v51;
	v54 =	vadd.s32 v43, v19  }
0xa0: {  	v49 =	vor.u32 s1, v14;
	v51 =	vor.u32 s1, v15;
	v24 =	vor.u32 v26, v24  }
0xa1: {  	v26 =	vor.u32 v28, v29;
	v28 =	vand.u32 $0x7F, v57;
	v29 =	vadd.s32 v18, v58  }
0xa2: {  	v35 =	vor.u32 v38, v35;
	v28 =	vor.u32 v28, v29;
	v29 =	vadd.s32 v18, v60;
	v21 =	vld.idx.msk [tilespmem:v21+s11+$0x0], $0xffff  }
0xa3: {  	v38 =	vor.u32 v40, v41;
	v40 =	vand.u32 $0x7F, v52;
	v29 =	vor.u32 v32, v29;
	v32 =	vld.idx.msk [tilespmem:v63+s11+$0x0], $0xffff  }
0xa4: {  	v41 =	vadd.s32 v18, v53;
	v55 =	vand.u32 $0xFFFFFF80, v54;
	v44 =	vand.u32 $0x7F, v54;
	v22 =	vld.idx.msk [tilespmem:v22+s11+$0x0], $0xffff  }
0xa5: {  	v57 =	vand.u32 $0xFFFFFF80, v56;
	v61 =	vadd.s32 v49, v19;
	v19 =	vadd.s32 v51, v19;
	v34 =	vld.idx.msk [tilespmem:v34+s11+$0x0], $0xffff  }
0xa6: {  	v40 =	vor.u32 v40, v41;
	v41 =	vadd.s32 v18, v55;
	v47 =	vadd.s32 v18, v57;
	v24 =	vld.idx.msk [tilespmem:v24+s11+$0x0], $0xffff  }
0xa7: {  	v60 =	vand.u32 $0xFFFFFF80, v59;
	v62 =	vand.u32 $0xFFFFFF80, v61;
	v41 =	vor.u32 v44, v41;
	v26 =	vld.idx.msk [tilespmem:v26+s11+$0x0], $0xffff  }
0xa8: {  	v58 =	vor.u32 v46, v47;
	v46 =	vand.u32 $0x7F, v59;
	v47 =	vadd.s32 v18, v60;
	v35 =	vld.idx.msk [tilespmem:v35+s11+$0x0], $0xffff  }
0xa9: {  	v50 =	vand.u32 $0x7F, v61;
	v46 =	vor.u32 v46, v47;
	v63 =	vand.u32 $0xFFFFFF80, v19;
	v38 =	vld.idx.msk [tilespmem:v38+s11+$0x0], $0xffff  }
0xaa: {  	v47 =	vadd.s32 v18, v62;
	v19 =	vand.u32 $0x7F, v19;
	v18 =	vadd.s32 v18, v63;
	v28 =	vld.idx.msk [tilespmem:v28+s11+$0x0], $0xffff  }
0xab: {  	v47 =	vor.u32 v50, v47;
	v18 =	vor.u32 v19, v18;
	v19 =	vshll.u32 v20, $0x7;
	v40 =	vld.idx.msk [tilespmem:v40+s11+$0x0], $0xffff  }
0xac: {  	v23 =	vshll.u32 v23, $0x7;
	v19 =	vor.u32 v17, v19;
	v29 =	vld.idx.msk [tilespmem:v29+s11+$0x0], $0xffff  }
0xad: {  	v25 =	vshll.u32 v25, $0x7;
	v23 =	vor.u32 v17, v23;
	v20 =	vld.idx.msk [tilespmem:v41+s11+$0x0], $0xffff  }
0xae: {  	v27 =	vshll.u32 v27, $0x7;
	v25 =	vor.u32 v17, v25;
	v41 =	vld.idx.msk [tilespmem:v58+s11+$0x0], $0xffff  }
0xaf: {  	v30 =	vshll.u32 v30, $0x7;
	v27 =	vor.u32 v17, v27;
	v44 =	vld.idx.msk [tilespmem:v46+s11+$0x0], $0xffff  }
0xb0: {  	v31 =	vshll.u32 v31, $0x7;
	v30 =	vor.u32 v17, v30;
	v46 =	vld.idx.msk [tilespmem:v47+s11+$0x0], $0xffff  }
0xb1: {  	v47 =	vshll.u32 v33, $0x7;
	v18 =	vld.idx.msk [tilespmem:v18+s11+$0x0], $0xffff;
	[tilespmem:v19+s15+$0x0] =	vst.idx.msk $0xffff, v21;
	v19 =	vor.u32 v17, v31  }
0xb2: {  	v50 =	vshll.u32 v36, $0x7;
	v21 =	vor.u32 v17, v47;
	[tilespmem:v23+s15+$0x0] =	vst.idx.msk $0xffff, v22  }
0xb3: {  	v52 =	vshll.u32 v37, $0x7;
	v22 =	vor.u32 v17, v50;
	[tilespmem:v25+s15+$0x0] =	vst.idx.msk $0xffff, v24  }
0xb4: {  	v53 =	vshll.u32 v39, $0x7;
	v23 =	vor.u32 v17, v52;
	[tilespmem:v27+s15+$0x0] =	vst.idx.msk $0xffff, v26  }
0xb5: {  	v54 =	vshll.u32 v42, $0x7;
	v24 =	vor.u32 v17, v53;
	[tilespmem:v30+s15+$0x0] =	vst.idx.msk $0xffff, v28  }
0xb6: {  	v55 =	vshll.u32 v43, $0x7;
	[tilespmem:v19+s15+$0x0] =	vst.idx.msk $0xffff, v29;
	v19 =	vor.u32 v17, v54  }
0xb7: {  	v57 =	vshll.u32 v45, $0x7;
	v56 =	vor.u32 v17, v55;
	[tilespmem:v21+s15+$0x0] =	vst.idx.msk $0xffff, v32  }
0xb8: {  	v59 =	vshll.u32 v48, $0x7;
	v58 =	vor.u32 v17, v57;
	[tilespmem:v22+s15+$0x0] =	vst.idx.msk $0xffff, v34  }
0xb9: {  	v61 =	vshll.u32 v49, $0x7;
	v60 =	vor.u32 v17, v59;
	[tilespmem:v23+s15+$0x0] =	vst.idx.msk $0xffff, v35  }
0xba: {  	s28 =	sadd.s32 $0x2, s28;
	v62 =	vor.u32 v17, v61;
	v63 =	vshll.u32 v51, $0x7;
	[tilespmem:v24+s15+$0x0] =	vst.idx.msk $0xffff, v38  }
0xbb: {  	p1 =	slt.u32 s28, $0x1E;
	v17 =	vor.u32 v17, v63;
	[tilespmem:v19+s15+$0x0] =	vst.idx.msk $0xffff, v40  }
.Ltmp3:
0xbc: {  	[tilespmem:v56+s15+$0x0] =	vst.idx.msk $0xffff, v20;
	(pc) =	sbr.rel @p1 .LBB2_5-.Ltmp3, $4  }
0xbd: {  	[tilespmem:v58+s15+$0x0] =	vst.idx.msk $0xffff, v41  }
0xbe: {  	[tilespmem:v60+s15+$0x0] =	vst.idx.msk $0xffff, v44  }
0xbf: {  	[tilespmem:v62+s15+$0x0] =	vst.idx.msk $0xffff, v46  }
0xc0: {  	s30 =	sadd.s32 $0x8, s30;
	s29 =	sadd.s32 $0x20, s29;
	[tilespmem:v17+s15+$0x0] =	vst.idx.msk $0xffff, v18  }
0xc1: {  	s1 =	sadd.s32 s5, s25  }
0xc2: {  	s28 =	sshll.u32 s1, $0x7  }
0xc3: {  	s1 =	sshll.u32 s1, $0xA;
	s28 =	sand.u32 $0x3F00, s28  }
0xc4: {  	s1 =	sand.u32 $0xFFE0000, s1;
	s28 =	sadd.s32 s2, s28  }
0xc5: {  	p1 =	seq.s32 s23, $0x33;
	s25 =	sor.u32 $0x1, s25;
	s1 =	sadd.s32 s1, s28  }
0xc6: {  	[hbm4b:s1+s16] =	stream.strided.scatter [tilespmem:s15], [sflag:$0x3], $0x2000, s17, s16, $0x38;
	[tilespmem:$0x15C80] =	vst v63  }
0xc7: {  	s30 =	sshll.u32 s25, $0x7;
	s1 =	sshrl.u32 @!p1 s26, $0x2  }
0xc8: {  	s28 =	simm.s32 @!p1 $0x9C00;
	s26 =	simm.s32 @!p1 $0x80;
	s1 =	sadd.s32 @!p1 $0x3500, s1  }
0xc9: {  	[tilespmem:s28], [sflag:$0x1] =	stream.indirect.gather @!p1 [hbm4b:s4+s26], $0x80, s1, s26, $0xb8;
	[tilespmem:$0x15C80] =	vst v63  }
0xca: {  	s26 =	sand.u32 $0x3FFFFF80, s30;
	_ =	swait.ge [sflag:s18], $0x4000  }
0xcb: {  	s31 =	sadd.s32 $0x6800, s26;
	[sflag:s18] =	ssyncset.done $0x0  }
0xcc: {  	s1 =	simm.s32 @!p0 $0x4;
	v16 =	vmov s31;
	[sflag:s18] =	ssyncadd.s32 $0xFFFFC000  }
0xcd: {  	_ =	swait.ge @!p0 [sflag:s1], $0x2000  }
0xce: {  	s29 =	simm.s32 $0x0;
	[sflag:s1] =	ssyncset.done @!p0 $0x0  }
0xcf: {  	s28 =	simm.s32 $0x0;
	s26 =	simm.s32 $0xFFFFFFFE;
	[sflag:s1] =	ssyncadd.s32 @!p0 $0xFFFFE000  }
.LBB2_7:
0xd0: {  	s30 =	sand.u32 $0x70, s29;
	s1 =	sand.u32 $0x20, s28  }
0xd1: {  	v19 =	vld.idx.msk [tilespmem:v16+s30+$0x0 ss:$0x1], $0xffff;
	v20 =	vor.u32 s1, v0;
	v17 =	vor.u32 s30, v0  }
0xd2: {  	v23 =	vor.u32 s1, v1;
	v25 =	vor.u32 s1, v2;
	v27 =	vor.u32 s1, v3  }
0xd3: {  	v30 =	vor.u32 s1, v4;
	v31 =	vor.u32 s1, v5;
	v33 =	vor.u32 s1, v7  }
0xd4: {  	v36 =	vor.u32 s1, v8;
	v37 =	vor.u32 s1, v6;
	v39 =	vor.u32 s1, v9  }
0xd5: {  	v42 =	vor.u32 s1, v10;
	v43 =	vor.u32 s1, v11;
	v45 =	vor.u32 s1, v12  }
0xd6: {  	v18 =	vshll.u32 v17, $0x7;
	v21 =	vadd.s32 v20, v19;
	v48 =	vadd.s32 v23, v19  }
0xd7: {  	v26 =	vadd.s32 v25, v19;
	v28 =	vadd.s32 v27, v19;
	v51 =	vadd.s32 v30, v19  }
0xd8: {  	v32 =	vadd.s32 v31, v19;
	v34 =	vadd.s32 v33, v19;
	v56 =	vadd.s32 v36, v19  }
0xd9: {  	v38 =	vadd.s32 v37, v19;
	v40 =	vadd.s32 v39, v19;
	v60 =	vadd.s32 v42, v19  }
0xda: {  	v44 =	vadd.s32 v43, v19;
	v46 =	vadd.s32 v45, v19;
	v22 =	vand.u32 $0xFFFFFF80, v21  }
0xdb: {  	v21 =	vand.u32 $0x7F, v21;
	v24 =	vand.u32 $0xFFFFFF80, v48;
	v49 =	vand.u32 $0xFFFFFF80, v26  }
0xdc: {  	v26 =	vand.u32 $0x7F, v26;
	v29 =	vand.u32 $0xFFFFFF80, v28;
	v28 =	vand.u32 $0x7F, v28  }
0xdd: {  	v52 =	vand.u32 $0xFFFFFF80, v51;
	v53 =	vand.u32 $0xFFFFFF80, v32;
	v32 =	vand.u32 $0x7F, v32  }
0xde: {  	v35 =	vand.u32 $0xFFFFFF80, v34;
	v34 =	vand.u32 $0x7F, v34;
	v57 =	vand.u32 $0xFFFFFF80, v56  }
0xdf: {  	v58 =	vand.u32 $0xFFFFFF80, v38;
	v38 =	vand.u32 $0x7F, v38;
	v41 =	vand.u32 $0xFFFFFF80, v40  }
0xe0: {  	v40 =	vand.u32 $0x7F, v40;
	v61 =	vand.u32 $0xFFFFFF80, v60;
	v62 =	vand.u32 $0xFFFFFF80, v44  }
0xe1: {  	v44 =	vand.u32 $0x7F, v44;
	v47 =	vand.u32 $0xFFFFFF80, v46;
	v46 =	vand.u32 $0x7F, v46  }
0xe2: {  	v22 =	vadd.s32 v18, v22;
	v24 =	vadd.s32 v18, v24;
	v29 =	vadd.s32 v18, v29  }
0xe3: {  	v35 =	vadd.s32 v18, v35;
	v41 =	vadd.s32 v18, v41;
	v21 =	vor.u32 v21, v22  }
0xe4: {  	v47 =	vadd.s32 v18, v47;
	v22 =	vand.u32 $0x7F, v48;
	v50 =	vor.u32 v28, v29  }
0xe5: {  	v28 =	vand.u32 $0x7F, v51;
	v29 =	vadd.s32 v18, v52;
	v54 =	vor.u32 v34, v35  }
0xe6: {  	v34 =	vand.u32 $0x7F, v56;
	v35 =	vadd.s32 v18, v57;
	v59 =	vor.u32 v40, v41  }
0xe7: {  	v40 =	vand.u32 $0x7F, v60;
	v41 =	vadd.s32 v18, v61;
	v63 =	vor.u32 v46, v47  }
0xe8: {  	v48 =	vor.u32 s1, v13;
	v22 =	vor.u32 v22, v24;
	v24 =	vadd.s32 v18, v49;
	v21 =	vld.idx.msk [tilespmem:v21+s13+$0x0], $0xffff  }
0xe9: {  	v28 =	vor.u32 v28, v29;
	v29 =	vadd.s32 v18, v53;
	v24 =	vor.u32 v26, v24;
	v26 =	vld.idx.msk [tilespmem:v50+s13+$0x0], $0xffff  }
0xea: {  	v34 =	vor.u32 v34, v35;
	v35 =	vadd.s32 v18, v58;
	v29 =	vor.u32 v32, v29;
	v32 =	vld.idx.msk [tilespmem:v54+s13+$0x0], $0xffff  }
0xeb: {  	v40 =	vor.u32 v40, v41;
	v41 =	vadd.s32 v18, v62;
	v35 =	vor.u32 v38, v35;
	v38 =	vld.idx.msk [tilespmem:v59+s13+$0x0], $0xffff  }
0xec: {  	v20 =	vshll.u32 v20, $0x7;
	v55 =	vadd.s32 v48, v19;
	v41 =	vor.u32 v44, v41;
	v44 =	vld.idx.msk [tilespmem:v63+s13+$0x0], $0xffff  }
0xed: {  	v51 =	vor.u32 s1, v15;
	v49 =	vor.u32 s1, v14;
	v56 =	vand.u32 $0xFFFFFF80, v55;
	v22 =	vld.idx.msk [tilespmem:v22+s13+$0x0], $0xffff  }
0xee: {  	v46 =	vand.u32 $0x7F, v55;
	v47 =	vadd.s32 v18, v56;
	v50 =	vadd.s32 v49, v19;
	v28 =	vld.idx.msk [tilespmem:v28+s13+$0x0], $0xffff  }
0xef: {  	v46 =	vor.u32 v46, v47;
	v19 =	vadd.s32 v51, v19;
	v34 =	vld.idx.msk [tilespmem:v34+s13+$0x0], $0xffff;
	v57 =	vand.u32 $0xFFFFFF80, v50  }
0xf0: {  	v50 =	vand.u32 $0x7F, v50;
	v52 =	vand.u32 $0xFFFFFF80, v19;
	v40 =	vld.idx.msk [tilespmem:v40+s13+$0x0], $0xffff;
	v47 =	vadd.s32 v18, v57  }
0xf1: {  	v19 =	vand.u32 $0x7F, v19;
	v24 =	vld.idx.msk [tilespmem:v24+s13+$0x0], $0xffff;
	v58 =	vadd.s32 v18, v52;
	v47 =	vor.u32 v50, v47  }
0xf2: {  	v23 =	vshll.u32 v23, $0x7;
	v20 =	vor.u32 v17, v20;
	v29 =	vld.idx.msk [tilespmem:v29+s13+$0x0], $0xffff;
	v19 =	vor.u32 v19, v58  }
0xf3: {  	v25 =	vshll.u32 v25, $0x7;
	v23 =	vor.u32 v17, v23;
	v35 =	vld.idx.msk [tilespmem:v35+s13+$0x0], $0xffff  }
0xf4: {  	v27 =	vshll.u32 v27, $0x7;
	v25 =	vor.u32 v17, v25;
	v41 =	vld.idx.msk [tilespmem:v41+s13+$0x0], $0xffff  }
0xf5: {  	v30 =	vshll.u32 v30, $0x7;
	v27 =	vor.u32 v17, v27;
	v46 =	vld.idx.msk [tilespmem:v46+s13+$0x0], $0xffff  }
0xf6: {  	v31 =	vshll.u32 v31, $0x7;
	v30 =	vor.u32 v17, v30;
	v47 =	vld.idx.msk [tilespmem:v47+s13+$0x0], $0xffff  }
0xf7: {  	v60 =	vshll.u32 v33, $0x7;
	v59 =	vor.u32 v17, v31;
	v19 =	vld.idx.msk [tilespmem:v19+s13+$0x0], $0xffff;
	[tilespmem:v20+s19+$0x0] =	vst.idx.msk $0xffff, v21  }
0xf8: {  	v61 =	vshll.u32 v36, $0x7;
	v21 =	vor.u32 v17, v60;
	[tilespmem:v23+s19+$0x0] =	vst.idx.msk $0xffff, v22  }
0xf9: {  	v62 =	vshll.u32 v37, $0x7;
	v22 =	vor.u32 v17, v61;
	[tilespmem:v25+s19+$0x0] =	vst.idx.msk $0xffff, v24  }
0xfa: {  	v63 =	vshll.u32 v39, $0x7;
	v23 =	vor.u32 v17, v62;
	[tilespmem:v27+s19+$0x0] =	vst.idx.msk $0xffff, v26  }
0xfb: {  	v24 =	vor.u32 v17, v63;
	[tilespmem:v30+s19+$0x0] =	vst.idx.msk $0xffff, v28;
	v28 =	vshll.u32 v42, $0x7  }
0xfc: {  	v31 =	vshll.u32 v43, $0x7;
	[tilespmem:v59+s19+$0x0] =	vst.idx.msk $0xffff, v29;
	v30 =	vor.u32 v17, v28  }
0xfd: {  	v33 =	vshll.u32 v45, $0x7;
	[tilespmem:v21+s19+$0x0] =	vst.idx.msk $0xffff, v32;
	v32 =	vor.u32 v17, v31  }
0xfe: {  	v36 =	vor.u32 v17, v33;
	v37 =	vshll.u32 v48, $0x7;
	[tilespmem:v22+s19+$0x0] =	vst.idx.msk $0xffff, v34  }
0xff: {  	v39 =	vor.u32 v17, v37;
	v42 =	vshll.u32 v49, $0x7;
	[tilespmem:v23+s19+$0x0] =	vst.idx.msk $0xffff, v35  }
0x100: {  	v45 =	vshll.u32 v51, $0x7;
	v43 =	vor.u32 v17, v42;
	[tilespmem:v24+s19+$0x0] =	vst.idx.msk $0xffff, v38  }
0x101: {  	v48 =	vor.u32 v17, v45;
	[tilespmem:v30+s19+$0x0] =	vst.idx.msk $0xffff, v40  }
0x102: {  	[tilespmem:v32+s19+$0x0] =	vst.idx.msk $0xffff, v41  }
0x103: {  	[tilespmem:v36+s19+$0x0] =	vst.idx.msk $0xffff, v44  }
0x104: {  	[tilespmem:v39+s19+$0x0] =	vst.idx.msk $0xffff, v46  }
0x105: {  	[tilespmem:v43+s19+$0x0] =	vst.idx.msk $0xffff, v47  }
0x106: {  	s1 =	sor.u32 $0x10, s1;
	[tilespmem:v48+s19+$0x0] =	vst.idx.msk $0xffff, v19  }
0x107: {  	v33 =	vor.u32 s1, v7;
	v19 =	vld.idx.msk [tilespmem:v16+s30+$0x0 ss:$0x1], $0xffff  }
0x108: {  	v45 =	vor.u32 s1, v12;
	v37 =	vor.u32 s1, v6;
	v20 =	vor.u32 s1, v0  }
0x109: {  	v25 =	vor.u32 s1, v2;
	v27 =	vor.u32 s1, v3;
	v42 =	vor.u32 s1, v10  }
0x10a: {  	v31 =	vor.u32 s1, v5;
	v23 =	vor.u32 s1, v1;
	v30 =	vor.u32 s1, v4  }
0x10b: {  	v36 =	vor.u32 s1, v8;
	v39 =	vor.u32 s1, v9;
	v43 =	vor.u32 s1, v11  }
0x10c: {  	v49 =	vadd.s32 v20, v19;
	v51 =	vadd.s32 v23, v19;
	v53 =	vadd.s32 v25, v19  }
0x10d: {  	v55 =	vadd.s32 v27, v19;
	v57 =	vadd.s32 v30, v19;
	v59 =	vadd.s32 v31, v19  }
0x10e: {  	v61 =	vadd.s32 v33, v19;
	v46 =	vadd.s32 v36, v19;
	v48 =	vadd.s32 v37, v19  }
0x10f: {  	v50 =	vand.u32 $0xFFFFFF80, v49;
	v21 =	vand.u32 $0x7F, v49;
	v52 =	vand.u32 $0xFFFFFF80, v51  }
0x110: {  	v54 =	vand.u32 $0xFFFFFF80, v53;
	v26 =	vand.u32 $0x7F, v53;
	v56 =	vand.u32 $0xFFFFFF80, v55  }
0x111: {  	v28 =	vand.u32 $0x7F, v55;
	v58 =	vand.u32 $0xFFFFFF80, v57;
	v60 =	vand.u32 $0xFFFFFF80, v59  }
0x112: {  	v32 =	vand.u32 $0x7F, v59;
	v62 =	vand.u32 $0xFFFFFF80, v61;
	v34 =	vand.u32 $0x7F, v61  }
0x113: {  	v47 =	vand.u32 $0xFFFFFF80, v46;
	v49 =	vand.u32 $0xFFFFFF80, v48;
	v38 =	vand.u32 $0x7F, v48  }
0x114: {  	v48 =	vor.u32 s1, v13;
	v22 =	vadd.s32 v18, v50;
	v24 =	vadd.s32 v18, v52  }
0x115: {  	v29 =	vadd.s32 v18, v56;
	v35 =	vadd.s32 v18, v62;
	v50 =	vadd.s32 v39, v19  }
0x116: {  	v52 =	vadd.s32 v42, v19;
	v56 =	vadd.s32 v45, v19;
	v59 =	vadd.s32 v48, v19  }
0x117: {  	v21 =	vor.u32 v21, v22;
	v22 =	vand.u32 $0x7F, v51;
	v63 =	vor.u32 v34, v35  }
0x118: {  	v34 =	vand.u32 $0x7F, v46;
	v35 =	vadd.s32 v18, v47;
	v51 =	vand.u32 $0xFFFFFF80, v50  }
0x119: {  	v40 =	vand.u32 $0x7F, v50;
	v53 =	vand.u32 $0xFFFFFF80, v52;
	v46 =	vand.u32 $0x7F, v56  }
0x11a: {  	v22 =	vor.u32 v22, v24;
	v24 =	vadd.s32 v18, v54;
	v34 =	vor.u32 v34, v35  }
0x11b: {  	v35 =	vadd.s32 v18, v49;
	v41 =	vadd.s32 v18, v51;
	v54 =	vadd.s32 v43, v19  }
0x11c: {  	v49 =	vor.u32 s1, v14;
	v51 =	vor.u32 s1, v15;
	v24 =	vor.u32 v26, v24  }
0x11d: {  	v26 =	vor.u32 v28, v29;
	v28 =	vand.u32 $0x7F, v57;
	v29 =	vadd.s32 v18, v58  }
0x11e: {  	v35 =	vor.u32 v38, v35;
	v28 =	vor.u32 v28, v29;
	v29 =	vadd.s32 v18, v60;
	v21 =	vld.idx.msk [tilespmem:v21+s13+$0x0], $0xffff  }
0x11f: {  	v38 =	vor.u32 v40, v41;
	v40 =	vand.u32 $0x7F, v52;
	v29 =	vor.u32 v32, v29;
	v32 =	vld.idx.msk [tilespmem:v63+s13+$0x0], $0xffff  }
0x120: {  	v41 =	vadd.s32 v18, v53;
	v55 =	vand.u32 $0xFFFFFF80, v54;
	v44 =	vand.u32 $0x7F, v54;
	v22 =	vld.idx.msk [tilespmem:v22+s13+$0x0], $0xffff  }
0x121: {  	v57 =	vand.u32 $0xFFFFFF80, v56;
	v61 =	vadd.s32 v49, v19;
	v19 =	vadd.s32 v51, v19;
	v34 =	vld.idx.msk [tilespmem:v34+s13+$0x0], $0xffff  }
0x122: {  	v40 =	vor.u32 v40, v41;
	v41 =	vadd.s32 v18, v55;
	v47 =	vadd.s32 v18, v57;
	v24 =	vld.idx.msk [tilespmem:v24+s13+$0x0], $0xffff  }
0x123: {  	v60 =	vand.u32 $0xFFFFFF80, v59;
	v62 =	vand.u32 $0xFFFFFF80, v61;
	v41 =	vor.u32 v44, v41;
	v26 =	vld.idx.msk [tilespmem:v26+s13+$0x0], $0xffff  }
0x124: {  	v58 =	vor.u32 v46, v47;
	v46 =	vand.u32 $0x7F, v59;
	v47 =	vadd.s32 v18, v60;
	v35 =	vld.idx.msk [tilespmem:v35+s13+$0x0], $0xffff  }
0x125: {  	v50 =	vand.u32 $0x7F, v61;
	v46 =	vor.u32 v46, v47;
	v63 =	vand.u32 $0xFFFFFF80, v19;
	v38 =	vld.idx.msk [tilespmem:v38+s13+$0x0], $0xffff  }
0x126: {  	v47 =	vadd.s32 v18, v62;
	v19 =	vand.u32 $0x7F, v19;
	v18 =	vadd.s32 v18, v63;
	v28 =	vld.idx.msk [tilespmem:v28+s13+$0x0], $0xffff  }
0x127: {  	v47 =	vor.u32 v50, v47;
	v18 =	vor.u32 v19, v18;
	v19 =	vshll.u32 v20, $0x7;
	v40 =	vld.idx.msk [tilespmem:v40+s13+$0x0], $0xffff  }
0x128: {  	v23 =	vshll.u32 v23, $0x7;
	v19 =	vor.u32 v17, v19;
	v29 =	vld.idx.msk [tilespmem:v29+s13+$0x0], $0xffff  }
0x129: {  	v25 =	vshll.u32 v25, $0x7;
	v23 =	vor.u32 v17, v23;
	v20 =	vld.idx.msk [tilespmem:v41+s13+$0x0], $0xffff  }
0x12a: {  	v27 =	vshll.u32 v27, $0x7;
	v25 =	vor.u32 v17, v25;
	v41 =	vld.idx.msk [tilespmem:v58+s13+$0x0], $0xffff  }
0x12b: {  	v30 =	vshll.u32 v30, $0x7;
	v27 =	vor.u32 v17, v27;
	v44 =	vld.idx.msk [tilespmem:v46+s13+$0x0], $0xffff  }
0x12c: {  	v31 =	vshll.u32 v31, $0x7;
	v30 =	vor.u32 v17, v30;
	v46 =	vld.idx.msk [tilespmem:v47+s13+$0x0], $0xffff  }
0x12d: {  	v47 =	vshll.u32 v33, $0x7;
	v18 =	vld.idx.msk [tilespmem:v18+s13+$0x0], $0xffff;
	[tilespmem:v19+s19+$0x0] =	vst.idx.msk $0xffff, v21;
	v19 =	vor.u32 v17, v31  }
0x12e: {  	v50 =	vshll.u32 v36, $0x7;
	v21 =	vor.u32 v17, v47;
	[tilespmem:v23+s19+$0x0] =	vst.idx.msk $0xffff, v22  }
0x12f: {  	v52 =	vshll.u32 v37, $0x7;
	v22 =	vor.u32 v17, v50;
	[tilespmem:v25+s19+$0x0] =	vst.idx.msk $0xffff, v24  }
0x130: {  	v53 =	vshll.u32 v39, $0x7;
	v23 =	vor.u32 v17, v52;
	[tilespmem:v27+s19+$0x0] =	vst.idx.msk $0xffff, v26  }
0x131: {  	v54 =	vshll.u32 v42, $0x7;
	v24 =	vor.u32 v17, v53;
	[tilespmem:v30+s19+$0x0] =	vst.idx.msk $0xffff, v28  }
0x132: {  	v55 =	vshll.u32 v43, $0x7;
	[tilespmem:v19+s19+$0x0] =	vst.idx.msk $0xffff, v29;
	v19 =	vor.u32 v17, v54  }
0x133: {  	v57 =	vshll.u32 v45, $0x7;
	v56 =	vor.u32 v17, v55;
	[tilespmem:v21+s19+$0x0] =	vst.idx.msk $0xffff, v32  }
0x134: {  	v59 =	vshll.u32 v48, $0x7;
	v58 =	vor.u32 v17, v57;
	[tilespmem:v22+s19+$0x0] =	vst.idx.msk $0xffff, v34  }
0x135: {  	v61 =	vshll.u32 v49, $0x7;
	v60 =	vor.u32 v17, v59;
	[tilespmem:v23+s19+$0x0] =	vst.idx.msk $0xffff, v35  }
0x136: {  	s26 =	sadd.s32 $0x2, s26;
	v62 =	vor.u32 v17, v61;
	v63 =	vshll.u32 v51, $0x7;
	[tilespmem:v24+s19+$0x0] =	vst.idx.msk $0xffff, v38  }
0x137: {  	p0 =	slt.u32 s26, $0x1E;
	v17 =	vor.u32 v17, v63;
	[tilespmem:v19+s19+$0x0] =	vst.idx.msk $0xffff, v40  }
.Ltmp4:
0x138: {  	[tilespmem:v56+s19+$0x0] =	vst.idx.msk $0xffff, v20;
	(pc) =	sbr.rel @p0 .LBB2_7-.Ltmp4, $4  }
0x139: {  	[tilespmem:v58+s19+$0x0] =	vst.idx.msk $0xffff, v41  }
0x13a: {  	[tilespmem:v60+s19+$0x0] =	vst.idx.msk $0xffff, v44  }
0x13b: {  	[tilespmem:v62+s19+$0x0] =	vst.idx.msk $0xffff, v46  }
0x13c: {  	s29 =	sadd.s32 $0x8, s29;
	s28 =	sadd.s32 $0x20, s28;
	[tilespmem:v17+s19+$0x0] =	vst.idx.msk $0xffff, v18  }
0x13d: {  	s1 =	sadd.s32 s5, s25  }
.Ltmp5:
0x13e: {  	s25 =	sshll.u32 s1, $0x7;
	(pc) =	sbr.rel @p1 .LBB2_10-.Ltmp5, $4  }
0x13f: {  	s1 =	sshll.u32 s1, $0xA;
	s25 =	sand.u32 $0x3F80, s25  }
0x140: {  	s1 =	sand.u32 $0xFFE0000, s1;
	s25 =	sadd.s32 s2, s25  }
0x141: {  	s1 =	sadd.s32 s1, s25  }
0x142: {  	[hbm4b:s1+s16] =	stream.strided.scatter [tilespmem:s19], [sflag:$0x4], $0x2000, s17, s16, $0x38;
	[tilespmem:$0x15C80] =	vst v63  }
.Ltmp6:
0x143: {  	(pc) =	sbr.rel .LBB2_4-.Ltmp6, $3  }
0x144: {  	_ =	sdelay $0x1  }
0x145: {  	s1 =	sadd.s32 $0x3580, s24;
	s23 =	sadd.s32 $0x1, s23  }
0x146: {  	[tilespmem:s13], [sflag:$0x2] =	stream.indirect.gather [hbm4b:s4+s9], $0x80, s1, s9, $0xb8;
	[tilespmem:$0x15C80] =	vst v63  }
.LBB2_11:
0x147: {  	_ =	sfence.sel $0x180000  }
0x148: {  	[bflag:$0x0] =	sbarrier.arrive $0xFFFF  }
0x149: {  	_ =	strace $0x9000004A  }
0x14a: {  	[bflag:$0x2] =	sbarrier.arrive $0xFFFF  }
0x14b: {  	p0 =	sne.s32 s0, $0x0;
	s0 =	rddreg [dreg:$0x2]  }
0x14c: {  	s0 =	sadd.s32 @!p0 $0x100000, s0  }
0x14d: {  	[sflag:s0] =	ssyncadd.tile.s32 @!p0 $0x1;
	_ =	shalt  }
.Lfunc_end2:
_tile_overlayer_lowered:
.L_overlay_start_2:
0x14e: {  	(tag) =	ssettag $0x2  }
0x14f: {  	s0 =	rddreg [dreg:$0x0];
	s2 =	stileid.u32  }
0x150: {  	s1 =	rddreg [dreg:$0x1];
	p0 =	sne.s32 s2, $0x0  }
0x151: {  	s3 =	rddreg [dreg:$0x2];
	[bflag:$0x3] =	sbarrier.arrive $0xFFFF;
	s2 =	simm.s32 @!p0 $0x1C05  }
0x152: {  	[timem:s3], [sflag:s2] =	dma.local @!p0 [hbm:s0], s1  }
0x153: {  	s0 =	simm.s32 @!p0 $0x5  }
0x154: {  	_ =	swait.ge @!p0 [sflag:s0], s1  }
0x155: {  	s1 =	ssub.s32 @!p0 $0x0, s1;
	[sflag:s0] =	ssyncset.done @!p0 $0x0  }
0x156: {  	[sflag:s0] =	ssyncadd.s32 @!p0 s1  }
0x157: {  	[bflag:$0x3] =	sbarrier.arrive $0xFFFF  }
0x158: {  	_ =	shalt  }

</sc_bundles>
